<compile_context>
chip_gen: v7x
topology: tpu7x:2x2x1
jax: 0.10.2.dev20260603
libtpu: 0.0.44.dev20260713+nightly
codegen_flags: <defaults>
</compile_context>

<pallas_src>
import functools

import jax
import jax.numpy as jnp
from jax import lax
from jax.experimental import pallas as pl
from jax.experimental.pallas import tpu as pltpu
from jax.experimental.pallas import tpu_sc as plsc

B, W, H, C = 8, 224, 224, 96
TASK = H * C
NTASK = B * C
NC, NS, L = 2, 16, 16
NW = NC * NS
BT = 4
BS = B - BT
TPW = BS * C // NW
VPR = H // L
RPC = 2
NCHUNK = C // RPC
NEG_INF = float("-inf")
BIG = 2 ** 30


def _task_argmax(buf, cm):
    lane = lax.iota(jnp.int32, L)
    big = jnp.full((L,), BIG, jnp.int32)

    def chunk_body(c, gacc):
        r0 = c * RPC
        accs = [buf[r0, pl.ds(k * L, L)] for k in range(4)]
        for u in range(RPC):
            for k in range(VPR):
                if u == 0 and k < 4:
                    continue
                accs[k % 4] = jnp.maximum(accs[k % 4],
                                          buf[r0 + u, pl.ds(k * L, L)])
        acc = jnp.maximum(jnp.maximum(accs[0], accs[1]),
                          jnp.maximum(accs[2], accs[3]))
        cm[pl.ds(pl.multiple_of(c * L, 8), L)] = acc
        return jnp.maximum(gacc, acc)
    gacc = lax.fori_loop(0, NCHUNK, chunk_body,
                         jnp.full((L,), NEG_INF, jnp.float32))
    m = jnp.max(gacc)

    def fc_body(i, carry):
        alo, ahi = carry
        c0 = i * 8
        for u in range(8):
            v = cm[pl.ds(pl.multiple_of((c0 + u) * L, 8), L)]
            eq = v == m
            alo = jnp.minimum(alo, jnp.where(eq, c0 + u, BIG))
            ahi = jnp.maximum(ahi, jnp.where(eq, c0 + u, -1))
        return alo, ahi
    alo, ahi = lax.fori_loop(0, NCHUNK // 8, fc_body,
                             (big, jnp.full((L,), -1, jnp.int32)))
    cstar = jnp.min(alo)
    cmax = jnp.max(ahi)

    def scan_chunk(c, carry):
        ra, rb = carry
        for u in range(RPC):
            r = c * RPC + u
            for k in range(VPR):
                v = buf[r, pl.ds(k * L, L)]
                q = (k * L + lane) * C + r
                cand = jnp.where(v == m, q, BIG)
                if k % 2 == 0:
                    ra = jnp.minimum(ra, cand)
                else:
                    rb = jnp.minimum(rb, cand)
        return ra, rb

    def one_chunk():
        ra, rb = scan_chunk(cstar, (big, big))
        return jnp.min(jnp.minimum(ra, rb))

    def all_chunks():
        ra, rb = lax.fori_loop(0, NCHUNK, scan_chunk, (big, big))
        return jnp.min(jnp.minimum(ra, rb))

    idx = lax.cond(cmax == cstar, one_chunk, all_chunks)
    col = (idx % W).astype(jnp.float32)
    row = (idx // W).astype(jnp.float32)
    return col, row


_mesh = plsc.VectorSubcoreMesh(core_axis_name="c", subcore_axis_name="s")


@functools.partial(
    pl.kernel,
    mesh=_mesh,
    out_type=jax.ShapeDtypeStruct((BS * C * 2,), jnp.float32),
    scratch_types=[
        pltpu.VMEM((C, H), jnp.float32),
        pltpu.VMEM((C, H), jnp.float32),
        pltpu.VMEM((NCHUNK * L,), jnp.float32),
        pltpu.VMEM((2 * TPW,), jnp.float32),
        pltpu.SemaphoreType.DMA,
        pltpu.SemaphoreType.DMA,
    ],
    compiler_params=pltpu.CompilerParams(
        needs_layout_passes=False, use_tc_tiling_on_sc=True),
)
def _sc_argmax(xt_hbm, out_hbm, buf0, buf1, cm, outv, sem0, sem1):
    wid = lax.axis_index("c") * NS + lax.axis_index("s")
    t0 = wid * TPW
    lane = lax.iota(jnp.int32, L)

    def start(tg, buf, sem):
        pltpu.async_copy(xt_hbm.at[BT + tg // C, tg % C], buf, sem)

    def wait(buf, sem):
        pltpu.make_async_copy(xt_hbm.at[0, 0], buf, sem).wait()

    start(t0, buf0, sem0)
    start(t0 + 1, buf1, sem1)

    def pair_body(q, carry):
        for s_ in range(2):
            buf = (buf0, buf1)[s_]
            sem = (sem0, sem1)[s_]
            t = 2 * q + s_
            wait(buf, sem)
            col, row = _task_argmax(buf, cm)

            @pl.when(q < TPW // 2 - 1)
            def _():
                start(t0 + t + 2, buf, sem)

            val = jnp.where(lane == 0, col, row)
            plsc.store_scatter(outv, [2 * t + lane], val, mask=lane < 2)
        return carry
    lax.fori_loop(0, TPW // 2, pair_body, jnp.int32(0))

    out_off = pl.multiple_of(t0 * 2, 8)
    pltpu.sync_copy(outv, out_hbm.at[pl.ds(out_off, 2 * TPW)])


JB = 48


def _tc_argmax_body(x_ref, o_ref):
    vals = x_ref[0]
    m = jnp.max(vals, axis=(1, 2), keepdims=True)
    q2 = (lax.broadcasted_iota(jnp.int32, (1, C, H), 2) * C
          + lax.broadcasted_iota(jnp.int32, (1, C, H), 1))
    idx = jnp.min(jnp.where(vals == m, q2, BIG), axis=(1, 2))
    col = (idx % W).astype(jnp.float32)
    row = (idx // W).astype(jnp.float32)
    o_ref[...] = jnp.stack([col, row], axis=1)[None]


_JCELLS = C // JB
_tc_call = pl.pallas_call(
    _tc_argmax_body,
    grid=(BT * _JCELLS,),
    in_specs=[pl.BlockSpec((1, JB, C, H),
                           lambda i: (i // _JCELLS, i % _JCELLS, 0, 0))],
    out_specs=pl.BlockSpec((1, JB, 2), lambda i: (i, 0, 0)),
    out_shape=jax.ShapeDtypeStruct((BT * _JCELLS, JB, 2), jnp.float32),
)


def kernel(x):
    xt = jnp.swapaxes(x, 2, 3)
    out_sc = _sc_argmax(xt)
    out_tc = _tc_call(xt)
    return jnp.concatenate(
        [out_tc.reshape(BT, 2 * C), out_sc.reshape(BS, 2 * C)], axis=0)

# --- scband reference (transcript-rebuilt; emitter-appended) ---
"""Pipeline reference for scband-my-layer-11836929867932 (READ-ONLY COPY).

The authoritative reference and input builder live on the scoring server;
editing this copy changes nothing except your own understanding.
"""

import jax, jax.numpy as jnp
import numpy as np


def setup_inputs(seed: int = 0) -> dict:
    key = jax.random.key(seed)
    x = jax.random.normal(key, (8, 224, 224, 96), dtype=jnp.float32)
    return {"x": x}


def reference(x):
    # Faithful translation of the TF layer. Note: the original code indexes
    # x[i][:][:][j], and in TF chained [:] indexing is a no-op, so this is
    # actually x[i, j, :, :] (slicing the W axis with the channel loop index j),
    # NOT x[i, :, :, j]. We replicate that literal behavior (requires C <= W).
    B, W, H, C = x.shape
    sub = x[:, :C, :, :]              # (B, C, H, C): sub[i, j] == x[i][j][:][:]
    flat = sub.reshape(B, C, H * C)   # flatten per (i, j)
    idx = jnp.argmax(flat, axis=-1)   # (B, C) int argmax of flattened slice
    col = (idx % W).astype(jnp.float32)   # output[i][2j]   = argmax %  shape[1]
    row = (idx // W).astype(jnp.float32)  # output[i][2j+1] = argmax // shape[1] (float div then int cast == floor)
    out = jnp.stack([col, row], axis=-1).reshape(B, 2 * C)  # interleaved (col, row) pairs
    return out  # float32 (B, 2*C), matching tf.convert_to_tensor(..., dtype=tf.float32)

if __name__ == "__main__":
    import jax
    _d = setup_inputs()
    print(jax.jit(kernel)(*tuple(_d.values())))

</pallas_src>

<mosaic_0001>
#map = affine_map<(d0, d1) -> (0, 0, 0, 0)>
#map1 = affine_map<(d0, d1) -> (0)>
module attributes {stable_mosaic.version = 14 : i64} {
  func.func @_sc_argmax(%arg0: i32, %arg1: i32, %arg2: memref<8x224x96x224xf32, #tpu.memory_space<hbm>>, %arg3: memref<768xf32, #tpu.memory_space<hbm>>, %arg4: memref<96x224xf32, #tpu.memory_space<vmem>>, %arg5: memref<96x224xf32, #tpu.memory_space<vmem>>, %arg6: memref<768xf32, #tpu.memory_space<vmem>>, %arg7: memref<24xf32, #tpu.memory_space<vmem>>, %arg8: memref<!tpu.dma_semaphore, #tpu.memory_space<semaphore_mem>>, %arg9: memref<!tpu.dma_semaphore, #tpu.memory_space<semaphore_mem>>) attributes {dimension_semantics = [#tpu.dimension_semantics<core_parallel>, #tpu.dimension_semantics<subcore_parallel>], iteration_bounds = array<i64: 2, 16>, scalar_prefetch = 0 : i64, scratch_operands = 6 : i64, tpu.core_type = #tpu.core_type<sc_vector_subcore>, window_params = [{transform_indices = #map}, {transform_indices = #map1}]} {
    %mul3A = arith.constant 16 : i32
    %mul3A_0 = arith.muli %arg0, %mul3A : i32
    %add3A = arith.addi %mul3A_0, %arg1 : i32
    %mul3A_1 = arith.constant 12 : i32
    %mul3A_2 = arith.muli %add3A, %mul3A_1 : i32
    %iota3A = tpu.iota {dimensions = array<i32: 0>} : vector<16xi32>
    %jit3A = arith.constant 96 : i32
    %div3A = arith.divsi %mul3A_2, %jit3A : i32
    %sign3A = arith.constant 0 : i32
    %sign3A_3 = arith.cmpi sgt, %mul3A_2, %sign3A : i32
    %sign3A_4 = arith.extui %sign3A_3 : i1 to i32
    %sign3A_5 = arith.constant 0 : i32
    %sign3A_6 = arith.cmpi slt, %mul3A_2, %sign3A_5 : i32
    %sign3A_7 = arith.extui %sign3A_6 : i1 to i32
    %sign3A_8 = arith.subi %sign3A_4, %sign3A_7 : i32
    %sign3A_9 = arith.constant 0 : i32
    %sign3A_10 = arith.cmpi sgt, %jit3A, %sign3A_9 : i32
    %sign3A_11 = arith.extui %sign3A_10 : i1 to i32
    %sign3A_12 = arith.constant 0 : i32
    %sign3A_13 = arith.cmpi slt, %jit3A, %sign3A_12 : i32
    %sign3A_14 = arith.extui %sign3A_13 : i1 to i32
    %sign3A_15 = arith.subi %sign3A_11, %sign3A_14 : i32
    %ne3A = arith.cmpi ne, %sign3A_8, %sign3A_15 : i32
    %rem3A = arith.remsi %mul3A_2, %jit3A : i32
    %ne3A_16 = arith.constant 0 : i32
    %ne3A_17 = arith.cmpi ne, %rem3A, %ne3A_16 : i32
    %and3A = arith.andi %ne3A, %ne3A_17 : i1
    %sub3A = arith.constant 1 : i32
    %sub3A_18 = arith.subi %div3A, %sub3A : i32
    %select_n3A = arith.select %and3A, %sub3A_18, %div3A : i32
    %add3A_19 = arith.constant 4 : i32
    %add3A_20 = arith.addi %add3A_19, %select_n3A : i32
    %jit3A_21 = arith.constant 96 : i32
    %eq3A = arith.constant 0 : i32
    %eq3A_22 = arith.cmpi eq, %jit3A_21, %eq3A : i32
    %jit3A_23 = arith.constant 1 : i32
    %select_n3A_24 = arith.select %eq3A_22, %jit3A_23, %jit3A_21 : i32
    %rem3A_25 = arith.remsi %mul3A_2, %select_n3A_24 : i32
    %ne3A_26 = arith.constant 0 : i32
    %ne3A_27 = arith.cmpi ne, %rem3A_25, %ne3A_26 : i32
    %lt3A = arith.constant 0 : i32
    %lt3A_28 = arith.cmpi slt, %rem3A_25, %lt3A : i32
    %lt3A_29 = arith.constant 0 : i32
    %lt3A_30 = arith.cmpi slt, %select_n3A_24, %lt3A_29 : i32
    %ne3A_31 = arith.xori %lt3A_28, %lt3A_30 : i1
    %and3A_32 = arith.andi %ne3A_31, %ne3A_27 : i1
    %add3A_33 = arith.addi %rem3A_25, %select_n3A_24 : i32
    %select_n3A_34 = arith.select %and3A_32, %add3A_33, %rem3A_25 : i32
    %dma_start3A = arith.constant 0 : i32
    %dma_start3A_35 = arith.constant 0 : i32
    %dma_start3A_36 = tpu.memref_slice %arg2[%add3A_20, %select_n3A_34, %dma_start3A, %dma_start3A_35] : memref<8x224x96x224xf32, #tpu.memory_space<hbm>> -> memref<1x1x96x224xf32, #tpu.memory_space<hbm>>
    %dma_start3A_37 = tpu.memref_squeeze %dma_start3A_36 : memref<1x1x96x224xf32, #tpu.memory_space<hbm>> -> memref<96x224xf32, #tpu.memory_space<hbm>>
    %dma_start3A_38 = arith.constant 0 : i32
    %dma_start3A_39 = arith.constant 0 : i32
    %dma_start3A_40 = tpu.memref_slice %arg2[%add3A_20, %select_n3A_34, %dma_start3A_38, %dma_start3A_39] : memref<8x224x96x224xf32, #tpu.memory_space<hbm>> -> memref<1x1x96x224xf32, #tpu.memory_space<hbm>>
    %dma_start3A_41 = tpu.memref_squeeze %dma_start3A_40 : memref<1x1x96x224xf32, #tpu.memory_space<hbm>> -> memref<96x224xf32, #tpu.memory_space<hbm>>
    tpu.enqueue_dma source(%dma_start3A_41 : memref<96x224xf32, #tpu.memory_space<hbm>>) target(%arg4 : memref<96x224xf32, #tpu.memory_space<vmem>>) target_semaphore(%arg8 : memref<!tpu.dma_semaphore, #tpu.memory_space<semaphore_mem>>)
    %add3A_42 = arith.constant 1 : i32
    %add3A_43 = arith.addi %mul3A_2, %add3A_42 : i32
    %jit3A_44 = arith.constant 96 : i32
    %div3A_45 = arith.divsi %add3A_43, %jit3A_44 : i32
    %sign3A_46 = arith.constant 0 : i32
    %sign3A_47 = arith.cmpi sgt, %add3A_43, %sign3A_46 : i32
    %sign3A_48 = arith.extui %sign3A_47 : i1 to i32
    %sign3A_49 = arith.constant 0 : i32
    %sign3A_50 = arith.cmpi slt, %add3A_43, %sign3A_49 : i32
    %sign3A_51 = arith.extui %sign3A_50 : i1 to i32
    %sign3A_52 = arith.subi %sign3A_48, %sign3A_51 : i32
    %sign3A_53 = arith.constant 0 : i32
    %sign3A_54 = arith.cmpi sgt, %jit3A_44, %sign3A_53 : i32
    %sign3A_55 = arith.extui %sign3A_54 : i1 to i32
    %sign3A_56 = arith.constant 0 : i32
    %sign3A_57 = arith.cmpi slt, %jit3A_44, %sign3A_56 : i32
    %sign3A_58 = arith.extui %sign3A_57 : i1 to i32
    %sign3A_59 = arith.subi %sign3A_55, %sign3A_58 : i32
    %ne3A_60 = arith.cmpi ne, %sign3A_52, %sign3A_59 : i32
    %rem3A_61 = arith.remsi %add3A_43, %jit3A_44 : i32
    %ne3A_62 = arith.constant 0 : i32
    %ne3A_63 = arith.cmpi ne, %rem3A_61, %ne3A_62 : i32
    %and3A_64 = arith.andi %ne3A_60, %ne3A_63 : i1
    %sub3A_65 = arith.constant 1 : i32
    %sub3A_66 = arith.subi %div3A_45, %sub3A_65 : i32
    %select_n3A_67 = arith.select %and3A_64, %sub3A_66, %div3A_45 : i32
    %add3A_68 = arith.constant 4 : i32
    %add3A_69 = arith.addi %add3A_68, %select_n3A_67 : i32
    %jit3A_70 = arith.constant 96 : i32
    %eq3A_71 = arith.constant 0 : i32
    %eq3A_72 = arith.cmpi eq, %jit3A_70, %eq3A_71 : i32
    %jit3A_73 = arith.constant 1 : i32
    %select_n3A_74 = arith.select %eq3A_72, %jit3A_73, %jit3A_70 : i32
    %rem3A_75 = arith.remsi %add3A_43, %select_n3A_74 : i32
    %ne3A_76 = arith.constant 0 : i32
    %ne3A_77 = arith.cmpi ne, %rem3A_75, %ne3A_76 : i32
    %lt3A_78 = arith.constant 0 : i32
    %lt3A_79 = arith.cmpi slt, %rem3A_75, %lt3A_78 : i32
    %lt3A_80 = arith.constant 0 : i32
    %lt3A_81 = arith.cmpi slt, %select_n3A_74, %lt3A_80 : i32
    %ne3A_82 = arith.xori %lt3A_79, %lt3A_81 : i1
    %and3A_83 = arith.andi %ne3A_82, %ne3A_77 : i1
    %add3A_84 = arith.addi %rem3A_75, %select_n3A_74 : i32
    %select_n3A_85 = arith.select %and3A_83, %add3A_84, %rem3A_75 : i32
    %dma_start3A_86 = arith.constant 0 : i32
    %dma_start3A_87 = arith.constant 0 : i32
    %dma_start3A_88 = tpu.memref_slice %arg2[%add3A_69, %select_n3A_85, %dma_start3A_86, %dma_start3A_87] : memref<8x224x96x224xf32, #tpu.memory_space<hbm>> -> memref<1x1x96x224xf32, #tpu.memory_space<hbm>>
    %dma_start3A_89 = tpu.memref_squeeze %dma_start3A_88 : memref<1x1x96x224xf32, #tpu.memory_space<hbm>> -> memref<96x224xf32, #tpu.memory_space<hbm>>
    %dma_start3A_90 = arith.constant 0 : i32
    %dma_start3A_91 = arith.constant 0 : i32
    %dma_start3A_92 = tpu.memref_slice %arg2[%add3A_69, %select_n3A_85, %dma_start3A_90, %dma_start3A_91] : memref<8x224x96x224xf32, #tpu.memory_space<hbm>> -> memref<1x1x96x224xf32, #tpu.memory_space<hbm>>
    %dma_start3A_93 = tpu.memref_squeeze %dma_start3A_92 : memref<1x1x96x224xf32, #tpu.memory_space<hbm>> -> memref<96x224xf32, #tpu.memory_space<hbm>>
    tpu.enqueue_dma source(%dma_start3A_93 : memref<96x224xf32, #tpu.memory_space<hbm>>) target(%arg5 : memref<96x224xf32, #tpu.memory_space<vmem>>) target_semaphore(%arg9 : memref<!tpu.dma_semaphore, #tpu.memory_space<semaphore_mem>>)
    %scan3A = arith.constant 0 : i32
    %scan3A_94 = arith.constant 0 : i32
    %scan3A_95 = arith.constant 6 : i32
    %scan3A_96 = arith.addi %scan3A_94, %scan3A_95 : i32
    %scan3A_97 = arith.constant 1 : i32
    scf.for %scan3A_101 = %scan3A_94 to %scan3A_96 step %scan3A_97  : i32 {
      %mul3A_102 = arith.constant 2 : i32
      %mul3A_103 = arith.muli %mul3A_102, %scan3A_101 : i32
      %add3A_104 = arith.constant 0 : i32
      %add3A_105 = arith.addi %mul3A_103, %add3A_104 : i32
      %dma_wait3A = arith.constant 0 : i32
      %dma_wait3A_106 = arith.constant 0 : i32
      %dma_wait3A_107 = arith.constant 0 : i32
      %dma_wait3A_108 = arith.constant 0 : i32
      %dma_wait3A_109 = tpu.memref_slice %arg2[%dma_wait3A, %dma_wait3A_106, %dma_wait3A_107, %dma_wait3A_108] : memref<8x224x96x224xf32, #tpu.memory_space<hbm>> -> memref<1x1x96x224xf32, #tpu.memory_space<hbm>>
      %dma_wait3A_110 = tpu.memref_squeeze %dma_wait3A_109 : memref<1x1x96x224xf32, #tpu.memory_space<hbm>> -> memref<96x224xf32, #tpu.memory_space<hbm>>
      %dma_wait3A_111 = arith.constant 0 : i32
      %dma_wait3A_112 = arith.constant 0 : i32
      %dma_wait3A_113 = tpu.memref_slice %arg2[%dma_wait3A, %dma_wait3A_106, %dma_wait3A_111, %dma_wait3A_112] : memref<8x224x96x224xf32, #tpu.memory_space<hbm>> -> memref<1x1x96x224xf32, #tpu.memory_space<hbm>>
      %dma_wait3A_114 = tpu.memref_squeeze %dma_wait3A_113 : memref<1x1x96x224xf32, #tpu.memory_space<hbm>> -> memref<96x224xf32, #tpu.memory_space<hbm>>
      tpu.wait_dma2 semaphore(%arg8 : memref<!tpu.dma_semaphore, #tpu.memory_space<semaphore_mem>>) src(%dma_wait3A_114 : memref<96x224xf32, #tpu.memory_space<hbm>>) dst(%arg4 : memref<96x224xf32, #tpu.memory_space<vmem>>)
      %iota3A_115 = tpu.iota {dimensions = array<i32: 0>} : vector<16xi32>
      %broadcast_in_dim3A = arith.constant 1073741824 : i32
      %broadcast_in_dim3A_116 = vector.broadcast %broadcast_in_dim3A : i32 to vector<16xi32>
      %broadcast_in_dim3A_117 = arith.constant 0xFF800000 : f32
      %broadcast_in_dim3A_118 = vector.broadcast %broadcast_in_dim3A_117 : f32 to vector<16xf32>
      %scan3A_119 = arith.constant 0 : i32
      %scan3A_120 = arith.constant 48 : i32
      %scan3A_121 = arith.addi %scan3A_119, %scan3A_120 : i32
      %scan3A_122 = arith.constant 1 : i32
      %scan3A_123 = scf.for %scan3A_332 = %scan3A_119 to %scan3A_121 step %scan3A_122 iter_args(%scan3A_333 = %broadcast_in_dim3A_118) -> (vector<16xf32>)  : i32 {
        %mul3A_334 = arith.constant 2 : i32
        %mul3A_335 = arith.muli %scan3A_332, %mul3A_334 : i32
        %get3A = arith.index_cast %mul3A_335 : i32 to index
        %get3A_336 = arith.constant 0 : index
        %get3A_337 = tpu.vector_load %arg4[%get3A, %get3A_336] {strides = array<i32>} : memref<96x224xf32, #tpu.memory_space<vmem>>, vector<16xf32>,
        %get3A_338 = arith.index_cast %mul3A_335 : i32 to index
        %get3A_339 = arith.constant 16 : index
        %get3A_340 = tpu.vector_load %arg4[%get3A_338, %get3A_339] {strides = array<i32>} : memref<96x224xf32, #tpu.memory_space<vmem>>, vector<16xf32>,
        %get3A_341 = arith.index_cast %mul3A_335 : i32 to index
        %get3A_342 = arith.constant 32 : index
        %get3A_343 = tpu.vector_load %arg4[%get3A_341, %get3A_342] {strides = array<i32>} : memref<96x224xf32, #tpu.memory_space<vmem>>, vector<16xf32>,
        %get3A_344 = arith.index_cast %mul3A_335 : i32 to index
        %get3A_345 = arith.constant 48 : index
        %get3A_346 = tpu.vector_load %arg4[%get3A_344, %get3A_345] {strides = array<i32>} : memref<96x224xf32, #tpu.memory_space<vmem>>, vector<16xf32>,
        %add3A_347 = arith.constant 0 : i32
        %add3A_348 = arith.addi %mul3A_335, %add3A_347 : i32
        %get3A_349 = arith.index_cast %add3A_348 : i32 to index
        %get3A_350 = arith.constant 64 : index
        %get3A_351 = tpu.vector_load %arg4[%get3A_349, %get3A_350] {strides = array<i32>} : memref<96x224xf32, #tpu.memory_space<vmem>>, vector<16xf32>,
        %max3A = arith.maximumf %get3A_337, %get3A_351 : vector<16xf32>
        %add3A_352 = arith.constant 0 : i32
        %add3A_353 = arith.addi %mul3A_335, %add3A_352 : i32
        %get3A_354 = arith.index_cast %add3A_353 : i32 to index
        %get3A_355 = arith.constant 80 : index
        %get3A_356 = tpu.vector_load %arg4[%get3A_354, %get3A_355] {strides = array<i32>} : memref<96x224xf32, #tpu.memory_space<vmem>>, vector<16xf32>,
        %max3A_357 = arith.maximumf %get3A_340, %get3A_356 : vector<16xf32>
        %add3A_358 = arith.constant 0 : i32
        %add3A_359 = arith.addi %mul3A_335, %add3A_358 : i32
        %get3A_360 = arith.index_cast %add3A_359 : i32 to index
        %get3A_361 = arith.constant 96 : index
        %get3A_362 = tpu.vector_load %arg4[%get3A_360, %get3A_361] {strides = array<i32>} : memref<96x224xf32, #tpu.memory_space<vmem>>, vector<16xf32>,
        %max3A_363 = arith.maximumf %get3A_343, %get3A_362 : vector<16xf32>
        %add3A_364 = arith.constant 0 : i32
        %add3A_365 = arith.addi %mul3A_335, %add3A_364 : i32
        %get3A_366 = arith.index_cast %add3A_365 : i32 to index
        %get3A_367 = arith.constant 112 : index
        %get3A_368 = tpu.vector_load %arg4[%get3A_366, %get3A_367] {strides = array<i32>} : memref<96x224xf32, #tpu.memory_space<vmem>>, vector<16xf32>,
        %max3A_369 = arith.maximumf %get3A_346, %get3A_368 : vector<16xf32>
        %add3A_370 = arith.constant 0 : i32
        %add3A_371 = arith.addi %mul3A_335, %add3A_370 : i32
        %get3A_372 = arith.index_cast %add3A_371 : i32 to index
        %get3A_373 = arith.constant 128 : index
        %get3A_374 = tpu.vector_load %arg4[%get3A_372, %get3A_373] {strides = array<i32>} : memref<96x224xf32, #tpu.memory_space<vmem>>, vector<16xf32>,
        %max3A_375 = arith.maximumf %max3A, %get3A_374 : vector<16xf32>
        %add3A_376 = arith.constant 0 : i32
        %add3A_377 = arith.addi %mul3A_335, %add3A_376 : i32
        %get3A_378 = arith.index_cast %add3A_377 : i32 to index
        %get3A_379 = arith.constant 144 : index
        %get3A_380 = tpu.vector_load %arg4[%get3A_378, %get3A_379] {strides = array<i32>} : memref<96x224xf32, #tpu.memory_space<vmem>>, vector<16xf32>,
        %max3A_381 = arith.maximumf %max3A_357, %get3A_380 : vector<16xf32>
        %add3A_382 = arith.constant 0 : i32
        %add3A_383 = arith.addi %mul3A_335, %add3A_382 : i32
        %get3A_384 = arith.index_cast %add3A_383 : i32 to index
        %get3A_385 = arith.constant 160 : index
        %get3A_386 = tpu.vector_load %arg4[%get3A_384, %get3A_385] {strides = array<i32>} : memref<96x224xf32, #tpu.memory_space<vmem>>, vector<16xf32>,
        %max3A_387 = arith.maximumf %max3A_363, %get3A_386 : vector<16xf32>
        %add3A_388 = arith.constant 0 : i32
        %add3A_389 = arith.addi %mul3A_335, %add3A_388 : i32
        %get3A_390 = arith.index_cast %add3A_389 : i32 to index
        %get3A_391 = arith.constant 176 : index
        %get3A_392 = tpu.vector_load %arg4[%get3A_390, %get3A_391] {strides = array<i32>} : memref<96x224xf32, #tpu.memory_space<vmem>>, vector<16xf32>,
        %max3A_393 = arith.maximumf %max3A_369, %get3A_392 : vector<16xf32>
        %add3A_394 = arith.constant 0 : i32
        %add3A_395 = arith.addi %mul3A_335, %add3A_394 : i32
        %get3A_396 = arith.index_cast %add3A_395 : i32 to index
        %get3A_397 = arith.constant 192 : index
        %get3A_398 = tpu.vector_load %arg4[%get3A_396, %get3A_397] {strides = array<i32>} : memref<96x224xf32, #tpu.memory_space<vmem>>, vector<16xf32>,
        %max3A_399 = arith.maximumf %max3A_375, %get3A_398 : vector<16xf32>
        %add3A_400 = arith.constant 0 : i32
        %add3A_401 = arith.addi %mul3A_335, %add3A_400 : i32
        %get3A_402 = arith.index_cast %add3A_401 : i32 to index
        %get3A_403 = arith.constant 208 : index
        %get3A_404 = tpu.vector_load %arg4[%get3A_402, %get3A_403] {strides = array<i32>} : memref<96x224xf32, #tpu.memory_space<vmem>>, vector<16xf32>,
        %max3A_405 = arith.maximumf %max3A_381, %get3A_404 : vector<16xf32>
        %add3A_406 = arith.constant 1 : i32
        %add3A_407 = arith.addi %mul3A_335, %add3A_406 : i32
        %get3A_408 = arith.index_cast %add3A_407 : i32 to index
        %get3A_409 = arith.constant 0 : index
        %get3A_410 = tpu.vector_load %arg4[%get3A_408, %get3A_409] {strides = array<i32>} : memref<96x224xf32, #tpu.memory_space<vmem>>, vector<16xf32>,
        %max3A_411 = arith.maximumf %max3A_399, %get3A_410 : vector<16xf32>
        %add3A_412 = arith.constant 1 : i32
        %add3A_413 = arith.addi %mul3A_335, %add3A_412 : i32
        %get3A_414 = arith.index_cast %add3A_413 : i32 to index
        %get3A_415 = arith.constant 16 : index
        %get3A_416 = tpu.vector_load %arg4[%get3A_414, %get3A_415] {strides = array<i32>} : memref<96x224xf32, #tpu.memory_space<vmem>>, vector<16xf32>,
        %max3A_417 = arith.maximumf %max3A_405, %get3A_416 : vector<16xf32>
        %add3A_418 = arith.constant 1 : i32
        %add3A_419 = arith.addi %mul3A_335, %add3A_418 : i32
        %get3A_420 = arith.index_cast %add3A_419 : i32 to index
        %get3A_421 = arith.constant 32 : index
        %get3A_422 = tpu.vector_load %arg4[%get3A_420, %get3A_421] {strides = array<i32>} : memref<96x224xf32, #tpu.memory_space<vmem>>, vector<16xf32>,
        %max3A_423 = arith.maximumf %max3A_387, %get3A_422 : vector<16xf32>
        %add3A_424 = arith.constant 1 : i32
        %add3A_425 = arith.addi %mul3A_335, %add3A_424 : i32
        %get3A_426 = arith.index_cast %add3A_425 : i32 to index
        %get3A_427 = arith.constant 48 : index
        %get3A_428 = tpu.vector_load %arg4[%get3A_426, %get3A_427] {strides = array<i32>} : memref<96x224xf32, #tpu.memory_space<vmem>>, vector<16xf32>,
        %max3A_429 = arith.maximumf %max3A_393, %get3A_428 : vector<16xf32>
        %add3A_430 = arith.constant 1 : i32
        %add3A_431 = arith.addi %mul3A_335, %add3A_430 : i32
        %get3A_432 = arith.index_cast %add3A_431 : i32 to index
        %get3A_433 = arith.constant 64 : index
        %get3A_434 = tpu.vector_load %arg4[%get3A_432, %get3A_433] {strides = array<i32>} : memref<96x224xf32, #tpu.memory_space<vmem>>, vector<16xf32>,
        %max3A_435 = arith.maximumf %max3A_411, %get3A_434 : vector<16xf32>
        %add3A_436 = arith.constant 1 : i32
        %add3A_437 = arith.addi %mul3A_335, %add3A_436 : i32
        %get3A_438 = arith.index_cast %add3A_437 : i32 to index
        %get3A_439 = arith.constant 80 : index
        %get3A_440 = tpu.vector_load %arg4[%get3A_438, %get3A_439] {strides = array<i32>} : memref<96x224xf32, #tpu.memory_space<vmem>>, vector<16xf32>,
        %max3A_441 = arith.maximumf %max3A_417, %get3A_440 : vector<16xf32>
        %add3A_442 = arith.constant 1 : i32
        %add3A_443 = arith.addi %mul3A_335, %add3A_442 : i32
        %get3A_444 = arith.index_cast %add3A_443 : i32 to index
        %get3A_445 = arith.constant 96 : index
        %get3A_446 = tpu.vector_load %arg4[%get3A_444, %get3A_445] {strides = array<i32>} : memref<96x224xf32, #tpu.memory_space<vmem>>, vector<16xf32>,
        %max3A_447 = arith.maximumf %max3A_423, %get3A_446 : vector<16xf32>
        %add3A_448 = arith.constant 1 : i32
        %add3A_449 = arith.addi %mul3A_335, %add3A_448 : i32
        %get3A_450 = arith.index_cast %add3A_449 : i32 to index
        %get3A_451 = arith.constant 112 : index
        %get3A_452 = tpu.vector_load %arg4[%get3A_450, %get3A_451] {strides = array<i32>} : memref<96x224xf32, #tpu.memory_space<vmem>>, vector<16xf32>,
        %max3A_453 = arith.maximumf %max3A_429, %get3A_452 : vector<16xf32>
        %add3A_454 = arith.constant 1 : i32
        %add3A_455 = arith.addi %mul3A_335, %add3A_454 : i32
        %get3A_456 = arith.index_cast %add3A_455 : i32 to index
        %get3A_457 = arith.constant 128 : index
        %get3A_458 = tpu.vector_load %arg4[%get3A_456, %get3A_457] {strides = array<i32>} : memref<96x224xf32, #tpu.memory_space<vmem>>, vector<16xf32>,
        %max3A_459 = arith.maximumf %max3A_435, %get3A_458 : vector<16xf32>
        %add3A_460 = arith.constant 1 : i32
        %add3A_461 = arith.addi %mul3A_335, %add3A_460 : i32
        %get3A_462 = arith.index_cast %add3A_461 : i32 to index
        %get3A_463 = arith.constant 144 : index
        %get3A_464 = tpu.vector_load %arg4[%get3A_462, %get3A_463] {strides = array<i32>} : memref<96x224xf32, #tpu.memory_space<vmem>>, vector<16xf32>,
        %max3A_465 = arith.maximumf %max3A_441, %get3A_464 : vector<16xf32>
        %add3A_466 = arith.constant 1 : i32
        %add3A_467 = arith.addi %mul3A_335, %add3A_466 : i32
        %get3A_468 = arith.index_cast %add3A_467 : i32 to index
        %get3A_469 = arith.constant 160 : index
        %get3A_470 = tpu.vector_load %arg4[%get3A_468, %get3A_469] {strides = array<i32>} : memref<96x224xf32, #tpu.memory_space<vmem>>, vector<16xf32>,
        %max3A_471 = arith.maximumf %max3A_447, %get3A_470 : vector<16xf32>
        %add3A_472 = arith.constant 1 : i32
        %add3A_473 = arith.addi %mul3A_335, %add3A_472 : i32
        %get3A_474 = arith.index_cast %add3A_473 : i32 to index
        %get3A_475 = arith.constant 176 : index
        %get3A_476 = tpu.vector_load %arg4[%get3A_474, %get3A_475] {strides = array<i32>} : memref<96x224xf32, #tpu.memory_space<vmem>>, vector<16xf32>,
        %max3A_477 = arith.maximumf %max3A_453, %get3A_476 : vector<16xf32>
        %add3A_478 = arith.constant 1 : i32
        %add3A_479 = arith.addi %mul3A_335, %add3A_478 : i32
        %get3A_480 = arith.index_cast %add3A_479 : i32 to index
        %get3A_481 = arith.constant 192 : index
        %get3A_482 = tpu.vector_load %arg4[%get3A_480, %get3A_481] {strides = array<i32>} : memref<96x224xf32, #tpu.memory_space<vmem>>, vector<16xf32>,
        %max3A_483 = arith.maximumf %max3A_459, %get3A_482 : vector<16xf32>
        %add3A_484 = arith.constant 1 : i32
        %add3A_485 = arith.addi %mul3A_335, %add3A_484 : i32
        %get3A_486 = arith.index_cast %add3A_485 : i32 to index
        %get3A_487 = arith.constant 208 : index
        %get3A_488 = tpu.vector_load %arg4[%get3A_486, %get3A_487] {strides = array<i32>} : memref<96x224xf32, #tpu.memory_space<vmem>>, vector<16xf32>,
        %max3A_489 = arith.maximumf %max3A_465, %get3A_488 : vector<16xf32>
        %max3A_490 = arith.maximumf %max3A_483, %max3A_489 : vector<16xf32>
        %max3A_491 = arith.maximumf %max3A_471, %max3A_477 : vector<16xf32>
        %max3A_492 = arith.maximumf %max3A_490, %max3A_491 : vector<16xf32>
        %mul3A_493 = arith.constant 16 : i32
        %mul3A_494 = arith.muli %scan3A_332, %mul3A_493 : i32
        %multiple_of3A_495 = tpu.assume_multiple %mul3A_494, 8 : i32
        %swap3A = arith.index_cast %multiple_of3A_495 : i32 to index
        %swap3A_496 = tpu.vector_load %arg6[%swap3A] {strides = array<i32>} : memref<768xf32, #tpu.memory_space<vmem>>, vector<16xf32>,
        tpu.vector_store %arg6[%swap3A], %max3A_492 {strides = array<i32>} : memref<768xf32, #tpu.memory_space<vmem>>, vector<16xf32>,
        %max3A_497 = arith.maximumf %scan3A_333, %max3A_492 : vector<16xf32>
        scf.yield %max3A_497 : vector<16xf32>
      }
      %scan3A_124 = arith.constant 48 : i32
      %reduce_max3A = arith.constant true
      %reduce_max3A_125 = vector.broadcast %reduce_max3A : i1 to vector<16xi1>
      %reduce_max3A_126 = tpu.scan <max>, %scan3A_123 masked %reduce_max3A_125 : vector<16xf32>, vector<16xi1> -> vector<16xf32>
      %reduce_max3A_127 = vector.extract %reduce_max3A_126[15] : f32 from vector<16xf32>
      %broadcast_in_dim3A_128 = arith.constant -1 : i32
      %broadcast_in_dim3A_129 = vector.broadcast %broadcast_in_dim3A_128 : i32 to vector<16xi32>
      %scan3A_130 = arith.constant 0 : i32
      %scan3A_131 = arith.constant 6 : i32
      %scan3A_132 = arith.addi %scan3A_130, %scan3A_131 : i32
      %scan3A_133 = arith.constant 1 : i32
      %scan3A_134:2 = scf.for %scan3A_332 = %scan3A_130 to %scan3A_132 step %scan3A_133 iter_args(%scan3A_333 = %broadcast_in_dim3A_116, %scan3A_334 = %broadcast_in_dim3A_129) -> (vector<16xi32>, vector<16xi32>)  : i32 {
        %mul3A_335 = arith.constant 8 : i32
        %mul3A_336 = arith.muli %scan3A_332, %mul3A_335 : i32
        %add3A_337 = arith.constant 0 : i32
        %add3A_338 = arith.addi %mul3A_336, %add3A_337 : i32
        %mul3A_339 = arith.constant 16 : i32
        %mul3A_340 = arith.muli %add3A_338, %mul3A_339 : i32
        %multiple_of3A_341 = tpu.assume_multiple %mul3A_340, 8 : i32
        %get3A = arith.index_cast %multiple_of3A_341 : i32 to index
        %get3A_342 = tpu.vector_load %arg6[%get3A] {strides = array<i32>} : memref<768xf32, #tpu.memory_space<vmem>>, vector<16xf32>,
        %eq3A_343 = vector.broadcast %reduce_max3A_127 : f32 to vector<16xf32>
        %eq3A_344 = arith.cmpf oeq, %get3A_342, %eq3A_343 : vector<16xf32>
        %add3A_345 = arith.constant 0 : i32
        %add3A_346 = arith.addi %mul3A_336, %add3A_345 : i32
        %jit3A_347 = arith.constant 1073741824 : i32
        %broadcast_in_dim3A_348 = vector.broadcast %add3A_346 : i32 to vector<16xi32>
        %broadcast_in_dim3A_349 = vector.broadcast %jit3A_347 : i32 to vector<16xi32>
        %select_n3A_350 = arith.select %eq3A_344, %broadcast_in_dim3A_348, %broadcast_in_dim3A_349 : vector<16xi1>, vector<16xi32>
        %min3A = arith.minsi %scan3A_333, %select_n3A_350 : vector<16xi32>
        %add3A_351 = arith.constant 0 : i32
        %add3A_352 = arith.addi %mul3A_336, %add3A_351 : i32
        %jit3A_353 = arith.constant -1 : i32
        %broadcast_in_dim3A_354 = vector.broadcast %add3A_352 : i32 to vector<16xi32>
        %broadcast_in_dim3A_355 = vector.broadcast %jit3A_353 : i32 to vector<16xi32>
        %select_n3A_356 = arith.select %eq3A_344, %broadcast_in_dim3A_354, %broadcast_in_dim3A_355 : vector<16xi1>, vector<16xi32>
        %max3A = arith.maxsi %scan3A_334, %select_n3A_356 : vector<16xi32>
        %add3A_357 = arith.constant 1 : i32
        %add3A_358 = arith.addi %mul3A_336, %add3A_357 : i32
        %mul3A_359 = arith.constant 16 : i32
        %mul3A_360 = arith.muli %add3A_358, %mul3A_359 : i32
        %multiple_of3A_361 = tpu.assume_multiple %mul3A_360, 8 : i32
        %get3A_362 = arith.index_cast %multiple_of3A_361 : i32 to index
        %get3A_363 = tpu.vector_load %arg6[%get3A_362] {strides = array<i32>} : memref<768xf32, #tpu.memory_space<vmem>>, vector<16xf32>,
        %eq3A_364 = vector.broadcast %reduce_max3A_127 : f32 to vector<16xf32>
        %eq3A_365 = arith.cmpf oeq, %get3A_363, %eq3A_364 : vector<16xf32>
        %add3A_366 = arith.constant 1 : i32
        %add3A_367 = arith.addi %mul3A_336, %add3A_366 : i32
        %jit3A_368 = arith.constant 1073741824 : i32
        %broadcast_in_dim3A_369 = vector.broadcast %add3A_367 : i32 to vector<16xi32>
        %broadcast_in_dim3A_370 = vector.broadcast %jit3A_368 : i32 to vector<16xi32>
        %select_n3A_371 = arith.select %eq3A_365, %broadcast_in_dim3A_369, %broadcast_in_dim3A_370 : vector<16xi1>, vector<16xi32>
        %min3A_372 = arith.minsi %min3A, %select_n3A_371 : vector<16xi32>
        %add3A_373 = arith.constant 1 : i32
        %add3A_374 = arith.addi %mul3A_336, %add3A_373 : i32
        %jit3A_375 = arith.constant -1 : i32
        %broadcast_in_dim3A_376 = vector.broadcast %add3A_374 : i32 to vector<16xi32>
        %broadcast_in_dim3A_377 = vector.broadcast %jit3A_375 : i32 to vector<16xi32>
        %select_n3A_378 = arith.select %eq3A_365, %broadcast_in_dim3A_376, %broadcast_in_dim3A_377 : vector<16xi1>, vector<16xi32>
        %max3A_379 = arith.maxsi %max3A, %select_n3A_378 : vector<16xi32>
        %add3A_380 = arith.constant 2 : i32
        %add3A_381 = arith.addi %mul3A_336, %add3A_380 : i32
        %mul3A_382 = arith.constant 16 : i32
        %mul3A_383 = arith.muli %add3A_381, %mul3A_382 : i32
        %multiple_of3A_384 = tpu.assume_multiple %mul3A_383, 8 : i32
        %get3A_385 = arith.index_cast %multiple_of3A_384 : i32 to index
        %get3A_386 = tpu.vector_load %arg6[%get3A_385] {strides = array<i32>} : memref<768xf32, #tpu.memory_space<vmem>>, vector<16xf32>,
        %eq3A_387 = vector.broadcast %reduce_max3A_127 : f32 to vector<16xf32>
        %eq3A_388 = arith.cmpf oeq, %get3A_386, %eq3A_387 : vector<16xf32>
        %add3A_389 = arith.constant 2 : i32
        %add3A_390 = arith.addi %mul3A_336, %add3A_389 : i32
        %jit3A_391 = arith.constant 1073741824 : i32
        %broadcast_in_dim3A_392 = vector.broadcast %add3A_390 : i32 to vector<16xi32>
        %broadcast_in_dim3A_393 = vector.broadcast %jit3A_391 : i32 to vector<16xi32>
        %select_n3A_394 = arith.select %eq3A_388, %broadcast_in_dim3A_392, %broadcast_in_dim3A_393 : vector<16xi1>, vector<16xi32>
        %min3A_395 = arith.minsi %min3A_372, %select_n3A_394 : vector<16xi32>
        %add3A_396 = arith.constant 2 : i32
        %add3A_397 = arith.addi %mul3A_336, %add3A_396 : i32
        %jit3A_398 = arith.constant -1 : i32
        %broadcast_in_dim3A_399 = vector.broadcast %add3A_397 : i32 to vector<16xi32>
        %broadcast_in_dim3A_400 = vector.broadcast %jit3A_398 : i32 to vector<16xi32>
        %select_n3A_401 = arith.select %eq3A_388, %broadcast_in_dim3A_399, %broadcast_in_dim3A_400 : vector<16xi1>, vector<16xi32>
        %max3A_402 = arith.maxsi %max3A_379, %select_n3A_401 : vector<16xi32>
        %add3A_403 = arith.constant 3 : i32
        %add3A_404 = arith.addi %mul3A_336, %add3A_403 : i32
        %mul3A_405 = arith.constant 16 : i32
        %mul3A_406 = arith.muli %add3A_404, %mul3A_405 : i32
        %multiple_of3A_407 = tpu.assume_multiple %mul3A_406, 8 : i32
        %get3A_408 = arith.index_cast %multiple_of3A_407 : i32 to index
        %get3A_409 = tpu.vector_load %arg6[%get3A_408] {strides = array<i32>} : memref<768xf32, #tpu.memory_space<vmem>>, vector<16xf32>,
        %eq3A_410 = vector.broadcast %reduce_max3A_127 : f32 to vector<16xf32>
        %eq3A_411 = arith.cmpf oeq, %get3A_409, %eq3A_410 : vector<16xf32>
        %add3A_412 = arith.constant 3 : i32
        %add3A_413 = arith.addi %mul3A_336, %add3A_412 : i32
        %jit3A_414 = arith.constant 1073741824 : i32
        %broadcast_in_dim3A_415 = vector.broadcast %add3A_413 : i32 to vector<16xi32>
        %broadcast_in_dim3A_416 = vector.broadcast %jit3A_414 : i32 to vector<16xi32>
        %select_n3A_417 = arith.select %eq3A_411, %broadcast_in_dim3A_415, %broadcast_in_dim3A_416 : vector<16xi1>, vector<16xi32>
        %min3A_418 = arith.minsi %min3A_395, %select_n3A_417 : vector<16xi32>
        %add3A_419 = arith.constant 3 : i32
        %add3A_420 = arith.addi %mul3A_336, %add3A_419 : i32
        %jit3A_421 = arith.constant -1 : i32
        %broadcast_in_dim3A_422 = vector.broadcast %add3A_420 : i32 to vector<16xi32>
        %broadcast_in_dim3A_423 = vector.broadcast %jit3A_421 : i32 to vector<16xi32>
        %select_n3A_424 = arith.select %eq3A_411, %broadcast_in_dim3A_422, %broadcast_in_dim3A_423 : vector<16xi1>, vector<16xi32>
        %max3A_425 = arith.maxsi %max3A_402, %select_n3A_424 : vector<16xi32>
        %add3A_426 = arith.constant 4 : i32
        %add3A_427 = arith.addi %mul3A_336, %add3A_426 : i32
        %mul3A_428 = arith.constant 16 : i32
        %mul3A_429 = arith.muli %add3A_427, %mul3A_428 : i32
        %multiple_of3A_430 = tpu.assume_multiple %mul3A_429, 8 : i32
        %get3A_431 = arith.index_cast %multiple_of3A_430 : i32 to index
        %get3A_432 = tpu.vector_load %arg6[%get3A_431] {strides = array<i32>} : memref<768xf32, #tpu.memory_space<vmem>>, vector<16xf32>,
        %eq3A_433 = vector.broadcast %reduce_max3A_127 : f32 to vector<16xf32>
        %eq3A_434 = arith.cmpf oeq, %get3A_432, %eq3A_433 : vector<16xf32>
        %add3A_435 = arith.constant 4 : i32
        %add3A_436 = arith.addi %mul3A_336, %add3A_435 : i32
        %jit3A_437 = arith.constant 1073741824 : i32
        %broadcast_in_dim3A_438 = vector.broadcast %add3A_436 : i32 to vector<16xi32>
        %broadcast_in_dim3A_439 = vector.broadcast %jit3A_437 : i32 to vector<16xi32>
        %select_n3A_440 = arith.select %eq3A_434, %broadcast_in_dim3A_438, %broadcast_in_dim3A_439 : vector<16xi1>, vector<16xi32>
        %min3A_441 = arith.minsi %min3A_418, %select_n3A_440 : vector<16xi32>
        %add3A_442 = arith.constant 4 : i32
        %add3A_443 = arith.addi %mul3A_336, %add3A_442 : i32
        %jit3A_444 = arith.constant -1 : i32
        %broadcast_in_dim3A_445 = vector.broadcast %add3A_443 : i32 to vector<16xi32>
        %broadcast_in_dim3A_446 = vector.broadcast %jit3A_444 : i32 to vector<16xi32>
        %select_n3A_447 = arith.select %eq3A_434, %broadcast_in_dim3A_445, %broadcast_in_dim3A_446 : vector<16xi1>, vector<16xi32>
        %max3A_448 = arith.maxsi %max3A_425, %select_n3A_447 : vector<16xi32>
        %add3A_449 = arith.constant 5 : i32
        %add3A_450 = arith.addi %mul3A_336, %add3A_449 : i32
        %mul3A_451 = arith.constant 16 : i32
        %mul3A_452 = arith.muli %add3A_450, %mul3A_451 : i32
        %multiple_of3A_453 = tpu.assume_multiple %mul3A_452, 8 : i32
        %get3A_454 = arith.index_cast %multiple_of3A_453 : i32 to index
        %get3A_455 = tpu.vector_load %arg6[%get3A_454] {strides = array<i32>} : memref<768xf32, #tpu.memory_space<vmem>>, vector<16xf32>,
        %eq3A_456 = vector.broadcast %reduce_max3A_127 : f32 to vector<16xf32>
        %eq3A_457 = arith.cmpf oeq, %get3A_455, %eq3A_456 : vector<16xf32>
        %add3A_458 = arith.constant 5 : i32
        %add3A_459 = arith.addi %mul3A_336, %add3A_458 : i32
        %jit3A_460 = arith.constant 1073741824 : i32
        %broadcast_in_dim3A_461 = vector.broadcast %add3A_459 : i32 to vector<16xi32>
        %broadcast_in_dim3A_462 = vector.broadcast %jit3A_460 : i32 to vector<16xi32>
        %select_n3A_463 = arith.select %eq3A_457, %broadcast_in_dim3A_461, %broadcast_in_dim3A_462 : vector<16xi1>, vector<16xi32>
        %min3A_464 = arith.minsi %min3A_441, %select_n3A_463 : vector<16xi32>
        %add3A_465 = arith.constant 5 : i32
        %add3A_466 = arith.addi %mul3A_336, %add3A_465 : i32
        %jit3A_467 = arith.constant -1 : i32
        %broadcast_in_dim3A_468 = vector.broadcast %add3A_466 : i32 to vector<16xi32>
        %broadcast_in_dim3A_469 = vector.broadcast %jit3A_467 : i32 to vector<16xi32>
        %select_n3A_470 = arith.select %eq3A_457, %broadcast_in_dim3A_468, %broadcast_in_dim3A_469 : vector<16xi1>, vector<16xi32>
        %max3A_471 = arith.maxsi %max3A_448, %select_n3A_470 : vector<16xi32>
        %add3A_472 = arith.constant 6 : i32
        %add3A_473 = arith.addi %mul3A_336, %add3A_472 : i32
        %mul3A_474 = arith.constant 16 : i32
        %mul3A_475 = arith.muli %add3A_473, %mul3A_474 : i32
        %multiple_of3A_476 = tpu.assume_multiple %mul3A_475, 8 : i32
        %get3A_477 = arith.index_cast %multiple_of3A_476 : i32 to index
        %get3A_478 = tpu.vector_load %arg6[%get3A_477] {strides = array<i32>} : memref<768xf32, #tpu.memory_space<vmem>>, vector<16xf32>,
        %eq3A_479 = vector.broadcast %reduce_max3A_127 : f32 to vector<16xf32>
        %eq3A_480 = arith.cmpf oeq, %get3A_478, %eq3A_479 : vector<16xf32>
        %add3A_481 = arith.constant 6 : i32
        %add3A_482 = arith.addi %mul3A_336, %add3A_481 : i32
        %jit3A_483 = arith.constant 1073741824 : i32
        %broadcast_in_dim3A_484 = vector.broadcast %add3A_482 : i32 to vector<16xi32>
        %broadcast_in_dim3A_485 = vector.broadcast %jit3A_483 : i32 to vector<16xi32>
        %select_n3A_486 = arith.select %eq3A_480, %broadcast_in_dim3A_484, %broadcast_in_dim3A_485 : vector<16xi1>, vector<16xi32>
        %min3A_487 = arith.minsi %min3A_464, %select_n3A_486 : vector<16xi32>
        %add3A_488 = arith.constant 6 : i32
        %add3A_489 = arith.addi %mul3A_336, %add3A_488 : i32
        %jit3A_490 = arith.constant -1 : i32
        %broadcast_in_dim3A_491 = vector.broadcast %add3A_489 : i32 to vector<16xi32>
        %broadcast_in_dim3A_492 = vector.broadcast %jit3A_490 : i32 to vector<16xi32>
        %select_n3A_493 = arith.select %eq3A_480, %broadcast_in_dim3A_491, %broadcast_in_dim3A_492 : vector<16xi1>, vector<16xi32>
        %max3A_494 = arith.maxsi %max3A_471, %select_n3A_493 : vector<16xi32>
        %add3A_495 = arith.constant 7 : i32
        %add3A_496 = arith.addi %mul3A_336, %add3A_495 : i32
        %mul3A_497 = arith.constant 16 : i32
        %mul3A_498 = arith.muli %add3A_496, %mul3A_497 : i32
        %multiple_of3A_499 = tpu.assume_multiple %mul3A_498, 8 : i32
        %get3A_500 = arith.index_cast %multiple_of3A_499 : i32 to index
        %get3A_501 = tpu.vector_load %arg6[%get3A_500] {strides = array<i32>} : memref<768xf32, #tpu.memory_space<vmem>>, vector<16xf32>,
        %eq3A_502 = vector.broadcast %reduce_max3A_127 : f32 to vector<16xf32>
        %eq3A_503 = arith.cmpf oeq, %get3A_501, %eq3A_502 : vector<16xf32>
        %add3A_504 = arith.constant 7 : i32
        %add3A_505 = arith.addi %mul3A_336, %add3A_504 : i32
        %jit3A_506 = arith.constant 1073741824 : i32
        %broadcast_in_dim3A_507 = vector.broadcast %add3A_505 : i32 to vector<16xi32>
        %broadcast_in_dim3A_508 = vector.broadcast %jit3A_506 : i32 to vector<16xi32>
        %select_n3A_509 = arith.select %eq3A_503, %broadcast_in_dim3A_507, %broadcast_in_dim3A_508 : vector<16xi1>, vector<16xi32>
        %min3A_510 = arith.minsi %min3A_487, %select_n3A_509 : vector<16xi32>
        %add3A_511 = arith.constant 7 : i32
        %add3A_512 = arith.addi %mul3A_336, %add3A_511 : i32
        %jit3A_513 = arith.constant -1 : i32
        %broadcast_in_dim3A_514 = vector.broadcast %add3A_512 : i32 to vector<16xi32>
        %broadcast_in_dim3A_515 = vector.broadcast %jit3A_513 : i32 to vector<16xi32>
        %select_n3A_516 = arith.select %eq3A_503, %broadcast_in_dim3A_514, %broadcast_in_dim3A_515 : vector<16xi1>, vector<16xi32>
        %max3A_517 = arith.maxsi %max3A_494, %select_n3A_516 : vector<16xi32>
        scf.yield %min3A_510, %max3A_517 : vector<16xi32>, vector<16xi32>
      }
      %scan3A_135 = arith.constant 6 : i32
      %reduce_min3A = arith.constant true
      %reduce_min3A_136 = vector.broadcast %reduce_min3A : i1 to vector<16xi1>
      %reduce_min3A_137 = arith.constant -2147483648 : i32
      %reduce_min3A_138 = vector.broadcast %reduce_min3A_137 : i32 to vector<16xi32>
      %reduce_min3A_139 = arith.xori %scan3A_134#0, %reduce_min3A_138 : vector<16xi32>
      %reduce_min3A_140 = tpu.scan <min>, %reduce_min3A_139 masked %reduce_min3A_136 : vector<16xi32>, vector<16xi1> -> vector<16xi32>
      %reduce_min3A_141 = arith.xori %reduce_min3A_140, %reduce_min3A_138 : vector<16xi32>
      %reduce_min3A_142 = vector.extract %reduce_min3A_141[15] : i32 from vector<16xi32>
      %reduce_max3A_143 = arith.constant true
      %reduce_max3A_144 = vector.broadcast %reduce_max3A_143 : i1 to vector<16xi1>
      %reduce_max3A_145 = arith.constant -2147483648 : i32
      %reduce_max3A_146 = vector.broadcast %reduce_max3A_145 : i32 to vector<16xi32>
      %reduce_max3A_147 = arith.xori %scan3A_134#1, %reduce_max3A_146 : vector<16xi32>
      %reduce_max3A_148 = tpu.scan <max>, %reduce_max3A_147 masked %reduce_max3A_144 : vector<16xi32>, vector<16xi1> -> vector<16xi32>
      %reduce_max3A_149 = arith.xori %reduce_max3A_148, %reduce_max3A_146 : vector<16xi32>
      %reduce_max3A_150 = vector.extract %reduce_max3A_149[15] : i32 from vector<16xi32>
      %eq3A_151 = arith.cmpi eq, %reduce_max3A_150, %reduce_min3A_142 : i32
      %convert_element_type3A = arith.extui %eq3A_151 : i1 to i32
      %cond3A = arith.constant 0 : i32
      %cond3A_152 = arith.cmpi ne, %convert_element_type3A, %cond3A : i32
      %cond3A_153 = scf.if %cond3A_152 -> (i32) {
        %mul3A_332 = arith.constant 2 : i32
        %mul3A_333 = arith.muli %reduce_min3A_142, %mul3A_332 : i32
        %add3A_334 = arith.constant 0 : i32
        %add3A_335 = arith.addi %mul3A_333, %add3A_334 : i32
        %get3A = arith.index_cast %add3A_335 : i32 to index
        %get3A_336 = arith.constant 0 : index
        %get3A_337 = tpu.vector_load %arg4[%get3A, %get3A_336] {strides = array<i32>} : memref<96x224xf32, #tpu.memory_space<vmem>>, vector<16xf32>,
        %add3A_338 = arith.constant 0 : i32
        %add3A_339 = vector.broadcast %add3A_338 : i32 to vector<16xi32>
        %add3A_340 = arith.addi %add3A_339, %iota3A_115 : vector<16xi32>
        %mul3A_341 = arith.constant 96 : i32
        %mul3A_342 = vector.broadcast %mul3A_341 : i32 to vector<16xi32>
        %mul3A_343 = arith.muli %add3A_340, %mul3A_342 : vector<16xi32>
        %add3A_344 = vector.broadcast %add3A_335 : i32 to vector<16xi32>
        %add3A_345 = arith.addi %mul3A_343, %add3A_344 : vector<16xi32>
        %eq3A_346 = vector.broadcast %reduce_max3A_127 : f32 to vector<16xf32>
        %eq3A_347 = arith.cmpf oeq, %get3A_337, %eq3A_346 : vector<16xf32>
        %jit3A_348 = arith.constant 1073741824 : i32
        %broadcast_in_dim3A_349 = vector.broadcast %jit3A_348 : i32 to vector<16xi32>
        %select_n3A_350 = arith.select %eq3A_347, %add3A_345, %broadcast_in_dim3A_349 : vector<16xi1>, vector<16xi32>
        %min3A = arith.minsi %broadcast_in_dim3A_116, %select_n3A_350 : vector<16xi32>
        %get3A_351 = arith.index_cast %add3A_335 : i32 to index
        %get3A_352 = arith.constant 16 : index
        %get3A_353 = tpu.vector_load %arg4[%get3A_351, %get3A_352] {strides = array<i32>} : memref<96x224xf32, #tpu.memory_space<vmem>>, vector<16xf32>,
        %add3A_354 = arith.constant 16 : i32
        %add3A_355 = vector.broadcast %add3A_354 : i32 to vector<16xi32>
        %add3A_356 = arith.addi %add3A_355, %iota3A_115 : vector<16xi32>
        %mul3A_357 = arith.constant 96 : i32
        %mul3A_358 = vector.broadcast %mul3A_357 : i32 to vector<16xi32>
        %mul3A_359 = arith.muli %add3A_356, %mul3A_358 : vector<16xi32>
        %add3A_360 = vector.broadcast %add3A_335 : i32 to vector<16xi32>
        %add3A_361 = arith.addi %mul3A_359, %add3A_360 : vector<16xi32>
        %eq3A_362 = vector.broadcast %reduce_max3A_127 : f32 to vector<16xf32>
        %eq3A_363 = arith.cmpf oeq, %get3A_353, %eq3A_362 : vector<16xf32>
        %jit3A_364 = arith.constant 1073741824 : i32
        %broadcast_in_dim3A_365 = vector.broadcast %jit3A_364 : i32 to vector<16xi32>
        %select_n3A_366 = arith.select %eq3A_363, %add3A_361, %broadcast_in_dim3A_365 : vector<16xi1>, vector<16xi32>
        %min3A_367 = arith.minsi %broadcast_in_dim3A_116, %select_n3A_366 : vector<16xi32>
        %get3A_368 = arith.index_cast %add3A_335 : i32 to index
        %get3A_369 = arith.constant 32 : index
        %get3A_370 = tpu.vector_load %arg4[%get3A_368, %get3A_369] {strides = array<i32>} : memref<96x224xf32, #tpu.memory_space<vmem>>, vector<16xf32>,
        %add3A_371 = arith.constant 32 : i32
        %add3A_372 = vector.broadcast %add3A_371 : i32 to vector<16xi32>
        %add3A_373 = arith.addi %add3A_372, %iota3A_115 : vector<16xi32>
        %mul3A_374 = arith.constant 96 : i32
        %mul3A_375 = vector.broadcast %mul3A_374 : i32 to vector<16xi32>
        %mul3A_376 = arith.muli %add3A_373, %mul3A_375 : vector<16xi32>
        %add3A_377 = vector.broadcast %add3A_335 : i32 to vector<16xi32>
        %add3A_378 = arith.addi %mul3A_376, %add3A_377 : vector<16xi32>
        %eq3A_379 = vector.broadcast %reduce_max3A_127 : f32 to vector<16xf32>
        %eq3A_380 = arith.cmpf oeq, %get3A_370, %eq3A_379 : vector<16xf32>
        %jit3A_381 = arith.constant 1073741824 : i32
        %broadcast_in_dim3A_382 = vector.broadcast %jit3A_381 : i32 to vector<16xi32>
        %select_n3A_383 = arith.select %eq3A_380, %add3A_378, %broadcast_in_dim3A_382 : vector<16xi1>, vector<16xi32>
        %min3A_384 = arith.minsi %min3A, %select_n3A_383 : vector<16xi32>
        %get3A_385 = arith.index_cast %add3A_335 : i32 to index
        %get3A_386 = arith.constant 48 : index
        %get3A_387 = tpu.vector_load %arg4[%get3A_385, %get3A_386] {strides = array<i32>} : memref<96x224xf32, #tpu.memory_space<vmem>>, vector<16xf32>,
        %add3A_388 = arith.constant 48 : i32
        %add3A_389 = vector.broadcast %add3A_388 : i32 to vector<16xi32>
        %add3A_390 = arith.addi %add3A_389, %iota3A_115 : vector<16xi32>
        %mul3A_391 = arith.constant 96 : i32
        %mul3A_392 = vector.broadcast %mul3A_391 : i32 to vector<16xi32>
        %mul3A_393 = arith.muli %add3A_390, %mul3A_392 : vector<16xi32>
        %add3A_394 = vector.broadcast %add3A_335 : i32 to vector<16xi32>
        %add3A_395 = arith.addi %mul3A_393, %add3A_394 : vector<16xi32>
        %eq3A_396 = vector.broadcast %reduce_max3A_127 : f32 to vector<16xf32>
        %eq3A_397 = arith.cmpf oeq, %get3A_387, %eq3A_396 : vector<16xf32>
        %jit3A_398 = arith.constant 1073741824 : i32
        %broadcast_in_dim3A_399 = vector.broadcast %jit3A_398 : i32 to vector<16xi32>
        %select_n3A_400 = arith.select %eq3A_397, %add3A_395, %broadcast_in_dim3A_399 : vector<16xi1>, vector<16xi32>
        %min3A_401 = arith.minsi %min3A_367, %select_n3A_400 : vector<16xi32>
        %get3A_402 = arith.index_cast %add3A_335 : i32 to index
        %get3A_403 = arith.constant 64 : index
        %get3A_404 = tpu.vector_load %arg4[%get3A_402, %get3A_403] {strides = array<i32>} : memref<96x224xf32, #tpu.memory_space<vmem>>, vector<16xf32>,
        %add3A_405 = arith.constant 64 : i32
        %add3A_406 = vector.broadcast %add3A_405 : i32 to vector<16xi32>
        %add3A_407 = arith.addi %add3A_406, %iota3A_115 : vector<16xi32>
        %mul3A_408 = arith.constant 96 : i32
        %mul3A_409 = vector.broadcast %mul3A_408 : i32 to vector<16xi32>
        %mul3A_410 = arith.muli %add3A_407, %mul3A_409 : vector<16xi32>
        %add3A_411 = vector.broadcast %add3A_335 : i32 to vector<16xi32>
        %add3A_412 = arith.addi %mul3A_410, %add3A_411 : vector<16xi32>
        %eq3A_413 = vector.broadcast %reduce_max3A_127 : f32 to vector<16xf32>
        %eq3A_414 = arith.cmpf oeq, %get3A_404, %eq3A_413 : vector<16xf32>
        %jit3A_415 = arith.constant 1073741824 : i32
        %broadcast_in_dim3A_416 = vector.broadcast %jit3A_415 : i32 to vector<16xi32>
        %select_n3A_417 = arith.select %eq3A_414, %add3A_412, %broadcast_in_dim3A_416 : vector<16xi1>, vector<16xi32>
        %min3A_418 = arith.minsi %min3A_384, %select_n3A_417 : vector<16xi32>
        %get3A_419 = arith.index_cast %add3A_335 : i32 to index
        %get3A_420 = arith.constant 80 : index
        %get3A_421 = tpu.vector_load %arg4[%get3A_419, %get3A_420] {strides = array<i32>} : memref<96x224xf32, #tpu.memory_space<vmem>>, vector<16xf32>,
        %add3A_422 = arith.constant 80 : i32
        %add3A_423 = vector.broadcast %add3A_422 : i32 to vector<16xi32>
        %add3A_424 = arith.addi %add3A_423, %iota3A_115 : vector<16xi32>
        %mul3A_425 = arith.constant 96 : i32
        %mul3A_426 = vector.broadcast %mul3A_425 : i32 to vector<16xi32>
        %mul3A_427 = arith.muli %add3A_424, %mul3A_426 : vector<16xi32>
        %add3A_428 = vector.broadcast %add3A_335 : i32 to vector<16xi32>
        %add3A_429 = arith.addi %mul3A_427, %add3A_428 : vector<16xi32>
        %eq3A_430 = vector.broadcast %reduce_max3A_127 : f32 to vector<16xf32>
        %eq3A_431 = arith.cmpf oeq, %get3A_421, %eq3A_430 : vector<16xf32>
        %jit3A_432 = arith.constant 1073741824 : i32
        %broadcast_in_dim3A_433 = vector.broadcast %jit3A_432 : i32 to vector<16xi32>
        %select_n3A_434 = arith.select %eq3A_431, %add3A_429, %broadcast_in_dim3A_433 : vector<16xi1>, vector<16xi32>
        %min3A_435 = arith.minsi %min3A_401, %select_n3A_434 : vector<16xi32>
        %get3A_436 = arith.index_cast %add3A_335 : i32 to index
        %get3A_437 = arith.constant 96 : index
        %get3A_438 = tpu.vector_load %arg4[%get3A_436, %get3A_437] {strides = array<i32>} : memref<96x224xf32, #tpu.memory_space<vmem>>, vector<16xf32>,
        %add3A_439 = arith.constant 96 : i32
        %add3A_440 = vector.broadcast %add3A_439 : i32 to vector<16xi32>
        %add3A_441 = arith.addi %add3A_440, %iota3A_115 : vector<16xi32>
        %mul3A_442 = arith.constant 96 : i32
        %mul3A_443 = vector.broadcast %mul3A_442 : i32 to vector<16xi32>
        %mul3A_444 = arith.muli %add3A_441, %mul3A_443 : vector<16xi32>
        %add3A_445 = vector.broadcast %add3A_335 : i32 to vector<16xi32>
        %add3A_446 = arith.addi %mul3A_444, %add3A_445 : vector<16xi32>
        %eq3A_447 = vector.broadcast %reduce_max3A_127 : f32 to vector<16xf32>
        %eq3A_448 = arith.cmpf oeq, %get3A_438, %eq3A_447 : vector<16xf32>
        %jit3A_449 = arith.constant 1073741824 : i32
        %broadcast_in_dim3A_450 = vector.broadcast %jit3A_449 : i32 to vector<16xi32>
        %select_n3A_451 = arith.select %eq3A_448, %add3A_446, %broadcast_in_dim3A_450 : vector<16xi1>, vector<16xi32>
        %min3A_452 = arith.minsi %min3A_418, %select_n3A_451 : vector<16xi32>
        %get3A_453 = arith.index_cast %add3A_335 : i32 to index
        %get3A_454 = arith.constant 112 : index
        %get3A_455 = tpu.vector_load %arg4[%get3A_453, %get3A_454] {strides = array<i32>} : memref<96x224xf32, #tpu.memory_space<vmem>>, vector<16xf32>,
        %add3A_456 = arith.constant 112 : i32
        %add3A_457 = vector.broadcast %add3A_456 : i32 to vector<16xi32>
        %add3A_458 = arith.addi %add3A_457, %iota3A_115 : vector<16xi32>
        %mul3A_459 = arith.constant 96 : i32
        %mul3A_460 = vector.broadcast %mul3A_459 : i32 to vector<16xi32>
        %mul3A_461 = arith.muli %add3A_458, %mul3A_460 : vector<16xi32>
        %add3A_462 = vector.broadcast %add3A_335 : i32 to vector<16xi32>
        %add3A_463 = arith.addi %mul3A_461, %add3A_462 : vector<16xi32>
        %eq3A_464 = vector.broadcast %reduce_max3A_127 : f32 to vector<16xf32>
        %eq3A_465 = arith.cmpf oeq, %get3A_455, %eq3A_464 : vector<16xf32>
        %jit3A_466 = arith.constant 1073741824 : i32
        %broadcast_in_dim3A_467 = vector.broadcast %jit3A_466 : i32 to vector<16xi32>
        %select_n3A_468 = arith.select %eq3A_465, %add3A_463, %broadcast_in_dim3A_467 : vector<16xi1>, vector<16xi32>
        %min3A_469 = arith.minsi %min3A_435, %select_n3A_468 : vector<16xi32>
        %get3A_470 = arith.index_cast %add3A_335 : i32 to index
        %get3A_471 = arith.constant 128 : index
        %get3A_472 = tpu.vector_load %arg4[%get3A_470, %get3A_471] {strides = array<i32>} : memref<96x224xf32, #tpu.memory_space<vmem>>, vector<16xf32>,
        %add3A_473 = arith.constant 128 : i32
        %add3A_474 = vector.broadcast %add3A_473 : i32 to vector<16xi32>
        %add3A_475 = arith.addi %add3A_474, %iota3A_115 : vector<16xi32>
        %mul3A_476 = arith.constant 96 : i32
        %mul3A_477 = vector.broadcast %mul3A_476 : i32 to vector<16xi32>
        %mul3A_478 = arith.muli %add3A_475, %mul3A_477 : vector<16xi32>
        %add3A_479 = vector.broadcast %add3A_335 : i32 to vector<16xi32>
        %add3A_480 = arith.addi %mul3A_478, %add3A_479 : vector<16xi32>
        %eq3A_481 = vector.broadcast %reduce_max3A_127 : f32 to vector<16xf32>
        %eq3A_482 = arith.cmpf oeq, %get3A_472, %eq3A_481 : vector<16xf32>
        %jit3A_483 = arith.constant 1073741824 : i32
        %broadcast_in_dim3A_484 = vector.broadcast %jit3A_483 : i32 to vector<16xi32>
        %select_n3A_485 = arith.select %eq3A_482, %add3A_480, %broadcast_in_dim3A_484 : vector<16xi1>, vector<16xi32>
        %min3A_486 = arith.minsi %min3A_452, %select_n3A_485 : vector<16xi32>
        %get3A_487 = arith.index_cast %add3A_335 : i32 to index
        %get3A_488 = arith.constant 144 : index
        %get3A_489 = tpu.vector_load %arg4[%get3A_487, %get3A_488] {strides = array<i32>} : memref<96x224xf32, #tpu.memory_space<vmem>>, vector<16xf32>,
        %add3A_490 = arith.constant 144 : i32
        %add3A_491 = vector.broadcast %add3A_490 : i32 to vector<16xi32>
        %add3A_492 = arith.addi %add3A_491, %iota3A_115 : vector<16xi32>
        %mul3A_493 = arith.constant 96 : i32
        %mul3A_494 = vector.broadcast %mul3A_493 : i32 to vector<16xi32>
        %mul3A_495 = arith.muli %add3A_492, %mul3A_494 : vector<16xi32>
        %add3A_496 = vector.broadcast %add3A_335 : i32 to vector<16xi32>
        %add3A_497 = arith.addi %mul3A_495, %add3A_496 : vector<16xi32>
        %eq3A_498 = vector.broadcast %reduce_max3A_127 : f32 to vector<16xf32>
        %eq3A_499 = arith.cmpf oeq, %get3A_489, %eq3A_498 : vector<16xf32>
        %jit3A_500 = arith.constant 1073741824 : i32
        %broadcast_in_dim3A_501 = vector.broadcast %jit3A_500 : i32 to vector<16xi32>
        %select_n3A_502 = arith.select %eq3A_499, %add3A_497, %broadcast_in_dim3A_501 : vector<16xi1>, vector<16xi32>
        %min3A_503 = arith.minsi %min3A_469, %select_n3A_502 : vector<16xi32>
        %get3A_504 = arith.index_cast %add3A_335 : i32 to index
        %get3A_505 = arith.constant 160 : index
        %get3A_506 = tpu.vector_load %arg4[%get3A_504, %get3A_505] {strides = array<i32>} : memref<96x224xf32, #tpu.memory_space<vmem>>, vector<16xf32>,
        %add3A_507 = arith.constant 160 : i32
        %add3A_508 = vector.broadcast %add3A_507 : i32 to vector<16xi32>
        %add3A_509 = arith.addi %add3A_508, %iota3A_115 : vector<16xi32>
        %mul3A_510 = arith.constant 96 : i32
        %mul3A_511 = vector.broadcast %mul3A_510 : i32 to vector<16xi32>
        %mul3A_512 = arith.muli %add3A_509, %mul3A_511 : vector<16xi32>
        %add3A_513 = vector.broadcast %add3A_335 : i32 to vector<16xi32>
        %add3A_514 = arith.addi %mul3A_512, %add3A_513 : vector<16xi32>
        %eq3A_515 = vector.broadcast %reduce_max3A_127 : f32 to vector<16xf32>
        %eq3A_516 = arith.cmpf oeq, %get3A_506, %eq3A_515 : vector<16xf32>
        %jit3A_517 = arith.constant 1073741824 : i32
        %broadcast_in_dim3A_518 = vector.broadcast %jit3A_517 : i32 to vector<16xi32>
        %select_n3A_519 = arith.select %eq3A_516, %add3A_514, %broadcast_in_dim3A_518 : vector<16xi1>, vector<16xi32>
        %min3A_520 = arith.minsi %min3A_486, %select_n3A_519 : vector<16xi32>
        %get3A_521 = arith.index_cast %add3A_335 : i32 to index
        %get3A_522 = arith.constant 176 : index
        %get3A_523 = tpu.vector_load %arg4[%get3A_521, %get3A_522] {strides = array<i32>} : memref<96x224xf32, #tpu.memory_space<vmem>>, vector<16xf32>,
        %add3A_524 = arith.constant 176 : i32
        %add3A_525 = vector.broadcast %add3A_524 : i32 to vector<16xi32>
        %add3A_526 = arith.addi %add3A_525, %iota3A_115 : vector<16xi32>
        %mul3A_527 = arith.constant 96 : i32
        %mul3A_528 = vector.broadcast %mul3A_527 : i32 to vector<16xi32>
        %mul3A_529 = arith.muli %add3A_526, %mul3A_528 : vector<16xi32>
        %add3A_530 = vector.broadcast %add3A_335 : i32 to vector<16xi32>
        %add3A_531 = arith.addi %mul3A_529, %add3A_530 : vector<16xi32>
        %eq3A_532 = vector.broadcast %reduce_max3A_127 : f32 to vector<16xf32>
        %eq3A_533 = arith.cmpf oeq, %get3A_523, %eq3A_532 : vector<16xf32>
        %jit3A_534 = arith.constant 1073741824 : i32
        %broadcast_in_dim3A_535 = vector.broadcast %jit3A_534 : i32 to vector<16xi32>
        %select_n3A_536 = arith.select %eq3A_533, %add3A_531, %broadcast_in_dim3A_535 : vector<16xi1>, vector<16xi32>
        %min3A_537 = arith.minsi %min3A_503, %select_n3A_536 : vector<16xi32>
        %get3A_538 = arith.index_cast %add3A_335 : i32 to index
        %get3A_539 = arith.constant 192 : index
        %get3A_540 = tpu.vector_load %arg4[%get3A_538, %get3A_539] {strides = array<i32>} : memref<96x224xf32, #tpu.memory_space<vmem>>, vector<16xf32>,
        %add3A_541 = arith.constant 192 : i32
        %add3A_542 = vector.broadcast %add3A_541 : i32 to vector<16xi32>
        %add3A_543 = arith.addi %add3A_542, %iota3A_115 : vector<16xi32>
        %mul3A_544 = arith.constant 96 : i32
        %mul3A_545 = vector.broadcast %mul3A_544 : i32 to vector<16xi32>
        %mul3A_546 = arith.muli %add3A_543, %mul3A_545 : vector<16xi32>
        %add3A_547 = vector.broadcast %add3A_335 : i32 to vector<16xi32>
        %add3A_548 = arith.addi %mul3A_546, %add3A_547 : vector<16xi32>
        %eq3A_549 = vector.broadcast %reduce_max3A_127 : f32 to vector<16xf32>
        %eq3A_550 = arith.cmpf oeq, %get3A_540, %eq3A_549 : vector<16xf32>
        %jit3A_551 = arith.constant 1073741824 : i32
        %broadcast_in_dim3A_552 = vector.broadcast %jit3A_551 : i32 to vector<16xi32>
        %select_n3A_553 = arith.select %eq3A_550, %add3A_548, %broadcast_in_dim3A_552 : vector<16xi1>, vector<16xi32>
        %min3A_554 = arith.minsi %min3A_520, %select_n3A_553 : vector<16xi32>
        %get3A_555 = arith.index_cast %add3A_335 : i32 to index
        %get3A_556 = arith.constant 208 : index
        %get3A_557 = tpu.vector_load %arg4[%get3A_555, %get3A_556] {strides = array<i32>} : memref<96x224xf32, #tpu.memory_space<vmem>>, vector<16xf32>,
        %add3A_558 = arith.constant 208 : i32
        %add3A_559 = vector.broadcast %add3A_558 : i32 to vector<16xi32>
        %add3A_560 = arith.addi %add3A_559, %iota3A_115 : vector<16xi32>
        %mul3A_561 = arith.constant 96 : i32
        %mul3A_562 = vector.broadcast %mul3A_561 : i32 to vector<16xi32>
        %mul3A_563 = arith.muli %add3A_560, %mul3A_562 : vector<16xi32>
        %add3A_564 = vector.broadcast %add3A_335 : i32 to vector<16xi32>
        %add3A_565 = arith.addi %mul3A_563, %add3A_564 : vector<16xi32>
        %eq3A_566 = vector.broadcast %reduce_max3A_127 : f32 to vector<16xf32>
        %eq3A_567 = arith.cmpf oeq, %get3A_557, %eq3A_566 : vector<16xf32>
        %jit3A_568 = arith.constant 1073741824 : i32
        %broadcast_in_dim3A_569 = vector.broadcast %jit3A_568 : i32 to vector<16xi32>
        %select_n3A_570 = arith.select %eq3A_567, %add3A_565, %broadcast_in_dim3A_569 : vector<16xi1>, vector<16xi32>
        %min3A_571 = arith.minsi %min3A_537, %select_n3A_570 : vector<16xi32>
        %mul3A_572 = arith.constant 2 : i32
        %mul3A_573 = arith.muli %reduce_min3A_142, %mul3A_572 : i32
        %add3A_574 = arith.constant 1 : i32
        %add3A_575 = arith.addi %mul3A_573, %add3A_574 : i32
        %get3A_576 = arith.index_cast %add3A_575 : i32 to index
        %get3A_577 = arith.constant 0 : index
        %get3A_578 = tpu.vector_load %arg4[%get3A_576, %get3A_577] {strides = array<i32>} : memref<96x224xf32, #tpu.memory_space<vmem>>, vector<16xf32>,
        %add3A_579 = arith.constant 0 : i32
        %add3A_580 = vector.broadcast %add3A_579 : i32 to vector<16xi32>
        %add3A_581 = arith.addi %add3A_580, %iota3A_115 : vector<16xi32>
        %mul3A_582 = arith.constant 96 : i32
        %mul3A_583 = vector.broadcast %mul3A_582 : i32 to vector<16xi32>
        %mul3A_584 = arith.muli %add3A_581, %mul3A_583 : vector<16xi32>
        %add3A_585 = vector.broadcast %add3A_575 : i32 to vector<16xi32>
        %add3A_586 = arith.addi %mul3A_584, %add3A_585 : vector<16xi32>
        %eq3A_587 = vector.broadcast %reduce_max3A_127 : f32 to vector<16xf32>
        %eq3A_588 = arith.cmpf oeq, %get3A_578, %eq3A_587 : vector<16xf32>
        %jit3A_589 = arith.constant 1073741824 : i32
        %broadcast_in_dim3A_590 = vector.broadcast %jit3A_589 : i32 to vector<16xi32>
        %select_n3A_591 = arith.select %eq3A_588, %add3A_586, %broadcast_in_dim3A_590 : vector<16xi1>, vector<16xi32>
        %min3A_592 = arith.minsi %min3A_554, %select_n3A_591 : vector<16xi32>
        %get3A_593 = arith.index_cast %add3A_575 : i32 to index
        %get3A_594 = arith.constant 16 : index
        %get3A_595 = tpu.vector_load %arg4[%get3A_593, %get3A_594] {strides = array<i32>} : memref<96x224xf32, #tpu.memory_space<vmem>>, vector<16xf32>,
        %add3A_596 = arith.constant 16 : i32
        %add3A_597 = vector.broadcast %add3A_596 : i32 to vector<16xi32>
        %add3A_598 = arith.addi %add3A_597, %iota3A_115 : vector<16xi32>
        %mul3A_599 = arith.constant 96 : i32
        %mul3A_600 = vector.broadcast %mul3A_599 : i32 to vector<16xi32>
        %mul3A_601 = arith.muli %add3A_598, %mul3A_600 : vector<16xi32>
        %add3A_602 = vector.broadcast %add3A_575 : i32 to vector<16xi32>
        %add3A_603 = arith.addi %mul3A_601, %add3A_602 : vector<16xi32>
        %eq3A_604 = vector.broadcast %reduce_max3A_127 : f32 to vector<16xf32>
        %eq3A_605 = arith.cmpf oeq, %get3A_595, %eq3A_604 : vector<16xf32>
        %jit3A_606 = arith.constant 1073741824 : i32
        %broadcast_in_dim3A_607 = vector.broadcast %jit3A_606 : i32 to vector<16xi32>
        %select_n3A_608 = arith.select %eq3A_605, %add3A_603, %broadcast_in_dim3A_607 : vector<16xi1>, vector<16xi32>
        %min3A_609 = arith.minsi %min3A_571, %select_n3A_608 : vector<16xi32>
        %get3A_610 = arith.index_cast %add3A_575 : i32 to index
        %get3A_611 = arith.constant 32 : index
        %get3A_612 = tpu.vector_load %arg4[%get3A_610, %get3A_611] {strides = array<i32>} : memref<96x224xf32, #tpu.memory_space<vmem>>, vector<16xf32>,
        %add3A_613 = arith.constant 32 : i32
        %add3A_614 = vector.broadcast %add3A_613 : i32 to vector<16xi32>
        %add3A_615 = arith.addi %add3A_614, %iota3A_115 : vector<16xi32>
        %mul3A_616 = arith.constant 96 : i32
        %mul3A_617 = vector.broadcast %mul3A_616 : i32 to vector<16xi32>
        %mul3A_618 = arith.muli %add3A_615, %mul3A_617 : vector<16xi32>
        %add3A_619 = vector.broadcast %add3A_575 : i32 to vector<16xi32>
        %add3A_620 = arith.addi %mul3A_618, %add3A_619 : vector<16xi32>
        %eq3A_621 = vector.broadcast %reduce_max3A_127 : f32 to vector<16xf32>
        %eq3A_622 = arith.cmpf oeq, %get3A_612, %eq3A_621 : vector<16xf32>
        %jit3A_623 = arith.constant 1073741824 : i32
        %broadcast_in_dim3A_624 = vector.broadcast %jit3A_623 : i32 to vector<16xi32>
        %select_n3A_625 = arith.select %eq3A_622, %add3A_620, %broadcast_in_dim3A_624 : vector<16xi1>, vector<16xi32>
        %min3A_626 = arith.minsi %min3A_592, %select_n3A_625 : vector<16xi32>
        %get3A_627 = arith.index_cast %add3A_575 : i32 to index
        %get3A_628 = arith.constant 48 : index
        %get3A_629 = tpu.vector_load %arg4[%get3A_627, %get3A_628] {strides = array<i32>} : memref<96x224xf32, #tpu.memory_space<vmem>>, vector<16xf32>,
        %add3A_630 = arith.constant 48 : i32
        %add3A_631 = vector.broadcast %add3A_630 : i32 to vector<16xi32>
        %add3A_632 = arith.addi %add3A_631, %iota3A_115 : vector<16xi32>
        %mul3A_633 = arith.constant 96 : i32
        %mul3A_634 = vector.broadcast %mul3A_633 : i32 to vector<16xi32>
        %mul3A_635 = arith.muli %add3A_632, %mul3A_634 : vector<16xi32>
        %add3A_636 = vector.broadcast %add3A_575 : i32 to vector<16xi32>
        %add3A_637 = arith.addi %mul3A_635, %add3A_636 : vector<16xi32>
        %eq3A_638 = vector.broadcast %reduce_max3A_127 : f32 to vector<16xf32>
        %eq3A_639 = arith.cmpf oeq, %get3A_629, %eq3A_638 : vector<16xf32>
        %jit3A_640 = arith.constant 1073741824 : i32
        %broadcast_in_dim3A_641 = vector.broadcast %jit3A_640 : i32 to vector<16xi32>
        %select_n3A_642 = arith.select %eq3A_639, %add3A_637, %broadcast_in_dim3A_641 : vector<16xi1>, vector<16xi32>
        %min3A_643 = arith.minsi %min3A_609, %select_n3A_642 : vector<16xi32>
        %get3A_644 = arith.index_cast %add3A_575 : i32 to index
        %get3A_645 = arith.constant 64 : index
        %get3A_646 = tpu.vector_load %arg4[%get3A_644, %get3A_645] {strides = array<i32>} : memref<96x224xf32, #tpu.memory_space<vmem>>, vector<16xf32>,
        %add3A_647 = arith.constant 64 : i32
        %add3A_648 = vector.broadcast %add3A_647 : i32 to vector<16xi32>
        %add3A_649 = arith.addi %add3A_648, %iota3A_115 : vector<16xi32>
        %mul3A_650 = arith.constant 96 : i32
        %mul3A_651 = vector.broadcast %mul3A_650 : i32 to vector<16xi32>
        %mul3A_652 = arith.muli %add3A_649, %mul3A_651 : vector<16xi32>
        %add3A_653 = vector.broadcast %add3A_575 : i32 to vector<16xi32>
        %add3A_654 = arith.addi %mul3A_652, %add3A_653 : vector<16xi32>
        %eq3A_655 = vector.broadcast %reduce_max3A_127 : f32 to vector<16xf32>
        %eq3A_656 = arith.cmpf oeq, %get3A_646, %eq3A_655 : vector<16xf32>
        %jit3A_657 = arith.constant 1073741824 : i32
        %broadcast_in_dim3A_658 = vector.broadcast %jit3A_657 : i32 to vector<16xi32>
        %select_n3A_659 = arith.select %eq3A_656, %add3A_654, %broadcast_in_dim3A_658 : vector<16xi1>, vector<16xi32>
        %min3A_660 = arith.minsi %min3A_626, %select_n3A_659 : vector<16xi32>
        %get3A_661 = arith.index_cast %add3A_575 : i32 to index
        %get3A_662 = arith.constant 80 : index
        %get3A_663 = tpu.vector_load %arg4[%get3A_661, %get3A_662] {strides = array<i32>} : memref<96x224xf32, #tpu.memory_space<vmem>>, vector<16xf32>,
        %add3A_664 = arith.constant 80 : i32
        %add3A_665 = vector.broadcast %add3A_664 : i32 to vector<16xi32>
        %add3A_666 = arith.addi %add3A_665, %iota3A_115 : vector<16xi32>
        %mul3A_667 = arith.constant 96 : i32
        %mul3A_668 = vector.broadcast %mul3A_667 : i32 to vector<16xi32>
        %mul3A_669 = arith.muli %add3A_666, %mul3A_668 : vector<16xi32>
        %add3A_670 = vector.broadcast %add3A_575 : i32 to vector<16xi32>
        %add3A_671 = arith.addi %mul3A_669, %add3A_670 : vector<16xi32>
        %eq3A_672 = vector.broadcast %reduce_max3A_127 : f32 to vector<16xf32>
        %eq3A_673 = arith.cmpf oeq, %get3A_663, %eq3A_672 : vector<16xf32>
        %jit3A_674 = arith.constant 1073741824 : i32
        %broadcast_in_dim3A_675 = vector.broadcast %jit3A_674 : i32 to vector<16xi32>
        %select_n3A_676 = arith.select %eq3A_673, %add3A_671, %broadcast_in_dim3A_675 : vector<16xi1>, vector<16xi32>
        %min3A_677 = arith.minsi %min3A_643, %select_n3A_676 : vector<16xi32>
        %get3A_678 = arith.index_cast %add3A_575 : i32 to index
        %get3A_679 = arith.constant 96 : index
        %get3A_680 = tpu.vector_load %arg4[%get3A_678, %get3A_679] {strides = array<i32>} : memref<96x224xf32, #tpu.memory_space<vmem>>, vector<16xf32>,
        %add3A_681 = arith.constant 96 : i32
        %add3A_682 = vector.broadcast %add3A_681 : i32 to vector<16xi32>
        %add3A_683 = arith.addi %add3A_682, %iota3A_115 : vector<16xi32>
        %mul3A_684 = arith.constant 96 : i32
        %mul3A_685 = vector.broadcast %mul3A_684 : i32 to vector<16xi32>
        %mul3A_686 = arith.muli %add3A_683, %mul3A_685 : vector<16xi32>
        %add3A_687 = vector.broadcast %add3A_575 : i32 to vector<16xi32>
        %add3A_688 = arith.addi %mul3A_686, %add3A_687 : vector<16xi32>
        %eq3A_689 = vector.broadcast %reduce_max3A_127 : f32 to vector<16xf32>
        %eq3A_690 = arith.cmpf oeq, %get3A_680, %eq3A_689 : vector<16xf32>
        %jit3A_691 = arith.constant 1073741824 : i32
        %broadcast_in_dim3A_692 = vector.broadcast %jit3A_691 : i32 to vector<16xi32>
        %select_n3A_693 = arith.select %eq3A_690, %add3A_688, %broadcast_in_dim3A_692 : vector<16xi1>, vector<16xi32>
        %min3A_694 = arith.minsi %min3A_660, %select_n3A_693 : vector<16xi32>
        %get3A_695 = arith.index_cast %add3A_575 : i32 to index
        %get3A_696 = arith.constant 112 : index
        %get3A_697 = tpu.vector_load %arg4[%get3A_695, %get3A_696] {strides = array<i32>} : memref<96x224xf32, #tpu.memory_space<vmem>>, vector<16xf32>,
        %add3A_698 = arith.constant 112 : i32
        %add3A_699 = vector.broadcast %add3A_698 : i32 to vector<16xi32>
        %add3A_700 = arith.addi %add3A_699, %iota3A_115 : vector<16xi32>
        %mul3A_701 = arith.constant 96 : i32
        %mul3A_702 = vector.broadcast %mul3A_701 : i32 to vector<16xi32>
        %mul3A_703 = arith.muli %add3A_700, %mul3A_702 : vector<16xi32>
        %add3A_704 = vector.broadcast %add3A_575 : i32 to vector<16xi32>
        %add3A_705 = arith.addi %mul3A_703, %add3A_704 : vector<16xi32>
        %eq3A_706 = vector.broadcast %reduce_max3A_127 : f32 to vector<16xf32>
        %eq3A_707 = arith.cmpf oeq, %get3A_697, %eq3A_706 : vector<16xf32>
        %jit3A_708 = arith.constant 1073741824 : i32
        %broadcast_in_dim3A_709 = vector.broadcast %jit3A_708 : i32 to vector<16xi32>
        %select_n3A_710 = arith.select %eq3A_707, %add3A_705, %broadcast_in_dim3A_709 : vector<16xi1>, vector<16xi32>
        %min3A_711 = arith.minsi %min3A_677, %select_n3A_710 : vector<16xi32>
        %get3A_712 = arith.index_cast %add3A_575 : i32 to index
        %get3A_713 = arith.constant 128 : index
        %get3A_714 = tpu.vector_load %arg4[%get3A_712, %get3A_713] {strides = array<i32>} : memref<96x224xf32, #tpu.memory_space<vmem>>, vector<16xf32>,
        %add3A_715 = arith.constant 128 : i32
        %add3A_716 = vector.broadcast %add3A_715 : i32 to vector<16xi32>
        %add3A_717 = arith.addi %add3A_716, %iota3A_115 : vector<16xi32>
        %mul3A_718 = arith.constant 96 : i32
        %mul3A_719 = vector.broadcast %mul3A_718 : i32 to vector<16xi32>
        %mul3A_720 = arith.muli %add3A_717, %mul3A_719 : vector<16xi32>
        %add3A_721 = vector.broadcast %add3A_575 : i32 to vector<16xi32>
        %add3A_722 = arith.addi %mul3A_720, %add3A_721 : vector<16xi32>
        %eq3A_723 = vector.broadcast %reduce_max3A_127 : f32 to vector<16xf32>
        %eq3A_724 = arith.cmpf oeq, %get3A_714, %eq3A_723 : vector<16xf32>
        %jit3A_725 = arith.constant 1073741824 : i32
        %broadcast_in_dim3A_726 = vector.broadcast %jit3A_725 : i32 to vector<16xi32>
        %select_n3A_727 = arith.select %eq3A_724, %add3A_722, %broadcast_in_dim3A_726 : vector<16xi1>, vector<16xi32>
        %min3A_728 = arith.minsi %min3A_694, %select_n3A_727 : vector<16xi32>
        %get3A_729 = arith.index_cast %add3A_575 : i32 to index
        %get3A_730 = arith.constant 144 : index
        %get3A_731 = tpu.vector_load %arg4[%get3A_729, %get3A_730] {strides = array<i32>} : memref<96x224xf32, #tpu.memory_space<vmem>>, vector<16xf32>,
        %add3A_732 = arith.constant 144 : i32
        %add3A_733 = vector.broadcast %add3A_732 : i32 to vector<16xi32>
        %add3A_734 = arith.addi %add3A_733, %iota3A_115 : vector<16xi32>
        %mul3A_735 = arith.constant 96 : i32
        %mul3A_736 = vector.broadcast %mul3A_735 : i32 to vector<16xi32>
        %mul3A_737 = arith.muli %add3A_734, %mul3A_736 : vector<16xi32>
        %add3A_738 = vector.broadcast %add3A_575 : i32 to vector<16xi32>
        %add3A_739 = arith.addi %mul3A_737, %add3A_738 : vector<16xi32>
        %eq3A_740 = vector.broadcast %reduce_max3A_127 : f32 to vector<16xf32>
        %eq3A_741 = arith.cmpf oeq, %get3A_731, %eq3A_740 : vector<16xf32>
        %jit3A_742 = arith.constant 1073741824 : i32
        %broadcast_in_dim3A_743 = vector.broadcast %jit3A_742 : i32 to vector<16xi32>
        %select_n3A_744 = arith.select %eq3A_741, %add3A_739, %broadcast_in_dim3A_743 : vector<16xi1>, vector<16xi32>
        %min3A_745 = arith.minsi %min3A_711, %select_n3A_744 : vector<16xi32>
        %get3A_746 = arith.index_cast %add3A_575 : i32 to index
        %get3A_747 = arith.constant 160 : index
        %get3A_748 = tpu.vector_load %arg4[%get3A_746, %get3A_747] {strides = array<i32>} : memref<96x224xf32, #tpu.memory_space<vmem>>, vector<16xf32>,
        %add3A_749 = arith.constant 160 : i32
        %add3A_750 = vector.broadcast %add3A_749 : i32 to vector<16xi32>
        %add3A_751 = arith.addi %add3A_750, %iota3A_115 : vector<16xi32>
        %mul3A_752 = arith.constant 96 : i32
        %mul3A_753 = vector.broadcast %mul3A_752 : i32 to vector<16xi32>
        %mul3A_754 = arith.muli %add3A_751, %mul3A_753 : vector<16xi32>
        %add3A_755 = vector.broadcast %add3A_575 : i32 to vector<16xi32>
        %add3A_756 = arith.addi %mul3A_754, %add3A_755 : vector<16xi32>
        %eq3A_757 = vector.broadcast %reduce_max3A_127 : f32 to vector<16xf32>
        %eq3A_758 = arith.cmpf oeq, %get3A_748, %eq3A_757 : vector<16xf32>
        %jit3A_759 = arith.constant 1073741824 : i32
        %broadcast_in_dim3A_760 = vector.broadcast %jit3A_759 : i32 to vector<16xi32>
        %select_n3A_761 = arith.select %eq3A_758, %add3A_756, %broadcast_in_dim3A_760 : vector<16xi1>, vector<16xi32>
        %min3A_762 = arith.minsi %min3A_728, %select_n3A_761 : vector<16xi32>
        %get3A_763 = arith.index_cast %add3A_575 : i32 to index
        %get3A_764 = arith.constant 176 : index
        %get3A_765 = tpu.vector_load %arg4[%get3A_763, %get3A_764] {strides = array<i32>} : memref<96x224xf32, #tpu.memory_space<vmem>>, vector<16xf32>,
        %add3A_766 = arith.constant 176 : i32
        %add3A_767 = vector.broadcast %add3A_766 : i32 to vector<16xi32>
        %add3A_768 = arith.addi %add3A_767, %iota3A_115 : vector<16xi32>
        %mul3A_769 = arith.constant 96 : i32
        %mul3A_770 = vector.broadcast %mul3A_769 : i32 to vector<16xi32>
        %mul3A_771 = arith.muli %add3A_768, %mul3A_770 : vector<16xi32>
        %add3A_772 = vector.broadcast %add3A_575 : i32 to vector<16xi32>
        %add3A_773 = arith.addi %mul3A_771, %add3A_772 : vector<16xi32>
        %eq3A_774 = vector.broadcast %reduce_max3A_127 : f32 to vector<16xf32>
        %eq3A_775 = arith.cmpf oeq, %get3A_765, %eq3A_774 : vector<16xf32>
        %jit3A_776 = arith.constant 1073741824 : i32
        %broadcast_in_dim3A_777 = vector.broadcast %jit3A_776 : i32 to vector<16xi32>
        %select_n3A_778 = arith.select %eq3A_775, %add3A_773, %broadcast_in_dim3A_777 : vector<16xi1>, vector<16xi32>
        %min3A_779 = arith.minsi %min3A_745, %select_n3A_778 : vector<16xi32>
        %get3A_780 = arith.index_cast %add3A_575 : i32 to index
        %get3A_781 = arith.constant 192 : index
        %get3A_782 = tpu.vector_load %arg4[%get3A_780, %get3A_781] {strides = array<i32>} : memref<96x224xf32, #tpu.memory_space<vmem>>, vector<16xf32>,
        %add3A_783 = arith.constant 192 : i32
        %add3A_784 = vector.broadcast %add3A_783 : i32 to vector<16xi32>
        %add3A_785 = arith.addi %add3A_784, %iota3A_115 : vector<16xi32>
        %mul3A_786 = arith.constant 96 : i32
        %mul3A_787 = vector.broadcast %mul3A_786 : i32 to vector<16xi32>
        %mul3A_788 = arith.muli %add3A_785, %mul3A_787 : vector<16xi32>
        %add3A_789 = vector.broadcast %add3A_575 : i32 to vector<16xi32>
        %add3A_790 = arith.addi %mul3A_788, %add3A_789 : vector<16xi32>
        %eq3A_791 = vector.broadcast %reduce_max3A_127 : f32 to vector<16xf32>
        %eq3A_792 = arith.cmpf oeq, %get3A_782, %eq3A_791 : vector<16xf32>
        %jit3A_793 = arith.constant 1073741824 : i32
        %broadcast_in_dim3A_794 = vector.broadcast %jit3A_793 : i32 to vector<16xi32>
        %select_n3A_795 = arith.select %eq3A_792, %add3A_790, %broadcast_in_dim3A_794 : vector<16xi1>, vector<16xi32>
        %min3A_796 = arith.minsi %min3A_762, %select_n3A_795 : vector<16xi32>
        %get3A_797 = arith.index_cast %add3A_575 : i32 to index
        %get3A_798 = arith.constant 208 : index
        %get3A_799 = tpu.vector_load %arg4[%get3A_797, %get3A_798] {strides = array<i32>} : memref<96x224xf32, #tpu.memory_space<vmem>>, vector<16xf32>,
        %add3A_800 = arith.constant 208 : i32
        %add3A_801 = vector.broadcast %add3A_800 : i32 to vector<16xi32>
        %add3A_802 = arith.addi %add3A_801, %iota3A_115 : vector<16xi32>
        %mul3A_803 = arith.constant 96 : i32
        %mul3A_804 = vector.broadcast %mul3A_803 : i32 to vector<16xi32>
        %mul3A_805 = arith.muli %add3A_802, %mul3A_804 : vector<16xi32>
        %add3A_806 = vector.broadcast %add3A_575 : i32 to vector<16xi32>
        %add3A_807 = arith.addi %mul3A_805, %add3A_806 : vector<16xi32>
        %eq3A_808 = vector.broadcast %reduce_max3A_127 : f32 to vector<16xf32>
        %eq3A_809 = arith.cmpf oeq, %get3A_799, %eq3A_808 : vector<16xf32>
        %jit3A_810 = arith.constant 1073741824 : i32
        %broadcast_in_dim3A_811 = vector.broadcast %jit3A_810 : i32 to vector<16xi32>
        %select_n3A_812 = arith.select %eq3A_809, %add3A_807, %broadcast_in_dim3A_811 : vector<16xi1>, vector<16xi32>
        %min3A_813 = arith.minsi %min3A_779, %select_n3A_812 : vector<16xi32>
        %min3A_814 = arith.minsi %min3A_796, %min3A_813 : vector<16xi32>
        %reduce_min3A_815 = arith.constant true
        %reduce_min3A_816 = vector.broadcast %reduce_min3A_815 : i1 to vector<16xi1>
        %reduce_min3A_817 = arith.constant -2147483648 : i32
        %reduce_min3A_818 = vector.broadcast %reduce_min3A_817 : i32 to vector<16xi32>
        %reduce_min3A_819 = arith.xori %min3A_814, %reduce_min3A_818 : vector<16xi32>
        %reduce_min3A_820 = tpu.scan <min>, %reduce_min3A_819 masked %reduce_min3A_816 : vector<16xi32>, vector<16xi1> -> vector<16xi32>
        %reduce_min3A_821 = arith.xori %reduce_min3A_820, %reduce_min3A_818 : vector<16xi32>
        %reduce_min3A_822 = vector.extract %reduce_min3A_821[15] : i32 from vector<16xi32>
        scf.yield %reduce_min3A_822 : i32
      } else {
        %scan3A_332 = arith.constant 0 : i32
        %scan3A_333 = arith.constant 48 : i32
        %scan3A_334 = arith.addi %scan3A_332, %scan3A_333 : i32
        %scan3A_335 = arith.constant 1 : i32
        %scan3A_336:2 = scf.for %scan3A_346 = %scan3A_332 to %scan3A_334 step %scan3A_335 iter_args(%scan3A_347 = %broadcast_in_dim3A_116, %scan3A_348 = %broadcast_in_dim3A_116) -> (vector<16xi32>, vector<16xi32>)  : i32 {
          %mul3A_349 = arith.constant 2 : i32
          %mul3A_350 = arith.muli %scan3A_346, %mul3A_349 : i32
          %add3A_351 = arith.constant 0 : i32
          %add3A_352 = arith.addi %mul3A_350, %add3A_351 : i32
          %get3A = arith.index_cast %add3A_352 : i32 to index
          %get3A_353 = arith.constant 0 : index
          %get3A_354 = tpu.vector_load %arg4[%get3A, %get3A_353] {strides = array<i32>} : memref<96x224xf32, #tpu.memory_space<vmem>>, vector<16xf32>,
          %add3A_355 = arith.constant 0 : i32
          %add3A_356 = vector.broadcast %add3A_355 : i32 to vector<16xi32>
          %add3A_357 = arith.addi %add3A_356, %iota3A_115 : vector<16xi32>
          %mul3A_358 = arith.constant 96 : i32
          %mul3A_359 = vector.broadcast %mul3A_358 : i32 to vector<16xi32>
          %mul3A_360 = arith.muli %add3A_357, %mul3A_359 : vector<16xi32>
          %add3A_361 = vector.broadcast %add3A_352 : i32 to vector<16xi32>
          %add3A_362 = arith.addi %mul3A_360, %add3A_361 : vector<16xi32>
          %eq3A_363 = vector.broadcast %reduce_max3A_127 : f32 to vector<16xf32>
          %eq3A_364 = arith.cmpf oeq, %get3A_354, %eq3A_363 : vector<16xf32>
          %jit3A_365 = arith.constant 1073741824 : i32
          %broadcast_in_dim3A_366 = vector.broadcast %jit3A_365 : i32 to vector<16xi32>
          %select_n3A_367 = arith.select %eq3A_364, %add3A_362, %broadcast_in_dim3A_366 : vector<16xi1>, vector<16xi32>
          %min3A_368 = arith.minsi %scan3A_347, %select_n3A_367 : vector<16xi32>
          %get3A_369 = arith.index_cast %add3A_352 : i32 to index
          %get3A_370 = arith.constant 16 : index
          %get3A_371 = tpu.vector_load %arg4[%get3A_369, %get3A_370] {strides = array<i32>} : memref<96x224xf32, #tpu.memory_space<vmem>>, vector<16xf32>,
          %add3A_372 = arith.constant 16 : i32
          %add3A_373 = vector.broadcast %add3A_372 : i32 to vector<16xi32>
          %add3A_374 = arith.addi %add3A_373, %iota3A_115 : vector<16xi32>
          %mul3A_375 = arith.constant 96 : i32
          %mul3A_376 = vector.broadcast %mul3A_375 : i32 to vector<16xi32>
          %mul3A_377 = arith.muli %add3A_374, %mul3A_376 : vector<16xi32>
          %add3A_378 = vector.broadcast %add3A_352 : i32 to vector<16xi32>
          %add3A_379 = arith.addi %mul3A_377, %add3A_378 : vector<16xi32>
          %eq3A_380 = vector.broadcast %reduce_max3A_127 : f32 to vector<16xf32>
          %eq3A_381 = arith.cmpf oeq, %get3A_371, %eq3A_380 : vector<16xf32>
          %jit3A_382 = arith.constant 1073741824 : i32
          %broadcast_in_dim3A_383 = vector.broadcast %jit3A_382 : i32 to vector<16xi32>
          %select_n3A_384 = arith.select %eq3A_381, %add3A_379, %broadcast_in_dim3A_383 : vector<16xi1>, vector<16xi32>
          %min3A_385 = arith.minsi %scan3A_348, %select_n3A_384 : vector<16xi32>
          %get3A_386 = arith.index_cast %add3A_352 : i32 to index
          %get3A_387 = arith.constant 32 : index
          %get3A_388 = tpu.vector_load %arg4[%get3A_386, %get3A_387] {strides = array<i32>} : memref<96x224xf32, #tpu.memory_space<vmem>>, vector<16xf32>,
          %add3A_389 = arith.constant 32 : i32
          %add3A_390 = vector.broadcast %add3A_389 : i32 to vector<16xi32>
          %add3A_391 = arith.addi %add3A_390, %iota3A_115 : vector<16xi32>
          %mul3A_392 = arith.constant 96 : i32
          %mul3A_393 = vector.broadcast %mul3A_392 : i32 to vector<16xi32>
          %mul3A_394 = arith.muli %add3A_391, %mul3A_393 : vector<16xi32>
          %add3A_395 = vector.broadcast %add3A_352 : i32 to vector<16xi32>
          %add3A_396 = arith.addi %mul3A_394, %add3A_395 : vector<16xi32>
          %eq3A_397 = vector.broadcast %reduce_max3A_127 : f32 to vector<16xf32>
          %eq3A_398 = arith.cmpf oeq, %get3A_388, %eq3A_397 : vector<16xf32>
          %jit3A_399 = arith.constant 1073741824 : i32
          %broadcast_in_dim3A_400 = vector.broadcast %jit3A_399 : i32 to vector<16xi32>
          %select_n3A_401 = arith.select %eq3A_398, %add3A_396, %broadcast_in_dim3A_400 : vector<16xi1>, vector<16xi32>
          %min3A_402 = arith.minsi %min3A_368, %select_n3A_401 : vector<16xi32>
          %get3A_403 = arith.index_cast %add3A_352 : i32 to index
          %get3A_404 = arith.constant 48 : index
          %get3A_405 = tpu.vector_load %arg4[%get3A_403, %get3A_404] {strides = array<i32>} : memref<96x224xf32, #tpu.memory_space<vmem>>, vector<16xf32>,
          %add3A_406 = arith.constant 48 : i32
          %add3A_407 = vector.broadcast %add3A_406 : i32 to vector<16xi32>
          %add3A_408 = arith.addi %add3A_407, %iota3A_115 : vector<16xi32>
          %mul3A_409 = arith.constant 96 : i32
          %mul3A_410 = vector.broadcast %mul3A_409 : i32 to vector<16xi32>
          %mul3A_411 = arith.muli %add3A_408, %mul3A_410 : vector<16xi32>
          %add3A_412 = vector.broadcast %add3A_352 : i32 to vector<16xi32>
          %add3A_413 = arith.addi %mul3A_411, %add3A_412 : vector<16xi32>
          %eq3A_414 = vector.broadcast %reduce_max3A_127 : f32 to vector<16xf32>
          %eq3A_415 = arith.cmpf oeq, %get3A_405, %eq3A_414 : vector<16xf32>
          %jit3A_416 = arith.constant 1073741824 : i32
          %broadcast_in_dim3A_417 = vector.broadcast %jit3A_416 : i32 to vector<16xi32>
          %select_n3A_418 = arith.select %eq3A_415, %add3A_413, %broadcast_in_dim3A_417 : vector<16xi1>, vector<16xi32>
          %min3A_419 = arith.minsi %min3A_385, %select_n3A_418 : vector<16xi32>
          %get3A_420 = arith.index_cast %add3A_352 : i32 to index
          %get3A_421 = arith.constant 64 : index
          %get3A_422 = tpu.vector_load %arg4[%get3A_420, %get3A_421] {strides = array<i32>} : memref<96x224xf32, #tpu.memory_space<vmem>>, vector<16xf32>,
          %add3A_423 = arith.constant 64 : i32
          %add3A_424 = vector.broadcast %add3A_423 : i32 to vector<16xi32>
          %add3A_425 = arith.addi %add3A_424, %iota3A_115 : vector<16xi32>
          %mul3A_426 = arith.constant 96 : i32
          %mul3A_427 = vector.broadcast %mul3A_426 : i32 to vector<16xi32>
          %mul3A_428 = arith.muli %add3A_425, %mul3A_427 : vector<16xi32>
          %add3A_429 = vector.broadcast %add3A_352 : i32 to vector<16xi32>
          %add3A_430 = arith.addi %mul3A_428, %add3A_429 : vector<16xi32>
          %eq3A_431 = vector.broadcast %reduce_max3A_127 : f32 to vector<16xf32>
          %eq3A_432 = arith.cmpf oeq, %get3A_422, %eq3A_431 : vector<16xf32>
          %jit3A_433 = arith.constant 1073741824 : i32
          %broadcast_in_dim3A_434 = vector.broadcast %jit3A_433 : i32 to vector<16xi32>
          %select_n3A_435 = arith.select %eq3A_432, %add3A_430, %broadcast_in_dim3A_434 : vector<16xi1>, vector<16xi32>
          %min3A_436 = arith.minsi %min3A_402, %select_n3A_435 : vector<16xi32>
          %get3A_437 = arith.index_cast %add3A_352 : i32 to index
          %get3A_438 = arith.constant 80 : index
          %get3A_439 = tpu.vector_load %arg4[%get3A_437, %get3A_438] {strides = array<i32>} : memref<96x224xf32, #tpu.memory_space<vmem>>, vector<16xf32>,
          %add3A_440 = arith.constant 80 : i32
          %add3A_441 = vector.broadcast %add3A_440 : i32 to vector<16xi32>
          %add3A_442 = arith.addi %add3A_441, %iota3A_115 : vector<16xi32>
          %mul3A_443 = arith.constant 96 : i32
          %mul3A_444 = vector.broadcast %mul3A_443 : i32 to vector<16xi32>
          %mul3A_445 = arith.muli %add3A_442, %mul3A_444 : vector<16xi32>
          %add3A_446 = vector.broadcast %add3A_352 : i32 to vector<16xi32>
          %add3A_447 = arith.addi %mul3A_445, %add3A_446 : vector<16xi32>
          %eq3A_448 = vector.broadcast %reduce_max3A_127 : f32 to vector<16xf32>
          %eq3A_449 = arith.cmpf oeq, %get3A_439, %eq3A_448 : vector<16xf32>
          %jit3A_450 = arith.constant 1073741824 : i32
          %broadcast_in_dim3A_451 = vector.broadcast %jit3A_450 : i32 to vector<16xi32>
          %select_n3A_452 = arith.select %eq3A_449, %add3A_447, %broadcast_in_dim3A_451 : vector<16xi1>, vector<16xi32>
          %min3A_453 = arith.minsi %min3A_419, %select_n3A_452 : vector<16xi32>
          %get3A_454 = arith.index_cast %add3A_352 : i32 to index
          %get3A_455 = arith.constant 96 : index
          %get3A_456 = tpu.vector_load %arg4[%get3A_454, %get3A_455] {strides = array<i32>} : memref<96x224xf32, #tpu.memory_space<vmem>>, vector<16xf32>,
          %add3A_457 = arith.constant 96 : i32
          %add3A_458 = vector.broadcast %add3A_457 : i32 to vector<16xi32>
          %add3A_459 = arith.addi %add3A_458, %iota3A_115 : vector<16xi32>
          %mul3A_460 = arith.constant 96 : i32
          %mul3A_461 = vector.broadcast %mul3A_460 : i32 to vector<16xi32>
          %mul3A_462 = arith.muli %add3A_459, %mul3A_461 : vector<16xi32>
          %add3A_463 = vector.broadcast %add3A_352 : i32 to vector<16xi32>
          %add3A_464 = arith.addi %mul3A_462, %add3A_463 : vector<16xi32>
          %eq3A_465 = vector.broadcast %reduce_max3A_127 : f32 to vector<16xf32>
          %eq3A_466 = arith.cmpf oeq, %get3A_456, %eq3A_465 : vector<16xf32>
          %jit3A_467 = arith.constant 1073741824 : i32
          %broadcast_in_dim3A_468 = vector.broadcast %jit3A_467 : i32 to vector<16xi32>
          %select_n3A_469 = arith.select %eq3A_466, %add3A_464, %broadcast_in_dim3A_468 : vector<16xi1>, vector<16xi32>
          %min3A_470 = arith.minsi %min3A_436, %select_n3A_469 : vector<16xi32>
          %get3A_471 = arith.index_cast %add3A_352 : i32 to index
          %get3A_472 = arith.constant 112 : index
          %get3A_473 = tpu.vector_load %arg4[%get3A_471, %get3A_472] {strides = array<i32>} : memref<96x224xf32, #tpu.memory_space<vmem>>, vector<16xf32>,
          %add3A_474 = arith.constant 112 : i32
          %add3A_475 = vector.broadcast %add3A_474 : i32 to vector<16xi32>
          %add3A_476 = arith.addi %add3A_475, %iota3A_115 : vector<16xi32>
          %mul3A_477 = arith.constant 96 : i32
          %mul3A_478 = vector.broadcast %mul3A_477 : i32 to vector<16xi32>
          %mul3A_479 = arith.muli %add3A_476, %mul3A_478 : vector<16xi32>
          %add3A_480 = vector.broadcast %add3A_352 : i32 to vector<16xi32>
          %add3A_481 = arith.addi %mul3A_479, %add3A_480 : vector<16xi32>
          %eq3A_482 = vector.broadcast %reduce_max3A_127 : f32 to vector<16xf32>
          %eq3A_483 = arith.cmpf oeq, %get3A_473, %eq3A_482 : vector<16xf32>
          %jit3A_484 = arith.constant 1073741824 : i32
          %broadcast_in_dim3A_485 = vector.broadcast %jit3A_484 : i32 to vector<16xi32>
          %select_n3A_486 = arith.select %eq3A_483, %add3A_481, %broadcast_in_dim3A_485 : vector<16xi1>, vector<16xi32>
          %min3A_487 = arith.minsi %min3A_453, %select_n3A_486 : vector<16xi32>
          %get3A_488 = arith.index_cast %add3A_352 : i32 to index
          %get3A_489 = arith.constant 128 : index
          %get3A_490 = tpu.vector_load %arg4[%get3A_488, %get3A_489] {strides = array<i32>} : memref<96x224xf32, #tpu.memory_space<vmem>>, vector<16xf32>,
          %add3A_491 = arith.constant 128 : i32
          %add3A_492 = vector.broadcast %add3A_491 : i32 to vector<16xi32>
          %add3A_493 = arith.addi %add3A_492, %iota3A_115 : vector<16xi32>
          %mul3A_494 = arith.constant 96 : i32
          %mul3A_495 = vector.broadcast %mul3A_494 : i32 to vector<16xi32>
          %mul3A_496 = arith.muli %add3A_493, %mul3A_495 : vector<16xi32>
          %add3A_497 = vector.broadcast %add3A_352 : i32 to vector<16xi32>
          %add3A_498 = arith.addi %mul3A_496, %add3A_497 : vector<16xi32>
          %eq3A_499 = vector.broadcast %reduce_max3A_127 : f32 to vector<16xf32>
          %eq3A_500 = arith.cmpf oeq, %get3A_490, %eq3A_499 : vector<16xf32>
          %jit3A_501 = arith.constant 1073741824 : i32
          %broadcast_in_dim3A_502 = vector.broadcast %jit3A_501 : i32 to vector<16xi32>
          %select_n3A_503 = arith.select %eq3A_500, %add3A_498, %broadcast_in_dim3A_502 : vector<16xi1>, vector<16xi32>
          %min3A_504 = arith.minsi %min3A_470, %select_n3A_503 : vector<16xi32>
          %get3A_505 = arith.index_cast %add3A_352 : i32 to index
          %get3A_506 = arith.constant 144 : index
          %get3A_507 = tpu.vector_load %arg4[%get3A_505, %get3A_506] {strides = array<i32>} : memref<96x224xf32, #tpu.memory_space<vmem>>, vector<16xf32>,
          %add3A_508 = arith.constant 144 : i32
          %add3A_509 = vector.broadcast %add3A_508 : i32 to vector<16xi32>
          %add3A_510 = arith.addi %add3A_509, %iota3A_115 : vector<16xi32>
          %mul3A_511 = arith.constant 96 : i32
          %mul3A_512 = vector.broadcast %mul3A_511 : i32 to vector<16xi32>
          %mul3A_513 = arith.muli %add3A_510, %mul3A_512 : vector<16xi32>
          %add3A_514 = vector.broadcast %add3A_352 : i32 to vector<16xi32>
          %add3A_515 = arith.addi %mul3A_513, %add3A_514 : vector<16xi32>
          %eq3A_516 = vector.broadcast %reduce_max3A_127 : f32 to vector<16xf32>
          %eq3A_517 = arith.cmpf oeq, %get3A_507, %eq3A_516 : vector<16xf32>
          %jit3A_518 = arith.constant 1073741824 : i32
          %broadcast_in_dim3A_519 = vector.broadcast %jit3A_518 : i32 to vector<16xi32>
          %select_n3A_520 = arith.select %eq3A_517, %add3A_515, %broadcast_in_dim3A_519 : vector<16xi1>, vector<16xi32>
          %min3A_521 = arith.minsi %min3A_487, %select_n3A_520 : vector<16xi32>
          %get3A_522 = arith.index_cast %add3A_352 : i32 to index
          %get3A_523 = arith.constant 160 : index
          %get3A_524 = tpu.vector_load %arg4[%get3A_522, %get3A_523] {strides = array<i32>} : memref<96x224xf32, #tpu.memory_space<vmem>>, vector<16xf32>,
          %add3A_525 = arith.constant 160 : i32
          %add3A_526 = vector.broadcast %add3A_525 : i32 to vector<16xi32>
          %add3A_527 = arith.addi %add3A_526, %iota3A_115 : vector<16xi32>
          %mul3A_528 = arith.constant 96 : i32
          %mul3A_529 = vector.broadcast %mul3A_528 : i32 to vector<16xi32>
          %mul3A_530 = arith.muli %add3A_527, %mul3A_529 : vector<16xi32>
          %add3A_531 = vector.broadcast %add3A_352 : i32 to vector<16xi32>
          %add3A_532 = arith.addi %mul3A_530, %add3A_531 : vector<16xi32>
          %eq3A_533 = vector.broadcast %reduce_max3A_127 : f32 to vector<16xf32>
          %eq3A_534 = arith.cmpf oeq, %get3A_524, %eq3A_533 : vector<16xf32>
          %jit3A_535 = arith.constant 1073741824 : i32
          %broadcast_in_dim3A_536 = vector.broadcast %jit3A_535 : i32 to vector<16xi32>
          %select_n3A_537 = arith.select %eq3A_534, %add3A_532, %broadcast_in_dim3A_536 : vector<16xi1>, vector<16xi32>
          %min3A_538 = arith.minsi %min3A_504, %select_n3A_537 : vector<16xi32>
          %get3A_539 = arith.index_cast %add3A_352 : i32 to index
          %get3A_540 = arith.constant 176 : index
          %get3A_541 = tpu.vector_load %arg4[%get3A_539, %get3A_540] {strides = array<i32>} : memref<96x224xf32, #tpu.memory_space<vmem>>, vector<16xf32>,
          %add3A_542 = arith.constant 176 : i32
          %add3A_543 = vector.broadcast %add3A_542 : i32 to vector<16xi32>
          %add3A_544 = arith.addi %add3A_543, %iota3A_115 : vector<16xi32>
          %mul3A_545 = arith.constant 96 : i32
          %mul3A_546 = vector.broadcast %mul3A_545 : i32 to vector<16xi32>
          %mul3A_547 = arith.muli %add3A_544, %mul3A_546 : vector<16xi32>
          %add3A_548 = vector.broadcast %add3A_352 : i32 to vector<16xi32>
          %add3A_549 = arith.addi %mul3A_547, %add3A_548 : vector<16xi32>
          %eq3A_550 = vector.broadcast %reduce_max3A_127 : f32 to vector<16xf32>
          %eq3A_551 = arith.cmpf oeq, %get3A_541, %eq3A_550 : vector<16xf32>
          %jit3A_552 = arith.constant 1073741824 : i32
          %broadcast_in_dim3A_553 = vector.broadcast %jit3A_552 : i32 to vector<16xi32>
          %select_n3A_554 = arith.select %eq3A_551, %add3A_549, %broadcast_in_dim3A_553 : vector<16xi1>, vector<16xi32>
          %min3A_555 = arith.minsi %min3A_521, %select_n3A_554 : vector<16xi32>
          %get3A_556 = arith.index_cast %add3A_352 : i32 to index
          %get3A_557 = arith.constant 192 : index
          %get3A_558 = tpu.vector_load %arg4[%get3A_556, %get3A_557] {strides = array<i32>} : memref<96x224xf32, #tpu.memory_space<vmem>>, vector<16xf32>,
          %add3A_559 = arith.constant 192 : i32
          %add3A_560 = vector.broadcast %add3A_559 : i32 to vector<16xi32>
          %add3A_561 = arith.addi %add3A_560, %iota3A_115 : vector<16xi32>
          %mul3A_562 = arith.constant 96 : i32
          %mul3A_563 = vector.broadcast %mul3A_562 : i32 to vector<16xi32>
          %mul3A_564 = arith.muli %add3A_561, %mul3A_563 : vector<16xi32>
          %add3A_565 = vector.broadcast %add3A_352 : i32 to vector<16xi32>
          %add3A_566 = arith.addi %mul3A_564, %add3A_565 : vector<16xi32>
          %eq3A_567 = vector.broadcast %reduce_max3A_127 : f32 to vector<16xf32>
          %eq3A_568 = arith.cmpf oeq, %get3A_558, %eq3A_567 : vector<16xf32>
          %jit3A_569 = arith.constant 1073741824 : i32
          %broadcast_in_dim3A_570 = vector.broadcast %jit3A_569 : i32 to vector<16xi32>
          %select_n3A_571 = arith.select %eq3A_568, %add3A_566, %broadcast_in_dim3A_570 : vector<16xi1>, vector<16xi32>
          %min3A_572 = arith.minsi %min3A_538, %select_n3A_571 : vector<16xi32>
          %get3A_573 = arith.index_cast %add3A_352 : i32 to index
          %get3A_574 = arith.constant 208 : index
          %get3A_575 = tpu.vector_load %arg4[%get3A_573, %get3A_574] {strides = array<i32>} : memref<96x224xf32, #tpu.memory_space<vmem>>, vector<16xf32>,
          %add3A_576 = arith.constant 208 : i32
          %add3A_577 = vector.broadcast %add3A_576 : i32 to vector<16xi32>
          %add3A_578 = arith.addi %add3A_577, %iota3A_115 : vector<16xi32>
          %mul3A_579 = arith.constant 96 : i32
          %mul3A_580 = vector.broadcast %mul3A_579 : i32 to vector<16xi32>
          %mul3A_581 = arith.muli %add3A_578, %mul3A_580 : vector<16xi32>
          %add3A_582 = vector.broadcast %add3A_352 : i32 to vector<16xi32>
          %add3A_583 = arith.addi %mul3A_581, %add3A_582 : vector<16xi32>
          %eq3A_584 = vector.broadcast %reduce_max3A_127 : f32 to vector<16xf32>
          %eq3A_585 = arith.cmpf oeq, %get3A_575, %eq3A_584 : vector<16xf32>
          %jit3A_586 = arith.constant 1073741824 : i32
          %broadcast_in_dim3A_587 = vector.broadcast %jit3A_586 : i32 to vector<16xi32>
          %select_n3A_588 = arith.select %eq3A_585, %add3A_583, %broadcast_in_dim3A_587 : vector<16xi1>, vector<16xi32>
          %min3A_589 = arith.minsi %min3A_555, %select_n3A_588 : vector<16xi32>
          %mul3A_590 = arith.constant 2 : i32
          %mul3A_591 = arith.muli %scan3A_346, %mul3A_590 : i32
          %add3A_592 = arith.constant 1 : i32
          %add3A_593 = arith.addi %mul3A_591, %add3A_592 : i32
          %get3A_594 = arith.index_cast %add3A_593 : i32 to index
          %get3A_595 = arith.constant 0 : index
          %get3A_596 = tpu.vector_load %arg4[%get3A_594, %get3A_595] {strides = array<i32>} : memref<96x224xf32, #tpu.memory_space<vmem>>, vector<16xf32>,
          %add3A_597 = arith.constant 0 : i32
          %add3A_598 = vector.broadcast %add3A_597 : i32 to vector<16xi32>
          %add3A_599 = arith.addi %add3A_598, %iota3A_115 : vector<16xi32>
          %mul3A_600 = arith.constant 96 : i32
          %mul3A_601 = vector.broadcast %mul3A_600 : i32 to vector<16xi32>
          %mul3A_602 = arith.muli %add3A_599, %mul3A_601 : vector<16xi32>
          %add3A_603 = vector.broadcast %add3A_593 : i32 to vector<16xi32>
          %add3A_604 = arith.addi %mul3A_602, %add3A_603 : vector<16xi32>
          %eq3A_605 = vector.broadcast %reduce_max3A_127 : f32 to vector<16xf32>
          %eq3A_606 = arith.cmpf oeq, %get3A_596, %eq3A_605 : vector<16xf32>
          %jit3A_607 = arith.constant 1073741824 : i32
          %broadcast_in_dim3A_608 = vector.broadcast %jit3A_607 : i32 to vector<16xi32>
          %select_n3A_609 = arith.select %eq3A_606, %add3A_604, %broadcast_in_dim3A_608 : vector<16xi1>, vector<16xi32>
          %min3A_610 = arith.minsi %min3A_572, %select_n3A_609 : vector<16xi32>
          %get3A_611 = arith.index_cast %add3A_593 : i32 to index
          %get3A_612 = arith.constant 16 : index
          %get3A_613 = tpu.vector_load %arg4[%get3A_611, %get3A_612] {strides = array<i32>} : memref<96x224xf32, #tpu.memory_space<vmem>>, vector<16xf32>,
          %add3A_614 = arith.constant 16 : i32
          %add3A_615 = vector.broadcast %add3A_614 : i32 to vector<16xi32>
          %add3A_616 = arith.addi %add3A_615, %iota3A_115 : vector<16xi32>
          %mul3A_617 = arith.constant 96 : i32
          %mul3A_618 = vector.broadcast %mul3A_617 : i32 to vector<16xi32>
          %mul3A_619 = arith.muli %add3A_616, %mul3A_618 : vector<16xi32>
          %add3A_620 = vector.broadcast %add3A_593 : i32 to vector<16xi32>
          %add3A_621 = arith.addi %mul3A_619, %add3A_620 : vector<16xi32>
          %eq3A_622 = vector.broadcast %reduce_max3A_127 : f32 to vector<16xf32>
          %eq3A_623 = arith.cmpf oeq, %get3A_613, %eq3A_622 : vector<16xf32>
          %jit3A_624 = arith.constant 1073741824 : i32
          %broadcast_in_dim3A_625 = vector.broadcast %jit3A_624 : i32 to vector<16xi32>
          %select_n3A_626 = arith.select %eq3A_623, %add3A_621, %broadcast_in_dim3A_625 : vector<16xi1>, vector<16xi32>
          %min3A_627 = arith.minsi %min3A_589, %select_n3A_626 : vector<16xi32>
          %get3A_628 = arith.index_cast %add3A_593 : i32 to index
          %get3A_629 = arith.constant 32 : index
          %get3A_630 = tpu.vector_load %arg4[%get3A_628, %get3A_629] {strides = array<i32>} : memref<96x224xf32, #tpu.memory_space<vmem>>, vector<16xf32>,
          %add3A_631 = arith.constant 32 : i32
          %add3A_632 = vector.broadcast %add3A_631 : i32 to vector<16xi32>
          %add3A_633 = arith.addi %add3A_632, %iota3A_115 : vector<16xi32>
          %mul3A_634 = arith.constant 96 : i32
          %mul3A_635 = vector.broadcast %mul3A_634 : i32 to vector<16xi32>
          %mul3A_636 = arith.muli %add3A_633, %mul3A_635 : vector<16xi32>
          %add3A_637 = vector.broadcast %add3A_593 : i32 to vector<16xi32>
          %add3A_638 = arith.addi %mul3A_636, %add3A_637 : vector<16xi32>
          %eq3A_639 = vector.broadcast %reduce_max3A_127 : f32 to vector<16xf32>
          %eq3A_640 = arith.cmpf oeq, %get3A_630, %eq3A_639 : vector<16xf32>
          %jit3A_641 = arith.constant 1073741824 : i32
          %broadcast_in_dim3A_642 = vector.broadcast %jit3A_641 : i32 to vector<16xi32>
          %select_n3A_643 = arith.select %eq3A_640, %add3A_638, %broadcast_in_dim3A_642 : vector<16xi1>, vector<16xi32>
          %min3A_644 = arith.minsi %min3A_610, %select_n3A_643 : vector<16xi32>
          %get3A_645 = arith.index_cast %add3A_593 : i32 to index
          %get3A_646 = arith.constant 48 : index
          %get3A_647 = tpu.vector_load %arg4[%get3A_645, %get3A_646] {strides = array<i32>} : memref<96x224xf32, #tpu.memory_space<vmem>>, vector<16xf32>,
          %add3A_648 = arith.constant 48 : i32
          %add3A_649 = vector.broadcast %add3A_648 : i32 to vector<16xi32>
          %add3A_650 = arith.addi %add3A_649, %iota3A_115 : vector<16xi32>
          %mul3A_651 = arith.constant 96 : i32
          %mul3A_652 = vector.broadcast %mul3A_651 : i32 to vector<16xi32>
          %mul3A_653 = arith.muli %add3A_650, %mul3A_652 : vector<16xi32>
          %add3A_654 = vector.broadcast %add3A_593 : i32 to vector<16xi32>
          %add3A_655 = arith.addi %mul3A_653, %add3A_654 : vector<16xi32>
          %eq3A_656 = vector.broadcast %reduce_max3A_127 : f32 to vector<16xf32>
          %eq3A_657 = arith.cmpf oeq, %get3A_647, %eq3A_656 : vector<16xf32>
          %jit3A_658 = arith.constant 1073741824 : i32
          %broadcast_in_dim3A_659 = vector.broadcast %jit3A_658 : i32 to vector<16xi32>
          %select_n3A_660 = arith.select %eq3A_657, %add3A_655, %broadcast_in_dim3A_659 : vector<16xi1>, vector<16xi32>
          %min3A_661 = arith.minsi %min3A_627, %select_n3A_660 : vector<16xi32>
          %get3A_662 = arith.index_cast %add3A_593 : i32 to index
          %get3A_663 = arith.constant 64 : index
          %get3A_664 = tpu.vector_load %arg4[%get3A_662, %get3A_663] {strides = array<i32>} : memref<96x224xf32, #tpu.memory_space<vmem>>, vector<16xf32>,
          %add3A_665 = arith.constant 64 : i32
          %add3A_666 = vector.broadcast %add3A_665 : i32 to vector<16xi32>
          %add3A_667 = arith.addi %add3A_666, %iota3A_115 : vector<16xi32>
          %mul3A_668 = arith.constant 96 : i32
          %mul3A_669 = vector.broadcast %mul3A_668 : i32 to vector<16xi32>
          %mul3A_670 = arith.muli %add3A_667, %mul3A_669 : vector<16xi32>
          %add3A_671 = vector.broadcast %add3A_593 : i32 to vector<16xi32>
          %add3A_672 = arith.addi %mul3A_670, %add3A_671 : vector<16xi32>
          %eq3A_673 = vector.broadcast %reduce_max3A_127 : f32 to vector<16xf32>
          %eq3A_674 = arith.cmpf oeq, %get3A_664, %eq3A_673 : vector<16xf32>
          %jit3A_675 = arith.constant 1073741824 : i32
          %broadcast_in_dim3A_676 = vector.broadcast %jit3A_675 : i32 to vector<16xi32>
          %select_n3A_677 = arith.select %eq3A_674, %add3A_672, %broadcast_in_dim3A_676 : vector<16xi1>, vector<16xi32>
          %min3A_678 = arith.minsi %min3A_644, %select_n3A_677 : vector<16xi32>
          %get3A_679 = arith.index_cast %add3A_593 : i32 to index
          %get3A_680 = arith.constant 80 : index
          %get3A_681 = tpu.vector_load %arg4[%get3A_679, %get3A_680] {strides = array<i32>} : memref<96x224xf32, #tpu.memory_space<vmem>>, vector<16xf32>,
          %add3A_682 = arith.constant 80 : i32
          %add3A_683 = vector.broadcast %add3A_682 : i32 to vector<16xi32>
          %add3A_684 = arith.addi %add3A_683, %iota3A_115 : vector<16xi32>
          %mul3A_685 = arith.constant 96 : i32
          %mul3A_686 = vector.broadcast %mul3A_685 : i32 to vector<16xi32>
          %mul3A_687 = arith.muli %add3A_684, %mul3A_686 : vector<16xi32>
          %add3A_688 = vector.broadcast %add3A_593 : i32 to vector<16xi32>
          %add3A_689 = arith.addi %mul3A_687, %add3A_688 : vector<16xi32>
          %eq3A_690 = vector.broadcast %reduce_max3A_127 : f32 to vector<16xf32>
          %eq3A_691 = arith.cmpf oeq, %get3A_681, %eq3A_690 : vector<16xf32>
          %jit3A_692 = arith.constant 1073741824 : i32
          %broadcast_in_dim3A_693 = vector.broadcast %jit3A_692 : i32 to vector<16xi32>
          %select_n3A_694 = arith.select %eq3A_691, %add3A_689, %broadcast_in_dim3A_693 : vector<16xi1>, vector<16xi32>
          %min3A_695 = arith.minsi %min3A_661, %select_n3A_694 : vector<16xi32>
          %get3A_696 = arith.index_cast %add3A_593 : i32 to index
          %get3A_697 = arith.constant 96 : index
          %get3A_698 = tpu.vector_load %arg4[%get3A_696, %get3A_697] {strides = array<i32>} : memref<96x224xf32, #tpu.memory_space<vmem>>, vector<16xf32>,
          %add3A_699 = arith.constant 96 : i32
          %add3A_700 = vector.broadcast %add3A_699 : i32 to vector<16xi32>
          %add3A_701 = arith.addi %add3A_700, %iota3A_115 : vector<16xi32>
          %mul3A_702 = arith.constant 96 : i32
          %mul3A_703 = vector.broadcast %mul3A_702 : i32 to vector<16xi32>
          %mul3A_704 = arith.muli %add3A_701, %mul3A_703 : vector<16xi32>
          %add3A_705 = vector.broadcast %add3A_593 : i32 to vector<16xi32>
          %add3A_706 = arith.addi %mul3A_704, %add3A_705 : vector<16xi32>
          %eq3A_707 = vector.broadcast %reduce_max3A_127 : f32 to vector<16xf32>
          %eq3A_708 = arith.cmpf oeq, %get3A_698, %eq3A_707 : vector<16xf32>
          %jit3A_709 = arith.constant 1073741824 : i32
          %broadcast_in_dim3A_710 = vector.broadcast %jit3A_709 : i32 to vector<16xi32>
          %select_n3A_711 = arith.select %eq3A_708, %add3A_706, %broadcast_in_dim3A_710 : vector<16xi1>, vector<16xi32>
          %min3A_712 = arith.minsi %min3A_678, %select_n3A_711 : vector<16xi32>
          %get3A_713 = arith.index_cast %add3A_593 : i32 to index
          %get3A_714 = arith.constant 112 : index
          %get3A_715 = tpu.vector_load %arg4[%get3A_713, %get3A_714] {strides = array<i32>} : memref<96x224xf32, #tpu.memory_space<vmem>>, vector<16xf32>,
          %add3A_716 = arith.constant 112 : i32
          %add3A_717 = vector.broadcast %add3A_716 : i32 to vector<16xi32>
          %add3A_718 = arith.addi %add3A_717, %iota3A_115 : vector<16xi32>
          %mul3A_719 = arith.constant 96 : i32
          %mul3A_720 = vector.broadcast %mul3A_719 : i32 to vector<16xi32>
          %mul3A_721 = arith.muli %add3A_718, %mul3A_720 : vector<16xi32>
          %add3A_722 = vector.broadcast %add3A_593 : i32 to vector<16xi32>
          %add3A_723 = arith.addi %mul3A_721, %add3A_722 : vector<16xi32>
          %eq3A_724 = vector.broadcast %reduce_max3A_127 : f32 to vector<16xf32>
          %eq3A_725 = arith.cmpf oeq, %get3A_715, %eq3A_724 : vector<16xf32>
          %jit3A_726 = arith.constant 1073741824 : i32
          %broadcast_in_dim3A_727 = vector.broadcast %jit3A_726 : i32 to vector<16xi32>
          %select_n3A_728 = arith.select %eq3A_725, %add3A_723, %broadcast_in_dim3A_727 : vector<16xi1>, vector<16xi32>
          %min3A_729 = arith.minsi %min3A_695, %select_n3A_728 : vector<16xi32>
          %get3A_730 = arith.index_cast %add3A_593 : i32 to index
          %get3A_731 = arith.constant 128 : index
          %get3A_732 = tpu.vector_load %arg4[%get3A_730, %get3A_731] {strides = array<i32>} : memref<96x224xf32, #tpu.memory_space<vmem>>, vector<16xf32>,
          %add3A_733 = arith.constant 128 : i32
          %add3A_734 = vector.broadcast %add3A_733 : i32 to vector<16xi32>
          %add3A_735 = arith.addi %add3A_734, %iota3A_115 : vector<16xi32>
          %mul3A_736 = arith.constant 96 : i32
          %mul3A_737 = vector.broadcast %mul3A_736 : i32 to vector<16xi32>
          %mul3A_738 = arith.muli %add3A_735, %mul3A_737 : vector<16xi32>
          %add3A_739 = vector.broadcast %add3A_593 : i32 to vector<16xi32>
          %add3A_740 = arith.addi %mul3A_738, %add3A_739 : vector<16xi32>
          %eq3A_741 = vector.broadcast %reduce_max3A_127 : f32 to vector<16xf32>
          %eq3A_742 = arith.cmpf oeq, %get3A_732, %eq3A_741 : vector<16xf32>
          %jit3A_743 = arith.constant 1073741824 : i32
          %broadcast_in_dim3A_744 = vector.broadcast %jit3A_743 : i32 to vector<16xi32>
          %select_n3A_745 = arith.select %eq3A_742, %add3A_740, %broadcast_in_dim3A_744 : vector<16xi1>, vector<16xi32>
          %min3A_746 = arith.minsi %min3A_712, %select_n3A_745 : vector<16xi32>
          %get3A_747 = arith.index_cast %add3A_593 : i32 to index
          %get3A_748 = arith.constant 144 : index
          %get3A_749 = tpu.vector_load %arg4[%get3A_747, %get3A_748] {strides = array<i32>} : memref<96x224xf32, #tpu.memory_space<vmem>>, vector<16xf32>,
          %add3A_750 = arith.constant 144 : i32
          %add3A_751 = vector.broadcast %add3A_750 : i32 to vector<16xi32>
          %add3A_752 = arith.addi %add3A_751, %iota3A_115 : vector<16xi32>
          %mul3A_753 = arith.constant 96 : i32
          %mul3A_754 = vector.broadcast %mul3A_753 : i32 to vector<16xi32>
          %mul3A_755 = arith.muli %add3A_752, %mul3A_754 : vector<16xi32>
          %add3A_756 = vector.broadcast %add3A_593 : i32 to vector<16xi32>
          %add3A_757 = arith.addi %mul3A_755, %add3A_756 : vector<16xi32>
          %eq3A_758 = vector.broadcast %reduce_max3A_127 : f32 to vector<16xf32>
          %eq3A_759 = arith.cmpf oeq, %get3A_749, %eq3A_758 : vector<16xf32>
          %jit3A_760 = arith.constant 1073741824 : i32
          %broadcast_in_dim3A_761 = vector.broadcast %jit3A_760 : i32 to vector<16xi32>
          %select_n3A_762 = arith.select %eq3A_759, %add3A_757, %broadcast_in_dim3A_761 : vector<16xi1>, vector<16xi32>
          %min3A_763 = arith.minsi %min3A_729, %select_n3A_762 : vector<16xi32>
          %get3A_764 = arith.index_cast %add3A_593 : i32 to index
          %get3A_765 = arith.constant 160 : index
          %get3A_766 = tpu.vector_load %arg4[%get3A_764, %get3A_765] {strides = array<i32>} : memref<96x224xf32, #tpu.memory_space<vmem>>, vector<16xf32>,
          %add3A_767 = arith.constant 160 : i32
          %add3A_768 = vector.broadcast %add3A_767 : i32 to vector<16xi32>
          %add3A_769 = arith.addi %add3A_768, %iota3A_115 : vector<16xi32>
          %mul3A_770 = arith.constant 96 : i32
          %mul3A_771 = vector.broadcast %mul3A_770 : i32 to vector<16xi32>
          %mul3A_772 = arith.muli %add3A_769, %mul3A_771 : vector<16xi32>
          %add3A_773 = vector.broadcast %add3A_593 : i32 to vector<16xi32>
          %add3A_774 = arith.addi %mul3A_772, %add3A_773 : vector<16xi32>
          %eq3A_775 = vector.broadcast %reduce_max3A_127 : f32 to vector<16xf32>
          %eq3A_776 = arith.cmpf oeq, %get3A_766, %eq3A_775 : vector<16xf32>
          %jit3A_777 = arith.constant 1073741824 : i32
          %broadcast_in_dim3A_778 = vector.broadcast %jit3A_777 : i32 to vector<16xi32>
          %select_n3A_779 = arith.select %eq3A_776, %add3A_774, %broadcast_in_dim3A_778 : vector<16xi1>, vector<16xi32>
          %min3A_780 = arith.minsi %min3A_746, %select_n3A_779 : vector<16xi32>
          %get3A_781 = arith.index_cast %add3A_593 : i32 to index
          %get3A_782 = arith.constant 176 : index
          %get3A_783 = tpu.vector_load %arg4[%get3A_781, %get3A_782] {strides = array<i32>} : memref<96x224xf32, #tpu.memory_space<vmem>>, vector<16xf32>,
          %add3A_784 = arith.constant 176 : i32
          %add3A_785 = vector.broadcast %add3A_784 : i32 to vector<16xi32>
          %add3A_786 = arith.addi %add3A_785, %iota3A_115 : vector<16xi32>
          %mul3A_787 = arith.constant 96 : i32
          %mul3A_788 = vector.broadcast %mul3A_787 : i32 to vector<16xi32>
          %mul3A_789 = arith.muli %add3A_786, %mul3A_788 : vector<16xi32>
          %add3A_790 = vector.broadcast %add3A_593 : i32 to vector<16xi32>
          %add3A_791 = arith.addi %mul3A_789, %add3A_790 : vector<16xi32>
          %eq3A_792 = vector.broadcast %reduce_max3A_127 : f32 to vector<16xf32>
          %eq3A_793 = arith.cmpf oeq, %get3A_783, %eq3A_792 : vector<16xf32>
          %jit3A_794 = arith.constant 1073741824 : i32
          %broadcast_in_dim3A_795 = vector.broadcast %jit3A_794 : i32 to vector<16xi32>
          %select_n3A_796 = arith.select %eq3A_793, %add3A_791, %broadcast_in_dim3A_795 : vector<16xi1>, vector<16xi32>
          %min3A_797 = arith.minsi %min3A_763, %select_n3A_796 : vector<16xi32>
          %get3A_798 = arith.index_cast %add3A_593 : i32 to index
          %get3A_799 = arith.constant 192 : index
          %get3A_800 = tpu.vector_load %arg4[%get3A_798, %get3A_799] {strides = array<i32>} : memref<96x224xf32, #tpu.memory_space<vmem>>, vector<16xf32>,
          %add3A_801 = arith.constant 192 : i32
          %add3A_802 = vector.broadcast %add3A_801 : i32 to vector<16xi32>
          %add3A_803 = arith.addi %add3A_802, %iota3A_115 : vector<16xi32>
          %mul3A_804 = arith.constant 96 : i32
          %mul3A_805 = vector.broadcast %mul3A_804 : i32 to vector<16xi32>
          %mul3A_806 = arith.muli %add3A_803, %mul3A_805 : vector<16xi32>
          %add3A_807 = vector.broadcast %add3A_593 : i32 to vector<16xi32>
          %add3A_808 = arith.addi %mul3A_806, %add3A_807 : vector<16xi32>
          %eq3A_809 = vector.broadcast %reduce_max3A_127 : f32 to vector<16xf32>
          %eq3A_810 = arith.cmpf oeq, %get3A_800, %eq3A_809 : vector<16xf32>
          %jit3A_811 = arith.constant 1073741824 : i32
          %broadcast_in_dim3A_812 = vector.broadcast %jit3A_811 : i32 to vector<16xi32>
          %select_n3A_813 = arith.select %eq3A_810, %add3A_808, %broadcast_in_dim3A_812 : vector<16xi1>, vector<16xi32>
          %min3A_814 = arith.minsi %min3A_780, %select_n3A_813 : vector<16xi32>
          %get3A_815 = arith.index_cast %add3A_593 : i32 to index
          %get3A_816 = arith.constant 208 : index
          %get3A_817 = tpu.vector_load %arg4[%get3A_815, %get3A_816] {strides = array<i32>} : memref<96x224xf32, #tpu.memory_space<vmem>>, vector<16xf32>,
          %add3A_818 = arith.constant 208 : i32
          %add3A_819 = vector.broadcast %add3A_818 : i32 to vector<16xi32>
          %add3A_820 = arith.addi %add3A_819, %iota3A_115 : vector<16xi32>
          %mul3A_821 = arith.constant 96 : i32
          %mul3A_822 = vector.broadcast %mul3A_821 : i32 to vector<16xi32>
          %mul3A_823 = arith.muli %add3A_820, %mul3A_822 : vector<16xi32>
          %add3A_824 = vector.broadcast %add3A_593 : i32 to vector<16xi32>
          %add3A_825 = arith.addi %mul3A_823, %add3A_824 : vector<16xi32>
          %eq3A_826 = vector.broadcast %reduce_max3A_127 : f32 to vector<16xf32>
          %eq3A_827 = arith.cmpf oeq, %get3A_817, %eq3A_826 : vector<16xf32>
          %jit3A_828 = arith.constant 1073741824 : i32
          %broadcast_in_dim3A_829 = vector.broadcast %jit3A_828 : i32 to vector<16xi32>
          %select_n3A_830 = arith.select %eq3A_827, %add3A_825, %broadcast_in_dim3A_829 : vector<16xi1>, vector<16xi32>
          %min3A_831 = arith.minsi %min3A_797, %select_n3A_830 : vector<16xi32>
          scf.yield %min3A_814, %min3A_831 : vector<16xi32>, vector<16xi32>
        }
        %scan3A_337 = arith.constant 48 : i32
        %min3A = arith.minsi %scan3A_336#0, %scan3A_336#1 : vector<16xi32>
        %reduce_min3A_338 = arith.constant true
        %reduce_min3A_339 = vector.broadcast %reduce_min3A_338 : i1 to vector<16xi1>
        %reduce_min3A_340 = arith.constant -2147483648 : i32
        %reduce_min3A_341 = vector.broadcast %reduce_min3A_340 : i32 to vector<16xi32>
        %reduce_min3A_342 = arith.xori %min3A, %reduce_min3A_341 : vector<16xi32>
        %reduce_min3A_343 = tpu.scan <min>, %reduce_min3A_342 masked %reduce_min3A_339 : vector<16xi32>, vector<16xi1> -> vector<16xi32>
        %reduce_min3A_344 = arith.xori %reduce_min3A_343, %reduce_min3A_341 : vector<16xi32>
        %reduce_min3A_345 = vector.extract %reduce_min3A_344[15] : i32 from vector<16xi32>
        scf.yield %reduce_min3A_345 : i32
      }
      %jit3A_154 = arith.constant 224 : i32
      %eq3A_155 = arith.constant 0 : i32
      %eq3A_156 = arith.cmpi eq, %jit3A_154, %eq3A_155 : i32
      %jit3A_157 = arith.constant 1 : i32
      %select_n3A_158 = arith.select %eq3A_156, %jit3A_157, %jit3A_154 : i32
      %rem3A_159 = arith.remsi %cond3A_153, %select_n3A_158 : i32
      %ne3A_160 = arith.constant 0 : i32
      %ne3A_161 = arith.cmpi ne, %rem3A_159, %ne3A_160 : i32
      %lt3A_162 = arith.constant 0 : i32
      %lt3A_163 = arith.cmpi slt, %rem3A_159, %lt3A_162 : i32
      %lt3A_164 = arith.constant 0 : i32
      %lt3A_165 = arith.cmpi slt, %select_n3A_158, %lt3A_164 : i32
      %ne3A_166 = arith.xori %lt3A_163, %lt3A_165 : i1
      %and3A_167 = arith.andi %ne3A_166, %ne3A_161 : i1
      %add3A_168 = arith.addi %rem3A_159, %select_n3A_158 : i32
      %select_n3A_169 = arith.select %and3A_167, %add3A_168, %rem3A_159 : i32
      %convert_element_type3A_170 = arith.sitofp %select_n3A_169 : i32 to f32
      %jit3A_171 = arith.constant 224 : i32
      %div3A_172 = arith.divsi %cond3A_153, %jit3A_171 : i32
      %sign3A_173 = arith.constant 0 : i32
      %sign3A_174 = arith.cmpi sgt, %cond3A_153, %sign3A_173 : i32
      %sign3A_175 = arith.extui %sign3A_174 : i1 to i32
      %sign3A_176 = arith.constant 0 : i32
      %sign3A_177 = arith.cmpi slt, %cond3A_153, %sign3A_176 : i32
      %sign3A_178 = arith.extui %sign3A_177 : i1 to i32
      %sign3A_179 = arith.subi %sign3A_175, %sign3A_178 : i32
      %sign3A_180 = arith.constant 0 : i32
      %sign3A_181 = arith.cmpi sgt, %jit3A_171, %sign3A_180 : i32
      %sign3A_182 = arith.extui %sign3A_181 : i1 to i32
      %sign3A_183 = arith.constant 0 : i32
      %sign3A_184 = arith.cmpi slt, %jit3A_171, %sign3A_183 : i32
      %sign3A_185 = arith.extui %sign3A_184 : i1 to i32
      %sign3A_186 = arith.subi %sign3A_182, %sign3A_185 : i32
      %ne3A_187 = arith.cmpi ne, %sign3A_179, %sign3A_186 : i32
      %rem3A_188 = arith.remsi %cond3A_153, %jit3A_171 : i32
      %ne3A_189 = arith.constant 0 : i32
      %ne3A_190 = arith.cmpi ne, %rem3A_188, %ne3A_189 : i32
      %and3A_191 = arith.andi %ne3A_187, %ne3A_190 : i1
      %sub3A_192 = arith.constant 1 : i32
      %sub3A_193 = arith.subi %div3A_172, %sub3A_192 : i32
      %select_n3A_194 = arith.select %and3A_191, %sub3A_193, %div3A_172 : i32
      %convert_element_type3A_195 = arith.sitofp %select_n3A_194 : i32 to f32
      %lt3A_196 = arith.constant 5 : i32
      %lt3A_197 = arith.cmpi slt, %scan3A_101, %lt3A_196 : i32
      %convert_element_type3A_198 = arith.extui %lt3A_197 : i1 to i32
      %cond3A_199 = arith.constant 0 : i32
      %cond3A_200 = arith.cmpi ne, %convert_element_type3A_198, %cond3A_199 : i32
      scf.if %cond3A_200 {
        %add3A_332 = arith.addi %mul3A_2, %add3A_105 : i32
        %add3A_333 = arith.constant 2 : i32
        %add3A_334 = arith.addi %add3A_332, %add3A_333 : i32
        %jit3A_335 = arith.constant 96 : i32
        %div3A_336 = arith.divsi %add3A_334, %jit3A_335 : i32
        %sign3A_337 = arith.constant 0 : i32
        %sign3A_338 = arith.cmpi sgt, %add3A_334, %sign3A_337 : i32
        %sign3A_339 = arith.extui %sign3A_338 : i1 to i32
        %sign3A_340 = arith.constant 0 : i32
        %sign3A_341 = arith.cmpi slt, %add3A_334, %sign3A_340 : i32
        %sign3A_342 = arith.extui %sign3A_341 : i1 to i32
        %sign3A_343 = arith.subi %sign3A_339, %sign3A_342 : i32
        %sign3A_344 = arith.constant 0 : i32
        %sign3A_345 = arith.cmpi sgt, %jit3A_335, %sign3A_344 : i32
        %sign3A_346 = arith.extui %sign3A_345 : i1 to i32
        %sign3A_347 = arith.constant 0 : i32
        %sign3A_348 = arith.cmpi slt, %jit3A_335, %sign3A_347 : i32
        %sign3A_349 = arith.extui %sign3A_348 : i1 to i32
        %sign3A_350 = arith.subi %sign3A_346, %sign3A_349 : i32
        %ne3A_351 = arith.cmpi ne, %sign3A_343, %sign3A_350 : i32
        %rem3A_352 = arith.remsi %add3A_334, %jit3A_335 : i32
        %ne3A_353 = arith.constant 0 : i32
        %ne3A_354 = arith.cmpi ne, %rem3A_352, %ne3A_353 : i32
        %and3A_355 = arith.andi %ne3A_351, %ne3A_354 : i1
        %sub3A_356 = arith.constant 1 : i32
        %sub3A_357 = arith.subi %div3A_336, %sub3A_356 : i32
        %select_n3A_358 = arith.select %and3A_355, %sub3A_357, %div3A_336 : i32
        %add3A_359 = arith.constant 4 : i32
        %add3A_360 = arith.addi %add3A_359, %select_n3A_358 : i32
        %jit3A_361 = arith.constant 96 : i32
        %eq3A_362 = arith.constant 0 : i32
        %eq3A_363 = arith.cmpi eq, %jit3A_361, %eq3A_362 : i32
        %jit3A_364 = arith.constant 1 : i32
        %select_n3A_365 = arith.select %eq3A_363, %jit3A_364, %jit3A_361 : i32
        %rem3A_366 = arith.remsi %add3A_334, %select_n3A_365 : i32
        %ne3A_367 = arith.constant 0 : i32
        %ne3A_368 = arith.cmpi ne, %rem3A_366, %ne3A_367 : i32
        %lt3A_369 = arith.constant 0 : i32
        %lt3A_370 = arith.cmpi slt, %rem3A_366, %lt3A_369 : i32
        %lt3A_371 = arith.constant 0 : i32
        %lt3A_372 = arith.cmpi slt, %select_n3A_365, %lt3A_371 : i32
        %ne3A_373 = arith.xori %lt3A_370, %lt3A_372 : i1
        %and3A_374 = arith.andi %ne3A_373, %ne3A_368 : i1
        %add3A_375 = arith.addi %rem3A_366, %select_n3A_365 : i32
        %select_n3A_376 = arith.select %and3A_374, %add3A_375, %rem3A_366 : i32
        %dma_start3A_377 = arith.constant 0 : i32
        %dma_start3A_378 = arith.constant 0 : i32
        %dma_start3A_379 = tpu.memref_slice %arg2[%add3A_360, %select_n3A_376, %dma_start3A_377, %dma_start3A_378] : memref<8x224x96x224xf32, #tpu.memory_space<hbm>> -> memref<1x1x96x224xf32, #tpu.memory_space<hbm>>
        %dma_start3A_380 = tpu.memref_squeeze %dma_start3A_379 : memref<1x1x96x224xf32, #tpu.memory_space<hbm>> -> memref<96x224xf32, #tpu.memory_space<hbm>>
        %dma_start3A_381 = arith.constant 0 : i32
        %dma_start3A_382 = arith.constant 0 : i32
        %dma_start3A_383 = tpu.memref_slice %arg2[%add3A_360, %select_n3A_376, %dma_start3A_381, %dma_start3A_382] : memref<8x224x96x224xf32, #tpu.memory_space<hbm>> -> memref<1x1x96x224xf32, #tpu.memory_space<hbm>>
        %dma_start3A_384 = tpu.memref_squeeze %dma_start3A_383 : memref<1x1x96x224xf32, #tpu.memory_space<hbm>> -> memref<96x224xf32, #tpu.memory_space<hbm>>
        tpu.enqueue_dma source(%dma_start3A_384 : memref<96x224xf32, #tpu.memory_space<hbm>>) target(%arg4 : memref<96x224xf32, #tpu.memory_space<vmem>>) target_semaphore(%arg8 : memref<!tpu.dma_semaphore, #tpu.memory_space<semaphore_mem>>)
      } else {
      }
      %eq3A_201 = arith.constant 0 : i32
      %eq3A_202 = vector.broadcast %eq3A_201 : i32 to vector<16xi32>
      %eq3A_203 = arith.cmpi eq, %iota3A, %eq3A_202 : vector<16xi32>
      %broadcast_in_dim3A_204 = vector.broadcast %convert_element_type3A_170 : f32 to vector<16xf32>
      %broadcast_in_dim3A_205 = vector.broadcast %convert_element_type3A_195 : f32 to vector<16xf32>
      %select_n3A_206 = arith.select %eq3A_203, %broadcast_in_dim3A_204, %broadcast_in_dim3A_205 : vector<16xi1>, vector<16xf32>
      %mul3A_207 = arith.constant 2 : i32
      %mul3A_208 = arith.muli %mul3A_207, %add3A_105 : i32
      %add3A_209 = vector.broadcast %mul3A_208 : i32 to vector<16xi32>
      %add3A_210 = arith.addi %add3A_209, %iota3A : vector<16xi32>
      %lt3A_211 = arith.constant 2 : i32
      %lt3A_212 = vector.broadcast %lt3A_211 : i32 to vector<16xi32>
      %lt3A_213 = arith.cmpi slt, %iota3A, %lt3A_212 : vector<16xi32>
      tpu.vector_store_idx %arg7[%add3A_210], %select_n3A_206 masked %lt3A_213 : memref<24xf32, #tpu.memory_space<vmem>>[vector<16xi32>], vector<16xf32>, vector<16xi1>
      %mul3A_214 = arith.constant 2 : i32
      %mul3A_215 = arith.muli %mul3A_214, %scan3A_101 : i32
      %add3A_216 = arith.constant 1 : i32
      %add3A_217 = arith.addi %mul3A_215, %add3A_216 : i32
      %dma_wait3A_218 = arith.constant 0 : i32
      %dma_wait3A_219 = arith.constant 0 : i32
      %dma_wait3A_220 = arith.constant 0 : i32
      %dma_wait3A_221 = arith.constant 0 : i32
      %dma_wait3A_222 = tpu.memref_slice %arg2[%dma_wait3A_218, %dma_wait3A_219, %dma_wait3A_220, %dma_wait3A_221] : memref<8x224x96x224xf32, #tpu.memory_space<hbm>> -> memref<1x1x96x224xf32, #tpu.memory_space<hbm>>
      %dma_wait3A_223 = tpu.memref_squeeze %dma_wait3A_222 : memref<1x1x96x224xf32, #tpu.memory_space<hbm>> -> memref<96x224xf32, #tpu.memory_space<hbm>>
      %dma_wait3A_224 = arith.constant 0 : i32
      %dma_wait3A_225 = arith.constant 0 : i32
      %dma_wait3A_226 = tpu.memref_slice %arg2[%dma_wait3A_218, %dma_wait3A_219, %dma_wait3A_224, %dma_wait3A_225] : memref<8x224x96x224xf32, #tpu.memory_space<hbm>> -> memref<1x1x96x224xf32, #tpu.memory_space<hbm>>
      %dma_wait3A_227 = tpu.memref_squeeze %dma_wait3A_226 : memref<1x1x96x224xf32, #tpu.memory_space<hbm>> -> memref<96x224xf32, #tpu.memory_space<hbm>>
      tpu.wait_dma2 semaphore(%arg9 : memref<!tpu.dma_semaphore, #tpu.memory_space<semaphore_mem>>) src(%dma_wait3A_227 : memref<96x224xf32, #tpu.memory_space<hbm>>) dst(%arg5 : memref<96x224xf32, #tpu.memory_space<vmem>>)
      %iota3A_228 = tpu.iota {dimensions = array<i32: 0>} : vector<16xi32>
      %broadcast_in_dim3A_229 = arith.constant 1073741824 : i32
      %broadcast_in_dim3A_230 = vector.broadcast %broadcast_in_dim3A_229 : i32 to vector<16xi32>
      %broadcast_in_dim3A_231 = arith.constant 0xFF800000 : f32
      %broadcast_in_dim3A_232 = vector.broadcast %broadcast_in_dim3A_231 : f32 to vector<16xf32>
      %scan3A_233 = arith.constant 0 : i32
      %scan3A_234 = arith.constant 48 : i32
      %scan3A_235 = arith.addi %scan3A_233, %scan3A_234 : i32
      %scan3A_236 = arith.constant 1 : i32
      %scan3A_237 = scf.for %scan3A_332 = %scan3A_233 to %scan3A_235 step %scan3A_236 iter_args(%scan3A_333 = %broadcast_in_dim3A_232) -> (vector<16xf32>)  : i32 {
        %mul3A_334 = arith.constant 2 : i32
        %mul3A_335 = arith.muli %scan3A_332, %mul3A_334 : i32
        %get3A = arith.index_cast %mul3A_335 : i32 to index
        %get3A_336 = arith.constant 0 : index
        %get3A_337 = tpu.vector_load %arg5[%get3A, %get3A_336] {strides = array<i32>} : memref<96x224xf32, #tpu.memory_space<vmem>>, vector<16xf32>,
        %get3A_338 = arith.index_cast %mul3A_335 : i32 to index
        %get3A_339 = arith.constant 16 : index
        %get3A_340 = tpu.vector_load %arg5[%get3A_338, %get3A_339] {strides = array<i32>} : memref<96x224xf32, #tpu.memory_space<vmem>>, vector<16xf32>,
        %get3A_341 = arith.index_cast %mul3A_335 : i32 to index
        %get3A_342 = arith.constant 32 : index
        %get3A_343 = tpu.vector_load %arg5[%get3A_341, %get3A_342] {strides = array<i32>} : memref<96x224xf32, #tpu.memory_space<vmem>>, vector<16xf32>,
        %get3A_344 = arith.index_cast %mul3A_335 : i32 to index
        %get3A_345 = arith.constant 48 : index
        %get3A_346 = tpu.vector_load %arg5[%get3A_344, %get3A_345] {strides = array<i32>} : memref<96x224xf32, #tpu.memory_space<vmem>>, vector<16xf32>,
        %add3A_347 = arith.constant 0 : i32
        %add3A_348 = arith.addi %mul3A_335, %add3A_347 : i32
        %get3A_349 = arith.index_cast %add3A_348 : i32 to index
        %get3A_350 = arith.constant 64 : index
        %get3A_351 = tpu.vector_load %arg5[%get3A_349, %get3A_350] {strides = array<i32>} : memref<96x224xf32, #tpu.memory_space<vmem>>, vector<16xf32>,
        %max3A = arith.maximumf %get3A_337, %get3A_351 : vector<16xf32>
        %add3A_352 = arith.constant 0 : i32
        %add3A_353 = arith.addi %mul3A_335, %add3A_352 : i32
        %get3A_354 = arith.index_cast %add3A_353 : i32 to index
        %get3A_355 = arith.constant 80 : index
        %get3A_356 = tpu.vector_load %arg5[%get3A_354, %get3A_355] {strides = array<i32>} : memref<96x224xf32, #tpu.memory_space<vmem>>, vector<16xf32>,
        %max3A_357 = arith.maximumf %get3A_340, %get3A_356 : vector<16xf32>
        %add3A_358 = arith.constant 0 : i32
        %add3A_359 = arith.addi %mul3A_335, %add3A_358 : i32
        %get3A_360 = arith.index_cast %add3A_359 : i32 to index
        %get3A_361 = arith.constant 96 : index
        %get3A_362 = tpu.vector_load %arg5[%get3A_360, %get3A_361] {strides = array<i32>} : memref<96x224xf32, #tpu.memory_space<vmem>>, vector<16xf32>,
        %max3A_363 = arith.maximumf %get3A_343, %get3A_362 : vector<16xf32>
        %add3A_364 = arith.constant 0 : i32
        %add3A_365 = arith.addi %mul3A_335, %add3A_364 : i32
        %get3A_366 = arith.index_cast %add3A_365 : i32 to index
        %get3A_367 = arith.constant 112 : index
        %get3A_368 = tpu.vector_load %arg5[%get3A_366, %get3A_367] {strides = array<i32>} : memref<96x224xf32, #tpu.memory_space<vmem>>, vector<16xf32>,
        %max3A_369 = arith.maximumf %get3A_346, %get3A_368 : vector<16xf32>
        %add3A_370 = arith.constant 0 : i32
        %add3A_371 = arith.addi %mul3A_335, %add3A_370 : i32
        %get3A_372 = arith.index_cast %add3A_371 : i32 to index
        %get3A_373 = arith.constant 128 : index
        %get3A_374 = tpu.vector_load %arg5[%get3A_372, %get3A_373] {strides = array<i32>} : memref<96x224xf32, #tpu.memory_space<vmem>>, vector<16xf32>,
        %max3A_375 = arith.maximumf %max3A, %get3A_374 : vector<16xf32>
        %add3A_376 = arith.constant 0 : i32
        %add3A_377 = arith.addi %mul3A_335, %add3A_376 : i32
        %get3A_378 = arith.index_cast %add3A_377 : i32 to index
        %get3A_379 = arith.constant 144 : index
        %get3A_380 = tpu.vector_load %arg5[%get3A_378, %get3A_379] {strides = array<i32>} : memref<96x224xf32, #tpu.memory_space<vmem>>, vector<16xf32>,
        %max3A_381 = arith.maximumf %max3A_357, %get3A_380 : vector<16xf32>
        %add3A_382 = arith.constant 0 : i32
        %add3A_383 = arith.addi %mul3A_335, %add3A_382 : i32
        %get3A_384 = arith.index_cast %add3A_383 : i32 to index
        %get3A_385 = arith.constant 160 : index
        %get3A_386 = tpu.vector_load %arg5[%get3A_384, %get3A_385] {strides = array<i32>} : memref<96x224xf32, #tpu.memory_space<vmem>>, vector<16xf32>,
        %max3A_387 = arith.maximumf %max3A_363, %get3A_386 : vector<16xf32>
        %add3A_388 = arith.constant 0 : i32
        %add3A_389 = arith.addi %mul3A_335, %add3A_388 : i32
        %get3A_390 = arith.index_cast %add3A_389 : i32 to index
        %get3A_391 = arith.constant 176 : index
        %get3A_392 = tpu.vector_load %arg5[%get3A_390, %get3A_391] {strides = array<i32>} : memref<96x224xf32, #tpu.memory_space<vmem>>, vector<16xf32>,
        %max3A_393 = arith.maximumf %max3A_369, %get3A_392 : vector<16xf32>
        %add3A_394 = arith.constant 0 : i32
        %add3A_395 = arith.addi %mul3A_335, %add3A_394 : i32
        %get3A_396 = arith.index_cast %add3A_395 : i32 to index
        %get3A_397 = arith.constant 192 : index
        %get3A_398 = tpu.vector_load %arg5[%get3A_396, %get3A_397] {strides = array<i32>} : memref<96x224xf32, #tpu.memory_space<vmem>>, vector<16xf32>,
        %max3A_399 = arith.maximumf %max3A_375, %get3A_398 : vector<16xf32>
        %add3A_400 = arith.constant 0 : i32
        %add3A_401 = arith.addi %mul3A_335, %add3A_400 : i32
        %get3A_402 = arith.index_cast %add3A_401 : i32 to index
        %get3A_403 = arith.constant 208 : index
        %get3A_404 = tpu.vector_load %arg5[%get3A_402, %get3A_403] {strides = array<i32>} : memref<96x224xf32, #tpu.memory_space<vmem>>, vector<16xf32>,
        %max3A_405 = arith.maximumf %max3A_381, %get3A_404 : vector<16xf32>
        %add3A_406 = arith.constant 1 : i32
        %add3A_407 = arith.addi %mul3A_335, %add3A_406 : i32
        %get3A_408 = arith.index_cast %add3A_407 : i32 to index
        %get3A_409 = arith.constant 0 : index
        %get3A_410 = tpu.vector_load %arg5[%get3A_408, %get3A_409] {strides = array<i32>} : memref<96x224xf32, #tpu.memory_space<vmem>>, vector<16xf32>,
        %max3A_411 = arith.maximumf %max3A_399, %get3A_410 : vector<16xf32>
        %add3A_412 = arith.constant 1 : i32
        %add3A_413 = arith.addi %mul3A_335, %add3A_412 : i32
        %get3A_414 = arith.index_cast %add3A_413 : i32 to index
        %get3A_415 = arith.constant 16 : index
        %get3A_416 = tpu.vector_load %arg5[%get3A_414, %get3A_415] {strides = array<i32>} : memref<96x224xf32, #tpu.memory_space<vmem>>, vector<16xf32>,
        %max3A_417 = arith.maximumf %max3A_405, %get3A_416 : vector<16xf32>
        %add3A_418 = arith.constant 1 : i32
        %add3A_419 = arith.addi %mul3A_335, %add3A_418 : i32
        %get3A_420 = arith.index_cast %add3A_419 : i32 to index
        %get3A_421 = arith.constant 32 : index
        %get3A_422 = tpu.vector_load %arg5[%get3A_420, %get3A_421] {strides = array<i32>} : memref<96x224xf32, #tpu.memory_space<vmem>>, vector<16xf32>,
        %max3A_423 = arith.maximumf %max3A_387, %get3A_422 : vector<16xf32>
        %add3A_424 = arith.constant 1 : i32
        %add3A_425 = arith.addi %mul3A_335, %add3A_424 : i32
        %get3A_426 = arith.index_cast %add3A_425 : i32 to index
        %get3A_427 = arith.constant 48 : index
        %get3A_428 = tpu.vector_load %arg5[%get3A_426, %get3A_427] {strides = array<i32>} : memref<96x224xf32, #tpu.memory_space<vmem>>, vector<16xf32>,
        %max3A_429 = arith.maximumf %max3A_393, %get3A_428 : vector<16xf32>
        %add3A_430 = arith.constant 1 : i32
        %add3A_431 = arith.addi %mul3A_335, %add3A_430 : i32
        %get3A_432 = arith.index_cast %add3A_431 : i32 to index
        %get3A_433 = arith.constant 64 : index
        %get3A_434 = tpu.vector_load %arg5[%get3A_432, %get3A_433] {strides = array<i32>} : memref<96x224xf32, #tpu.memory_space<vmem>>, vector<16xf32>,
        %max3A_435 = arith.maximumf %max3A_411, %get3A_434 : vector<16xf32>
        %add3A_436 = arith.constant 1 : i32
        %add3A_437 = arith.addi %mul3A_335, %add3A_436 : i32
        %get3A_438 = arith.index_cast %add3A_437 : i32 to index
        %get3A_439 = arith.constant 80 : index
        %get3A_440 = tpu.vector_load %arg5[%get3A_438, %get3A_439] {strides = array<i32>} : memref<96x224xf32, #tpu.memory_space<vmem>>, vector<16xf32>,
        %max3A_441 = arith.maximumf %max3A_417, %get3A_440 : vector<16xf32>
        %add3A_442 = arith.constant 1 : i32
        %add3A_443 = arith.addi %mul3A_335, %add3A_442 : i32
        %get3A_444 = arith.index_cast %add3A_443 : i32 to index
        %get3A_445 = arith.constant 96 : index
        %get3A_446 = tpu.vector_load %arg5[%get3A_444, %get3A_445] {strides = array<i32>} : memref<96x224xf32, #tpu.memory_space<vmem>>, vector<16xf32>,
        %max3A_447 = arith.maximumf %max3A_423, %get3A_446 : vector<16xf32>
        %add3A_448 = arith.constant 1 : i32
        %add3A_449 = arith.addi %mul3A_335, %add3A_448 : i32
        %get3A_450 = arith.index_cast %add3A_449 : i32 to index
        %get3A_451 = arith.constant 112 : index
        %get3A_452 = tpu.vector_load %arg5[%get3A_450, %get3A_451] {strides = array<i32>} : memref<96x224xf32, #tpu.memory_space<vmem>>, vector<16xf32>,
        %max3A_453 = arith.maximumf %max3A_429, %get3A_452 : vector<16xf32>
        %add3A_454 = arith.constant 1 : i32
        %add3A_455 = arith.addi %mul3A_335, %add3A_454 : i32
        %get3A_456 = arith.index_cast %add3A_455 : i32 to index
        %get3A_457 = arith.constant 128 : index
        %get3A_458 = tpu.vector_load %arg5[%get3A_456, %get3A_457] {strides = array<i32>} : memref<96x224xf32, #tpu.memory_space<vmem>>, vector<16xf32>,
        %max3A_459 = arith.maximumf %max3A_435, %get3A_458 : vector<16xf32>
        %add3A_460 = arith.constant 1 : i32
        %add3A_461 = arith.addi %mul3A_335, %add3A_460 : i32
        %get3A_462 = arith.index_cast %add3A_461 : i32 to index
        %get3A_463 = arith.constant 144 : index
        %get3A_464 = tpu.vector_load %arg5[%get3A_462, %get3A_463] {strides = array<i32>} : memref<96x224xf32, #tpu.memory_space<vmem>>, vector<16xf32>,
        %max3A_465 = arith.maximumf %max3A_441, %get3A_464 : vector<16xf32>
        %add3A_466 = arith.constant 1 : i32
        %add3A_467 = arith.addi %mul3A_335, %add3A_466 : i32
        %get3A_468 = arith.index_cast %add3A_467 : i32 to index
        %get3A_469 = arith.constant 160 : index
        %get3A_470 = tpu.vector_load %arg5[%get3A_468, %get3A_469] {strides = array<i32>} : memref<96x224xf32, #tpu.memory_space<vmem>>, vector<16xf32>,
        %max3A_471 = arith.maximumf %max3A_447, %get3A_470 : vector<16xf32>
        %add3A_472 = arith.constant 1 : i32
        %add3A_473 = arith.addi %mul3A_335, %add3A_472 : i32
        %get3A_474 = arith.index_cast %add3A_473 : i32 to index
        %get3A_475 = arith.constant 176 : index
        %get3A_476 = tpu.vector_load %arg5[%get3A_474, %get3A_475] {strides = array<i32>} : memref<96x224xf32, #tpu.memory_space<vmem>>, vector<16xf32>,
        %max3A_477 = arith.maximumf %max3A_453, %get3A_476 : vector<16xf32>
        %add3A_478 = arith.constant 1 : i32
        %add3A_479 = arith.addi %mul3A_335, %add3A_478 : i32
        %get3A_480 = arith.index_cast %add3A_479 : i32 to index
        %get3A_481 = arith.constant 192 : index
        %get3A_482 = tpu.vector_load %arg5[%get3A_480, %get3A_481] {strides = array<i32>} : memref<96x224xf32, #tpu.memory_space<vmem>>, vector<16xf32>,
        %max3A_483 = arith.maximumf %max3A_459, %get3A_482 : vector<16xf32>
        %add3A_484 = arith.constant 1 : i32
        %add3A_485 = arith.addi %mul3A_335, %add3A_484 : i32
        %get3A_486 = arith.index_cast %add3A_485 : i32 to index
        %get3A_487 = arith.constant 208 : index
        %get3A_488 = tpu.vector_load %arg5[%get3A_486, %get3A_487] {strides = array<i32>} : memref<96x224xf32, #tpu.memory_space<vmem>>, vector<16xf32>,
        %max3A_489 = arith.maximumf %max3A_465, %get3A_488 : vector<16xf32>
        %max3A_490 = arith.maximumf %max3A_483, %max3A_489 : vector<16xf32>
        %max3A_491 = arith.maximumf %max3A_471, %max3A_477 : vector<16xf32>
        %max3A_492 = arith.maximumf %max3A_490, %max3A_491 : vector<16xf32>
        %mul3A_493 = arith.constant 16 : i32
        %mul3A_494 = arith.muli %scan3A_332, %mul3A_493 : i32
        %multiple_of3A_495 = tpu.assume_multiple %mul3A_494, 8 : i32
        %swap3A = arith.index_cast %multiple_of3A_495 : i32 to index
        %swap3A_496 = tpu.vector_load %arg6[%swap3A] {strides = array<i32>} : memref<768xf32, #tpu.memory_space<vmem>>, vector<16xf32>,
        tpu.vector_store %arg6[%swap3A], %max3A_492 {strides = array<i32>} : memref<768xf32, #tpu.memory_space<vmem>>, vector<16xf32>,
        %max3A_497 = arith.maximumf %scan3A_333, %max3A_492 : vector<16xf32>
        scf.yield %max3A_497 : vector<16xf32>
      }
      %scan3A_238 = arith.constant 48 : i32
      %reduce_max3A_239 = arith.constant true
      %reduce_max3A_240 = vector.broadcast %reduce_max3A_239 : i1 to vector<16xi1>
      %reduce_max3A_241 = tpu.scan <max>, %scan3A_237 masked %reduce_max3A_240 : vector<16xf32>, vector<16xi1> -> vector<16xf32>
      %reduce_max3A_242 = vector.extract %reduce_max3A_241[15] : f32 from vector<16xf32>
      %broadcast_in_dim3A_243 = arith.constant -1 : i32
      %broadcast_in_dim3A_244 = vector.broadcast %broadcast_in_dim3A_243 : i32 to vector<16xi32>
      %scan3A_245 = arith.constant 0 : i32
      %scan3A_246 = arith.constant 6 : i32
      %scan3A_247 = arith.addi %scan3A_245, %scan3A_246 : i32
      %scan3A_248 = arith.constant 1 : i32
      %scan3A_249:2 = scf.for %scan3A_332 = %scan3A_245 to %scan3A_247 step %scan3A_248 iter_args(%scan3A_333 = %broadcast_in_dim3A_230, %scan3A_334 = %broadcast_in_dim3A_244) -> (vector<16xi32>, vector<16xi32>)  : i32 {
        %mul3A_335 = arith.constant 8 : i32
        %mul3A_336 = arith.muli %scan3A_332, %mul3A_335 : i32
        %add3A_337 = arith.constant 0 : i32
        %add3A_338 = arith.addi %mul3A_336, %add3A_337 : i32
        %mul3A_339 = arith.constant 16 : i32
        %mul3A_340 = arith.muli %add3A_338, %mul3A_339 : i32
        %multiple_of3A_341 = tpu.assume_multiple %mul3A_340, 8 : i32
        %get3A = arith.index_cast %multiple_of3A_341 : i32 to index
        %get3A_342 = tpu.vector_load %arg6[%get3A] {strides = array<i32>} : memref<768xf32, #tpu.memory_space<vmem>>, vector<16xf32>,
        %eq3A_343 = vector.broadcast %reduce_max3A_242 : f32 to vector<16xf32>
        %eq3A_344 = arith.cmpf oeq, %get3A_342, %eq3A_343 : vector<16xf32>
        %add3A_345 = arith.constant 0 : i32
        %add3A_346 = arith.addi %mul3A_336, %add3A_345 : i32
        %jit3A_347 = arith.constant 1073741824 : i32
        %broadcast_in_dim3A_348 = vector.broadcast %add3A_346 : i32 to vector<16xi32>
        %broadcast_in_dim3A_349 = vector.broadcast %jit3A_347 : i32 to vector<16xi32>
        %select_n3A_350 = arith.select %eq3A_344, %broadcast_in_dim3A_348, %broadcast_in_dim3A_349 : vector<16xi1>, vector<16xi32>
        %min3A = arith.minsi %scan3A_333, %select_n3A_350 : vector<16xi32>
        %add3A_351 = arith.constant 0 : i32
        %add3A_352 = arith.addi %mul3A_336, %add3A_351 : i32
        %jit3A_353 = arith.constant -1 : i32
        %broadcast_in_dim3A_354 = vector.broadcast %add3A_352 : i32 to vector<16xi32>
        %broadcast_in_dim3A_355 = vector.broadcast %jit3A_353 : i32 to vector<16xi32>
        %select_n3A_356 = arith.select %eq3A_344, %broadcast_in_dim3A_354, %broadcast_in_dim3A_355 : vector<16xi1>, vector<16xi32>
        %max3A = arith.maxsi %scan3A_334, %select_n3A_356 : vector<16xi32>
        %add3A_357 = arith.constant 1 : i32
        %add3A_358 = arith.addi %mul3A_336, %add3A_357 : i32
        %mul3A_359 = arith.constant 16 : i32
        %mul3A_360 = arith.muli %add3A_358, %mul3A_359 : i32
        %multiple_of3A_361 = tpu.assume_multiple %mul3A_360, 8 : i32
        %get3A_362 = arith.index_cast %multiple_of3A_361 : i32 to index
        %get3A_363 = tpu.vector_load %arg6[%get3A_362] {strides = array<i32>} : memref<768xf32, #tpu.memory_space<vmem>>, vector<16xf32>,
        %eq3A_364 = vector.broadcast %reduce_max3A_242 : f32 to vector<16xf32>
        %eq3A_365 = arith.cmpf oeq, %get3A_363, %eq3A_364 : vector<16xf32>
        %add3A_366 = arith.constant 1 : i32
        %add3A_367 = arith.addi %mul3A_336, %add3A_366 : i32
        %jit3A_368 = arith.constant 1073741824 : i32
        %broadcast_in_dim3A_369 = vector.broadcast %add3A_367 : i32 to vector<16xi32>
        %broadcast_in_dim3A_370 = vector.broadcast %jit3A_368 : i32 to vector<16xi32>
        %select_n3A_371 = arith.select %eq3A_365, %broadcast_in_dim3A_369, %broadcast_in_dim3A_370 : vector<16xi1>, vector<16xi32>
        %min3A_372 = arith.minsi %min3A, %select_n3A_371 : vector<16xi32>
        %add3A_373 = arith.constant 1 : i32
        %add3A_374 = arith.addi %mul3A_336, %add3A_373 : i32
        %jit3A_375 = arith.constant -1 : i32
        %broadcast_in_dim3A_376 = vector.broadcast %add3A_374 : i32 to vector<16xi32>
        %broadcast_in_dim3A_377 = vector.broadcast %jit3A_375 : i32 to vector<16xi32>
        %select_n3A_378 = arith.select %eq3A_365, %broadcast_in_dim3A_376, %broadcast_in_dim3A_377 : vector<16xi1>, vector<16xi32>
        %max3A_379 = arith.maxsi %max3A, %select_n3A_378 : vector<16xi32>
        %add3A_380 = arith.constant 2 : i32
        %add3A_381 = arith.addi %mul3A_336, %add3A_380 : i32
        %mul3A_382 = arith.constant 16 : i32
        %mul3A_383 = arith.muli %add3A_381, %mul3A_382 : i32
        %multiple_of3A_384 = tpu.assume_multiple %mul3A_383, 8 : i32
        %get3A_385 = arith.index_cast %multiple_of3A_384 : i32 to index
        %get3A_386 = tpu.vector_load %arg6[%get3A_385] {strides = array<i32>} : memref<768xf32, #tpu.memory_space<vmem>>, vector<16xf32>,
        %eq3A_387 = vector.broadcast %reduce_max3A_242 : f32 to vector<16xf32>
        %eq3A_388 = arith.cmpf oeq, %get3A_386, %eq3A_387 : vector<16xf32>
        %add3A_389 = arith.constant 2 : i32
        %add3A_390 = arith.addi %mul3A_336, %add3A_389 : i32
        %jit3A_391 = arith.constant 1073741824 : i32
        %broadcast_in_dim3A_392 = vector.broadcast %add3A_390 : i32 to vector<16xi32>
        %broadcast_in_dim3A_393 = vector.broadcast %jit3A_391 : i32 to vector<16xi32>
        %select_n3A_394 = arith.select %eq3A_388, %broadcast_in_dim3A_392, %broadcast_in_dim3A_393 : vector<16xi1>, vector<16xi32>
        %min3A_395 = arith.minsi %min3A_372, %select_n3A_394 : vector<16xi32>
        %add3A_396 = arith.constant 2 : i32
        %add3A_397 = arith.addi %mul3A_336, %add3A_396 : i32
        %jit3A_398 = arith.constant -1 : i32
        %broadcast_in_dim3A_399 = vector.broadcast %add3A_397 : i32 to vector<16xi32>
        %broadcast_in_dim3A_400 = vector.broadcast %jit3A_398 : i32 to vector<16xi32>
        %select_n3A_401 = arith.select %eq3A_388, %broadcast_in_dim3A_399, %broadcast_in_dim3A_400 : vector<16xi1>, vector<16xi32>
        %max3A_402 = arith.maxsi %max3A_379, %select_n3A_401 : vector<16xi32>
        %add3A_403 = arith.constant 3 : i32
        %add3A_404 = arith.addi %mul3A_336, %add3A_403 : i32
        %mul3A_405 = arith.constant 16 : i32
        %mul3A_406 = arith.muli %add3A_404, %mul3A_405 : i32
        %multiple_of3A_407 = tpu.assume_multiple %mul3A_406, 8 : i32
        %get3A_408 = arith.index_cast %multiple_of3A_407 : i32 to index
        %get3A_409 = tpu.vector_load %arg6[%get3A_408] {strides = array<i32>} : memref<768xf32, #tpu.memory_space<vmem>>, vector<16xf32>,
        %eq3A_410 = vector.broadcast %reduce_max3A_242 : f32 to vector<16xf32>
        %eq3A_411 = arith.cmpf oeq, %get3A_409, %eq3A_410 : vector<16xf32>
        %add3A_412 = arith.constant 3 : i32
        %add3A_413 = arith.addi %mul3A_336, %add3A_412 : i32
        %jit3A_414 = arith.constant 1073741824 : i32
        %broadcast_in_dim3A_415 = vector.broadcast %add3A_413 : i32 to vector<16xi32>
        %broadcast_in_dim3A_416 = vector.broadcast %jit3A_414 : i32 to vector<16xi32>
        %select_n3A_417 = arith.select %eq3A_411, %broadcast_in_dim3A_415, %broadcast_in_dim3A_416 : vector<16xi1>, vector<16xi32>
        %min3A_418 = arith.minsi %min3A_395, %select_n3A_417 : vector<16xi32>
        %add3A_419 = arith.constant 3 : i32
        %add3A_420 = arith.addi %mul3A_336, %add3A_419 : i32
        %jit3A_421 = arith.constant -1 : i32
        %broadcast_in_dim3A_422 = vector.broadcast %add3A_420 : i32 to vector<16xi32>
        %broadcast_in_dim3A_423 = vector.broadcast %jit3A_421 : i32 to vector<16xi32>
        %select_n3A_424 = arith.select %eq3A_411, %broadcast_in_dim3A_422, %broadcast_in_dim3A_423 : vector<16xi1>, vector<16xi32>
        %max3A_425 = arith.maxsi %max3A_402, %select_n3A_424 : vector<16xi32>
        %add3A_426 = arith.constant 4 : i32
        %add3A_427 = arith.addi %mul3A_336, %add3A_426 : i32
        %mul3A_428 = arith.constant 16 : i32
        %mul3A_429 = arith.muli %add3A_427, %mul3A_428 : i32
        %multiple_of3A_430 = tpu.assume_multiple %mul3A_429, 8 : i32
        %get3A_431 = arith.index_cast %multiple_of3A_430 : i32 to index
        %get3A_432 = tpu.vector_load %arg6[%get3A_431] {strides = array<i32>} : memref<768xf32, #tpu.memory_space<vmem>>, vector<16xf32>,
        %eq3A_433 = vector.broadcast %reduce_max3A_242 : f32 to vector<16xf32>
        %eq3A_434 = arith.cmpf oeq, %get3A_432, %eq3A_433 : vector<16xf32>
        %add3A_435 = arith.constant 4 : i32
        %add3A_436 = arith.addi %mul3A_336, %add3A_435 : i32
        %jit3A_437 = arith.constant 1073741824 : i32
        %broadcast_in_dim3A_438 = vector.broadcast %add3A_436 : i32 to vector<16xi32>
        %broadcast_in_dim3A_439 = vector.broadcast %jit3A_437 : i32 to vector<16xi32>
        %select_n3A_440 = arith.select %eq3A_434, %broadcast_in_dim3A_438, %broadcast_in_dim3A_439 : vector<16xi1>, vector<16xi32>
        %min3A_441 = arith.minsi %min3A_418, %select_n3A_440 : vector<16xi32>
        %add3A_442 = arith.constant 4 : i32
        %add3A_443 = arith.addi %mul3A_336, %add3A_442 : i32
        %jit3A_444 = arith.constant -1 : i32
        %broadcast_in_dim3A_445 = vector.broadcast %add3A_443 : i32 to vector<16xi32>
        %broadcast_in_dim3A_446 = vector.broadcast %jit3A_444 : i32 to vector<16xi32>
        %select_n3A_447 = arith.select %eq3A_434, %broadcast_in_dim3A_445, %broadcast_in_dim3A_446 : vector<16xi1>, vector<16xi32>
        %max3A_448 = arith.maxsi %max3A_425, %select_n3A_447 : vector<16xi32>
        %add3A_449 = arith.constant 5 : i32
        %add3A_450 = arith.addi %mul3A_336, %add3A_449 : i32
        %mul3A_451 = arith.constant 16 : i32
        %mul3A_452 = arith.muli %add3A_450, %mul3A_451 : i32
        %multiple_of3A_453 = tpu.assume_multiple %mul3A_452, 8 : i32
        %get3A_454 = arith.index_cast %multiple_of3A_453 : i32 to index
        %get3A_455 = tpu.vector_load %arg6[%get3A_454] {strides = array<i32>} : memref<768xf32, #tpu.memory_space<vmem>>, vector<16xf32>,
        %eq3A_456 = vector.broadcast %reduce_max3A_242 : f32 to vector<16xf32>
        %eq3A_457 = arith.cmpf oeq, %get3A_455, %eq3A_456 : vector<16xf32>
        %add3A_458 = arith.constant 5 : i32
        %add3A_459 = arith.addi %mul3A_336, %add3A_458 : i32
        %jit3A_460 = arith.constant 1073741824 : i32
        %broadcast_in_dim3A_461 = vector.broadcast %add3A_459 : i32 to vector<16xi32>
        %broadcast_in_dim3A_462 = vector.broadcast %jit3A_460 : i32 to vector<16xi32>
        %select_n3A_463 = arith.select %eq3A_457, %broadcast_in_dim3A_461, %broadcast_in_dim3A_462 : vector<16xi1>, vector<16xi32>
        %min3A_464 = arith.minsi %min3A_441, %select_n3A_463 : vector<16xi32>
        %add3A_465 = arith.constant 5 : i32
        %add3A_466 = arith.addi %mul3A_336, %add3A_465 : i32
        %jit3A_467 = arith.constant -1 : i32
        %broadcast_in_dim3A_468 = vector.broadcast %add3A_466 : i32 to vector<16xi32>
        %broadcast_in_dim3A_469 = vector.broadcast %jit3A_467 : i32 to vector<16xi32>
        %select_n3A_470 = arith.select %eq3A_457, %broadcast_in_dim3A_468, %broadcast_in_dim3A_469 : vector<16xi1>, vector<16xi32>
        %max3A_471 = arith.maxsi %max3A_448, %select_n3A_470 : vector<16xi32>
        %add3A_472 = arith.constant 6 : i32
        %add3A_473 = arith.addi %mul3A_336, %add3A_472 : i32
        %mul3A_474 = arith.constant 16 : i32
        %mul3A_475 = arith.muli %add3A_473, %mul3A_474 : i32
        %multiple_of3A_476 = tpu.assume_multiple %mul3A_475, 8 : i32
        %get3A_477 = arith.index_cast %multiple_of3A_476 : i32 to index
        %get3A_478 = tpu.vector_load %arg6[%get3A_477] {strides = array<i32>} : memref<768xf32, #tpu.memory_space<vmem>>, vector<16xf32>,
        %eq3A_479 = vector.broadcast %reduce_max3A_242 : f32 to vector<16xf32>
        %eq3A_480 = arith.cmpf oeq, %get3A_478, %eq3A_479 : vector<16xf32>
        %add3A_481 = arith.constant 6 : i32
        %add3A_482 = arith.addi %mul3A_336, %add3A_481 : i32
        %jit3A_483 = arith.constant 1073741824 : i32
        %broadcast_in_dim3A_484 = vector.broadcast %add3A_482 : i32 to vector<16xi32>
        %broadcast_in_dim3A_485 = vector.broadcast %jit3A_483 : i32 to vector<16xi32>
        %select_n3A_486 = arith.select %eq3A_480, %broadcast_in_dim3A_484, %broadcast_in_dim3A_485 : vector<16xi1>, vector<16xi32>
        %min3A_487 = arith.minsi %min3A_464, %select_n3A_486 : vector<16xi32>
        %add3A_488 = arith.constant 6 : i32
        %add3A_489 = arith.addi %mul3A_336, %add3A_488 : i32
        %jit3A_490 = arith.constant -1 : i32
        %broadcast_in_dim3A_491 = vector.broadcast %add3A_489 : i32 to vector<16xi32>
        %broadcast_in_dim3A_492 = vector.broadcast %jit3A_490 : i32 to vector<16xi32>
        %select_n3A_493 = arith.select %eq3A_480, %broadcast_in_dim3A_491, %broadcast_in_dim3A_492 : vector<16xi1>, vector<16xi32>
        %max3A_494 = arith.maxsi %max3A_471, %select_n3A_493 : vector<16xi32>
        %add3A_495 = arith.constant 7 : i32
        %add3A_496 = arith.addi %mul3A_336, %add3A_495 : i32
        %mul3A_497 = arith.constant 16 : i32
        %mul3A_498 = arith.muli %add3A_496, %mul3A_497 : i32
        %multiple_of3A_499 = tpu.assume_multiple %mul3A_498, 8 : i32
        %get3A_500 = arith.index_cast %multiple_of3A_499 : i32 to index
        %get3A_501 = tpu.vector_load %arg6[%get3A_500] {strides = array<i32>} : memref<768xf32, #tpu.memory_space<vmem>>, vector<16xf32>,
        %eq3A_502 = vector.broadcast %reduce_max3A_242 : f32 to vector<16xf32>
        %eq3A_503 = arith.cmpf oeq, %get3A_501, %eq3A_502 : vector<16xf32>
        %add3A_504 = arith.constant 7 : i32
        %add3A_505 = arith.addi %mul3A_336, %add3A_504 : i32
        %jit3A_506 = arith.constant 1073741824 : i32
        %broadcast_in_dim3A_507 = vector.broadcast %add3A_505 : i32 to vector<16xi32>
        %broadcast_in_dim3A_508 = vector.broadcast %jit3A_506 : i32 to vector<16xi32>
        %select_n3A_509 = arith.select %eq3A_503, %broadcast_in_dim3A_507, %broadcast_in_dim3A_508 : vector<16xi1>, vector<16xi32>
        %min3A_510 = arith.minsi %min3A_487, %select_n3A_509 : vector<16xi32>
        %add3A_511 = arith.constant 7 : i32
        %add3A_512 = arith.addi %mul3A_336, %add3A_511 : i32
        %jit3A_513 = arith.constant -1 : i32
        %broadcast_in_dim3A_514 = vector.broadcast %add3A_512 : i32 to vector<16xi32>
        %broadcast_in_dim3A_515 = vector.broadcast %jit3A_513 : i32 to vector<16xi32>
        %select_n3A_516 = arith.select %eq3A_503, %broadcast_in_dim3A_514, %broadcast_in_dim3A_515 : vector<16xi1>, vector<16xi32>
        %max3A_517 = arith.maxsi %max3A_494, %select_n3A_516 : vector<16xi32>
        scf.yield %min3A_510, %max3A_517 : vector<16xi32>, vector<16xi32>
      }
      %scan3A_250 = arith.constant 6 : i32
      %reduce_min3A_251 = arith.constant true
      %reduce_min3A_252 = vector.broadcast %reduce_min3A_251 : i1 to vector<16xi1>
      %reduce_min3A_253 = arith.constant -2147483648 : i32
      %reduce_min3A_254 = vector.broadcast %reduce_min3A_253 : i32 to vector<16xi32>
      %reduce_min3A_255 = arith.xori %scan3A_249#0, %reduce_min3A_254 : vector<16xi32>
      %reduce_min3A_256 = tpu.scan <min>, %reduce_min3A_255 masked %reduce_min3A_252 : vector<16xi32>, vector<16xi1> -> vector<16xi32>
      %reduce_min3A_257 = arith.xori %reduce_min3A_256, %reduce_min3A_254 : vector<16xi32>
      %reduce_min3A_258 = vector.extract %reduce_min3A_257[15] : i32 from vector<16xi32>
      %reduce_max3A_259 = arith.constant true
      %reduce_max3A_260 = vector.broadcast %reduce_max3A_259 : i1 to vector<16xi1>
      %reduce_max3A_261 = arith.constant -2147483648 : i32
      %reduce_max3A_262 = vector.broadcast %reduce_max3A_261 : i32 to vector<16xi32>
      %reduce_max3A_263 = arith.xori %scan3A_249#1, %reduce_max3A_262 : vector<16xi32>
      %reduce_max3A_264 = tpu.scan <max>, %reduce_max3A_263 masked %reduce_max3A_260 : vector<16xi32>, vector<16xi1> -> vector<16xi32>
      %reduce_max3A_265 = arith.xori %reduce_max3A_264, %reduce_max3A_262 : vector<16xi32>
      %reduce_max3A_266 = vector.extract %reduce_max3A_265[15] : i32 from vector<16xi32>
      %eq3A_267 = arith.cmpi eq, %reduce_max3A_266, %reduce_min3A_258 : i32
      %convert_element_type3A_268 = arith.extui %eq3A_267 : i1 to i32
      %cond3A_269 = arith.constant 0 : i32
      %cond3A_270 = arith.cmpi ne, %convert_element_type3A_268, %cond3A_269 : i32
      %cond3A_271 = scf.if %cond3A_270 -> (i32) {
        %mul3A_332 = arith.constant 2 : i32
        %mul3A_333 = arith.muli %reduce_min3A_258, %mul3A_332 : i32
        %add3A_334 = arith.constant 0 : i32
        %add3A_335 = arith.addi %mul3A_333, %add3A_334 : i32
        %get3A = arith.index_cast %add3A_335 : i32 to index
        %get3A_336 = arith.constant 0 : index
        %get3A_337 = tpu.vector_load %arg5[%get3A, %get3A_336] {strides = array<i32>} : memref<96x224xf32, #tpu.memory_space<vmem>>, vector<16xf32>,
        %add3A_338 = arith.constant 0 : i32
        %add3A_339 = vector.broadcast %add3A_338 : i32 to vector<16xi32>
        %add3A_340 = arith.addi %add3A_339, %iota3A_228 : vector<16xi32>
        %mul3A_341 = arith.constant 96 : i32
        %mul3A_342 = vector.broadcast %mul3A_341 : i32 to vector<16xi32>
        %mul3A_343 = arith.muli %add3A_340, %mul3A_342 : vector<16xi32>
        %add3A_344 = vector.broadcast %add3A_335 : i32 to vector<16xi32>
        %add3A_345 = arith.addi %mul3A_343, %add3A_344 : vector<16xi32>
        %eq3A_346 = vector.broadcast %reduce_max3A_242 : f32 to vector<16xf32>
        %eq3A_347 = arith.cmpf oeq, %get3A_337, %eq3A_346 : vector<16xf32>
        %jit3A_348 = arith.constant 1073741824 : i32
        %broadcast_in_dim3A_349 = vector.broadcast %jit3A_348 : i32 to vector<16xi32>
        %select_n3A_350 = arith.select %eq3A_347, %add3A_345, %broadcast_in_dim3A_349 : vector<16xi1>, vector<16xi32>
        %min3A = arith.minsi %broadcast_in_dim3A_230, %select_n3A_350 : vector<16xi32>
        %get3A_351 = arith.index_cast %add3A_335 : i32 to index
        %get3A_352 = arith.constant 16 : index
        %get3A_353 = tpu.vector_load %arg5[%get3A_351, %get3A_352] {strides = array<i32>} : memref<96x224xf32, #tpu.memory_space<vmem>>, vector<16xf32>,
        %add3A_354 = arith.constant 16 : i32
        %add3A_355 = vector.broadcast %add3A_354 : i32 to vector<16xi32>
        %add3A_356 = arith.addi %add3A_355, %iota3A_228 : vector<16xi32>
        %mul3A_357 = arith.constant 96 : i32
        %mul3A_358 = vector.broadcast %mul3A_357 : i32 to vector<16xi32>
        %mul3A_359 = arith.muli %add3A_356, %mul3A_358 : vector<16xi32>
        %add3A_360 = vector.broadcast %add3A_335 : i32 to vector<16xi32>
        %add3A_361 = arith.addi %mul3A_359, %add3A_360 : vector<16xi32>
        %eq3A_362 = vector.broadcast %reduce_max3A_242 : f32 to vector<16xf32>
        %eq3A_363 = arith.cmpf oeq, %get3A_353, %eq3A_362 : vector<16xf32>
        %jit3A_364 = arith.constant 1073741824 : i32
        %broadcast_in_dim3A_365 = vector.broadcast %jit3A_364 : i32 to vector<16xi32>
        %select_n3A_366 = arith.select %eq3A_363, %add3A_361, %broadcast_in_dim3A_365 : vector<16xi1>, vector<16xi32>
        %min3A_367 = arith.minsi %broadcast_in_dim3A_230, %select_n3A_366 : vector<16xi32>
        %get3A_368 = arith.index_cast %add3A_335 : i32 to index
        %get3A_369 = arith.constant 32 : index
        %get3A_370 = tpu.vector_load %arg5[%get3A_368, %get3A_369] {strides = array<i32>} : memref<96x224xf32, #tpu.memory_space<vmem>>, vector<16xf32>,
        %add3A_371 = arith.constant 32 : i32
        %add3A_372 = vector.broadcast %add3A_371 : i32 to vector<16xi32>
        %add3A_373 = arith.addi %add3A_372, %iota3A_228 : vector<16xi32>
        %mul3A_374 = arith.constant 96 : i32
        %mul3A_375 = vector.broadcast %mul3A_374 : i32 to vector<16xi32>
        %mul3A_376 = arith.muli %add3A_373, %mul3A_375 : vector<16xi32>
        %add3A_377 = vector.broadcast %add3A_335 : i32 to vector<16xi32>
        %add3A_378 = arith.addi %mul3A_376, %add3A_377 : vector<16xi32>
        %eq3A_379 = vector.broadcast %reduce_max3A_242 : f32 to vector<16xf32>
        %eq3A_380 = arith.cmpf oeq, %get3A_370, %eq3A_379 : vector<16xf32>
        %jit3A_381 = arith.constant 1073741824 : i32
        %broadcast_in_dim3A_382 = vector.broadcast %jit3A_381 : i32 to vector<16xi32>
        %select_n3A_383 = arith.select %eq3A_380, %add3A_378, %broadcast_in_dim3A_382 : vector<16xi1>, vector<16xi32>
        %min3A_384 = arith.minsi %min3A, %select_n3A_383 : vector<16xi32>
        %get3A_385 = arith.index_cast %add3A_335 : i32 to index
        %get3A_386 = arith.constant 48 : index
        %get3A_387 = tpu.vector_load %arg5[%get3A_385, %get3A_386] {strides = array<i32>} : memref<96x224xf32, #tpu.memory_space<vmem>>, vector<16xf32>,
        %add3A_388 = arith.constant 48 : i32
        %add3A_389 = vector.broadcast %add3A_388 : i32 to vector<16xi32>
        %add3A_390 = arith.addi %add3A_389, %iota3A_228 : vector<16xi32>
        %mul3A_391 = arith.constant 96 : i32
        %mul3A_392 = vector.broadcast %mul3A_391 : i32 to vector<16xi32>
        %mul3A_393 = arith.muli %add3A_390, %mul3A_392 : vector<16xi32>
        %add3A_394 = vector.broadcast %add3A_335 : i32 to vector<16xi32>
        %add3A_395 = arith.addi %mul3A_393, %add3A_394 : vector<16xi32>
        %eq3A_396 = vector.broadcast %reduce_max3A_242 : f32 to vector<16xf32>
        %eq3A_397 = arith.cmpf oeq, %get3A_387, %eq3A_396 : vector<16xf32>
        %jit3A_398 = arith.constant 1073741824 : i32
        %broadcast_in_dim3A_399 = vector.broadcast %jit3A_398 : i32 to vector<16xi32>
        %select_n3A_400 = arith.select %eq3A_397, %add3A_395, %broadcast_in_dim3A_399 : vector<16xi1>, vector<16xi32>
        %min3A_401 = arith.minsi %min3A_367, %select_n3A_400 : vector<16xi32>
        %get3A_402 = arith.index_cast %add3A_335 : i32 to index
        %get3A_403 = arith.constant 64 : index
        %get3A_404 = tpu.vector_load %arg5[%get3A_402, %get3A_403] {strides = array<i32>} : memref<96x224xf32, #tpu.memory_space<vmem>>, vector<16xf32>,
        %add3A_405 = arith.constant 64 : i32
        %add3A_406 = vector.broadcast %add3A_405 : i32 to vector<16xi32>
        %add3A_407 = arith.addi %add3A_406, %iota3A_228 : vector<16xi32>
        %mul3A_408 = arith.constant 96 : i32
        %mul3A_409 = vector.broadcast %mul3A_408 : i32 to vector<16xi32>
        %mul3A_410 = arith.muli %add3A_407, %mul3A_409 : vector<16xi32>
        %add3A_411 = vector.broadcast %add3A_335 : i32 to vector<16xi32>
        %add3A_412 = arith.addi %mul3A_410, %add3A_411 : vector<16xi32>
        %eq3A_413 = vector.broadcast %reduce_max3A_242 : f32 to vector<16xf32>
        %eq3A_414 = arith.cmpf oeq, %get3A_404, %eq3A_413 : vector<16xf32>
        %jit3A_415 = arith.constant 1073741824 : i32
        %broadcast_in_dim3A_416 = vector.broadcast %jit3A_415 : i32 to vector<16xi32>
        %select_n3A_417 = arith.select %eq3A_414, %add3A_412, %broadcast_in_dim3A_416 : vector<16xi1>, vector<16xi32>
        %min3A_418 = arith.minsi %min3A_384, %select_n3A_417 : vector<16xi32>
        %get3A_419 = arith.index_cast %add3A_335 : i32 to index
        %get3A_420 = arith.constant 80 : index
        %get3A_421 = tpu.vector_load %arg5[%get3A_419, %get3A_420] {strides = array<i32>} : memref<96x224xf32, #tpu.memory_space<vmem>>, vector<16xf32>,
        %add3A_422 = arith.constant 80 : i32
        %add3A_423 = vector.broadcast %add3A_422 : i32 to vector<16xi32>
        %add3A_424 = arith.addi %add3A_423, %iota3A_228 : vector<16xi32>
        %mul3A_425 = arith.constant 96 : i32
        %mul3A_426 = vector.broadcast %mul3A_425 : i32 to vector<16xi32>
        %mul3A_427 = arith.muli %add3A_424, %mul3A_426 : vector<16xi32>
        %add3A_428 = vector.broadcast %add3A_335 : i32 to vector<16xi32>
        %add3A_429 = arith.addi %mul3A_427, %add3A_428 : vector<16xi32>
        %eq3A_430 = vector.broadcast %reduce_max3A_242 : f32 to vector<16xf32>
        %eq3A_431 = arith.cmpf oeq, %get3A_421, %eq3A_430 : vector<16xf32>
        %jit3A_432 = arith.constant 1073741824 : i32
        %broadcast_in_dim3A_433 = vector.broadcast %jit3A_432 : i32 to vector<16xi32>
        %select_n3A_434 = arith.select %eq3A_431, %add3A_429, %broadcast_in_dim3A_433 : vector<16xi1>, vector<16xi32>
        %min3A_435 = arith.minsi %min3A_401, %select_n3A_434 : vector<16xi32>
        %get3A_436 = arith.index_cast %add3A_335 : i32 to index
        %get3A_437 = arith.constant 96 : index
        %get3A_438 = tpu.vector_load %arg5[%get3A_436, %get3A_437] {strides = array<i32>} : memref<96x224xf32, #tpu.memory_space<vmem>>, vector<16xf32>,
        %add3A_439 = arith.constant 96 : i32
        %add3A_440 = vector.broadcast %add3A_439 : i32 to vector<16xi32>
        %add3A_441 = arith.addi %add3A_440, %iota3A_228 : vector<16xi32>
        %mul3A_442 = arith.constant 96 : i32
        %mul3A_443 = vector.broadcast %mul3A_442 : i32 to vector<16xi32>
        %mul3A_444 = arith.muli %add3A_441, %mul3A_443 : vector<16xi32>
        %add3A_445 = vector.broadcast %add3A_335 : i32 to vector<16xi32>
        %add3A_446 = arith.addi %mul3A_444, %add3A_445 : vector<16xi32>
        %eq3A_447 = vector.broadcast %reduce_max3A_242 : f32 to vector<16xf32>
        %eq3A_448 = arith.cmpf oeq, %get3A_438, %eq3A_447 : vector<16xf32>
        %jit3A_449 = arith.constant 1073741824 : i32
        %broadcast_in_dim3A_450 = vector.broadcast %jit3A_449 : i32 to vector<16xi32>
        %select_n3A_451 = arith.select %eq3A_448, %add3A_446, %broadcast_in_dim3A_450 : vector<16xi1>, vector<16xi32>
        %min3A_452 = arith.minsi %min3A_418, %select_n3A_451 : vector<16xi32>
        %get3A_453 = arith.index_cast %add3A_335 : i32 to index
        %get3A_454 = arith.constant 112 : index
        %get3A_455 = tpu.vector_load %arg5[%get3A_453, %get3A_454] {strides = array<i32>} : memref<96x224xf32, #tpu.memory_space<vmem>>, vector<16xf32>,
        %add3A_456 = arith.constant 112 : i32
        %add3A_457 = vector.broadcast %add3A_456 : i32 to vector<16xi32>
        %add3A_458 = arith.addi %add3A_457, %iota3A_228 : vector<16xi32>
        %mul3A_459 = arith.constant 96 : i32
        %mul3A_460 = vector.broadcast %mul3A_459 : i32 to vector<16xi32>
        %mul3A_461 = arith.muli %add3A_458, %mul3A_460 : vector<16xi32>
        %add3A_462 = vector.broadcast %add3A_335 : i32 to vector<16xi32>
        %add3A_463 = arith.addi %mul3A_461, %add3A_462 : vector<16xi32>
        %eq3A_464 = vector.broadcast %reduce_max3A_242 : f32 to vector<16xf32>
        %eq3A_465 = arith.cmpf oeq, %get3A_455, %eq3A_464 : vector<16xf32>
        %jit3A_466 = arith.constant 1073741824 : i32
        %broadcast_in_dim3A_467 = vector.broadcast %jit3A_466 : i32 to vector<16xi32>
        %select_n3A_468 = arith.select %eq3A_465, %add3A_463, %broadcast_in_dim3A_467 : vector<16xi1>, vector<16xi32>
        %min3A_469 = arith.minsi %min3A_435, %select_n3A_468 : vector<16xi32>
        %get3A_470 = arith.index_cast %add3A_335 : i32 to index
        %get3A_471 = arith.constant 128 : index
        %get3A_472 = tpu.vector_load %arg5[%get3A_470, %get3A_471] {strides = array<i32>} : memref<96x224xf32, #tpu.memory_space<vmem>>, vector<16xf32>,
        %add3A_473 = arith.constant 128 : i32
        %add3A_474 = vector.broadcast %add3A_473 : i32 to vector<16xi32>
        %add3A_475 = arith.addi %add3A_474, %iota3A_228 : vector<16xi32>
        %mul3A_476 = arith.constant 96 : i32
        %mul3A_477 = vector.broadcast %mul3A_476 : i32 to vector<16xi32>
        %mul3A_478 = arith.muli %add3A_475, %mul3A_477 : vector<16xi32>
        %add3A_479 = vector.broadcast %add3A_335 : i32 to vector<16xi32>
        %add3A_480 = arith.addi %mul3A_478, %add3A_479 : vector<16xi32>
        %eq3A_481 = vector.broadcast %reduce_max3A_242 : f32 to vector<16xf32>
        %eq3A_482 = arith.cmpf oeq, %get3A_472, %eq3A_481 : vector<16xf32>
        %jit3A_483 = arith.constant 1073741824 : i32
        %broadcast_in_dim3A_484 = vector.broadcast %jit3A_483 : i32 to vector<16xi32>
        %select_n3A_485 = arith.select %eq3A_482, %add3A_480, %broadcast_in_dim3A_484 : vector<16xi1>, vector<16xi32>
        %min3A_486 = arith.minsi %min3A_452, %select_n3A_485 : vector<16xi32>
        %get3A_487 = arith.index_cast %add3A_335 : i32 to index
        %get3A_488 = arith.constant 144 : index
        %get3A_489 = tpu.vector_load %arg5[%get3A_487, %get3A_488] {strides = array<i32>} : memref<96x224xf32, #tpu.memory_space<vmem>>, vector<16xf32>,
        %add3A_490 = arith.constant 144 : i32
        %add3A_491 = vector.broadcast %add3A_490 : i32 to vector<16xi32>
        %add3A_492 = arith.addi %add3A_491, %iota3A_228 : vector<16xi32>
        %mul3A_493 = arith.constant 96 : i32
        %mul3A_494 = vector.broadcast %mul3A_493 : i32 to vector<16xi32>
        %mul3A_495 = arith.muli %add3A_492, %mul3A_494 : vector<16xi32>
        %add3A_496 = vector.broadcast %add3A_335 : i32 to vector<16xi32>
        %add3A_497 = arith.addi %mul3A_495, %add3A_496 : vector<16xi32>
        %eq3A_498 = vector.broadcast %reduce_max3A_242 : f32 to vector<16xf32>
        %eq3A_499 = arith.cmpf oeq, %get3A_489, %eq3A_498 : vector<16xf32>
        %jit3A_500 = arith.constant 1073741824 : i32
        %broadcast_in_dim3A_501 = vector.broadcast %jit3A_500 : i32 to vector<16xi32>
        %select_n3A_502 = arith.select %eq3A_499, %add3A_497, %broadcast_in_dim3A_501 : vector<16xi1>, vector<16xi32>
        %min3A_503 = arith.minsi %min3A_469, %select_n3A_502 : vector<16xi32>
        %get3A_504 = arith.index_cast %add3A_335 : i32 to index
        %get3A_505 = arith.constant 160 : index
        %get3A_506 = tpu.vector_load %arg5[%get3A_504, %get3A_505] {strides = array<i32>} : memref<96x224xf32, #tpu.memory_space<vmem>>, vector<16xf32>,
        %add3A_507 = arith.constant 160 : i32
        %add3A_508 = vector.broadcast %add3A_507 : i32 to vector<16xi32>
        %add3A_509 = arith.addi %add3A_508, %iota3A_228 : vector<16xi32>
        %mul3A_510 = arith.constant 96 : i32
        %mul3A_511 = vector.broadcast %mul3A_510 : i32 to vector<16xi32>
        %mul3A_512 = arith.muli %add3A_509, %mul3A_511 : vector<16xi32>
        %add3A_513 = vector.broadcast %add3A_335 : i32 to vector<16xi32>
        %add3A_514 = arith.addi %mul3A_512, %add3A_513 : vector<16xi32>
        %eq3A_515 = vector.broadcast %reduce_max3A_242 : f32 to vector<16xf32>
        %eq3A_516 = arith.cmpf oeq, %get3A_506, %eq3A_515 : vector<16xf32>
        %jit3A_517 = arith.constant 1073741824 : i32
        %broadcast_in_dim3A_518 = vector.broadcast %jit3A_517 : i32 to vector<16xi32>
        %select_n3A_519 = arith.select %eq3A_516, %add3A_514, %broadcast_in_dim3A_518 : vector<16xi1>, vector<16xi32>
        %min3A_520 = arith.minsi %min3A_486, %select_n3A_519 : vector<16xi32>
        %get3A_521 = arith.index_cast %add3A_335 : i32 to index
        %get3A_522 = arith.constant 176 : index
        %get3A_523 = tpu.vector_load %arg5[%get3A_521, %get3A_522] {strides = array<i32>} : memref<96x224xf32, #tpu.memory_space<vmem>>, vector<16xf32>,
        %add3A_524 = arith.constant 176 : i32
        %add3A_525 = vector.broadcast %add3A_524 : i32 to vector<16xi32>
        %add3A_526 = arith.addi %add3A_525, %iota3A_228 : vector<16xi32>
        %mul3A_527 = arith.constant 96 : i32
        %mul3A_528 = vector.broadcast %mul3A_527 : i32 to vector<16xi32>
        %mul3A_529 = arith.muli %add3A_526, %mul3A_528 : vector<16xi32>
        %add3A_530 = vector.broadcast %add3A_335 : i32 to vector<16xi32>
        %add3A_531 = arith.addi %mul3A_529, %add3A_530 : vector<16xi32>
        %eq3A_532 = vector.broadcast %reduce_max3A_242 : f32 to vector<16xf32>
        %eq3A_533 = arith.cmpf oeq, %get3A_523, %eq3A_532 : vector<16xf32>
        %jit3A_534 = arith.constant 1073741824 : i32
        %broadcast_in_dim3A_535 = vector.broadcast %jit3A_534 : i32 to vector<16xi32>
        %select_n3A_536 = arith.select %eq3A_533, %add3A_531, %broadcast_in_dim3A_535 : vector<16xi1>, vector<16xi32>
        %min3A_537 = arith.minsi %min3A_503, %select_n3A_536 : vector<16xi32>
        %get3A_538 = arith.index_cast %add3A_335 : i32 to index
        %get3A_539 = arith.constant 192 : index
        %get3A_540 = tpu.vector_load %arg5[%get3A_538, %get3A_539] {strides = array<i32>} : memref<96x224xf32, #tpu.memory_space<vmem>>, vector<16xf32>,
        %add3A_541 = arith.constant 192 : i32
        %add3A_542 = vector.broadcast %add3A_541 : i32 to vector<16xi32>
        %add3A_543 = arith.addi %add3A_542, %iota3A_228 : vector<16xi32>
        %mul3A_544 = arith.constant 96 : i32
        %mul3A_545 = vector.broadcast %mul3A_544 : i32 to vector<16xi32>
        %mul3A_546 = arith.muli %add3A_543, %mul3A_545 : vector<16xi32>
        %add3A_547 = vector.broadcast %add3A_335 : i32 to vector<16xi32>
        %add3A_548 = arith.addi %mul3A_546, %add3A_547 : vector<16xi32>
        %eq3A_549 = vector.broadcast %reduce_max3A_242 : f32 to vector<16xf32>
        %eq3A_550 = arith.cmpf oeq, %get3A_540, %eq3A_549 : vector<16xf32>
        %jit3A_551 = arith.constant 1073741824 : i32
        %broadcast_in_dim3A_552 = vector.broadcast %jit3A_551 : i32 to vector<16xi32>
        %select_n3A_553 = arith.select %eq3A_550, %add3A_548, %broadcast_in_dim3A_552 : vector<16xi1>, vector<16xi32>
        %min3A_554 = arith.minsi %min3A_520, %select_n3A_553 : vector<16xi32>
        %get3A_555 = arith.index_cast %add3A_335 : i32 to index
        %get3A_556 = arith.constant 208 : index
        %get3A_557 = tpu.vector_load %arg5[%get3A_555, %get3A_556] {strides = array<i32>} : memref<96x224xf32, #tpu.memory_space<vmem>>, vector<16xf32>,
        %add3A_558 = arith.constant 208 : i32
        %add3A_559 = vector.broadcast %add3A_558 : i32 to vector<16xi32>
        %add3A_560 = arith.addi %add3A_559, %iota3A_228 : vector<16xi32>
        %mul3A_561 = arith.constant 96 : i32
        %mul3A_562 = vector.broadcast %mul3A_561 : i32 to vector<16xi32>
        %mul3A_563 = arith.muli %add3A_560, %mul3A_562 : vector<16xi32>
        %add3A_564 = vector.broadcast %add3A_335 : i32 to vector<16xi32>
        %add3A_565 = arith.addi %mul3A_563, %add3A_564 : vector<16xi32>
        %eq3A_566 = vector.broadcast %reduce_max3A_242 : f32 to vector<16xf32>
        %eq3A_567 = arith.cmpf oeq, %get3A_557, %eq3A_566 : vector<16xf32>
        %jit3A_568 = arith.constant 1073741824 : i32
        %broadcast_in_dim3A_569 = vector.broadcast %jit3A_568 : i32 to vector<16xi32>
        %select_n3A_570 = arith.select %eq3A_567, %add3A_565, %broadcast_in_dim3A_569 : vector<16xi1>, vector<16xi32>
        %min3A_571 = arith.minsi %min3A_537, %select_n3A_570 : vector<16xi32>
        %mul3A_572 = arith.constant 2 : i32
        %mul3A_573 = arith.muli %reduce_min3A_258, %mul3A_572 : i32
        %add3A_574 = arith.constant 1 : i32
        %add3A_575 = arith.addi %mul3A_573, %add3A_574 : i32
        %get3A_576 = arith.index_cast %add3A_575 : i32 to index
        %get3A_577 = arith.constant 0 : index
        %get3A_578 = tpu.vector_load %arg5[%get3A_576, %get3A_577] {strides = array<i32>} : memref<96x224xf32, #tpu.memory_space<vmem>>, vector<16xf32>,
        %add3A_579 = arith.constant 0 : i32
        %add3A_580 = vector.broadcast %add3A_579 : i32 to vector<16xi32>
        %add3A_581 = arith.addi %add3A_580, %iota3A_228 : vector<16xi32>
        %mul3A_582 = arith.constant 96 : i32
        %mul3A_583 = vector.broadcast %mul3A_582 : i32 to vector<16xi32>
        %mul3A_584 = arith.muli %add3A_581, %mul3A_583 : vector<16xi32>
        %add3A_585 = vector.broadcast %add3A_575 : i32 to vector<16xi32>
        %add3A_586 = arith.addi %mul3A_584, %add3A_585 : vector<16xi32>
        %eq3A_587 = vector.broadcast %reduce_max3A_242 : f32 to vector<16xf32>
        %eq3A_588 = arith.cmpf oeq, %get3A_578, %eq3A_587 : vector<16xf32>
        %jit3A_589 = arith.constant 1073741824 : i32
        %broadcast_in_dim3A_590 = vector.broadcast %jit3A_589 : i32 to vector<16xi32>
        %select_n3A_591 = arith.select %eq3A_588, %add3A_586, %broadcast_in_dim3A_590 : vector<16xi1>, vector<16xi32>
        %min3A_592 = arith.minsi %min3A_554, %select_n3A_591 : vector<16xi32>
        %get3A_593 = arith.index_cast %add3A_575 : i32 to index
        %get3A_594 = arith.constant 16 : index
        %get3A_595 = tpu.vector_load %arg5[%get3A_593, %get3A_594] {strides = array<i32>} : memref<96x224xf32, #tpu.memory_space<vmem>>, vector<16xf32>,
        %add3A_596 = arith.constant 16 : i32
        %add3A_597 = vector.broadcast %add3A_596 : i32 to vector<16xi32>
        %add3A_598 = arith.addi %add3A_597, %iota3A_228 : vector<16xi32>
        %mul3A_599 = arith.constant 96 : i32
        %mul3A_600 = vector.broadcast %mul3A_599 : i32 to vector<16xi32>
        %mul3A_601 = arith.muli %add3A_598, %mul3A_600 : vector<16xi32>
        %add3A_602 = vector.broadcast %add3A_575 : i32 to vector<16xi32>
        %add3A_603 = arith.addi %mul3A_601, %add3A_602 : vector<16xi32>
        %eq3A_604 = vector.broadcast %reduce_max3A_242 : f32 to vector<16xf32>
        %eq3A_605 = arith.cmpf oeq, %get3A_595, %eq3A_604 : vector<16xf32>
        %jit3A_606 = arith.constant 1073741824 : i32
        %broadcast_in_dim3A_607 = vector.broadcast %jit3A_606 : i32 to vector<16xi32>
        %select_n3A_608 = arith.select %eq3A_605, %add3A_603, %broadcast_in_dim3A_607 : vector<16xi1>, vector<16xi32>
        %min3A_609 = arith.minsi %min3A_571, %select_n3A_608 : vector<16xi32>
        %get3A_610 = arith.index_cast %add3A_575 : i32 to index
        %get3A_611 = arith.constant 32 : index
        %get3A_612 = tpu.vector_load %arg5[%get3A_610, %get3A_611] {strides = array<i32>} : memref<96x224xf32, #tpu.memory_space<vmem>>, vector<16xf32>,
        %add3A_613 = arith.constant 32 : i32
        %add3A_614 = vector.broadcast %add3A_613 : i32 to vector<16xi32>
        %add3A_615 = arith.addi %add3A_614, %iota3A_228 : vector<16xi32>
        %mul3A_616 = arith.constant 96 : i32
        %mul3A_617 = vector.broadcast %mul3A_616 : i32 to vector<16xi32>
        %mul3A_618 = arith.muli %add3A_615, %mul3A_617 : vector<16xi32>
        %add3A_619 = vector.broadcast %add3A_575 : i32 to vector<16xi32>
        %add3A_620 = arith.addi %mul3A_618, %add3A_619 : vector<16xi32>
        %eq3A_621 = vector.broadcast %reduce_max3A_242 : f32 to vector<16xf32>
        %eq3A_622 = arith.cmpf oeq, %get3A_612, %eq3A_621 : vector<16xf32>
        %jit3A_623 = arith.constant 1073741824 : i32
        %broadcast_in_dim3A_624 = vector.broadcast %jit3A_623 : i32 to vector<16xi32>
        %select_n3A_625 = arith.select %eq3A_622, %add3A_620, %broadcast_in_dim3A_624 : vector<16xi1>, vector<16xi32>
        %min3A_626 = arith.minsi %min3A_592, %select_n3A_625 : vector<16xi32>
        %get3A_627 = arith.index_cast %add3A_575 : i32 to index
        %get3A_628 = arith.constant 48 : index
        %get3A_629 = tpu.vector_load %arg5[%get3A_627, %get3A_628] {strides = array<i32>} : memref<96x224xf32, #tpu.memory_space<vmem>>, vector<16xf32>,
        %add3A_630 = arith.constant 48 : i32
        %add3A_631 = vector.broadcast %add3A_630 : i32 to vector<16xi32>
        %add3A_632 = arith.addi %add3A_631, %iota3A_228 : vector<16xi32>
        %mul3A_633 = arith.constant 96 : i32
        %mul3A_634 = vector.broadcast %mul3A_633 : i32 to vector<16xi32>
        %mul3A_635 = arith.muli %add3A_632, %mul3A_634 : vector<16xi32>
        %add3A_636 = vector.broadcast %add3A_575 : i32 to vector<16xi32>
        %add3A_637 = arith.addi %mul3A_635, %add3A_636 : vector<16xi32>
        %eq3A_638 = vector.broadcast %reduce_max3A_242 : f32 to vector<16xf32>
        %eq3A_639 = arith.cmpf oeq, %get3A_629, %eq3A_638 : vector<16xf32>
        %jit3A_640 = arith.constant 1073741824 : i32
        %broadcast_in_dim3A_641 = vector.broadcast %jit3A_640 : i32 to vector<16xi32>
        %select_n3A_642 = arith.select %eq3A_639, %add3A_637, %broadcast_in_dim3A_641 : vector<16xi1>, vector<16xi32>
        %min3A_643 = arith.minsi %min3A_609, %select_n3A_642 : vector<16xi32>
        %get3A_644 = arith.index_cast %add3A_575 : i32 to index
        %get3A_645 = arith.constant 64 : index
        %get3A_646 = tpu.vector_load %arg5[%get3A_644, %get3A_645] {strides = array<i32>} : memref<96x224xf32, #tpu.memory_space<vmem>>, vector<16xf32>,
        %add3A_647 = arith.constant 64 : i32
        %add3A_648 = vector.broadcast %add3A_647 : i32 to vector<16xi32>
        %add3A_649 = arith.addi %add3A_648, %iota3A_228 : vector<16xi32>
        %mul3A_650 = arith.constant 96 : i32
        %mul3A_651 = vector.broadcast %mul3A_650 : i32 to vector<16xi32>
        %mul3A_652 = arith.muli %add3A_649, %mul3A_651 : vector<16xi32>
        %add3A_653 = vector.broadcast %add3A_575 : i32 to vector<16xi32>
        %add3A_654 = arith.addi %mul3A_652, %add3A_653 : vector<16xi32>
        %eq3A_655 = vector.broadcast %reduce_max3A_242 : f32 to vector<16xf32>
        %eq3A_656 = arith.cmpf oeq, %get3A_646, %eq3A_655 : vector<16xf32>
        %jit3A_657 = arith.constant 1073741824 : i32
        %broadcast_in_dim3A_658 = vector.broadcast %jit3A_657 : i32 to vector<16xi32>
        %select_n3A_659 = arith.select %eq3A_656, %add3A_654, %broadcast_in_dim3A_658 : vector<16xi1>, vector<16xi32>
        %min3A_660 = arith.minsi %min3A_626, %select_n3A_659 : vector<16xi32>
        %get3A_661 = arith.index_cast %add3A_575 : i32 to index
        %get3A_662 = arith.constant 80 : index
        %get3A_663 = tpu.vector_load %arg5[%get3A_661, %get3A_662] {strides = array<i32>} : memref<96x224xf32, #tpu.memory_space<vmem>>, vector<16xf32>,
        %add3A_664 = arith.constant 80 : i32
        %add3A_665 = vector.broadcast %add3A_664 : i32 to vector<16xi32>
        %add3A_666 = arith.addi %add3A_665, %iota3A_228 : vector<16xi32>
        %mul3A_667 = arith.constant 96 : i32
        %mul3A_668 = vector.broadcast %mul3A_667 : i32 to vector<16xi32>
        %mul3A_669 = arith.muli %add3A_666, %mul3A_668 : vector<16xi32>
        %add3A_670 = vector.broadcast %add3A_575 : i32 to vector<16xi32>
        %add3A_671 = arith.addi %mul3A_669, %add3A_670 : vector<16xi32>
        %eq3A_672 = vector.broadcast %reduce_max3A_242 : f32 to vector<16xf32>
        %eq3A_673 = arith.cmpf oeq, %get3A_663, %eq3A_672 : vector<16xf32>
        %jit3A_674 = arith.constant 1073741824 : i32
        %broadcast_in_dim3A_675 = vector.broadcast %jit3A_674 : i32 to vector<16xi32>
        %select_n3A_676 = arith.select %eq3A_673, %add3A_671, %broadcast_in_dim3A_675 : vector<16xi1>, vector<16xi32>
        %min3A_677 = arith.minsi %min3A_643, %select_n3A_676 : vector<16xi32>
        %get3A_678 = arith.index_cast %add3A_575 : i32 to index
        %get3A_679 = arith.constant 96 : index
        %get3A_680 = tpu.vector_load %arg5[%get3A_678, %get3A_679] {strides = array<i32>} : memref<96x224xf32, #tpu.memory_space<vmem>>, vector<16xf32>,
        %add3A_681 = arith.constant 96 : i32
        %add3A_682 = vector.broadcast %add3A_681 : i32 to vector<16xi32>
        %add3A_683 = arith.addi %add3A_682, %iota3A_228 : vector<16xi32>
        %mul3A_684 = arith.constant 96 : i32
        %mul3A_685 = vector.broadcast %mul3A_684 : i32 to vector<16xi32>
        %mul3A_686 = arith.muli %add3A_683, %mul3A_685 : vector<16xi32>
        %add3A_687 = vector.broadcast %add3A_575 : i32 to vector<16xi32>
        %add3A_688 = arith.addi %mul3A_686, %add3A_687 : vector<16xi32>
        %eq3A_689 = vector.broadcast %reduce_max3A_242 : f32 to vector<16xf32>
        %eq3A_690 = arith.cmpf oeq, %get3A_680, %eq3A_689 : vector<16xf32>
        %jit3A_691 = arith.constant 1073741824 : i32
        %broadcast_in_dim3A_692 = vector.broadcast %jit3A_691 : i32 to vector<16xi32>
        %select_n3A_693 = arith.select %eq3A_690, %add3A_688, %broadcast_in_dim3A_692 : vector<16xi1>, vector<16xi32>
        %min3A_694 = arith.minsi %min3A_660, %select_n3A_693 : vector<16xi32>
        %get3A_695 = arith.index_cast %add3A_575 : i32 to index
        %get3A_696 = arith.constant 112 : index
        %get3A_697 = tpu.vector_load %arg5[%get3A_695, %get3A_696] {strides = array<i32>} : memref<96x224xf32, #tpu.memory_space<vmem>>, vector<16xf32>,
        %add3A_698 = arith.constant 112 : i32
        %add3A_699 = vector.broadcast %add3A_698 : i32 to vector<16xi32>
        %add3A_700 = arith.addi %add3A_699, %iota3A_228 : vector<16xi32>
        %mul3A_701 = arith.constant 96 : i32
        %mul3A_702 = vector.broadcast %mul3A_701 : i32 to vector<16xi32>
        %mul3A_703 = arith.muli %add3A_700, %mul3A_702 : vector<16xi32>
        %add3A_704 = vector.broadcast %add3A_575 : i32 to vector<16xi32>
        %add3A_705 = arith.addi %mul3A_703, %add3A_704 : vector<16xi32>
        %eq3A_706 = vector.broadcast %reduce_max3A_242 : f32 to vector<16xf32>
        %eq3A_707 = arith.cmpf oeq, %get3A_697, %eq3A_706 : vector<16xf32>
        %jit3A_708 = arith.constant 1073741824 : i32
        %broadcast_in_dim3A_709 = vector.broadcast %jit3A_708 : i32 to vector<16xi32>
        %select_n3A_710 = arith.select %eq3A_707, %add3A_705, %broadcast_in_dim3A_709 : vector<16xi1>, vector<16xi32>
        %min3A_711 = arith.minsi %min3A_677, %select_n3A_710 : vector<16xi32>
        %get3A_712 = arith.index_cast %add3A_575 : i32 to index
        %get3A_713 = arith.constant 128 : index
        %get3A_714 = tpu.vector_load %arg5[%get3A_712, %get3A_713] {strides = array<i32>} : memref<96x224xf32, #tpu.memory_space<vmem>>, vector<16xf32>,
        %add3A_715 = arith.constant 128 : i32
        %add3A_716 = vector.broadcast %add3A_715 : i32 to vector<16xi32>
        %add3A_717 = arith.addi %add3A_716, %iota3A_228 : vector<16xi32>
        %mul3A_718 = arith.constant 96 : i32
        %mul3A_719 = vector.broadcast %mul3A_718 : i32 to vector<16xi32>
        %mul3A_720 = arith.muli %add3A_717, %mul3A_719 : vector<16xi32>
        %add3A_721 = vector.broadcast %add3A_575 : i32 to vector<16xi32>
        %add3A_722 = arith.addi %mul3A_720, %add3A_721 : vector<16xi32>
        %eq3A_723 = vector.broadcast %reduce_max3A_242 : f32 to vector<16xf32>
        %eq3A_724 = arith.cmpf oeq, %get3A_714, %eq3A_723 : vector<16xf32>
        %jit3A_725 = arith.constant 1073741824 : i32
        %broadcast_in_dim3A_726 = vector.broadcast %jit3A_725 : i32 to vector<16xi32>
        %select_n3A_727 = arith.select %eq3A_724, %add3A_722, %broadcast_in_dim3A_726 : vector<16xi1>, vector<16xi32>
        %min3A_728 = arith.minsi %min3A_694, %select_n3A_727 : vector<16xi32>
        %get3A_729 = arith.index_cast %add3A_575 : i32 to index
        %get3A_730 = arith.constant 144 : index
        %get3A_731 = tpu.vector_load %arg5[%get3A_729, %get3A_730] {strides = array<i32>} : memref<96x224xf32, #tpu.memory_space<vmem>>, vector<16xf32>,
        %add3A_732 = arith.constant 144 : i32
        %add3A_733 = vector.broadcast %add3A_732 : i32 to vector<16xi32>
        %add3A_734 = arith.addi %add3A_733, %iota3A_228 : vector<16xi32>
        %mul3A_735 = arith.constant 96 : i32
        %mul3A_736 = vector.broadcast %mul3A_735 : i32 to vector<16xi32>
        %mul3A_737 = arith.muli %add3A_734, %mul3A_736 : vector<16xi32>
        %add3A_738 = vector.broadcast %add3A_575 : i32 to vector<16xi32>
        %add3A_739 = arith.addi %mul3A_737, %add3A_738 : vector<16xi32>
        %eq3A_740 = vector.broadcast %reduce_max3A_242 : f32 to vector<16xf32>
        %eq3A_741 = arith.cmpf oeq, %get3A_731, %eq3A_740 : vector<16xf32>
        %jit3A_742 = arith.constant 1073741824 : i32
        %broadcast_in_dim3A_743 = vector.broadcast %jit3A_742 : i32 to vector<16xi32>
        %select_n3A_744 = arith.select %eq3A_741, %add3A_739, %broadcast_in_dim3A_743 : vector<16xi1>, vector<16xi32>
        %min3A_745 = arith.minsi %min3A_711, %select_n3A_744 : vector<16xi32>
        %get3A_746 = arith.index_cast %add3A_575 : i32 to index
        %get3A_747 = arith.constant 160 : index
        %get3A_748 = tpu.vector_load %arg5[%get3A_746, %get3A_747] {strides = array<i32>} : memref<96x224xf32, #tpu.memory_space<vmem>>, vector<16xf32>,
        %add3A_749 = arith.constant 160 : i32
        %add3A_750 = vector.broadcast %add3A_749 : i32 to vector<16xi32>
        %add3A_751 = arith.addi %add3A_750, %iota3A_228 : vector<16xi32>
        %mul3A_752 = arith.constant 96 : i32
        %mul3A_753 = vector.broadcast %mul3A_752 : i32 to vector<16xi32>
        %mul3A_754 = arith.muli %add3A_751, %mul3A_753 : vector<16xi32>
        %add3A_755 = vector.broadcast %add3A_575 : i32 to vector<16xi32>
        %add3A_756 = arith.addi %mul3A_754, %add3A_755 : vector<16xi32>
        %eq3A_757 = vector.broadcast %reduce_max3A_242 : f32 to vector<16xf32>
        %eq3A_758 = arith.cmpf oeq, %get3A_748, %eq3A_757 : vector<16xf32>
        %jit3A_759 = arith.constant 1073741824 : i32
        %broadcast_in_dim3A_760 = vector.broadcast %jit3A_759 : i32 to vector<16xi32>
        %select_n3A_761 = arith.select %eq3A_758, %add3A_756, %broadcast_in_dim3A_760 : vector<16xi1>, vector<16xi32>
        %min3A_762 = arith.minsi %min3A_728, %select_n3A_761 : vector<16xi32>
        %get3A_763 = arith.index_cast %add3A_575 : i32 to index
        %get3A_764 = arith.constant 176 : index
        %get3A_765 = tpu.vector_load %arg5[%get3A_763, %get3A_764] {strides = array<i32>} : memref<96x224xf32, #tpu.memory_space<vmem>>, vector<16xf32>,
        %add3A_766 = arith.constant 176 : i32
        %add3A_767 = vector.broadcast %add3A_766 : i32 to vector<16xi32>
        %add3A_768 = arith.addi %add3A_767, %iota3A_228 : vector<16xi32>
        %mul3A_769 = arith.constant 96 : i32
        %mul3A_770 = vector.broadcast %mul3A_769 : i32 to vector<16xi32>
        %mul3A_771 = arith.muli %add3A_768, %mul3A_770 : vector<16xi32>
        %add3A_772 = vector.broadcast %add3A_575 : i32 to vector<16xi32>
        %add3A_773 = arith.addi %mul3A_771, %add3A_772 : vector<16xi32>
        %eq3A_774 = vector.broadcast %reduce_max3A_242 : f32 to vector<16xf32>
        %eq3A_775 = arith.cmpf oeq, %get3A_765, %eq3A_774 : vector<16xf32>
        %jit3A_776 = arith.constant 1073741824 : i32
        %broadcast_in_dim3A_777 = vector.broadcast %jit3A_776 : i32 to vector<16xi32>
        %select_n3A_778 = arith.select %eq3A_775, %add3A_773, %broadcast_in_dim3A_777 : vector<16xi1>, vector<16xi32>
        %min3A_779 = arith.minsi %min3A_745, %select_n3A_778 : vector<16xi32>
        %get3A_780 = arith.index_cast %add3A_575 : i32 to index
        %get3A_781 = arith.constant 192 : index
        %get3A_782 = tpu.vector_load %arg5[%get3A_780, %get3A_781] {strides = array<i32>} : memref<96x224xf32, #tpu.memory_space<vmem>>, vector<16xf32>,
        %add3A_783 = arith.constant 192 : i32
        %add3A_784 = vector.broadcast %add3A_783 : i32 to vector<16xi32>
        %add3A_785 = arith.addi %add3A_784, %iota3A_228 : vector<16xi32>
        %mul3A_786 = arith.constant 96 : i32
        %mul3A_787 = vector.broadcast %mul3A_786 : i32 to vector<16xi32>
        %mul3A_788 = arith.muli %add3A_785, %mul3A_787 : vector<16xi32>
        %add3A_789 = vector.broadcast %add3A_575 : i32 to vector<16xi32>
        %add3A_790 = arith.addi %mul3A_788, %add3A_789 : vector<16xi32>
        %eq3A_791 = vector.broadcast %reduce_max3A_242 : f32 to vector<16xf32>
        %eq3A_792 = arith.cmpf oeq, %get3A_782, %eq3A_791 : vector<16xf32>
        %jit3A_793 = arith.constant 1073741824 : i32
        %broadcast_in_dim3A_794 = vector.broadcast %jit3A_793 : i32 to vector<16xi32>
        %select_n3A_795 = arith.select %eq3A_792, %add3A_790, %broadcast_in_dim3A_794 : vector<16xi1>, vector<16xi32>
        %min3A_796 = arith.minsi %min3A_762, %select_n3A_795 : vector<16xi32>
        %get3A_797 = arith.index_cast %add3A_575 : i32 to index
        %get3A_798 = arith.constant 208 : index
        %get3A_799 = tpu.vector_load %arg5[%get3A_797, %get3A_798] {strides = array<i32>} : memref<96x224xf32, #tpu.memory_space<vmem>>, vector<16xf32>,
        %add3A_800 = arith.constant 208 : i32
        %add3A_801 = vector.broadcast %add3A_800 : i32 to vector<16xi32>
        %add3A_802 = arith.addi %add3A_801, %iota3A_228 : vector<16xi32>
        %mul3A_803 = arith.constant 96 : i32
        %mul3A_804 = vector.broadcast %mul3A_803 : i32 to vector<16xi32>
        %mul3A_805 = arith.muli %add3A_802, %mul3A_804 : vector<16xi32>
        %add3A_806 = vector.broadcast %add3A_575 : i32 to vector<16xi32>
        %add3A_807 = arith.addi %mul3A_805, %add3A_806 : vector<16xi32>
        %eq3A_808 = vector.broadcast %reduce_max3A_242 : f32 to vector<16xf32>
        %eq3A_809 = arith.cmpf oeq, %get3A_799, %eq3A_808 : vector<16xf32>
        %jit3A_810 = arith.constant 1073741824 : i32
        %broadcast_in_dim3A_811 = vector.broadcast %jit3A_810 : i32 to vector<16xi32>
        %select_n3A_812 = arith.select %eq3A_809, %add3A_807, %broadcast_in_dim3A_811 : vector<16xi1>, vector<16xi32>
        %min3A_813 = arith.minsi %min3A_779, %select_n3A_812 : vector<16xi32>
        %min3A_814 = arith.minsi %min3A_796, %min3A_813 : vector<16xi32>
        %reduce_min3A_815 = arith.constant true
        %reduce_min3A_816 = vector.broadcast %reduce_min3A_815 : i1 to vector<16xi1>
        %reduce_min3A_817 = arith.constant -2147483648 : i32
        %reduce_min3A_818 = vector.broadcast %reduce_min3A_817 : i32 to vector<16xi32>
        %reduce_min3A_819 = arith.xori %min3A_814, %reduce_min3A_818 : vector<16xi32>
        %reduce_min3A_820 = tpu.scan <min>, %reduce_min3A_819 masked %reduce_min3A_816 : vector<16xi32>, vector<16xi1> -> vector<16xi32>
        %reduce_min3A_821 = arith.xori %reduce_min3A_820, %reduce_min3A_818 : vector<16xi32>
        %reduce_min3A_822 = vector.extract %reduce_min3A_821[15] : i32 from vector<16xi32>
        scf.yield %reduce_min3A_822 : i32
      } else {
        %scan3A_332 = arith.constant 0 : i32
        %scan3A_333 = arith.constant 48 : i32
        %scan3A_334 = arith.addi %scan3A_332, %scan3A_333 : i32
        %scan3A_335 = arith.constant 1 : i32
        %scan3A_336:2 = scf.for %scan3A_346 = %scan3A_332 to %scan3A_334 step %scan3A_335 iter_args(%scan3A_347 = %broadcast_in_dim3A_230, %scan3A_348 = %broadcast_in_dim3A_230) -> (vector<16xi32>, vector<16xi32>)  : i32 {
          %mul3A_349 = arith.constant 2 : i32
          %mul3A_350 = arith.muli %scan3A_346, %mul3A_349 : i32
          %add3A_351 = arith.constant 0 : i32
          %add3A_352 = arith.addi %mul3A_350, %add3A_351 : i32
          %get3A = arith.index_cast %add3A_352 : i32 to index
          %get3A_353 = arith.constant 0 : index
          %get3A_354 = tpu.vector_load %arg5[%get3A, %get3A_353] {strides = array<i32>} : memref<96x224xf32, #tpu.memory_space<vmem>>, vector<16xf32>,
          %add3A_355 = arith.constant 0 : i32
          %add3A_356 = vector.broadcast %add3A_355 : i32 to vector<16xi32>
          %add3A_357 = arith.addi %add3A_356, %iota3A_228 : vector<16xi32>
          %mul3A_358 = arith.constant 96 : i32
          %mul3A_359 = vector.broadcast %mul3A_358 : i32 to vector<16xi32>
          %mul3A_360 = arith.muli %add3A_357, %mul3A_359 : vector<16xi32>
          %add3A_361 = vector.broadcast %add3A_352 : i32 to vector<16xi32>
          %add3A_362 = arith.addi %mul3A_360, %add3A_361 : vector<16xi32>
          %eq3A_363 = vector.broadcast %reduce_max3A_242 : f32 to vector<16xf32>
          %eq3A_364 = arith.cmpf oeq, %get3A_354, %eq3A_363 : vector<16xf32>
          %jit3A_365 = arith.constant 1073741824 : i32
          %broadcast_in_dim3A_366 = vector.broadcast %jit3A_365 : i32 to vector<16xi32>
          %select_n3A_367 = arith.select %eq3A_364, %add3A_362, %broadcast_in_dim3A_366 : vector<16xi1>, vector<16xi32>
          %min3A_368 = arith.minsi %scan3A_347, %select_n3A_367 : vector<16xi32>
          %get3A_369 = arith.index_cast %add3A_352 : i32 to index
          %get3A_370 = arith.constant 16 : index
          %get3A_371 = tpu.vector_load %arg5[%get3A_369, %get3A_370] {strides = array<i32>} : memref<96x224xf32, #tpu.memory_space<vmem>>, vector<16xf32>,
          %add3A_372 = arith.constant 16 : i32
          %add3A_373 = vector.broadcast %add3A_372 : i32 to vector<16xi32>
          %add3A_374 = arith.addi %add3A_373, %iota3A_228 : vector<16xi32>
          %mul3A_375 = arith.constant 96 : i32
          %mul3A_376 = vector.broadcast %mul3A_375 : i32 to vector<16xi32>
          %mul3A_377 = arith.muli %add3A_374, %mul3A_376 : vector<16xi32>
          %add3A_378 = vector.broadcast %add3A_352 : i32 to vector<16xi32>
          %add3A_379 = arith.addi %mul3A_377, %add3A_378 : vector<16xi32>
          %eq3A_380 = vector.broadcast %reduce_max3A_242 : f32 to vector<16xf32>
          %eq3A_381 = arith.cmpf oeq, %get3A_371, %eq3A_380 : vector<16xf32>
          %jit3A_382 = arith.constant 1073741824 : i32
          %broadcast_in_dim3A_383 = vector.broadcast %jit3A_382 : i32 to vector<16xi32>
          %select_n3A_384 = arith.select %eq3A_381, %add3A_379, %broadcast_in_dim3A_383 : vector<16xi1>, vector<16xi32>
          %min3A_385 = arith.minsi %scan3A_348, %select_n3A_384 : vector<16xi32>
          %get3A_386 = arith.index_cast %add3A_352 : i32 to index
          %get3A_387 = arith.constant 32 : index
          %get3A_388 = tpu.vector_load %arg5[%get3A_386, %get3A_387] {strides = array<i32>} : memref<96x224xf32, #tpu.memory_space<vmem>>, vector<16xf32>,
          %add3A_389 = arith.constant 32 : i32
          %add3A_390 = vector.broadcast %add3A_389 : i32 to vector<16xi32>
          %add3A_391 = arith.addi %add3A_390, %iota3A_228 : vector<16xi32>
          %mul3A_392 = arith.constant 96 : i32
          %mul3A_393 = vector.broadcast %mul3A_392 : i32 to vector<16xi32>
          %mul3A_394 = arith.muli %add3A_391, %mul3A_393 : vector<16xi32>
          %add3A_395 = vector.broadcast %add3A_352 : i32 to vector<16xi32>
          %add3A_396 = arith.addi %mul3A_394, %add3A_395 : vector<16xi32>
          %eq3A_397 = vector.broadcast %reduce_max3A_242 : f32 to vector<16xf32>
          %eq3A_398 = arith.cmpf oeq, %get3A_388, %eq3A_397 : vector<16xf32>
          %jit3A_399 = arith.constant 1073741824 : i32
          %broadcast_in_dim3A_400 = vector.broadcast %jit3A_399 : i32 to vector<16xi32>
          %select_n3A_401 = arith.select %eq3A_398, %add3A_396, %broadcast_in_dim3A_400 : vector<16xi1>, vector<16xi32>
          %min3A_402 = arith.minsi %min3A_368, %select_n3A_401 : vector<16xi32>
          %get3A_403 = arith.index_cast %add3A_352 : i32 to index
          %get3A_404 = arith.constant 48 : index
          %get3A_405 = tpu.vector_load %arg5[%get3A_403, %get3A_404] {strides = array<i32>} : memref<96x224xf32, #tpu.memory_space<vmem>>, vector<16xf32>,
          %add3A_406 = arith.constant 48 : i32
          %add3A_407 = vector.broadcast %add3A_406 : i32 to vector<16xi32>
          %add3A_408 = arith.addi %add3A_407, %iota3A_228 : vector<16xi32>
          %mul3A_409 = arith.constant 96 : i32
          %mul3A_410 = vector.broadcast %mul3A_409 : i32 to vector<16xi32>
          %mul3A_411 = arith.muli %add3A_408, %mul3A_410 : vector<16xi32>
          %add3A_412 = vector.broadcast %add3A_352 : i32 to vector<16xi32>
          %add3A_413 = arith.addi %mul3A_411, %add3A_412 : vector<16xi32>
          %eq3A_414 = vector.broadcast %reduce_max3A_242 : f32 to vector<16xf32>
          %eq3A_415 = arith.cmpf oeq, %get3A_405, %eq3A_414 : vector<16xf32>
          %jit3A_416 = arith.constant 1073741824 : i32
          %broadcast_in_dim3A_417 = vector.broadcast %jit3A_416 : i32 to vector<16xi32>
          %select_n3A_418 = arith.select %eq3A_415, %add3A_413, %broadcast_in_dim3A_417 : vector<16xi1>, vector<16xi32>
          %min3A_419 = arith.minsi %min3A_385, %select_n3A_418 : vector<16xi32>
          %get3A_420 = arith.index_cast %add3A_352 : i32 to index
          %get3A_421 = arith.constant 64 : index
          %get3A_422 = tpu.vector_load %arg5[%get3A_420, %get3A_421] {strides = array<i32>} : memref<96x224xf32, #tpu.memory_space<vmem>>, vector<16xf32>,
          %add3A_423 = arith.constant 64 : i32
          %add3A_424 = vector.broadcast %add3A_423 : i32 to vector<16xi32>
          %add3A_425 = arith.addi %add3A_424, %iota3A_228 : vector<16xi32>
          %mul3A_426 = arith.constant 96 : i32
          %mul3A_427 = vector.broadcast %mul3A_426 : i32 to vector<16xi32>
          %mul3A_428 = arith.muli %add3A_425, %mul3A_427 : vector<16xi32>
          %add3A_429 = vector.broadcast %add3A_352 : i32 to vector<16xi32>
          %add3A_430 = arith.addi %mul3A_428, %add3A_429 : vector<16xi32>
          %eq3A_431 = vector.broadcast %reduce_max3A_242 : f32 to vector<16xf32>
          %eq3A_432 = arith.cmpf oeq, %get3A_422, %eq3A_431 : vector<16xf32>
          %jit3A_433 = arith.constant 1073741824 : i32
          %broadcast_in_dim3A_434 = vector.broadcast %jit3A_433 : i32 to vector<16xi32>
          %select_n3A_435 = arith.select %eq3A_432, %add3A_430, %broadcast_in_dim3A_434 : vector<16xi1>, vector<16xi32>
          %min3A_436 = arith.minsi %min3A_402, %select_n3A_435 : vector<16xi32>
          %get3A_437 = arith.index_cast %add3A_352 : i32 to index
          %get3A_438 = arith.constant 80 : index
          %get3A_439 = tpu.vector_load %arg5[%get3A_437, %get3A_438] {strides = array<i32>} : memref<96x224xf32, #tpu.memory_space<vmem>>, vector<16xf32>,
          %add3A_440 = arith.constant 80 : i32
          %add3A_441 = vector.broadcast %add3A_440 : i32 to vector<16xi32>
          %add3A_442 = arith.addi %add3A_441, %iota3A_228 : vector<16xi32>
          %mul3A_443 = arith.constant 96 : i32
          %mul3A_444 = vector.broadcast %mul3A_443 : i32 to vector<16xi32>
          %mul3A_445 = arith.muli %add3A_442, %mul3A_444 : vector<16xi32>
          %add3A_446 = vector.broadcast %add3A_352 : i32 to vector<16xi32>
          %add3A_447 = arith.addi %mul3A_445, %add3A_446 : vector<16xi32>
          %eq3A_448 = vector.broadcast %reduce_max3A_242 : f32 to vector<16xf32>
          %eq3A_449 = arith.cmpf oeq, %get3A_439, %eq3A_448 : vector<16xf32>
          %jit3A_450 = arith.constant 1073741824 : i32
          %broadcast_in_dim3A_451 = vector.broadcast %jit3A_450 : i32 to vector<16xi32>
          %select_n3A_452 = arith.select %eq3A_449, %add3A_447, %broadcast_in_dim3A_451 : vector<16xi1>, vector<16xi32>
          %min3A_453 = arith.minsi %min3A_419, %select_n3A_452 : vector<16xi32>
          %get3A_454 = arith.index_cast %add3A_352 : i32 to index
          %get3A_455 = arith.constant 96 : index
          %get3A_456 = tpu.vector_load %arg5[%get3A_454, %get3A_455] {strides = array<i32>} : memref<96x224xf32, #tpu.memory_space<vmem>>, vector<16xf32>,
          %add3A_457 = arith.constant 96 : i32
          %add3A_458 = vector.broadcast %add3A_457 : i32 to vector<16xi32>
          %add3A_459 = arith.addi %add3A_458, %iota3A_228 : vector<16xi32>
          %mul3A_460 = arith.constant 96 : i32
          %mul3A_461 = vector.broadcast %mul3A_460 : i32 to vector<16xi32>
          %mul3A_462 = arith.muli %add3A_459, %mul3A_461 : vector<16xi32>
          %add3A_463 = vector.broadcast %add3A_352 : i32 to vector<16xi32>
          %add3A_464 = arith.addi %mul3A_462, %add3A_463 : vector<16xi32>
          %eq3A_465 = vector.broadcast %reduce_max3A_242 : f32 to vector<16xf32>
          %eq3A_466 = arith.cmpf oeq, %get3A_456, %eq3A_465 : vector<16xf32>
          %jit3A_467 = arith.constant 1073741824 : i32
          %broadcast_in_dim3A_468 = vector.broadcast %jit3A_467 : i32 to vector<16xi32>
          %select_n3A_469 = arith.select %eq3A_466, %add3A_464, %broadcast_in_dim3A_468 : vector<16xi1>, vector<16xi32>
          %min3A_470 = arith.minsi %min3A_436, %select_n3A_469 : vector<16xi32>
          %get3A_471 = arith.index_cast %add3A_352 : i32 to index
          %get3A_472 = arith.constant 112 : index
          %get3A_473 = tpu.vector_load %arg5[%get3A_471, %get3A_472] {strides = array<i32>} : memref<96x224xf32, #tpu.memory_space<vmem>>, vector<16xf32>,
          %add3A_474 = arith.constant 112 : i32
          %add3A_475 = vector.broadcast %add3A_474 : i32 to vector<16xi32>
          %add3A_476 = arith.addi %add3A_475, %iota3A_228 : vector<16xi32>
          %mul3A_477 = arith.constant 96 : i32
          %mul3A_478 = vector.broadcast %mul3A_477 : i32 to vector<16xi32>
          %mul3A_479 = arith.muli %add3A_476, %mul3A_478 : vector<16xi32>
          %add3A_480 = vector.broadcast %add3A_352 : i32 to vector<16xi32>
          %add3A_481 = arith.addi %mul3A_479, %add3A_480 : vector<16xi32>
          %eq3A_482 = vector.broadcast %reduce_max3A_242 : f32 to vector<16xf32>
          %eq3A_483 = arith.cmpf oeq, %get3A_473, %eq3A_482 : vector<16xf32>
          %jit3A_484 = arith.constant 1073741824 : i32
          %broadcast_in_dim3A_485 = vector.broadcast %jit3A_484 : i32 to vector<16xi32>
          %select_n3A_486 = arith.select %eq3A_483, %add3A_481, %broadcast_in_dim3A_485 : vector<16xi1>, vector<16xi32>
          %min3A_487 = arith.minsi %min3A_453, %select_n3A_486 : vector<16xi32>
          %get3A_488 = arith.index_cast %add3A_352 : i32 to index
          %get3A_489 = arith.constant 128 : index
          %get3A_490 = tpu.vector_load %arg5[%get3A_488, %get3A_489] {strides = array<i32>} : memref<96x224xf32, #tpu.memory_space<vmem>>, vector<16xf32>,
          %add3A_491 = arith.constant 128 : i32
          %add3A_492 = vector.broadcast %add3A_491 : i32 to vector<16xi32>
          %add3A_493 = arith.addi %add3A_492, %iota3A_228 : vector<16xi32>
          %mul3A_494 = arith.constant 96 : i32
          %mul3A_495 = vector.broadcast %mul3A_494 : i32 to vector<16xi32>
          %mul3A_496 = arith.muli %add3A_493, %mul3A_495 : vector<16xi32>
          %add3A_497 = vector.broadcast %add3A_352 : i32 to vector<16xi32>
          %add3A_498 = arith.addi %mul3A_496, %add3A_497 : vector<16xi32>
          %eq3A_499 = vector.broadcast %reduce_max3A_242 : f32 to vector<16xf32>
          %eq3A_500 = arith.cmpf oeq, %get3A_490, %eq3A_499 : vector<16xf32>
          %jit3A_501 = arith.constant 1073741824 : i32
          %broadcast_in_dim3A_502 = vector.broadcast %jit3A_501 : i32 to vector<16xi32>
          %select_n3A_503 = arith.select %eq3A_500, %add3A_498, %broadcast_in_dim3A_502 : vector<16xi1>, vector<16xi32>
          %min3A_504 = arith.minsi %min3A_470, %select_n3A_503 : vector<16xi32>
          %get3A_505 = arith.index_cast %add3A_352 : i32 to index
          %get3A_506 = arith.constant 144 : index
          %get3A_507 = tpu.vector_load %arg5[%get3A_505, %get3A_506] {strides = array<i32>} : memref<96x224xf32, #tpu.memory_space<vmem>>, vector<16xf32>,
          %add3A_508 = arith.constant 144 : i32
          %add3A_509 = vector.broadcast %add3A_508 : i32 to vector<16xi32>
          %add3A_510 = arith.addi %add3A_509, %iota3A_228 : vector<16xi32>
          %mul3A_511 = arith.constant 96 : i32
          %mul3A_512 = vector.broadcast %mul3A_511 : i32 to vector<16xi32>
          %mul3A_513 = arith.muli %add3A_510, %mul3A_512 : vector<16xi32>
          %add3A_514 = vector.broadcast %add3A_352 : i32 to vector<16xi32>
          %add3A_515 = arith.addi %mul3A_513, %add3A_514 : vector<16xi32>
          %eq3A_516 = vector.broadcast %reduce_max3A_242 : f32 to vector<16xf32>
          %eq3A_517 = arith.cmpf oeq, %get3A_507, %eq3A_516 : vector<16xf32>
          %jit3A_518 = arith.constant 1073741824 : i32
          %broadcast_in_dim3A_519 = vector.broadcast %jit3A_518 : i32 to vector<16xi32>
          %select_n3A_520 = arith.select %eq3A_517, %add3A_515, %broadcast_in_dim3A_519 : vector<16xi1>, vector<16xi32>
          %min3A_521 = arith.minsi %min3A_487, %select_n3A_520 : vector<16xi32>
          %get3A_522 = arith.index_cast %add3A_352 : i32 to index
          %get3A_523 = arith.constant 160 : index
          %get3A_524 = tpu.vector_load %arg5[%get3A_522, %get3A_523] {strides = array<i32>} : memref<96x224xf32, #tpu.memory_space<vmem>>, vector<16xf32>,
          %add3A_525 = arith.constant 160 : i32
          %add3A_526 = vector.broadcast %add3A_525 : i32 to vector<16xi32>
          %add3A_527 = arith.addi %add3A_526, %iota3A_228 : vector<16xi32>
          %mul3A_528 = arith.constant 96 : i32
          %mul3A_529 = vector.broadcast %mul3A_528 : i32 to vector<16xi32>
          %mul3A_530 = arith.muli %add3A_527, %mul3A_529 : vector<16xi32>
          %add3A_531 = vector.broadcast %add3A_352 : i32 to vector<16xi32>
          %add3A_532 = arith.addi %mul3A_530, %add3A_531 : vector<16xi32>
          %eq3A_533 = vector.broadcast %reduce_max3A_242 : f32 to vector<16xf32>
          %eq3A_534 = arith.cmpf oeq, %get3A_524, %eq3A_533 : vector<16xf32>
          %jit3A_535 = arith.constant 1073741824 : i32
          %broadcast_in_dim3A_536 = vector.broadcast %jit3A_535 : i32 to vector<16xi32>
          %select_n3A_537 = arith.select %eq3A_534, %add3A_532, %broadcast_in_dim3A_536 : vector<16xi1>, vector<16xi32>
          %min3A_538 = arith.minsi %min3A_504, %select_n3A_537 : vector<16xi32>
          %get3A_539 = arith.index_cast %add3A_352 : i32 to index
          %get3A_540 = arith.constant 176 : index
          %get3A_541 = tpu.vector_load %arg5[%get3A_539, %get3A_540] {strides = array<i32>} : memref<96x224xf32, #tpu.memory_space<vmem>>, vector<16xf32>,
          %add3A_542 = arith.constant 176 : i32
          %add3A_543 = vector.broadcast %add3A_542 : i32 to vector<16xi32>
          %add3A_544 = arith.addi %add3A_543, %iota3A_228 : vector<16xi32>
          %mul3A_545 = arith.constant 96 : i32
          %mul3A_546 = vector.broadcast %mul3A_545 : i32 to vector<16xi32>
          %mul3A_547 = arith.muli %add3A_544, %mul3A_546 : vector<16xi32>
          %add3A_548 = vector.broadcast %add3A_352 : i32 to vector<16xi32>
          %add3A_549 = arith.addi %mul3A_547, %add3A_548 : vector<16xi32>
          %eq3A_550 = vector.broadcast %reduce_max3A_242 : f32 to vector<16xf32>
          %eq3A_551 = arith.cmpf oeq, %get3A_541, %eq3A_550 : vector<16xf32>
          %jit3A_552 = arith.constant 1073741824 : i32
          %broadcast_in_dim3A_553 = vector.broadcast %jit3A_552 : i32 to vector<16xi32>
          %select_n3A_554 = arith.select %eq3A_551, %add3A_549, %broadcast_in_dim3A_553 : vector<16xi1>, vector<16xi32>
          %min3A_555 = arith.minsi %min3A_521, %select_n3A_554 : vector<16xi32>
          %get3A_556 = arith.index_cast %add3A_352 : i32 to index
          %get3A_557 = arith.constant 192 : index
          %get3A_558 = tpu.vector_load %arg5[%get3A_556, %get3A_557] {strides = array<i32>} : memref<96x224xf32, #tpu.memory_space<vmem>>, vector<16xf32>,
          %add3A_559 = arith.constant 192 : i32
          %add3A_560 = vector.broadcast %add3A_559 : i32 to vector<16xi32>
          %add3A_561 = arith.addi %add3A_560, %iota3A_228 : vector<16xi32>
          %mul3A_562 = arith.constant 96 : i32
          %mul3A_563 = vector.broadcast %mul3A_562 : i32 to vector<16xi32>
          %mul3A_564 = arith.muli %add3A_561, %mul3A_563 : vector<16xi32>
          %add3A_565 = vector.broadcast %add3A_352 : i32 to vector<16xi32>
          %add3A_566 = arith.addi %mul3A_564, %add3A_565 : vector<16xi32>
          %eq3A_567 = vector.broadcast %reduce_max3A_242 : f32 to vector<16xf32>
          %eq3A_568 = arith.cmpf oeq, %get3A_558, %eq3A_567 : vector<16xf32>
          %jit3A_569 = arith.constant 1073741824 : i32
          %broadcast_in_dim3A_570 = vector.broadcast %jit3A_569 : i32 to vector<16xi32>
          %select_n3A_571 = arith.select %eq3A_568, %add3A_566, %broadcast_in_dim3A_570 : vector<16xi1>, vector<16xi32>
          %min3A_572 = arith.minsi %min3A_538, %select_n3A_571 : vector<16xi32>
          %get3A_573 = arith.index_cast %add3A_352 : i32 to index
          %get3A_574 = arith.constant 208 : index
          %get3A_575 = tpu.vector_load %arg5[%get3A_573, %get3A_574] {strides = array<i32>} : memref<96x224xf32, #tpu.memory_space<vmem>>, vector<16xf32>,
          %add3A_576 = arith.constant 208 : i32
          %add3A_577 = vector.broadcast %add3A_576 : i32 to vector<16xi32>
          %add3A_578 = arith.addi %add3A_577, %iota3A_228 : vector<16xi32>
          %mul3A_579 = arith.constant 96 : i32
          %mul3A_580 = vector.broadcast %mul3A_579 : i32 to vector<16xi32>
          %mul3A_581 = arith.muli %add3A_578, %mul3A_580 : vector<16xi32>
          %add3A_582 = vector.broadcast %add3A_352 : i32 to vector<16xi32>
          %add3A_583 = arith.addi %mul3A_581, %add3A_582 : vector<16xi32>
          %eq3A_584 = vector.broadcast %reduce_max3A_242 : f32 to vector<16xf32>
          %eq3A_585 = arith.cmpf oeq, %get3A_575, %eq3A_584 : vector<16xf32>
          %jit3A_586 = arith.constant 1073741824 : i32
          %broadcast_in_dim3A_587 = vector.broadcast %jit3A_586 : i32 to vector<16xi32>
          %select_n3A_588 = arith.select %eq3A_585, %add3A_583, %broadcast_in_dim3A_587 : vector<16xi1>, vector<16xi32>
          %min3A_589 = arith.minsi %min3A_555, %select_n3A_588 : vector<16xi32>
          %mul3A_590 = arith.constant 2 : i32
          %mul3A_591 = arith.muli %scan3A_346, %mul3A_590 : i32
          %add3A_592 = arith.constant 1 : i32
          %add3A_593 = arith.addi %mul3A_591, %add3A_592 : i32
          %get3A_594 = arith.index_cast %add3A_593 : i32 to index
          %get3A_595 = arith.constant 0 : index
          %get3A_596 = tpu.vector_load %arg5[%get3A_594, %get3A_595] {strides = array<i32>} : memref<96x224xf32, #tpu.memory_space<vmem>>, vector<16xf32>,
          %add3A_597 = arith.constant 0 : i32
          %add3A_598 = vector.broadcast %add3A_597 : i32 to vector<16xi32>
          %add3A_599 = arith.addi %add3A_598, %iota3A_228 : vector<16xi32>
          %mul3A_600 = arith.constant 96 : i32
          %mul3A_601 = vector.broadcast %mul3A_600 : i32 to vector<16xi32>
          %mul3A_602 = arith.muli %add3A_599, %mul3A_601 : vector<16xi32>
          %add3A_603 = vector.broadcast %add3A_593 : i32 to vector<16xi32>
          %add3A_604 = arith.addi %mul3A_602, %add3A_603 : vector<16xi32>
          %eq3A_605 = vector.broadcast %reduce_max3A_242 : f32 to vector<16xf32>
          %eq3A_606 = arith.cmpf oeq, %get3A_596, %eq3A_605 : vector<16xf32>
          %jit3A_607 = arith.constant 1073741824 : i32
          %broadcast_in_dim3A_608 = vector.broadcast %jit3A_607 : i32 to vector<16xi32>
          %select_n3A_609 = arith.select %eq3A_606, %add3A_604, %broadcast_in_dim3A_608 : vector<16xi1>, vector<16xi32>
          %min3A_610 = arith.minsi %min3A_572, %select_n3A_609 : vector<16xi32>
          %get3A_611 = arith.index_cast %add3A_593 : i32 to index
          %get3A_612 = arith.constant 16 : index
          %get3A_613 = tpu.vector_load %arg5[%get3A_611, %get3A_612] {strides = array<i32>} : memref<96x224xf32, #tpu.memory_space<vmem>>, vector<16xf32>,
          %add3A_614 = arith.constant 16 : i32
          %add3A_615 = vector.broadcast %add3A_614 : i32 to vector<16xi32>
          %add3A_616 = arith.addi %add3A_615, %iota3A_228 : vector<16xi32>
          %mul3A_617 = arith.constant 96 : i32
          %mul3A_618 = vector.broadcast %mul3A_617 : i32 to vector<16xi32>
          %mul3A_619 = arith.muli %add3A_616, %mul3A_618 : vector<16xi32>
          %add3A_620 = vector.broadcast %add3A_593 : i32 to vector<16xi32>
          %add3A_621 = arith.addi %mul3A_619, %add3A_620 : vector<16xi32>
          %eq3A_622 = vector.broadcast %reduce_max3A_242 : f32 to vector<16xf32>
          %eq3A_623 = arith.cmpf oeq, %get3A_613, %eq3A_622 : vector<16xf32>
          %jit3A_624 = arith.constant 1073741824 : i32
          %broadcast_in_dim3A_625 = vector.broadcast %jit3A_624 : i32 to vector<16xi32>
          %select_n3A_626 = arith.select %eq3A_623, %add3A_621, %broadcast_in_dim3A_625 : vector<16xi1>, vector<16xi32>
          %min3A_627 = arith.minsi %min3A_589, %select_n3A_626 : vector<16xi32>
          %get3A_628 = arith.index_cast %add3A_593 : i32 to index
          %get3A_629 = arith.constant 32 : index
          %get3A_630 = tpu.vector_load %arg5[%get3A_628, %get3A_629] {strides = array<i32>} : memref<96x224xf32, #tpu.memory_space<vmem>>, vector<16xf32>,
          %add3A_631 = arith.constant 32 : i32
          %add3A_632 = vector.broadcast %add3A_631 : i32 to vector<16xi32>
          %add3A_633 = arith.addi %add3A_632, %iota3A_228 : vector<16xi32>
          %mul3A_634 = arith.constant 96 : i32
          %mul3A_635 = vector.broadcast %mul3A_634 : i32 to vector<16xi32>
          %mul3A_636 = arith.muli %add3A_633, %mul3A_635 : vector<16xi32>
          %add3A_637 = vector.broadcast %add3A_593 : i32 to vector<16xi32>
          %add3A_638 = arith.addi %mul3A_636, %add3A_637 : vector<16xi32>
          %eq3A_639 = vector.broadcast %reduce_max3A_242 : f32 to vector<16xf32>
          %eq3A_640 = arith.cmpf oeq, %get3A_630, %eq3A_639 : vector<16xf32>
          %jit3A_641 = arith.constant 1073741824 : i32
          %broadcast_in_dim3A_642 = vector.broadcast %jit3A_641 : i32 to vector<16xi32>
          %select_n3A_643 = arith.select %eq3A_640, %add3A_638, %broadcast_in_dim3A_642 : vector<16xi1>, vector<16xi32>
          %min3A_644 = arith.minsi %min3A_610, %select_n3A_643 : vector<16xi32>
          %get3A_645 = arith.index_cast %add3A_593 : i32 to index
          %get3A_646 = arith.constant 48 : index
          %get3A_647 = tpu.vector_load %arg5[%get3A_645, %get3A_646] {strides = array<i32>} : memref<96x224xf32, #tpu.memory_space<vmem>>, vector<16xf32>,
          %add3A_648 = arith.constant 48 : i32
          %add3A_649 = vector.broadcast %add3A_648 : i32 to vector<16xi32>
          %add3A_650 = arith.addi %add3A_649, %iota3A_228 : vector<16xi32>
          %mul3A_651 = arith.constant 96 : i32
          %mul3A_652 = vector.broadcast %mul3A_651 : i32 to vector<16xi32>
          %mul3A_653 = arith.muli %add3A_650, %mul3A_652 : vector<16xi32>
          %add3A_654 = vector.broadcast %add3A_593 : i32 to vector<16xi32>
          %add3A_655 = arith.addi %mul3A_653, %add3A_654 : vector<16xi32>
          %eq3A_656 = vector.broadcast %reduce_max3A_242 : f32 to vector<16xf32>
          %eq3A_657 = arith.cmpf oeq, %get3A_647, %eq3A_656 : vector<16xf32>
          %jit3A_658 = arith.constant 1073741824 : i32
          %broadcast_in_dim3A_659 = vector.broadcast %jit3A_658 : i32 to vector<16xi32>
          %select_n3A_660 = arith.select %eq3A_657, %add3A_655, %broadcast_in_dim3A_659 : vector<16xi1>, vector<16xi32>
          %min3A_661 = arith.minsi %min3A_627, %select_n3A_660 : vector<16xi32>
          %get3A_662 = arith.index_cast %add3A_593 : i32 to index
          %get3A_663 = arith.constant 64 : index
          %get3A_664 = tpu.vector_load %arg5[%get3A_662, %get3A_663] {strides = array<i32>} : memref<96x224xf32, #tpu.memory_space<vmem>>, vector<16xf32>,
          %add3A_665 = arith.constant 64 : i32
          %add3A_666 = vector.broadcast %add3A_665 : i32 to vector<16xi32>
          %add3A_667 = arith.addi %add3A_666, %iota3A_228 : vector<16xi32>
          %mul3A_668 = arith.constant 96 : i32
          %mul3A_669 = vector.broadcast %mul3A_668 : i32 to vector<16xi32>
          %mul3A_670 = arith.muli %add3A_667, %mul3A_669 : vector<16xi32>
          %add3A_671 = vector.broadcast %add3A_593 : i32 to vector<16xi32>
          %add3A_672 = arith.addi %mul3A_670, %add3A_671 : vector<16xi32>
          %eq3A_673 = vector.broadcast %reduce_max3A_242 : f32 to vector<16xf32>
          %eq3A_674 = arith.cmpf oeq, %get3A_664, %eq3A_673 : vector<16xf32>
          %jit3A_675 = arith.constant 1073741824 : i32
          %broadcast_in_dim3A_676 = vector.broadcast %jit3A_675 : i32 to vector<16xi32>
          %select_n3A_677 = arith.select %eq3A_674, %add3A_672, %broadcast_in_dim3A_676 : vector<16xi1>, vector<16xi32>
          %min3A_678 = arith.minsi %min3A_644, %select_n3A_677 : vector<16xi32>
          %get3A_679 = arith.index_cast %add3A_593 : i32 to index
          %get3A_680 = arith.constant 80 : index
          %get3A_681 = tpu.vector_load %arg5[%get3A_679, %get3A_680] {strides = array<i32>} : memref<96x224xf32, #tpu.memory_space<vmem>>, vector<16xf32>,
          %add3A_682 = arith.constant 80 : i32
          %add3A_683 = vector.broadcast %add3A_682 : i32 to vector<16xi32>
          %add3A_684 = arith.addi %add3A_683, %iota3A_228 : vector<16xi32>
          %mul3A_685 = arith.constant 96 : i32
          %mul3A_686 = vector.broadcast %mul3A_685 : i32 to vector<16xi32>
          %mul3A_687 = arith.muli %add3A_684, %mul3A_686 : vector<16xi32>
          %add3A_688 = vector.broadcast %add3A_593 : i32 to vector<16xi32>
          %add3A_689 = arith.addi %mul3A_687, %add3A_688 : vector<16xi32>
          %eq3A_690 = vector.broadcast %reduce_max3A_242 : f32 to vector<16xf32>
          %eq3A_691 = arith.cmpf oeq, %get3A_681, %eq3A_690 : vector<16xf32>
          %jit3A_692 = arith.constant 1073741824 : i32
          %broadcast_in_dim3A_693 = vector.broadcast %jit3A_692 : i32 to vector<16xi32>
          %select_n3A_694 = arith.select %eq3A_691, %add3A_689, %broadcast_in_dim3A_693 : vector<16xi1>, vector<16xi32>
          %min3A_695 = arith.minsi %min3A_661, %select_n3A_694 : vector<16xi32>
          %get3A_696 = arith.index_cast %add3A_593 : i32 to index
          %get3A_697 = arith.constant 96 : index
          %get3A_698 = tpu.vector_load %arg5[%get3A_696, %get3A_697] {strides = array<i32>} : memref<96x224xf32, #tpu.memory_space<vmem>>, vector<16xf32>,
          %add3A_699 = arith.constant 96 : i32
          %add3A_700 = vector.broadcast %add3A_699 : i32 to vector<16xi32>
          %add3A_701 = arith.addi %add3A_700, %iota3A_228 : vector<16xi32>
          %mul3A_702 = arith.constant 96 : i32
          %mul3A_703 = vector.broadcast %mul3A_702 : i32 to vector<16xi32>
          %mul3A_704 = arith.muli %add3A_701, %mul3A_703 : vector<16xi32>
          %add3A_705 = vector.broadcast %add3A_593 : i32 to vector<16xi32>
          %add3A_706 = arith.addi %mul3A_704, %add3A_705 : vector<16xi32>
          %eq3A_707 = vector.broadcast %reduce_max3A_242 : f32 to vector<16xf32>
          %eq3A_708 = arith.cmpf oeq, %get3A_698, %eq3A_707 : vector<16xf32>
          %jit3A_709 = arith.constant 1073741824 : i32
          %broadcast_in_dim3A_710 = vector.broadcast %jit3A_709 : i32 to vector<16xi32>
          %select_n3A_711 = arith.select %eq3A_708, %add3A_706, %broadcast_in_dim3A_710 : vector<16xi1>, vector<16xi32>
          %min3A_712 = arith.minsi %min3A_678, %select_n3A_711 : vector<16xi32>
          %get3A_713 = arith.index_cast %add3A_593 : i32 to index
          %get3A_714 = arith.constant 112 : index
          %get3A_715 = tpu.vector_load %arg5[%get3A_713, %get3A_714] {strides = array<i32>} : memref<96x224xf32, #tpu.memory_space<vmem>>, vector<16xf32>,
          %add3A_716 = arith.constant 112 : i32
          %add3A_717 = vector.broadcast %add3A_716 : i32 to vector<16xi32>
          %add3A_718 = arith.addi %add3A_717, %iota3A_228 : vector<16xi32>
          %mul3A_719 = arith.constant 96 : i32
          %mul3A_720 = vector.broadcast %mul3A_719 : i32 to vector<16xi32>
          %mul3A_721 = arith.muli %add3A_718, %mul3A_720 : vector<16xi32>
          %add3A_722 = vector.broadcast %add3A_593 : i32 to vector<16xi32>
          %add3A_723 = arith.addi %mul3A_721, %add3A_722 : vector<16xi32>
          %eq3A_724 = vector.broadcast %reduce_max3A_242 : f32 to vector<16xf32>
          %eq3A_725 = arith.cmpf oeq, %get3A_715, %eq3A_724 : vector<16xf32>
          %jit3A_726 = arith.constant 1073741824 : i32
          %broadcast_in_dim3A_727 = vector.broadcast %jit3A_726 : i32 to vector<16xi32>
          %select_n3A_728 = arith.select %eq3A_725, %add3A_723, %broadcast_in_dim3A_727 : vector<16xi1>, vector<16xi32>
          %min3A_729 = arith.minsi %min3A_695, %select_n3A_728 : vector<16xi32>
          %get3A_730 = arith.index_cast %add3A_593 : i32 to index
          %get3A_731 = arith.constant 128 : index
          %get3A_732 = tpu.vector_load %arg5[%get3A_730, %get3A_731] {strides = array<i32>} : memref<96x224xf32, #tpu.memory_space<vmem>>, vector<16xf32>,
          %add3A_733 = arith.constant 128 : i32
          %add3A_734 = vector.broadcast %add3A_733 : i32 to vector<16xi32>
          %add3A_735 = arith.addi %add3A_734, %iota3A_228 : vector<16xi32>
          %mul3A_736 = arith.constant 96 : i32
          %mul3A_737 = vector.broadcast %mul3A_736 : i32 to vector<16xi32>
          %mul3A_738 = arith.muli %add3A_735, %mul3A_737 : vector<16xi32>
          %add3A_739 = vector.broadcast %add3A_593 : i32 to vector<16xi32>
          %add3A_740 = arith.addi %mul3A_738, %add3A_739 : vector<16xi32>
          %eq3A_741 = vector.broadcast %reduce_max3A_242 : f32 to vector<16xf32>
          %eq3A_742 = arith.cmpf oeq, %get3A_732, %eq3A_741 : vector<16xf32>
          %jit3A_743 = arith.constant 1073741824 : i32
          %broadcast_in_dim3A_744 = vector.broadcast %jit3A_743 : i32 to vector<16xi32>
          %select_n3A_745 = arith.select %eq3A_742, %add3A_740, %broadcast_in_dim3A_744 : vector<16xi1>, vector<16xi32>
          %min3A_746 = arith.minsi %min3A_712, %select_n3A_745 : vector<16xi32>
          %get3A_747 = arith.index_cast %add3A_593 : i32 to index
          %get3A_748 = arith.constant 144 : index
          %get3A_749 = tpu.vector_load %arg5[%get3A_747, %get3A_748] {strides = array<i32>} : memref<96x224xf32, #tpu.memory_space<vmem>>, vector<16xf32>,
          %add3A_750 = arith.constant 144 : i32
          %add3A_751 = vector.broadcast %add3A_750 : i32 to vector<16xi32>
          %add3A_752 = arith.addi %add3A_751, %iota3A_228 : vector<16xi32>
          %mul3A_753 = arith.constant 96 : i32
          %mul3A_754 = vector.broadcast %mul3A_753 : i32 to vector<16xi32>
          %mul3A_755 = arith.muli %add3A_752, %mul3A_754 : vector<16xi32>
          %add3A_756 = vector.broadcast %add3A_593 : i32 to vector<16xi32>
          %add3A_757 = arith.addi %mul3A_755, %add3A_756 : vector<16xi32>
          %eq3A_758 = vector.broadcast %reduce_max3A_242 : f32 to vector<16xf32>
          %eq3A_759 = arith.cmpf oeq, %get3A_749, %eq3A_758 : vector<16xf32>
          %jit3A_760 = arith.constant 1073741824 : i32
          %broadcast_in_dim3A_761 = vector.broadcast %jit3A_760 : i32 to vector<16xi32>
          %select_n3A_762 = arith.select %eq3A_759, %add3A_757, %broadcast_in_dim3A_761 : vector<16xi1>, vector<16xi32>
          %min3A_763 = arith.minsi %min3A_729, %select_n3A_762 : vector<16xi32>
          %get3A_764 = arith.index_cast %add3A_593 : i32 to index
          %get3A_765 = arith.constant 160 : index
          %get3A_766 = tpu.vector_load %arg5[%get3A_764, %get3A_765] {strides = array<i32>} : memref<96x224xf32, #tpu.memory_space<vmem>>, vector<16xf32>,
          %add3A_767 = arith.constant 160 : i32
          %add3A_768 = vector.broadcast %add3A_767 : i32 to vector<16xi32>
          %add3A_769 = arith.addi %add3A_768, %iota3A_228 : vector<16xi32>
          %mul3A_770 = arith.constant 96 : i32
          %mul3A_771 = vector.broadcast %mul3A_770 : i32 to vector<16xi32>
          %mul3A_772 = arith.muli %add3A_769, %mul3A_771 : vector<16xi32>
          %add3A_773 = vector.broadcast %add3A_593 : i32 to vector<16xi32>
          %add3A_774 = arith.addi %mul3A_772, %add3A_773 : vector<16xi32>
          %eq3A_775 = vector.broadcast %reduce_max3A_242 : f32 to vector<16xf32>
          %eq3A_776 = arith.cmpf oeq, %get3A_766, %eq3A_775 : vector<16xf32>
          %jit3A_777 = arith.constant 1073741824 : i32
          %broadcast_in_dim3A_778 = vector.broadcast %jit3A_777 : i32 to vector<16xi32>
          %select_n3A_779 = arith.select %eq3A_776, %add3A_774, %broadcast_in_dim3A_778 : vector<16xi1>, vector<16xi32>
          %min3A_780 = arith.minsi %min3A_746, %select_n3A_779 : vector<16xi32>
          %get3A_781 = arith.index_cast %add3A_593 : i32 to index
          %get3A_782 = arith.constant 176 : index
          %get3A_783 = tpu.vector_load %arg5[%get3A_781, %get3A_782] {strides = array<i32>} : memref<96x224xf32, #tpu.memory_space<vmem>>, vector<16xf32>,
          %add3A_784 = arith.constant 176 : i32
          %add3A_785 = vector.broadcast %add3A_784 : i32 to vector<16xi32>
          %add3A_786 = arith.addi %add3A_785, %iota3A_228 : vector<16xi32>
          %mul3A_787 = arith.constant 96 : i32
          %mul3A_788 = vector.broadcast %mul3A_787 : i32 to vector<16xi32>
          %mul3A_789 = arith.muli %add3A_786, %mul3A_788 : vector<16xi32>
          %add3A_790 = vector.broadcast %add3A_593 : i32 to vector<16xi32>
          %add3A_791 = arith.addi %mul3A_789, %add3A_790 : vector<16xi32>
          %eq3A_792 = vector.broadcast %reduce_max3A_242 : f32 to vector<16xf32>
          %eq3A_793 = arith.cmpf oeq, %get3A_783, %eq3A_792 : vector<16xf32>
          %jit3A_794 = arith.constant 1073741824 : i32
          %broadcast_in_dim3A_795 = vector.broadcast %jit3A_794 : i32 to vector<16xi32>
          %select_n3A_796 = arith.select %eq3A_793, %add3A_791, %broadcast_in_dim3A_795 : vector<16xi1>, vector<16xi32>
          %min3A_797 = arith.minsi %min3A_763, %select_n3A_796 : vector<16xi32>
          %get3A_798 = arith.index_cast %add3A_593 : i32 to index
          %get3A_799 = arith.constant 192 : index
          %get3A_800 = tpu.vector_load %arg5[%get3A_798, %get3A_799] {strides = array<i32>} : memref<96x224xf32, #tpu.memory_space<vmem>>, vector<16xf32>,
          %add3A_801 = arith.constant 192 : i32
          %add3A_802 = vector.broadcast %add3A_801 : i32 to vector<16xi32>
          %add3A_803 = arith.addi %add3A_802, %iota3A_228 : vector<16xi32>
          %mul3A_804 = arith.constant 96 : i32
          %mul3A_805 = vector.broadcast %mul3A_804 : i32 to vector<16xi32>
          %mul3A_806 = arith.muli %add3A_803, %mul3A_805 : vector<16xi32>
          %add3A_807 = vector.broadcast %add3A_593 : i32 to vector<16xi32>
          %add3A_808 = arith.addi %mul3A_806, %add3A_807 : vector<16xi32>
          %eq3A_809 = vector.broadcast %reduce_max3A_242 : f32 to vector<16xf32>
          %eq3A_810 = arith.cmpf oeq, %get3A_800, %eq3A_809 : vector<16xf32>
          %jit3A_811 = arith.constant 1073741824 : i32
          %broadcast_in_dim3A_812 = vector.broadcast %jit3A_811 : i32 to vector<16xi32>
          %select_n3A_813 = arith.select %eq3A_810, %add3A_808, %broadcast_in_dim3A_812 : vector<16xi1>, vector<16xi32>
          %min3A_814 = arith.minsi %min3A_780, %select_n3A_813 : vector<16xi32>
          %get3A_815 = arith.index_cast %add3A_593 : i32 to index
          %get3A_816 = arith.constant 208 : index
          %get3A_817 = tpu.vector_load %arg5[%get3A_815, %get3A_816] {strides = array<i32>} : memref<96x224xf32, #tpu.memory_space<vmem>>, vector<16xf32>,
          %add3A_818 = arith.constant 208 : i32
          %add3A_819 = vector.broadcast %add3A_818 : i32 to vector<16xi32>
          %add3A_820 = arith.addi %add3A_819, %iota3A_228 : vector<16xi32>
          %mul3A_821 = arith.constant 96 : i32
          %mul3A_822 = vector.broadcast %mul3A_821 : i32 to vector<16xi32>
          %mul3A_823 = arith.muli %add3A_820, %mul3A_822 : vector<16xi32>
          %add3A_824 = vector.broadcast %add3A_593 : i32 to vector<16xi32>
          %add3A_825 = arith.addi %mul3A_823, %add3A_824 : vector<16xi32>
          %eq3A_826 = vector.broadcast %reduce_max3A_242 : f32 to vector<16xf32>
          %eq3A_827 = arith.cmpf oeq, %get3A_817, %eq3A_826 : vector<16xf32>
          %jit3A_828 = arith.constant 1073741824 : i32
          %broadcast_in_dim3A_829 = vector.broadcast %jit3A_828 : i32 to vector<16xi32>
          %select_n3A_830 = arith.select %eq3A_827, %add3A_825, %broadcast_in_dim3A_829 : vector<16xi1>, vector<16xi32>
          %min3A_831 = arith.minsi %min3A_797, %select_n3A_830 : vector<16xi32>
          scf.yield %min3A_814, %min3A_831 : vector<16xi32>, vector<16xi32>
        }
        %scan3A_337 = arith.constant 48 : i32
        %min3A = arith.minsi %scan3A_336#0, %scan3A_336#1 : vector<16xi32>
        %reduce_min3A_338 = arith.constant true
        %reduce_min3A_339 = vector.broadcast %reduce_min3A_338 : i1 to vector<16xi1>
        %reduce_min3A_340 = arith.constant -2147483648 : i32
        %reduce_min3A_341 = vector.broadcast %reduce_min3A_340 : i32 to vector<16xi32>
        %reduce_min3A_342 = arith.xori %min3A, %reduce_min3A_341 : vector<16xi32>
        %reduce_min3A_343 = tpu.scan <min>, %reduce_min3A_342 masked %reduce_min3A_339 : vector<16xi32>, vector<16xi1> -> vector<16xi32>
        %reduce_min3A_344 = arith.xori %reduce_min3A_343, %reduce_min3A_341 : vector<16xi32>
        %reduce_min3A_345 = vector.extract %reduce_min3A_344[15] : i32 from vector<16xi32>
        scf.yield %reduce_min3A_345 : i32
      }
      %jit3A_272 = arith.constant 224 : i32
      %eq3A_273 = arith.constant 0 : i32
      %eq3A_274 = arith.cmpi eq, %jit3A_272, %eq3A_273 : i32
      %jit3A_275 = arith.constant 1 : i32
      %select_n3A_276 = arith.select %eq3A_274, %jit3A_275, %jit3A_272 : i32
      %rem3A_277 = arith.remsi %cond3A_271, %select_n3A_276 : i32
      %ne3A_278 = arith.constant 0 : i32
      %ne3A_279 = arith.cmpi ne, %rem3A_277, %ne3A_278 : i32
      %lt3A_280 = arith.constant 0 : i32
      %lt3A_281 = arith.cmpi slt, %rem3A_277, %lt3A_280 : i32
      %lt3A_282 = arith.constant 0 : i32
      %lt3A_283 = arith.cmpi slt, %select_n3A_276, %lt3A_282 : i32
      %ne3A_284 = arith.xori %lt3A_281, %lt3A_283 : i1
      %and3A_285 = arith.andi %ne3A_284, %ne3A_279 : i1
      %add3A_286 = arith.addi %rem3A_277, %select_n3A_276 : i32
      %select_n3A_287 = arith.select %and3A_285, %add3A_286, %rem3A_277 : i32
      %convert_element_type3A_288 = arith.sitofp %select_n3A_287 : i32 to f32
      %jit3A_289 = arith.constant 224 : i32
      %div3A_290 = arith.divsi %cond3A_271, %jit3A_289 : i32
      %sign3A_291 = arith.constant 0 : i32
      %sign3A_292 = arith.cmpi sgt, %cond3A_271, %sign3A_291 : i32
      %sign3A_293 = arith.extui %sign3A_292 : i1 to i32
      %sign3A_294 = arith.constant 0 : i32
      %sign3A_295 = arith.cmpi slt, %cond3A_271, %sign3A_294 : i32
      %sign3A_296 = arith.extui %sign3A_295 : i1 to i32
      %sign3A_297 = arith.subi %sign3A_293, %sign3A_296 : i32
      %sign3A_298 = arith.constant 0 : i32
      %sign3A_299 = arith.cmpi sgt, %jit3A_289, %sign3A_298 : i32
      %sign3A_300 = arith.extui %sign3A_299 : i1 to i32
      %sign3A_301 = arith.constant 0 : i32
      %sign3A_302 = arith.cmpi slt, %jit3A_289, %sign3A_301 : i32
      %sign3A_303 = arith.extui %sign3A_302 : i1 to i32
      %sign3A_304 = arith.subi %sign3A_300, %sign3A_303 : i32
      %ne3A_305 = arith.cmpi ne, %sign3A_297, %sign3A_304 : i32
      %rem3A_306 = arith.remsi %cond3A_271, %jit3A_289 : i32
      %ne3A_307 = arith.constant 0 : i32
      %ne3A_308 = arith.cmpi ne, %rem3A_306, %ne3A_307 : i32
      %and3A_309 = arith.andi %ne3A_305, %ne3A_308 : i1
      %sub3A_310 = arith.constant 1 : i32
      %sub3A_311 = arith.subi %div3A_290, %sub3A_310 : i32
      %select_n3A_312 = arith.select %and3A_309, %sub3A_311, %div3A_290 : i32
      %convert_element_type3A_313 = arith.sitofp %select_n3A_312 : i32 to f32
      %lt3A_314 = arith.constant 5 : i32
      %lt3A_315 = arith.cmpi slt, %scan3A_101, %lt3A_314 : i32
      %convert_element_type3A_316 = arith.extui %lt3A_315 : i1 to i32
      %cond3A_317 = arith.constant 0 : i32
      %cond3A_318 = arith.cmpi ne, %convert_element_type3A_316, %cond3A_317 : i32
      scf.if %cond3A_318 {
        %add3A_332 = arith.addi %mul3A_2, %add3A_217 : i32
        %add3A_333 = arith.constant 2 : i32
        %add3A_334 = arith.addi %add3A_332, %add3A_333 : i32
        %jit3A_335 = arith.constant 96 : i32
        %div3A_336 = arith.divsi %add3A_334, %jit3A_335 : i32
        %sign3A_337 = arith.constant 0 : i32
        %sign3A_338 = arith.cmpi sgt, %add3A_334, %sign3A_337 : i32
        %sign3A_339 = arith.extui %sign3A_338 : i1 to i32
        %sign3A_340 = arith.constant 0 : i32
        %sign3A_341 = arith.cmpi slt, %add3A_334, %sign3A_340 : i32
        %sign3A_342 = arith.extui %sign3A_341 : i1 to i32
        %sign3A_343 = arith.subi %sign3A_339, %sign3A_342 : i32
        %sign3A_344 = arith.constant 0 : i32
        %sign3A_345 = arith.cmpi sgt, %jit3A_335, %sign3A_344 : i32
        %sign3A_346 = arith.extui %sign3A_345 : i1 to i32
        %sign3A_347 = arith.constant 0 : i32
        %sign3A_348 = arith.cmpi slt, %jit3A_335, %sign3A_347 : i32
        %sign3A_349 = arith.extui %sign3A_348 : i1 to i32
        %sign3A_350 = arith.subi %sign3A_346, %sign3A_349 : i32
        %ne3A_351 = arith.cmpi ne, %sign3A_343, %sign3A_350 : i32
        %rem3A_352 = arith.remsi %add3A_334, %jit3A_335 : i32
        %ne3A_353 = arith.constant 0 : i32
        %ne3A_354 = arith.cmpi ne, %rem3A_352, %ne3A_353 : i32
        %and3A_355 = arith.andi %ne3A_351, %ne3A_354 : i1
        %sub3A_356 = arith.constant 1 : i32
        %sub3A_357 = arith.subi %div3A_336, %sub3A_356 : i32
        %select_n3A_358 = arith.select %and3A_355, %sub3A_357, %div3A_336 : i32
        %add3A_359 = arith.constant 4 : i32
        %add3A_360 = arith.addi %add3A_359, %select_n3A_358 : i32
        %jit3A_361 = arith.constant 96 : i32
        %eq3A_362 = arith.constant 0 : i32
        %eq3A_363 = arith.cmpi eq, %jit3A_361, %eq3A_362 : i32
        %jit3A_364 = arith.constant 1 : i32
        %select_n3A_365 = arith.select %eq3A_363, %jit3A_364, %jit3A_361 : i32
        %rem3A_366 = arith.remsi %add3A_334, %select_n3A_365 : i32
        %ne3A_367 = arith.constant 0 : i32
        %ne3A_368 = arith.cmpi ne, %rem3A_366, %ne3A_367 : i32
        %lt3A_369 = arith.constant 0 : i32
        %lt3A_370 = arith.cmpi slt, %rem3A_366, %lt3A_369 : i32
        %lt3A_371 = arith.constant 0 : i32
        %lt3A_372 = arith.cmpi slt, %select_n3A_365, %lt3A_371 : i32
        %ne3A_373 = arith.xori %lt3A_370, %lt3A_372 : i1
        %and3A_374 = arith.andi %ne3A_373, %ne3A_368 : i1
        %add3A_375 = arith.addi %rem3A_366, %select_n3A_365 : i32
        %select_n3A_376 = arith.select %and3A_374, %add3A_375, %rem3A_366 : i32
        %dma_start3A_377 = arith.constant 0 : i32
        %dma_start3A_378 = arith.constant 0 : i32
        %dma_start3A_379 = tpu.memref_slice %arg2[%add3A_360, %select_n3A_376, %dma_start3A_377, %dma_start3A_378] : memref<8x224x96x224xf32, #tpu.memory_space<hbm>> -> memref<1x1x96x224xf32, #tpu.memory_space<hbm>>
        %dma_start3A_380 = tpu.memref_squeeze %dma_start3A_379 : memref<1x1x96x224xf32, #tpu.memory_space<hbm>> -> memref<96x224xf32, #tpu.memory_space<hbm>>
        %dma_start3A_381 = arith.constant 0 : i32
        %dma_start3A_382 = arith.constant 0 : i32
        %dma_start3A_383 = tpu.memref_slice %arg2[%add3A_360, %select_n3A_376, %dma_start3A_381, %dma_start3A_382] : memref<8x224x96x224xf32, #tpu.memory_space<hbm>> -> memref<1x1x96x224xf32, #tpu.memory_space<hbm>>
        %dma_start3A_384 = tpu.memref_squeeze %dma_start3A_383 : memref<1x1x96x224xf32, #tpu.memory_space<hbm>> -> memref<96x224xf32, #tpu.memory_space<hbm>>
        tpu.enqueue_dma source(%dma_start3A_384 : memref<96x224xf32, #tpu.memory_space<hbm>>) target(%arg5 : memref<96x224xf32, #tpu.memory_space<vmem>>) target_semaphore(%arg9 : memref<!tpu.dma_semaphore, #tpu.memory_space<semaphore_mem>>)
      } else {
      }
      %eq3A_319 = arith.constant 0 : i32
      %eq3A_320 = vector.broadcast %eq3A_319 : i32 to vector<16xi32>
      %eq3A_321 = arith.cmpi eq, %iota3A, %eq3A_320 : vector<16xi32>
      %broadcast_in_dim3A_322 = vector.broadcast %convert_element_type3A_288 : f32 to vector<16xf32>
      %broadcast_in_dim3A_323 = vector.broadcast %convert_element_type3A_313 : f32 to vector<16xf32>
      %select_n3A_324 = arith.select %eq3A_321, %broadcast_in_dim3A_322, %broadcast_in_dim3A_323 : vector<16xi1>, vector<16xf32>
      %mul3A_325 = arith.constant 2 : i32
      %mul3A_326 = arith.muli %mul3A_325, %add3A_217 : i32
      %add3A_327 = vector.broadcast %mul3A_326 : i32 to vector<16xi32>
      %add3A_328 = arith.addi %add3A_327, %iota3A : vector<16xi32>
      %lt3A_329 = arith.constant 2 : i32
      %lt3A_330 = vector.broadcast %lt3A_329 : i32 to vector<16xi32>
      %lt3A_331 = arith.cmpi slt, %iota3A, %lt3A_330 : vector<16xi32>
      tpu.vector_store_idx %arg7[%add3A_328], %select_n3A_324 masked %lt3A_331 : memref<24xf32, #tpu.memory_space<vmem>>[vector<16xi32>], vector<16xf32>, vector<16xi1>
    }
    %scan3A_98 = arith.constant 6 : i32
    %mul3A_99 = arith.constant 2 : i32
    %mul3A_100 = arith.muli %mul3A_2, %mul3A_99 : i32
    %multiple_of3A = tpu.assume_multiple %mul3A_100, 8 : i32
    "tpu.region"() ({
      %run_scoped3A = tpu.sem_alloc : memref<!tpu.dma_semaphore, #tpu.memory_space<semaphore_mem>>
      %dma_start3A_101 = tpu.memref_slice %arg3[%multiple_of3A] : memref<768xf32, #tpu.memory_space<hbm>> -> memref<24xf32, #tpu.memory_space<hbm>>
      %dma_start3A_102 = tpu.memref_slice %arg3[%multiple_of3A] : memref<768xf32, #tpu.memory_space<hbm>> -> memref<24xf32, #tpu.memory_space<hbm>>
      tpu.enqueue_dma source(%arg7 : memref<24xf32, #tpu.memory_space<vmem>>) target(%dma_start3A_102 : memref<24xf32, #tpu.memory_space<hbm>>) target_semaphore(%run_scoped3A : memref<!tpu.dma_semaphore, #tpu.memory_space<semaphore_mem>>)
      %dma_wait3A = tpu.memref_slice %arg3[%multiple_of3A] : memref<768xf32, #tpu.memory_space<hbm>> -> memref<24xf32, #tpu.memory_space<hbm>>
      %dma_wait3A_103 = tpu.memref_slice %arg3[%multiple_of3A] : memref<768xf32, #tpu.memory_space<hbm>> -> memref<24xf32, #tpu.memory_space<hbm>>
      tpu.wait_dma2 semaphore(%run_scoped3A : memref<!tpu.dma_semaphore, #tpu.memory_space<semaphore_mem>>) src(%arg7 : memref<24xf32, #tpu.memory_space<vmem>>) dst(%dma_wait3A_103 : memref<24xf32, #tpu.memory_space<hbm>>)
      tpu.yield
    }) : () -> ()
    return
  }
}

module attributes {stable_mosaic.version = 14 : i64} {
  func.func @_tc_argmax_body(%arg0: i32, %arg1: memref<1x48x96x224xf32, #tpu.memory_space<vmem>>, %arg2: memref<1x48x2xf32, #tpu.memory_space<vmem>>) attributes {dimension_semantics = [#tpu.dimension_semantics<arbitrary>], iteration_bounds = array<i64: 8>, scalar_prefetch = 0 : i64, scratch_operands = 0 : i64, tpu.core_type = #tpu.core_type<tc>, window_params = [{transform_indices = @transform_0, window_bounds = array<i64: 1, 48, 96, 224>}, {transform_indices = @transform_1, window_bounds = array<i64: 1, 48, 2>}]} {
    %get3A = arith.constant 0 : index
    %get3A_0 = arith.constant 0 : index
    %get3A_1 = arith.constant 0 : index
    %get3A_2 = arith.constant 0 : index
    %get3A_3 = vector.load %arg1[%get3A, %get3A_0, %get3A_1, %get3A_2] : memref<1x48x96x224xf32, #tpu.memory_space<vmem>>, vector<1x48x96x224xf32>
    %get3A_4 = vector.shape_cast %get3A_3 : vector<1x48x96x224xf32> to vector<48x96x224xf32>
    %reduce_max3A = arith.constant dense<0xFF800000> : vector<48xf32>
    %reduce_max3A_5 = vector.multi_reduction <maximumf>, %get3A_4, %reduce_max3A [1, 2] : vector<48x96x224xf32> to vector<48xf32>
    %broadcast_in_dim3A = vector.shape_cast %reduce_max3A_5 : vector<48xf32> to vector<48x1x1xf32>
    %iota3A = tpu.iota {dimensions = array<i32: 2>} : vector<1x96x224xi32>
    %mul3A = arith.constant 96 : i32
    %mul3A_6 = vector.broadcast %mul3A : i32 to vector<1x96x224xi32>
    %mul3A_7 = arith.muli %iota3A, %mul3A_6 : vector<1x96x224xi32>
    %iota3A_8 = tpu.iota {dimensions = array<i32: 1>} : vector<1x96x224xi32>
    %add3A = arith.addi %mul3A_7, %iota3A_8 : vector<1x96x224xi32>
    %eq3A = vector.broadcast %broadcast_in_dim3A : vector<48x1x1xf32> to vector<48x96x224xf32>
    %eq3A_9 = arith.cmpf oeq, %get3A_4, %eq3A : vector<48x96x224xf32>
    %jit3A = arith.constant 1073741824 : i32
    %broadcast_in_dim3A_10 = vector.shape_cast %add3A : vector<1x96x224xi32> to vector<1x96x224xi32>
    %broadcast_in_dim3A_11 = vector.broadcast %broadcast_in_dim3A_10 : vector<1x96x224xi32> to vector<48x96x224xi32>
    %broadcast_in_dim3A_12 = vector.broadcast %jit3A : i32 to vector<48x96x224xi32>
    %select_n3A = arith.select %eq3A_9, %broadcast_in_dim3A_11, %broadcast_in_dim3A_12 : vector<48x96x224xi1>, vector<48x96x224xi32>
    %reduce_min3A = arith.constant dense<2147483647> : vector<48xi32>
    %reduce_min3A_13 = vector.multi_reduction <minsi>, %select_n3A, %reduce_min3A [1, 2] : vector<48x96x224xi32> to vector<48xi32>
    %jit3A_14 = arith.constant 224 : i32
    %eq3A_15 = arith.constant 0 : i32
    %eq3A_16 = arith.cmpi eq, %jit3A_14, %eq3A_15 : i32
    %jit3A_17 = arith.constant 1 : i32
    %select_n3A_18 = arith.select %eq3A_16, %jit3A_17, %jit3A_14 : i32
    %rem3A = vector.broadcast %select_n3A_18 : i32 to vector<48xi32>
    %rem3A_19 = arith.remsi %reduce_min3A_13, %rem3A : vector<48xi32>
    %ne3A = arith.constant 0 : i32
    %ne3A_20 = vector.broadcast %ne3A : i32 to vector<48xi32>
    %ne3A_21 = arith.cmpi ne, %rem3A_19, %ne3A_20 : vector<48xi32>
    %lt3A = arith.constant 0 : i32
    %lt3A_22 = vector.broadcast %lt3A : i32 to vector<48xi32>
    %lt3A_23 = arith.cmpi slt, %rem3A_19, %lt3A_22 : vector<48xi32>
    %lt3A_24 = arith.constant 0 : i32
    %lt3A_25 = arith.cmpi slt, %select_n3A_18, %lt3A_24 : i32
    %ne3A_26 = vector.broadcast %lt3A_25 : i1 to vector<48xi1>
    %ne3A_27 = vector.broadcast %ne3A_26 : vector<48xi1> to vector<48xi1>
    %ne3A_28 = arith.xori %lt3A_23, %ne3A_27 : vector<48xi1>
    %and3A = arith.andi %ne3A_28, %ne3A_21 : vector<48xi1>
    %add3A_29 = vector.broadcast %select_n3A_18 : i32 to vector<48xi32>
    %add3A_30 = arith.addi %rem3A_19, %add3A_29 : vector<48xi32>
    %select_n3A_31 = arith.select %and3A, %add3A_30, %rem3A_19 : vector<48xi1>, vector<48xi32>
    %convert_element_type3A = arith.sitofp %select_n3A_31 : vector<48xi32> to vector<48xf32>
    %jit3A_32 = arith.constant 224 : i32
    %div3A = vector.broadcast %jit3A_32 : i32 to vector<48xi32>
    %div3A_33 = arith.divsi %reduce_min3A_13, %div3A : vector<48xi32>
    %sign3A = arith.constant 0 : i32
    %sign3A_34 = vector.broadcast %sign3A : i32 to vector<48xi32>
    %sign3A_35 = arith.cmpi sgt, %reduce_min3A_13, %sign3A_34 : vector<48xi32>
    %sign3A_36 = arith.extui %sign3A_35 : vector<48xi1> to vector<48xi32>
    %sign3A_37 = arith.constant 0 : i32
    %sign3A_38 = vector.broadcast %sign3A_37 : i32 to vector<48xi32>
    %sign3A_39 = arith.cmpi slt, %reduce_min3A_13, %sign3A_38 : vector<48xi32>
    %sign3A_40 = arith.extui %sign3A_39 : vector<48xi1> to vector<48xi32>
    %sign3A_41 = arith.subi %sign3A_36, %sign3A_40 : vector<48xi32>
    %sign3A_42 = arith.constant 0 : i32
    %sign3A_43 = arith.cmpi sgt, %jit3A_32, %sign3A_42 : i32
    %sign3A_44 = arith.extui %sign3A_43 : i1 to i32
    %sign3A_45 = arith.constant 0 : i32
    %sign3A_46 = arith.cmpi slt, %jit3A_32, %sign3A_45 : i32
    %sign3A_47 = arith.extui %sign3A_46 : i1 to i32
    %sign3A_48 = arith.subi %sign3A_44, %sign3A_47 : i32
    %ne3A_49 = vector.broadcast %sign3A_48 : i32 to vector<48xi32>
    %ne3A_50 = arith.cmpi ne, %sign3A_41, %ne3A_49 : vector<48xi32>
    %rem3A_51 = vector.broadcast %jit3A_32 : i32 to vector<48xi32>
    %rem3A_52 = arith.remsi %reduce_min3A_13, %rem3A_51 : vector<48xi32>
    %ne3A_53 = arith.constant 0 : i32
    %ne3A_54 = vector.broadcast %ne3A_53 : i32 to vector<48xi32>
    %ne3A_55 = arith.cmpi ne, %rem3A_52, %ne3A_54 : vector<48xi32>
    %and3A_56 = arith.andi %ne3A_50, %ne3A_55 : vector<48xi1>
    %sub3A = arith.constant 1 : i32
    %sub3A_57 = vector.broadcast %sub3A : i32 to vector<48xi32>
    %sub3A_58 = arith.subi %div3A_33, %sub3A_57 : vector<48xi32>
    %select_n3A_59 = arith.select %and3A_56, %sub3A_58, %div3A_33 : vector<48xi1>, vector<48xi32>
    %convert_element_type3A_60 = arith.sitofp %select_n3A_59 : vector<48xi32> to vector<48xf32>
    %stack3A = vector.shape_cast %convert_element_type3A : vector<48xf32> to vector<48x1xf32>
    %stack3A_61 = vector.shape_cast %convert_element_type3A_60 : vector<48xf32> to vector<48x1xf32>
    %stack3A_62 = tpu.concatenate %stack3A, %stack3A_61 in 1 : vector<48x1xf32>, vector<48x1xf32> -> vector<48x2xf32>
    %broadcast_in_dim3A_63 = vector.shape_cast %stack3A_62 : vector<48x2xf32> to vector<1x48x2xf32>
    %swap3A = arith.constant 0 : index
    %swap3A_64 = arith.constant 0 : index
    %swap3A_65 = arith.constant 0 : index
    %swap3A_66 = vector.load %arg2[%swap3A, %swap3A_64, %swap3A_65] : memref<1x48x2xf32, #tpu.memory_space<vmem>>, vector<1x48x2xf32>
    tpu.vector_store %arg2[%swap3A, %swap3A_64, %swap3A_65], %broadcast_in_dim3A_63 {strides = array<i32>} : memref<1x48x2xf32, #tpu.memory_space<vmem>>, vector<1x48x2xf32>,
    return
  }
  func.func @transform_0(%arg0: i32) -> (i32, i32, i32, i32) {
    %jit3A = arith.constant 2 : i32
    %div3A = arith.divsi %arg0, %jit3A : i32
    %sign3A = arith.constant 0 : i32
    %sign3A_0 = arith.cmpi sgt, %arg0, %sign3A : i32
    %sign3A_1 = arith.extui %sign3A_0 : i1 to i32
    %sign3A_2 = arith.constant 0 : i32
    %sign3A_3 = arith.cmpi slt, %arg0, %sign3A_2 : i32
    %sign3A_4 = arith.extui %sign3A_3 : i1 to i32
    %sign3A_5 = arith.subi %sign3A_1, %sign3A_4 : i32
    %sign3A_6 = arith.constant 0 : i32
    %sign3A_7 = arith.cmpi sgt, %jit3A, %sign3A_6 : i32
    %sign3A_8 = arith.extui %sign3A_7 : i1 to i32
    %sign3A_9 = arith.constant 0 : i32
    %sign3A_10 = arith.cmpi slt, %jit3A, %sign3A_9 : i32
    %sign3A_11 = arith.extui %sign3A_10 : i1 to i32
    %sign3A_12 = arith.subi %sign3A_8, %sign3A_11 : i32
    %ne3A = arith.cmpi ne, %sign3A_5, %sign3A_12 : i32
    %rem3A = arith.remsi %arg0, %jit3A : i32
    %ne3A_13 = arith.constant 0 : i32
    %ne3A_14 = arith.cmpi ne, %rem3A, %ne3A_13 : i32
    %and3A = arith.andi %ne3A, %ne3A_14 : i1
    %sub3A = arith.constant 1 : i32
    %sub3A_15 = arith.subi %div3A, %sub3A : i32
    %select_n3A = arith.select %and3A, %sub3A_15, %div3A : i32
    %jit3A_16 = arith.constant 2 : i32
    %eq3A = arith.constant 0 : i32
    %eq3A_17 = arith.cmpi eq, %jit3A_16, %eq3A : i32
    %jit3A_18 = arith.constant 1 : i32
    %select_n3A_19 = arith.select %eq3A_17, %jit3A_18, %jit3A_16 : i32
    %rem3A_20 = arith.remsi %arg0, %select_n3A_19 : i32
    %ne3A_21 = arith.constant 0 : i32
    %ne3A_22 = arith.cmpi ne, %rem3A_20, %ne3A_21 : i32
    %lt3A = arith.constant 0 : i32
    %lt3A_23 = arith.cmpi slt, %rem3A_20, %lt3A : i32
    %lt3A_24 = arith.constant 0 : i32
    %lt3A_25 = arith.cmpi slt, %select_n3A_19, %lt3A_24 : i32
    %ne3A_26 = arith.xori %lt3A_23, %lt3A_25 : i1
    %and3A_27 = arith.andi %ne3A_26, %ne3A_22 : i1
    %add3A = arith.addi %rem3A_20, %select_n3A_19 : i32
    %select_n3A_28 = arith.select %and3A_27, %add3A, %rem3A_20 : i32
    %c0_i32 = arith.constant 0 : i32
    %c0_i32_29 = arith.constant 0 : i32
    %c0_i32_30 = arith.constant 0 : i32
    return %select_n3A, %select_n3A_28, %c0_i32, %c0_i32_29 : i32, i32, i32, i32
  }
  func.func @transform_1(%arg0: i32) -> (i32, i32, i32) {
    %c0_i32 = arith.constant 0 : i32
    %c0_i32_0 = arith.constant 0 : i32
    %c0_i32_1 = arith.constant 0 : i32
    return %arg0, %c0_i32, %c0_i32_0 : i32, i32, i32
  }
}

</mosaic_0001>

<sc_bundles>
// kernel: kernel.4.cloned.1.call-start
scs
__scs_entry_jumppad:
0x0: {  	(pc) =	sbr.rel $0x88, $3  }
0x1: {  	(tag) =	ssettag $0x0;
	lr =	simm.s32 $0x1  }
0x2: {  	[smem:$0x3FA0] =	sst lr;
	_ =	strace $0xD0000000  }
0x3: {  	_ = 	snop  }
0x4: {  	_ = 	snop  }
0x5: {  	_ = 	snop  }
0x6: {  	_ = 	snop  }
0x7: {  	_ = 	snop  }
__scs_overlays_trampoline_lowered:
0x8: {  	[smem:$0x3FAF] =	sst s0  }
0x9: {  	[smem:$0x3FB0] =	sst s1  }
0xa: {  	[smem:$0x3FB1] =	sst s2  }
0xb: {  	[smem:$0x3FB2] =	sst s3  }
0xc: {  	[smem:$0x3FB3] =	sst s4  }
0xd: {  	[smem:$0x3FB4] =	sst s5  }
0xe: {  	[smem:$0x3FB5] =	sst s6  }
0xf: {  	[smem:$0x3FB6] =	sst s7  }
0x10: {  	[smem:$0x3FB7] =	sst s8  }
0x11: {  	[smem:$0x3FB8] =	sst s9;
	s0 =	simm.s32 @!p0 $0x0  }
0x12: {  	s1 =	sld [smem:$0x3F9E];
	s0 =	simm.s32 @p0 $0x1  }
0x13: {  	[smem:$0x3FB9] =	sst s0;
	s0 =	simm.s32 @!p1 $0x0  }
0x14: {  	s2 =	sld [smem:$0x3F9D];
	s0 =	simm.s32 @p1 $0x1  }
0x15: {  	[smem:$0x3FBA] =	sst s0;
	s0 =	simm.s32 @!p2 $0x0  }
0x16: {  	s3 =	sld [smem:$0x3FDB];
	s0 =	simm.s32 @p2 $0x1  }
0x17: {  	s4 =	simm.s32 $0x1BF5;
	[smem:$0x3FBC] =	sst s0  }
0x18: {  	s0 =	sld [smem:$0x3F9F];
	_ =	swait.ge [sflag:s4], $0x0  }
0x19: {  	s7 =	sld [smem:$0x3FA0]  }
0x1a: {  	s8 =	sadd.s32 $0xFFFFE003, lr  }
0x1b: {  	s9 =	sadd.s32 $0xFFFFFEF7, lr;
	s5 =	simm.s32 $0xFFFFFFFF;
	p2 =	slt.u32 s8, $0xFFFFF086  }
0x1c: {  	p1 =	slt.u32 s9, $0xF7A;
	s5 =	simm.s32 @!p2 $0x0  }
0x1d: {  	s5 =	simm.s32 @p1 $0x1;
	p0 =	seq.s32 s7, s2  }
0x1e: {  	s7 =	smul.u32 @!p0 $0xF7A, s2;
	p2 =	seq.s32 @!p0 s5, $0x0  }
0x1f: {  	s9 =	smul.u32 $0xF7A, s1;
	s8 =	simm.s32 @!p0 $0x1BF5;
	p2 =	por !p2, p0  }
0x20: {  	[sflag:s8] =	ssyncset.s32 @!p0 $0xFFFFF086;
	s6 =	sadd.s32 @!p0 s3, s7;
	s7 =	simm.s32 @!p0 $0x108  }
0x21: {  	s3 =	sadd.s32 s3, s9;
	s6 =	sadd.s32 @!p0 $0x88, s6;
	s7 =	simm.s32 @p2 $0x1082  }
0x22: {  	[simem:s7], [sflag:s8] =	dma.local @!p0 [hbm:s6], $0xF7A  }
0x23: {  	s9 =	sor.u32 $0xD0000000, s2;
	s6 =	simm.s32 $0x108;
	_ =	swait.ge @!p0 [sflag:s8], $0x0  }
0x24: {  	s3 =	sadd.s32 $0x88, s3;
	s6 =	simm.s32 @!p1 $0x1082;
	[sflag:s4] =	ssyncset.s32 $0xFFFFF086  }
0x25: {  	[simem:s6], [sflag:s4] =	dma.local [hbm:s3], $0xF7A  }
0x26: {  	[smem:$0x3FA0] =	sst s1;
	(tag) =	ssettag s2;
	_ =	strace s9  }
0x27: {  	s1 =	sld [smem:$0x3FB0]  }
0x28: {  	s2 =	sld [smem:$0x3FB1]  }
0x29: {  	s4 =	sld [smem:$0x3FB3]  }
0x2a: {  	p0 =	seq.s32 s5, $0x0;
	s5 =	sld [smem:$0x3FB4]  }
0x2b: {  	s6 =	sld [smem:$0x3FB5]  }
0x2c: {  	s7 =	sld [smem:$0x3FB6]  }
0x2d: {  	s3 =	simm.s32 $0x108;
	s8 =	sld [smem:$0x3FB7]  }
0x2e: {  	s3 =	simm.s32 @!p0 $0x1082;
	s9 =	sld [smem:$0x3FB8]  }
0x2f: {  	lr =	sadd.s32 s0, s3;
	s0 =	sld [smem:$0x3FAF]  }
0x30: {  	s3 =	sld [smem:$0x3FB2]  }
0x31: {  	[smem:$0x3FBB] =	sst s10  }
0x32: {  	s10 =	sld [smem:$0x3FB9];
	_ =	sdelay $0x3  }
0x33: {  	p0 =	seq.s32 s10, $0x1;
	s10 =	sld [smem:$0x3FBB];
	_ =	sdelay $0x3  }
0x34: {  	[smem:$0x3FBB] =	sst s10  }
0x35: {  	s10 =	sld [smem:$0x3FBA];
	_ =	sdelay $0x3  }
0x36: {  	p1 =	seq.s32 s10, $0x1;
	s10 =	sld [smem:$0x3FBB];
	_ =	sdelay $0x3  }
0x37: {  	[smem:$0x3FBB] =	sst s10  }
0x38: {  	s10 =	sld [smem:$0x3FBC]  }
0x39: {  	_ = 	snop;
	(pc) =	sbr.ind lr, $3  }
0x3a: {  	_ = 	snop  }
0x3b: {  	_ = 	snop  }
0x3c: {  	p2 =	seq.s32 s10, $0x1;
	s10 =	sld [smem:$0x3FBB]  }
0x3d: {  	_ =	shalt  }
0x3e: {  	_ =	shalt  }
0x3f: {  	_ =	shalt  }
0x40: {  	_ =	shalt  }
0x41: {  	_ =	shalt  }
0x42: {  	_ =	shalt  }
0x43: {  	_ =	shalt  }
0x44: {  	_ =	shalt  }
0x45: {  	_ =	shalt  }
0x46: {  	_ =	shalt  }
0x47: {  	_ =	shalt  }
0x48: {  	_ =	shalt  }
0x49: {  	_ =	shalt  }
0x4a: {  	_ =	shalt  }
0x4b: {  	_ =	shalt  }
0x4c: {  	_ =	shalt  }
0x4d: {  	_ =	shalt  }
0x4e: {  	_ =	shalt  }
0x4f: {  	_ =	shalt  }
0x50: {  	_ =	shalt  }
0x51: {  	_ =	shalt  }
0x52: {  	_ =	shalt  }
0x53: {  	_ =	shalt  }
0x54: {  	_ =	shalt  }
0x55: {  	_ =	shalt  }
0x56: {  	_ =	shalt  }
0x57: {  	_ =	shalt  }
0x58: {  	_ =	shalt  }
0x59: {  	_ =	shalt  }
0x5a: {  	_ =	shalt  }
0x5b: {  	_ =	shalt  }
0x5c: {  	_ =	shalt  }
0x5d: {  	_ =	shalt  }
0x5e: {  	_ =	shalt  }
0x5f: {  	_ =	shalt  }
0x60: {  	_ =	shalt  }
0x61: {  	_ =	shalt  }
0x62: {  	_ =	shalt  }
0x63: {  	_ =	shalt  }
0x64: {  	_ =	shalt  }
0x65: {  	_ =	shalt  }
0x66: {  	_ =	shalt  }
0x67: {  	_ =	shalt  }
0x68: {  	_ =	shalt  }
0x69: {  	_ =	shalt  }
0x6a: {  	_ =	shalt  }
0x6b: {  	_ =	shalt  }
0x6c: {  	_ =	shalt  }
0x6d: {  	_ =	shalt  }
0x6e: {  	_ =	shalt  }
0x6f: {  	_ =	shalt  }
0x70: {  	_ =	shalt  }
0x71: {  	_ =	shalt  }
0x72: {  	_ =	shalt  }
0x73: {  	_ =	shalt  }
0x74: {  	_ =	shalt  }
0x75: {  	_ =	shalt  }
0x76: {  	_ =	shalt  }
0x77: {  	_ =	shalt  }
0x78: {  	_ =	shalt  }
0x79: {  	_ =	shalt  }
0x7a: {  	_ =	shalt  }
0x7b: {  	_ =	shalt  }
0x7c: {  	_ =	shalt  }
0x7d: {  	_ =	shalt  }
0x7e: {  	_ =	shalt  }
0x7f: {  	_ =	shalt  }
0x80: {  	_ =	shalt  }
0x81: {  	_ =	shalt  }
0x82: {  	_ =	shalt  }
0x83: {  	_ =	shalt  }
0x84: {  	_ =	shalt  }
0x85: {  	_ =	shalt  }
0x86: {  	_ =	shalt  }
0x87: {  	_ =	shalt  }
.Lfunc_end0:
.L_simem_size_0:
called_computation_lowered:
.L_overlay_start_0:
0x88: {  	s2 =	sld [smem:$0x3FD9]  }
0x89: {  	s3 =	sld [smem:$0x3FFE];
	_ =	sdelay $0x1  }
0x8a: {  	s1 =	srdreg.scid  }
0x8b: {  	s0 =	sand.u32 $0x1, s1  }
0x8c: {  	s18 =	sshll.u32 s0, $0xA;
	s2 =	sadd.s32 s3, s2  }
0x8d: {  	s2 =	sadd.s32 s2, s18  }
0x8e: {  	[smem:$0x3FC7] =	sst s2  }
0x8f: {  	_ = 	snop  }
0x90: {  	s2 =	sld [smem:$0x3FC9]  }
0x91: {  	s19 =	sld [smem:$0x3FD0];
	(tm) =	ssettm $0x1  }
0x92: {  	s4 =	sld [smem:$0x3FFB];
	_ =	sdelay $0x3  }
0x93: {  	_ =	strace s4  }
0x94: {  	s4 =	sld [smem:$0x3FFC];
	_ =	sdelay $0x3  }
0x95: {  	_ =	strace s4  }
0x96: {  	s4 =	sld [smem:$0x3FFD];
	_ =	sdelay $0x3  }
0x97: {  	_ =	strace s4  }
0x98: {  	_ =	strace $0x8FFFFFFF  }
0x99: {  	s20 =	sld [smem:$0x3FDB];
	_ =	sdelay $0x1  }
0x9a: {  	s5 =	simm.s32 $_scs_section_size  }
0x9b: {  	s6 =	simm.s32 $_size__tile_overlayer_lowered;
	s7 =	simm.s32 $_tile_overlayer_lowered  }
0x9c: {  	s23 =	simm.s32 $0x1BFF;
	s22 =	sshll.u32 s7, $0x1;
	s4 =	sadd.s32 s5, s20  }
0x9d: {  	s8 =	simm.s32 $0x0;
	s21 =	sshll.u32 s6, $0x1;
	s6 =	sadd.s32 s22, s4  }
0x9e: {  	[timem:s8], [sflag:s23] =	dma.local [hbm:s6], s21  }
0x9f: {  	_ =	swait.ge [sflag:s23], s21  }
0xa0: {  	s5 =	ssub.s32 $0x0, s21;
	[sflag:s23] =	ssyncset.done $0x0  }
0xa1: {  	[sflag:s23] =	ssyncadd.s32 s5;
	_ =	sdelay $0x1  }
0xa2: {  	s24 =	simm.s32 $0x1B8B  }
0xa3: {  	_ =	swait.ge [sflag:s24], $0x1  }
0xa4: {  	[sflag:s24] =	ssyncset.done $0x0  }
0xa5: {  	s25 =	simm.s32 $0x1B8E;
	[sflag:s24] =	ssyncadd.s32 $0xFFFFFFFF  }
0xa6: {  	s26 =	simm.s32 $execute0_lowered;
	[smem:$0x3FD2] =	sst s25  }
0xa7: {  	s5 =	sshll.u32 s26, $0x1;
	_ =	strace $0x80000046;
	[dreg:$0x1] =	wrdreg $0xFFFFFFFF  }
0xa8: {  	s28 =	simm.s32 $_size_execute0_lowered;
	s4 =	sadd.s32 s4, s5;
	[dreg:$0x0] =	wrdreg $0x0  }
0xa9: {  	s5 =	sshll.u32 s28, $0x1;
	[dreg:$0x2] =	wrdreg s4  }
0xaa: {  	[dreg:$0x3] =	wrdreg s5  }
0xab: {  	[dreg:$0x4] =	wrdreg $0xC0  }
0xac: {  	_ =	task [dreg:s8], $0x5FFFF  }
0xad: {  	[dreg:$0x1] =	wrdreg $0xFFFFFFFF  }
0xae: {  	[dreg:$0x0] =	wrdreg $0x60  }
0xaf: {  	[dreg:$0x2] =	wrdreg s2  }
0xb0: {  	[dreg:$0x3] =	wrdreg s19  }
0xb1: {  	[dreg:$0x4] =	wrdreg $0x9  }
0xb2: {  	_ =	task.clear_ibuf [dreg:s8], $0x5FFFF;
	_ =	strace $0x90000046  }
0xb3: {  	s29 =	simm.s32 $0x9;
	_ =	strace $0x80000048  }
0xb4: {  	_ =	swait.ge [sflag:s29], $0x1  }
0xb5: {  	[sflag:s29] =	ssyncadd.s32 $0xFFFFFFFF  }
0xb6: {  	_ =	strace $0x90000048  }
0xb7: {  	_ =	sfence  }
0xb8: {  	s30 =	sld [smem:$0x0];
	_ =	sdelay $0x2  }
0xb9: {  	s31 =	sshll.u32 s1, $0xD;
	s1 =	sshrl.u32 s1, $0x2  }
0xba: {  	s3 =	sand.u32 $0x4000, s31;
	s1 =	sadd.s32 s1, s30  }
0xbb: {  	s0 =	sor.u32 s3, s0;
	s1 =	sshll.u32 s1, $0x11  }
0xbc: {  	s0 =	sor.u32 s1, s0  }
0xbd: {  	s0 =	sadd.s32 $0x8F2B, s0  }
0xbe: {  	[sflag:s0] =	ssyncadd.remote.s32 $0x1  }
0xbf: {  	_ =	sfence.sel $0xFFFF  }
0xc0: {  	[dreg:$0x0] =	wrdreg $0xFFFFFFFF;
	(pc) =	sbr.abs _section_cstart, $3  }
0xc1: {  	[dreg:$0x1] =	wrdreg $0xFFFFFFFF  }
0xc2: {  	_ =	task.clear_ibuf [dreg:s8], $0x2FFFF;
	_ =	strace $0x9FFFFFFF  }
0xc3: {  	(tm) =	ssettm $0x7FFFFFFF  }
tec
execute0_lowered:
.L_overlay_start_1:
0x0: {  	(tag) =	ssettag $0x1  }
0x1: {  	s0 =	srdreg.scid  }
0x2: {  	s4 =	sand.u32 $0x1, s0  }
0x3: {  	s0 =	stileid.u32;
	s1 =	sshll.u32 s4, $0x4  }
0x4: {  	s5 =	sor.u32 s0, s1  }
0x5: {  	s6 =	smul.u32 $0xC, s5;
	_ =	sdelay $0x1  }
0x6: {  	s3 =	sor.u32 $0x1, s6  }
0x7: {  	s7 =	smul.u32 $0x2AB, s3;
	_ =	sdelay $0x1  }
0x8: {  	s29 =	sshrl.u32 s7, $0x10  }
0x9: {  	v34 =	vlaneseq.u32;
	s9 =	smul.u32 $0x60, s29  }
0xa: {  	s2 =	rddreg [dreg:$0x0];
	v62 =	vmul.u32 $0x60, v34;
	s1 =	smul.u32 $0x2004, s5  }
0xb: {  	s30 =	rddreg [dreg:$0x1];
	s9 =	ssub.s32 s3, s9;
	s3 =	simm.s32 $0x0  }
0xc: {  	v10 =	vor.u32 $0x3000, v62;
	s1 =	sshrl.u32 s1, $0x10;
	[smem:$0x7FF] =	sst s3  }
0xd: {  	v52 =	vadd.s32 $0x1200, v62;
	s8 =	smul.u32 $0x60, s1;
	s1 =	rddreg [dreg:$0x2];
	_ =	strace $0x80000047;
	[tilespmem:$0x1FF50] =	vst v10  }
0xe: {  	s12 =	simm.s32 $0x2;
	v49 =	vor.u32 $0x1800, v62;
	[tilespmem:$0x1FF60] =	vst v52  }
0xf: {  	v38 =	vadd.s32 $0xC00, v62;
	s10 =	sshrl.u32 s5, $0x3;
	s31 =	smul.u32 $0x3, s5;
	s8 =	ssub.s32 s6, s8;
	[tilespmem:$0x1FF70] =	vst v49  }
0x10: {  	s13 =	simm.s32 $0x3;
	v56 =	vadd.s32 $0x1E00, v62;
	s10 =	smul.u32 $0x540000, s10;
	s8 =	sand.u32 $0xFFFC, s8;
	[tilespmem:$0x1FF80] =	vst v38  }
0x11: {  	s14 =	simm.s32 $0x0;
	v9 =	vadd.s32 $0x600, v62;
	s8 =	smul.u32 $0x6000, s8;
	s9 =	sand.u32 $0xFFFD, s9;
	[tilespmem:$0x1FF90] =	vst v56  }
0x12: {  	s4 =	ssub.s32 $0x2, s4;
	s10 =	sadd.s32 $0x1500000, s10;
	s9 =	smul.u32 $0x6000, s9;
	[tilespmem:$0x1FFA0] =	vst v9  }
.Ltmp0:
0x13: {  	s11 =	sshrl.u32 s4, $0x1;
	v8 =	vadd.s32 $0x3600, v62;
	s8 =	sadd.s32 s8, s10;
	[tilespmem:$0x1FFB0] =	vst v62;
	(pc) =	sbr.rel .LBB2_1-.Ltmp0, $4  }
0x14: {  	v7 =	vadd.s32 $0x4200, v62;
	s11 =	ssub.s32 s4, s11;
	s6 =	sor.u32 $0x2, s6;
	s8 =	sshrl.u32 s8, $0x3;
	[tilespmem:$0x1FFC0] =	vst v8  }
0x15: {  	v12 =	vadd.s32 $0x2A00, v62;
	s7 =	sadd.s32 s30, s31;
	[tilespmem:$0x1FFD0] =	vst v7;
	s4 =	sadd.s32 s2, s8;
	s9 =	sadd.s32 s10, s9  }
0x16: {  	v11 =	vadd.s32 $0x2400, v62;
	[tilespmem:$0x1FFE0] =	vst v12;
	s8 =	smax.u32 s11, $0x1;
	s11 =	simm.s32 $0xC300;
	s9 =	sshrl.u32 s9, $0x3  }
0x17: {  	v44 =	vadd.s32 $0x3C00, v62;
	[tilespmem:$0x1FFF0] =	vst v11;
	s10 =	simm.s32 $0x1;
	s5 =	sadd.s32 s2, s9;
	s9 =	simm.s32 $0x6000  }
.LBB2_19:
0x18: {  	s14 =	sadd.s32 $0x1, s14  }
0x19: {  	p0 =	sne.s32 s14, s8  }
.Ltmp1:
0x1a: {  	_ = 	snop;
	(pc) =	sbr.rel @!p0 .LBB2_20-.Ltmp1, $4  }
0x1b: {  	[hbm4b:s7+s3] =	stream.linear.scatter [tilespmem:s11], [sflag:$0x3], $0x18, $0x38;
	[tilespmem:$0xC380] =	vst v63  }
0x1c: {  	_ =	swait.ge [sflag:s13], $0x18  }
0x1d: {  	[sflag:s13] =	ssyncset.done $0x0  }
0x1e: {  	[sflag:s13] =	ssyncadd.s32 $0xFFFFFFE8  }
.LBB2_1:
.Ltmp2:
0x1f: {  	(pc) =	sbr.rel .LBB2_2-.Ltmp2, $4  }
0x20: {  	_ = 	snop  }
0x21: {  	[tilespmem:s3], [sflag:$0x1] =	stream.linear.gather [hbm4b:s4+s3], $0x6000, $0x38;
	[tilespmem:$0xC380] =	vst v63  }
0x22: {  	s15 =	simm.s32 $0x0  }
0x23: {  	[tilespmem:s9], [sflag:$0x2] =	stream.linear.gather [hbm4b:s5+s3], $0x6000, $0x38;
	[tilespmem:$0xC380] =	vst v63  }
.LBB2_22:
0x24: {  	s18 =	sshll.u32 s17, $0x9  }
0x25: {  	s19 =	sshll.u32 s17, $0x8;
	s18 =	sand.u32 $0xFFFFF800, s18  }
0x26: {  	s20 =	sand.u32 $0x300, s19;
	s28 =	sadd.s32 $0x6000, s18  }
0x27: {  	s20 =	sor.u32 s20, s28  }
0x28: {  	v0 =	vld [tilespmem:s20+$0x0]  }
0x29: {  	v1 =	vld [tilespmem:s20+$0x10]  }
0x2a: {  	v3 =	vld [tilespmem:s20+$0x20]  }
0x2b: {  	v4 =	vld [tilespmem:s20+$0x30]  }
0x2c: {  	v5 =	vld [tilespmem:s20+$0x40]  }
0x2d: {  	s29 =	sshll.u32 s17, $0x1;
	v6 =	vld [tilespmem:s20+$0x50]  }
0x2e: {  	v2 =	vadd.s32 s29, v62  }
0x2f: {  	vm0 =	vlt.s32 v2, $0x40000000;
	vm1 =	veq.f32 v0, v13  }
0x30: {  	v14 =	vld [tilespmem:s20+$0x60];
	v0 =	vnsel vm0, $0x40000000, v2;
	v2 =	vadd.s32 s29, v9;
	vm9 =	veq.f32 v1, v13  }
0x31: {  	vm11 =	veq.f32 v3, v13;
	v3 =	vadd.s32 s29, v52;
	vm12 =	veq.f32 v4, v13;
	v4 =	vld [tilespmem:s20+$0x70]  }
0x32: {  	vm14 =	veq.f32 v5, v13;
	vm15 =	veq.f32 v6, v13;
	v6 =	vld [tilespmem:s20+$0x400];
	vm8 =	vlt.s32 v2, $0x40000000  }
0x33: {  	v0 =	vnsel vm1, $0x40000000, v0;
	v1 =	vnsel vm8, $0x40000000, v2;
	v2 =	vadd.s32 s29, v38  }
0x34: {  	v5 =	vadd.s32 s29, v56;
	v1 =	vnsel vm9, $0x40000000, v1;
	vm10 =	vlt.s32 v0, v2  }
0x35: {  	vm2 =	veq.f32 v14, v13;
	v2 =	vsel vm10, v0, v2;
	vm13 =	vlt.s32 v1, v3  }
0x36: {  	v0 =	vsel vm11, v2, v0;
	v2 =	vsel vm13, v1, v3;
	v3 =	vadd.s32 s29, v49  }
0x37: {  	vm5 =	veq.f32 v4, v13;
	vm6 =	veq.f32 v6, v13;
	v3 =	vnsel vm14, $0x40000000, v3  }
0x38: {  	v14 =	vld [tilespmem:s20+$0x410];
	v1 =	vsel vm12, v2, v1;
	v2 =	vnsel vm15, $0x40000000, v5;
	vm4 =	vlt.s32 v0, v3  }
0x39: {  	v5 =	vadd.s32 s29, v11;
	vm1 =	vlt.s32 v1, v2;
	v0 =	vsel vm4, v0, v3;
	v3 =	vld [tilespmem:s20+$0x420]  }
0x3a: {  	v1 =	vsel vm1, v1, v2;
	v2 =	vnsel vm2, $0x40000000, v5;
	v5 =	vadd.s32 s29, v12  }
0x3b: {  	vm0 =	vlt.s32 v0, v2;
	v4 =	vnsel vm5, $0x40000000, v5;
	v5 =	vadd.s32 s29, v10  }
0x3c: {  	v0 =	vsel vm0, v0, v2;
	v2 =	vnsel vm6, $0x40000000, v5;
	v5 =	vld [tilespmem:s20+$0x430]  }
0x3d: {  	s30 =	sshllo.u32 s17, $0x1;
	v15 =	vadd.s32 $0x4E00, v62;
	vm9 =	veq.f32 v14, v13  }
0x3e: {  	s21 =	sshll.u32 s30, $0x7;
	v6 =	vadd.s32 s29, v44;
	vm7 =	vlt.s32 v1, v4;
	vm10 =	veq.f32 v3, v13;
	v3 =	vld [tilespmem:s20+$0x440]  }
0x3f: {  	s31 =	sand.u32 $0x380, s21;
	v1 =	vsel vm7, v1, v4;
	vm8 =	vlt.s32 v0, v2;
	v4 =	vadd.s32 s29, v8  }
0x40: {  	s19 =	sor.u32 s31, s28;
	v0 =	vsel vm8, v0, v2;
	v2 =	vnsel vm9, $0x40000000, v4;
	v4 =	vnsel vm10, $0x40000000, v6;
	v6 =	vld [tilespmem:s20+$0x450]  }
0x41: {  	v16 =	vadd.s32 s29, v15;
	v55 =	vadd.s32 s30, v9;
	vm13 =	veq.f32 v5, v13;
	v5 =	vld [tilespmem:s19+$0x0]  }
0x42: {  	v57 =	vadd.s32 s30, v38;
	v58 =	vadd.s32 s30, v49;
	v59 =	vadd.s32 s30, v56  }
0x43: {  	vm11 =	vlt.s32 v1, v2;
	vm12 =	vlt.s32 v0, v4;
	vm14 =	veq.f32 v3, v13;
	v3 =	vld [tilespmem:s19+$0x10]  }
0x44: {  	v1 =	vsel vm11, v1, v2;
	v2 =	vadd.s32 s29, v7;
	v0 =	vsel vm12, v0, v4  }
0x45: {  	v4 =	vor.u32 $0x4800, v62;
	v2 =	vnsel vm13, $0x40000000, v2;
	vm4 =	veq.f32 v6, v13;
	v6 =	vld [tilespmem:s19+$0x20]  }
0x46: {  	v14 =	vadd.s32 s29, v4;
	vm15 =	vlt.s32 v1, v2;
	vm6 =	veq.f32 v5, v13;
	v5 =	vld [tilespmem:s19+$0x30]  }
0x47: {  	v60 =	vadd.s32 s30, v12;
	v1 =	vsel vm15, v1, v2;
	v14 =	vnsel vm14, $0x40000000, v14  }
0x48: {  	vm0 =	vlt.s32 v0, v14;
	v2 =	vnsel vm4, $0x40000000, v16;
	vm7 =	veq.f32 v3, v13;
	v3 =	vld [tilespmem:s19+$0x40]  }
0x49: {  	v0 =	vsel vm0, v0, v14;
	vm5 =	vlt.s32 v1, v2;
	v14 =	vadd.s32 s30, v62  }
0x4a: {  	v14 =	vnsel vm6, $0x40000000, v14;
	v1 =	vsel vm5, v1, v2;
	vm9 =	veq.f32 v6, v13;
	v6 =	vld [tilespmem:s19+$0x50]  }
0x4b: {  	vm8 =	vlt.s32 v0, v14;
	v2 =	vnsel vm7, $0x40000000, v55;
	vm10 =	veq.f32 v5, v13;
	v5 =	vld [tilespmem:s19+$0x60]  }
0x4c: {  	v0 =	vsel vm8, v0, v14;
	v14 =	vadd.s32 s30, v52;
	vm1 =	vlt.s32 v1, v2  }
0x4d: {  	v1 =	vsel vm1, v1, v2;
	v2 =	vnsel vm9, $0x40000000, v57;
	vm11 =	veq.f32 v3, v13;
	v3 =	vld [tilespmem:s19+$0x70]  }
0x4e: {  	v61 =	vadd.s32 s30, v10;
	v14 =	vnsel vm10, $0x40000000, v14;
	vm0 =	vlt.s32 v0, v2  }
0x4f: {  	v0 =	vsel vm0, v0, v2;
	v2 =	vnsel vm11, $0x40000000, v58;
	vm13 =	veq.f32 v6, v13;
	v6 =	vld [tilespmem:s19+$0x400]  }
0x50: {  	vm12 =	vlt.s32 v1, v14;
	vm1 =	vlt.s32 v0, v2;
	vm14 =	veq.f32 v5, v13;
	v5 =	vld [tilespmem:s19+$0x410]  }
0x51: {  	v1 =	vsel vm12, v1, v14;
	v14 =	vadd.s32 s30, v11;
	v0 =	vsel vm1, v0, v2  }
0x52: {  	v2 =	vnsel vm13, $0x40000000, v59;
	v14 =	vnsel vm14, $0x40000000, v14;
	vm15 =	veq.f32 v3, v13;
	v3 =	vld [tilespmem:s19+$0x420]  }
0x53: {  	v63 =	vadd.s32 s30, v8;
	vm0 =	vlt.s32 v1, v2;
	vm4 =	vlt.s32 v0, v14  }
0x54: {  	v1 =	vsel vm0, v1, v2;
	v0 =	vsel vm4, v0, v14;
	v2 =	vnsel vm15, $0x40000000, v60  }
0x55: {  	vm5 =	veq.f32 v6, v13;
	v6 =	vld [tilespmem:s19+$0x430];
	vm1 =	vlt.s32 v1, v2;
	vm6 =	veq.f32 v5, v13  }
0x56: {  	v14 =	vld [tilespmem:s19+$0x440];
	v1 =	vsel vm1, v1, v2;
	v2 =	vnsel vm5, $0x40000000, v61;
	v16 =	vnsel vm6, $0x40000000, v63  }
0x57: {  	v5 =	vld [tilespmem:s19+$0x450];
	vm0 =	vlt.s32 v0, v2;
	vm7 =	veq.f32 v3, v13;
	v3 =	vadd.s32 s30, v44  }
0x58: {  	vm8 =	vlt.s32 v1, v16;
	v0 =	vsel vm0, v0, v2;
	v2 =	vnsel vm7, $0x40000000, v3  }
0x59: {  	v1 =	vsel vm8, v1, v16;
	vm9 =	vlt.s32 v0, v2  }
0x5a: {  	vm10 =	veq.f32 v6, v13;
	v0 =	vsel vm9, v0, v2;
	v2 =	vadd.s32 s30, v7  }
0x5b: {  	vm11 =	veq.f32 v14, v13;
	v3 =	vadd.s32 s30, v4;
	v2 =	vnsel vm10, $0x40000000, v2  }
0x5c: {  	v4 =	vadd.s32 s30, v15;
	vm12 =	veq.f32 v5, v13;
	vm13 =	vlt.s32 v1, v2  }
0x5d: {  	v1 =	vsel vm13, v1, v2;
	v2 =	vnsel vm11, $0x40000000, v3;
	v3 =	vnsel vm12, $0x40000000, v4  }
0x5e: {  	vm14 =	vlt.s32 v0, v2;
	vm15 =	vlt.s32 v1, v3  }
0x5f: {  	v0 =	vsel vm14, v0, v2;
	v1 =	vsel vm15, v1, v3  }
0x60: {  	vm0 =	vlt.s32 v0, v1  }
0x61: {  	v0 =	vsel vm0, v0, v1  }
.LBB2_18:
0x62: {  	v0 =	vxor.u32 $0x80000000, v0  }
0x63: {  	(xrf0) =	vmin.scan.msk.u32 $0xffff, v0;
	_ =	sdelay $0x5  }
0x64: {  	v0, _, _ =	vpop (xrf0)  }
0x65: {  	(v2sf) =	vpush v0, $0xF;
	_ =	sdelay $0xe  }
0x66: {  	s17 =	spop (v2sf)  }
0x67: {  	s18 =	sxor.u32 $0x80000000, s17  }
0x68: {  	s19 =	smulhi.u32 $0x92492493, s18;
	s20 =	sshra.s32 s18, $0x1F  }
0x69: {  	s16 =	sor.u32 $0x1, s16;
	s20 =	smul.u32 $0x92492493, s20  }
0x6a: {  	s21 =	sadd.s32 @!p0 s16, s6;
	s19 =	ssub.s32 s19, s18  }
0x6b: {  	s19 =	sadd.s32 s20, s19;
	s20 =	smulhi.u32 @!p0 $0x2AAAAAAB, s21  }
0x6c: {  	s19 =	sadd.s32 s18, s19  }
0x6d: {  	s29 =	sshrl.u32 s19, $0x1F;
	s19 =	sshra.s32 s19, $0x7;
	s20 =	sshrl.u32 @!p0 s20, $0x4  }
0x6e: {  	s19 =	sadd.s32 s29, s19;
	s23 =	smul.u32 @!p0 $0x60, s20  }
0x6f: {  	s22 =	smul.u32 $0xFFFFFF20, s19  }
0x70: {  	p3 =	sgt.s32 s17, $0xFFFFFFFF;
	p1 =	slt.s32 s18, $0x1  }
0x71: {  	s17 =	smul.u32 @!p0 $0x540000, s20;
	s22 =	sadd.s32 s18, s22;
	s18 =	ssub.s32 @!p0 s21, s23  }
0x72: {  	s15 =	sadd.s32 $0x1, s15;
	s16 =	sshll.u32 s16, $0x1;
	s18 =	smul.u32 @!p0 $0x6000, s18  }
0x73: {  	p1 =	por p3, p1;
	s21 =	simm.s32 $0x1;
	p2 =	sne.s32 s22, $0x0  }
0x74: {  	p3 =	slt.s32 s22, $0x0;
	s20 =	sadd.s32 $0xE0, s22;
	s17 =	sadd.s32 @!p0 s18, s17  }
0x75: {  	p1 =	por !p1, !p2;
	s22 =	smov.u32 @p3 s20;
	s17 =	sadd.s32 @!p0 $0x1500000, s17  }
0x76: {  	s20 =	simm.s32 @!p0 $0x6000;
	p1 =	por !p1, !p1;
	s17 =	sshrl.u32 @!p0 s17, $0x3  }
0x77: {  	v63 =	vadd.s32 s16, v34;
	s21 =	simm.s32 @!p1 $0x0;
	s16 =	sadd.s32 @!p0 s2, s17;
	s17 =	simm.s32 @!p0 $0x0  }
0x78: {  	[tilespmem:s20], [sflag:$0x2] =	stream.linear.gather @!p0 [hbm4b:s16+s17], $0x6000, $0x38;
	[tilespmem:$0xC380] =	vst v63  }
0x79: {  	s30 =	ssub.s32 s19, s21;
	p0 =	sne.s32 s15, $0x6  }
.Ltmp3:
0x7a: {  	s18 =	scvt.s32.f32 s30;
	(pc) =	sbr.rel @!p0 .LBB2_19-.Ltmp3, $4  }
0x7b: {  	s31 =	scvt.s32.f32 s22  }
0x7c: {  	vm0 =	veq.s32 v34, $0x0;
	v1 =	vmov s18  }
0x7d: {  	v1 =	vsel vm0, s31, v1  }
0x7e: {  	[tilespmem:v63+s11+$0x0] =	vst.idx.msk $0x3, v1  }
.LBB2_2:
0x7f: {  	_ =	swait.ge [sflag:s10], $0x6000;
	s16 =	simm.s32 $0x0  }
0x80: {  	[sflag:s10] =	ssyncset.done $0x0;
	s17 =	sand.u32 $0x7800, s16;
	s16 =	sand.u32 $0x300, s16  }
0x81: {  	[sflag:s10] =	ssyncadd.s32 $0xFFFFA000;
	s16 =	sor.u32 s16, s17  }
0x82: {  	v0 =	vld [tilespmem:s16+$0x4C0]  }
0x83: {  	v1 =	vld [tilespmem:s16+$0x4D0]  }
0x84: {  	v2 =	vld [tilespmem:s16+$0x4A0]  }
0x85: {  	v13 =	vld [tilespmem:s16+$0x480]  }
0x86: {  	v14 =	vld [tilespmem:s16+$0x490]  }
0x87: {  	v15 =	vld [tilespmem:s16+$0xE0]  }
0x88: {  	v16 =	vld [tilespmem:s16+$0xC0]  }
0x89: {  	v17 =	vld [tilespmem:s16+$0xD0]  }
0x8a: {  	v18 =	vld [tilespmem:s16+$0xA0]  }
0x8b: {  	v19 =	vld [tilespmem:s16+$0x80]  }
0x8c: {  	v20 =	vld [tilespmem:s16+$0x90]  }
0x8d: {  	v21 =	vld [tilespmem:s16+$0x420]  }
0x8e: {  	v22 =	vld [tilespmem:s16+$0x440]  }
0x8f: {  	v23 =	vld [tilespmem:s16+$0x450]  }
0x90: {  	v24 =	vld [tilespmem:s16+$0x20]  }
0x91: {  	v25 =	vld [tilespmem:s16+$0x60]  }
0x92: {  	v26 =	vld [tilespmem:s16+$0x30]  }
0x93: {  	v27 =	vld [tilespmem:s16+$0x400]  }
0x94: {  	v28 =	vld [tilespmem:s16+$0x40]  }
0x95: {  	v29 =	vld [tilespmem:s16+$0x0]  }
0x96: {  	v30 =	vld [tilespmem:s16+$0x10]  }
0x97: {  	v31 =	vld [tilespmem:s16+$0x50]  }
0x98: {  	v32 =	vld [tilespmem:s16+$0x410]  }
0x99: {  	v24 =	vmax.f32 v24, v25;
	v25 =	vld [tilespmem:s16+$0x70]  }
0x9a: {  	v21 =	vmax.f32 v24, v21;
	v24 =	vld [tilespmem:s16+$0x430]  }
0x9b: {  	v18 =	vmax.f32 v21, v18;
	v21 =	vld [tilespmem:s16+$0xB0]  }
0x9c: {  	v28 =	vmax.f32 v29, v28;
	v29 =	vmax.f32 v30, v31;
	v15 =	vmax.f32 v18, v15;
	v18 =	vld [tilespmem:s16+$0xF0]  }
0x9d: {  	v27 =	vmax.f32 v28, v27;
	v28 =	vmax.f32 v29, v32;
	v2 =	vmax.f32 v15, v2;
	v15 =	vld [tilespmem:s16+$0x4B0]  }
0x9e: {  	v22 =	vmax.f32 v27, v22;
	v23 =	vmax.f32 v28, v23;
	v25 =	vmax.f32 v26, v25  }
0x9f: {  	v19 =	vmax.f32 v22, v19;
	v20 =	vmax.f32 v23, v20;
	v24 =	vmax.f32 v25, v24  }
0xa0: {  	v16 =	vmax.f32 v19, v16;
	v17 =	vmax.f32 v20, v17;
	v21 =	vmax.f32 v24, v21  }
0xa1: {  	v13 =	vmax.f32 v16, v13;
	v14 =	vmax.f32 v17, v14;
	v18 =	vmax.f32 v21, v18  }
0xa2: {  	v0 =	vmax.f32 v13, v0;
	v1 =	vmax.f32 v14, v1;
	v15 =	vmax.f32 v18, v15  }
0xa3: {  	s18 =	simm.s32 $0x100;
	s17 =	simm.s32 $0x200;
	v0 =	vmax.f32 v0, v1;
	v1 =	vmax.f32 v2, v15  }
0xa4: {  	s18 =	sand.u32 $0x300, s18;
	s19 =	sand.u32 $0x7800, s17;
	s16 =	simm.s32 $0xC000;
	v13 =	vmax.f32 v0, v1  }
0xa5: {  	s18 =	sor.u32 s18, s19;
	[tilespmem:s16+$0x0] =	vst v13  }
0xa6: {  	v14 =	vld [tilespmem:s18+$0x4C0]  }
0xa7: {  	v15 =	vld [tilespmem:s18+$0x4D0]  }
0xa8: {  	v20 =	vld [tilespmem:s18+$0x4A0]  }
0xa9: {  	v16 =	vld [tilespmem:s18+$0x480]  }
0xaa: {  	v17 =	vld [tilespmem:s18+$0x490]  }
0xab: {  	v23 =	vld [tilespmem:s18+$0xE0]  }
0xac: {  	v18 =	vld [tilespmem:s18+$0xC0]  }
0xad: {  	v19 =	vld [tilespmem:s18+$0xD0]  }
0xae: {  	v0 =	vld [tilespmem:s18+$0xA0]  }
0xaf: {  	v21 =	vld [tilespmem:s18+$0x80]  }
0xb0: {  	v22 =	vld [tilespmem:s18+$0x90]  }
0xb1: {  	v26 =	vld [tilespmem:s18+$0x420]  }
0xb2: {  	v24 =	vld [tilespmem:s18+$0x440]  }
0xb3: {  	v25 =	vld [tilespmem:s18+$0x450]  }
0xb4: {  	v28 =	vld [tilespmem:s18+$0x20]  }
0xb5: {  	v30 =	vld [tilespmem:s18+$0x60]  }
0xb6: {  	v1 =	vld [tilespmem:s18+$0x30]  }
0xb7: {  	v2 =	vld [tilespmem:s18+$0x400]  }
0xb8: {  	v29 =	vimm.f32 $-Inf;
	v27 =	vld [tilespmem:s18+$0x40]  }
0xb9: {  	s19 =	simm.s32 $0x200;
	v13 =	vmax.f32 v29, v13;
	v29 =	vld [tilespmem:s18+$0x0]  }
.LBB2_3:
0xba: {  	p0 =	sne.s32 s19, $0x2F00;
	v31 =	vld [tilespmem:s18+$0x10]  }
0xbb: {  	v32 =	vld [tilespmem:s18+$0x50]  }
0xbc: {  	v33 =	vld [tilespmem:s18+$0x410]  }
0xbd: {  	v28 =	vmax.f32 v28, v30;
	v30 =	vld [tilespmem:s18+$0x70]  }
0xbe: {  	v26 =	vmax.f32 v28, v26;
	v28 =	vld [tilespmem:s18+$0x430]  }
0xbf: {  	v0 =	vmax.f32 v26, v0;
	v26 =	vld [tilespmem:s18+$0xB0]  }
0xc0: {  	v0 =	vmax.f32 v0, v23;
	v27 =	vmax.f32 v29, v27;
	v29 =	vmax.f32 v31, v32;
	v23 =	vld [tilespmem:s18+$0xF0]  }
0xc1: {  	v0 =	vmax.f32 v0, v20;
	v2 =	vmax.f32 v27, v2;
	v27 =	vmax.f32 v29, v33;
	v20 =	vld [tilespmem:s18+$0x4B0]  }
0xc2: {  	v2 =	vmax.f32 v2, v24;
	v1 =	vmax.f32 v1, v30;
	v24 =	vmax.f32 v27, v25  }
0xc3: {  	v2 =	vmax.f32 v2, v21;
	v1 =	vmax.f32 v1, v28;
	v21 =	vmax.f32 v24, v22  }
0xc4: {  	v2 =	vmax.f32 v2, v18;
	v1 =	vmax.f32 v1, v26;
	v18 =	vmax.f32 v21, v19  }
0xc5: {  	v2 =	vmax.f32 v2, v16;
	v1 =	vmax.f32 v1, v23;
	v16 =	vmax.f32 v18, v17  }
0xc6: {  	v2 =	vmax.f32 v2, v14;
	v1 =	vmax.f32 v1, v20;
	v14 =	vmax.f32 v16, v15  }
0xc7: {  	s17 =	sadd.s32 $0x200, s17;
	v2 =	vmax.f32 v2, v14;
	v0 =	vmax.f32 v0, v1  }
0xc8: {  	s20 =	sand.u32 $0x300, s19;
	s16 =	sadd.s32 $0x10, s16;
	s18 =	sand.u32 $0x7800, s17;
	v0 =	vmax.f32 v2, v0  }
0xc9: {  	s18 =	sor.u32 s20, s18;
	[tilespmem:s16+$0x0] =	vst v0;
	v13 =	vmax.f32 v13, v0  }
0xca: {  	v14 =	vld [tilespmem:s18+$0x4C0]  }
0xcb: {  	v15 =	vld [tilespmem:s18+$0x4D0]  }
0xcc: {  	v20 =	vld [tilespmem:s18+$0x4A0]  }
0xcd: {  	v16 =	vld [tilespmem:s18+$0x480]  }
0xce: {  	v17 =	vld [tilespmem:s18+$0x490]  }
0xcf: {  	v23 =	vld [tilespmem:s18+$0xE0]  }
0xd0: {  	v18 =	vld [tilespmem:s18+$0xC0]  }
0xd1: {  	v19 =	vld [tilespmem:s18+$0xD0]  }
0xd2: {  	v0 =	vld [tilespmem:s18+$0xA0]  }
0xd3: {  	v21 =	vld [tilespmem:s18+$0x80]  }
0xd4: {  	v22 =	vld [tilespmem:s18+$0x90]  }
0xd5: {  	v26 =	vld [tilespmem:s18+$0x420]  }
0xd6: {  	v24 =	vld [tilespmem:s18+$0x440]  }
0xd7: {  	v25 =	vld [tilespmem:s18+$0x450]  }
0xd8: {  	v28 =	vld [tilespmem:s18+$0x20]  }
.Ltmp4:
0xd9: {  	v30 =	vld [tilespmem:s18+$0x60];
	(pc) =	sbr.rel @p0 .LBB2_3-.Ltmp4, $4  }
0xda: {  	v1 =	vld [tilespmem:s18+$0x30]  }
0xdb: {  	v2 =	vld [tilespmem:s18+$0x400]  }
0xdc: {  	v27 =	vld [tilespmem:s18+$0x40]  }
0xdd: {  	s19 =	sadd.s32 $0x100, s19;
	v29 =	vld [tilespmem:s18+$0x0]  }
0xde: {  	v31 =	vld [tilespmem:s18+$0x10]  }
0xdf: {  	v32 =	vld [tilespmem:s18+$0x50]  }
0xe0: {  	v33 =	vld [tilespmem:s18+$0x410]  }
0xe1: {  	v28 =	vmax.f32 v28, v30;
	v57 =	vld [tilespmem:s18+$0x70]  }
0xe2: {  	v58 =	vld [tilespmem:s18+$0x430];
	v26 =	vmax.f32 v28, v26  }
0xe3: {  	v59 =	vld [tilespmem:s18+$0xB0];
	v0 =	vmax.f32 v26, v0  }
0xe4: {  	v0 =	vmax.f32 v0, v23;
	v23 =	vld [tilespmem:s18+$0xF0];
	v27 =	vmax.f32 v29, v27;
	v60 =	vmax.f32 v31, v32  }
0xe5: {  	v0 =	vmax.f32 v0, v20;
	v20 =	vld [tilespmem:s18+$0x4B0];
	v2 =	vmax.f32 v27, v2;
	v61 =	vmax.f32 v60, v33  }
0xe6: {  	v1 =	vmax.f32 v1, v57;
	v2 =	vmax.f32 v2, v24;
	v63 =	vmax.f32 v61, v25  }
0xe7: {  	v1 =	vmax.f32 v1, v58;
	v2 =	vmax.f32 v2, v21;
	v21 =	vmax.f32 v63, v22  }
0xe8: {  	v1 =	vmax.f32 v1, v59;
	v2 =	vmax.f32 v2, v18;
	v18 =	vmax.f32 v21, v19  }
0xe9: {  	v1 =	vmax.f32 v1, v23;
	v2 =	vmax.f32 v2, v16;
	v16 =	vmax.f32 v18, v17  }
0xea: {  	v1 =	vmax.f32 v1, v20;
	v2 =	vmax.f32 v2, v14;
	v14 =	vmax.f32 v16, v15  }
0xeb: {  	v0 =	vmax.f32 v0, v1;
	v2 =	vmax.f32 v2, v14  }
0xec: {  	v0 =	vmax.f32 v2, v0  }
0xed: {  	v1 =	vmax.f32 v13, v0  }
0xee: {  	s16 =	sadd.s32 $0x10, s16;
	(xrf0) =	vmax.scan.msk.f32 $0xffff, v1  }
0xef: {  	[tilespmem:s16+$0x0] =	vst v0;
	s16 =	simm.s32 $0xC040  }
0xf0: {  	v15 =	vld [tilespmem:s16+$0x30]  }
0xf1: {  	v14 =	vld [tilespmem:s16+$0x20]  }
0xf2: {  	v16 =	vld [tilespmem:s16+$0x10]  }
0xf3: {  	v20 =	vld [tilespmem:s16+$0x0]  }
0xf4: {  	v17 =	vld [tilespmem:s16+$0xFFFFFFF0];
	v1, _, _ =	vpop (xrf0)  }
0xf5: {  	s17 =	simm.s32 $0x7;
	s20 =	simm.s32 $0x6;
	v0 =	vld [tilespmem:s16+$0xFFFFFFE0];
	v13 =	vbroadcast v1, $0xF  }
0xf6: {  	s19 =	simm.s32 $0x4;
	s21 =	simm.s32 $0x5;
	s18 =	simm.s32 $0xF;
	v19 =	vimm.s32 $0xFFFFFFFF;
	v18 =	vimm.s32 $0x40000000;
	v1 =	vld [tilespmem:s16+$0xFFFFFFC0]  }
.LBB2_5:
0xf7: {  	p0 =	sne.s32 s18, $0x2F;
	v2 =	vld [tilespmem:s16+$0xFFFFFFD0];
	s22 =	sadd.s32 $0xFFFFFFFB, s17;
	s23 =	sadd.s32 $0xFFFFFFFC, s17;
	v21 =	vmov s21;
	v22 =	vmov s20;
	v23 =	vmov s17  }
0xf8: {  	s20 =	sadd.s32 $0xFFFFFFF9, s17;
	s21 =	sadd.s32 $0xFFFFFFFA, s17;
	v26 =	vmov s19;
	s17 =	smov.u32 s18;
	v24 =	vmov s22;
	v25 =	vmov s23  }
0xf9: {  	vm0 =	veq.f32 v15, v13;
	v27 =	vmov s20;
	v28 =	vmov s21  }
0xfa: {  	vm2 =	veq.f32 v16, v13;
	vm1 =	veq.f32 v14, v13;
	vm3 =	veq.f32 v20, v13  }
0xfb: {  	vm6 =	veq.f32 v17, v13;
	vm5 =	veq.f32 v0, v13;
	vm4 =	veq.f32 v1, v13  }
0xfc: {  	v0 =	vnsel vm4, $0x40000000, v27;
	v1 =	vnsel vm4, $0xFFFFFFFF, v27;
	vm4 =	veq.f32 v2, v13  }
0xfd: {  	vm7 =	vlt.s32 v18, v0;
	vm8 =	vgt.s32 v19, v1;
	v2 =	vnsel vm4, $0x40000000, v28  }
0xfe: {  	v14 =	vnsel vm4, $0xFFFFFFFF, v28;
	v0 =	vsel vm7, v18, v0;
	v1 =	vsel vm8, v19, v1  }
0xff: {  	v15 =	vnsel vm5, $0x40000000, v24;
	vm4 =	vlt.s32 v0, v2;
	vm7 =	vgt.s32 v1, v14  }
0x100: {  	v0 =	vsel vm4, v0, v2;
	v1 =	vsel vm7, v1, v14;
	v2 =	vnsel vm5, $0xFFFFFFFF, v24  }
0x101: {  	v14 =	vnsel vm6, $0x40000000, v25;
	vm4 =	vlt.s32 v0, v15;
	vm5 =	vgt.s32 v1, v2  }
0x102: {  	v0 =	vsel vm4, v0, v15;
	v1 =	vsel vm5, v1, v2;
	v2 =	vnsel vm6, $0xFFFFFFFF, v25  }
0x103: {  	v16 =	vnsel vm3, $0x40000000, v26;
	vm4 =	vlt.s32 v0, v14;
	vm5 =	vgt.s32 v1, v2  }
0x104: {  	v0 =	vsel vm4, v0, v14;
	v1 =	vsel vm5, v1, v2;
	v2 =	vnsel vm3, $0xFFFFFFFF, v26  }
0x105: {  	s16 =	sadd.s32 $0x80, s16;
	v17 =	vnsel vm2, $0x40000000, v21;
	vm3 =	vlt.s32 v0, v16;
	vm4 =	vgt.s32 v1, v2  }
0x106: {  	v15 =	vld [tilespmem:s16+$0x30];
	v0 =	vsel vm3, v0, v16;
	v1 =	vsel vm4, v1, v2;
	v2 =	vnsel vm2, $0xFFFFFFFF, v21  }
0x107: {  	v18 =	vnsel vm1, $0x40000000, v22;
	v14 =	vld [tilespmem:s16+$0x20];
	vm2 =	vlt.s32 v0, v17;
	vm3 =	vgt.s32 v1, v2  }
.Ltmp5:
0x108: {  	v16 =	vld [tilespmem:s16+$0x10];
	v0 =	vsel vm2, v0, v17;
	v1 =	vsel vm3, v1, v2;
	v2 =	vnsel vm1, $0xFFFFFFFF, v22;
	(pc) =	sbr.rel @p0 .LBB2_5-.Ltmp5, $4  }
0x109: {  	v19 =	vnsel vm0, $0x40000000, v23;
	v20 =	vld [tilespmem:s16+$0x0];
	vm1 =	vlt.s32 v0, v18;
	vm2 =	vgt.s32 v1, v2  }
0x10a: {  	v21 =	vnsel vm0, $0xFFFFFFFF, v23;
	v17 =	vld [tilespmem:s16+$0xFFFFFFF0];
	v18 =	vsel vm1, v0, v18;
	v2 =	vsel vm2, v1, v2  }
0x10b: {  	s20 =	sadd.s32 $0xFFFFFFFF, s18;
	v0 =	vld [tilespmem:s16+$0xFFFFFFE0];
	vm0 =	vlt.s32 v18, v19;
	vm1 =	vgt.s32 v2, v21  }
0x10c: {  	s19 =	sadd.s32 $0xFFFFFFFD, s17;
	s21 =	sadd.s32 $0xFFFFFFFE, s17;
	s18 =	sadd.s32 $0x8, s18;
	v1 =	vld [tilespmem:s16+$0xFFFFFFC0];
	v18 =	vsel vm0, v18, v19;
	v19 =	vsel vm1, v2, v21  }
0x10d: {  	v2 =	vmov s21  }
0x10e: {  	v21 =	vld [tilespmem:s16+$0xFFFFFFD0];
	v22 =	vmov s20;
	v23 =	vmov s17;
	v26 =	vmov s19  }
0x10f: {  	s18 =	sadd.s32 $0xFFFFFFFB, s17;
	s28 =	sadd.s32 $0xFFFFFFFC, s17;
	s29 =	sadd.s32 $0xFFFFFFF9, s17;
	vm0 =	veq.f32 v15, v13;
	vm2 =	veq.f32 v16, v13;
	vm1 =	veq.f32 v14, v13  }
0x110: {  	s30 =	sadd.s32 $0xFFFFFFFA, s17;
	v24 =	vmov s18;
	v25 =	vmov s28;
	v27 =	vmov s29  }
0x111: {  	v28 =	vmov s30;
	vm3 =	veq.f32 v20, v13;
	vm4 =	veq.f32 v1, v13  }
0x112: {  	vm6 =	veq.f32 v17, v13;
	vm5 =	veq.f32 v0, v13;
	v54 =	vnsel vm4, $0x40000000, v27  }
0x113: {  	v1 =	vnsel vm4, $0xFFFFFFFF, v27;
	vm13 =	veq.f32 v21, v13;
	vm7 =	vlt.s32 v18, v54  }
0x114: {  	vm8 =	vgt.s32 v19, v1;
	v14 =	vnsel vm13, $0x40000000, v28;
	v0 =	vsel vm7, v18, v54  }
0x115: {  	v15 =	vnsel vm13, $0xFFFFFFFF, v28;
	v1 =	vsel vm8, v19, v1;
	vm14 =	vlt.s32 v0, v14  }
0x116: {  	v55 =	vnsel vm5, $0x40000000, v24;
	vm15 =	vgt.s32 v1, v15;
	v0 =	vsel vm14, v0, v14  }
0x117: {  	v1 =	vsel vm15, v1, v15;
	v14 =	vnsel vm5, $0xFFFFFFFF, v24;
	vm4 =	vlt.s32 v0, v55  }
0x118: {  	v15 =	vnsel vm6, $0x40000000, v25;
	vm5 =	vgt.s32 v1, v14;
	v0 =	vsel vm4, v0, v55  }
0x119: {  	v1 =	vsel vm5, v1, v14;
	v14 =	vnsel vm6, $0xFFFFFFFF, v25;
	vm4 =	vlt.s32 v0, v15  }
0x11a: {  	v57 =	vnsel vm3, $0x40000000, v26;
	vm5 =	vgt.s32 v1, v14;
	v0 =	vsel vm4, v0, v15  }
0x11b: {  	v1 =	vsel vm5, v1, v14;
	v14 =	vnsel vm3, $0xFFFFFFFF, v26;
	vm8 =	vlt.s32 v0, v57  }
0x11c: {  	v15 =	vnsel vm2, $0x40000000, v2;
	vm9 =	vgt.s32 v1, v14;
	v0 =	vsel vm8, v0, v57  }
0x11d: {  	v2 =	vnsel vm2, $0xFFFFFFFF, v2;
	v1 =	vsel vm9, v1, v14;
	vm10 =	vlt.s32 v0, v15  }
0x11e: {  	v14 =	vnsel vm1, $0x40000000, v22;
	vm11 =	vgt.s32 v1, v2;
	v0 =	vsel vm10, v0, v15  }
0x11f: {  	v58 =	vnsel vm1, $0xFFFFFFFF, v22;
	v1 =	vsel vm11, v1, v2;
	vm12 =	vlt.s32 v0, v14  }
0x120: {  	v15 =	vnsel vm0, $0x40000000, v23;
	vm13 =	vgt.s32 v1, v58;
	v0 =	vsel vm12, v0, v14  }
0x121: {  	v59 =	vnsel vm0, $0xFFFFFFFF, v23;
	v1 =	vsel vm13, v1, v58;
	vm14 =	vlt.s32 v0, v15  }
0x122: {  	vm15 =	vgt.s32 v1, v59;
	v0 =	vsel vm14, v0, v15  }
0x123: {  	v1 =	vsel vm15, v1, v59;
	v0 =	vxor.u32 $0x80000000, v0  }
0x124: {  	v60 =	vxor.u32 $0x80000000, v1;
	(xrf0) =	vmin.scan.msk.u32 $0xffff, v0  }
0x125: {  	(xrf0) =	vmax.scan.msk.u32 $0xffff, v60;
	_ =	sdelay $0x4  }
0x126: {  	v61, _, _ =	vpop (xrf0)  }
0x127: {  	(v2sf) =	vpush v61, $0xF;
	v63, _, _ =	vpop (xrf0)  }
0x128: {  	(v2sf) =	vpush v63, $0xF;
	_ =	sdelay $0xd  }
0x129: {  	s16 =	spop (v2sf)  }
0x12a: {  	s31 =	spop (v2sf)  }
0x12b: {  	p0 =	sne.s32 s31, s16  }
.Ltmp6:
0x12c: {  	_ = 	snop;
	(pc) =	sbr.rel @p0 .LBB2_7-.Ltmp6, $1  }
0x12d: {  	_ =	sdelay $0x3  }
0x12e: {  	s17 =	sshll.u32 s16, $0x9;
	s19 =	sshll.u32 s16, $0x8  }
0x12f: {  	s18 =	sand.u32 $0xFFFFF800, s17;
	s28 =	sand.u32 $0x300, s19  }
0x130: {  	s19 =	sor.u32 s28, s18  }
0x131: {  	v0 =	vld [tilespmem:s19+$0x0]  }
0x132: {  	v1 =	vld [tilespmem:s19+$0x10]  }
0x133: {  	v14 =	vld [tilespmem:s19+$0x20]  }
0x134: {  	s29 =	sshll.u32 s16, $0x1  }
0x135: {  	v2 =	vadd.s32 s29, v62  }
0x136: {  	v19 =	vadd.s32 $0x4E00, v62;
	vm0 =	vlt.s32 v2, $0x40000000;
	v16 =	vld [tilespmem:s19+$0x40]  }
0x137: {  	vm1 =	veq.f32 v0, v13;
	v0 =	vnsel vm0, $0x40000000, v2;
	v2 =	vadd.s32 s29, v9  }
0x138: {  	vm9 =	veq.f32 v1, v13;
	vm11 =	veq.f32 v14, v13;
	vm8 =	vlt.s32 v2, $0x40000000  }
0x139: {  	v0 =	vnsel vm1, $0x40000000, v0;
	v1 =	vnsel vm8, $0x40000000, v2;
	v2 =	vadd.s32 s29, v38  }
0x13a: {  	v14 =	vadd.s32 s29, v52;
	v1 =	vnsel vm9, $0x40000000, v1;
	vm10 =	vlt.s32 v0, v2  }
0x13b: {  	v15 =	vld [tilespmem:s19+$0x30];
	vm14 =	veq.f32 v16, v13;
	v2 =	vsel vm10, v0, v2;
	vm13 =	vlt.s32 v1, v14  }
0x13c: {  	v17 =	vld [tilespmem:s19+$0x50];
	v0 =	vsel vm11, v2, v0;
	v2 =	vsel vm13, v1, v14;
	v14 =	vadd.s32 s29, v49  }
0x13d: {  	v27 =	vadd.s32 s29, v56;
	v29 =	vadd.s32 s29, v11;
	v18 =	vld [tilespmem:s19+$0x60];
	v14 =	vnsel vm14, $0x40000000, v14  }
0x13e: {  	v31 =	vadd.s32 s29, v12;
	v32 =	vadd.s32 s29, v10;
	v28 =	vld [tilespmem:s19+$0x400];
	vm4 =	vlt.s32 v0, v14  }
0x13f: {  	s30 =	sshllo.u32 s16, $0x1;
	v35 =	vadd.s32 s29, v44;
	v20 =	vadd.s32 s29, v19;
	v0 =	vsel vm4, v0, v14;
	v14 =	vld [tilespmem:s19+$0x420]  }
0x140: {  	v41 =	vadd.s32 s30, v62;
	v43 =	vadd.s32 s30, v9;
	vm12 =	veq.f32 v15, v13;
	v15 =	vld [tilespmem:s19+$0x70]  }
0x141: {  	v45 =	vadd.s32 s30, v38;
	v47 =	vadd.s32 s30, v52;
	v50 =	vadd.s32 s30, v49  }
0x142: {  	v51 =	vadd.s32 s30, v56;
	v54 =	vadd.s32 s30, v11;
	v57 =	vadd.s32 s30, v12;
	v30 =	vld [tilespmem:s19+$0x410]  }
0x143: {  	v58 =	vadd.s32 s30, v10;
	vm15 =	veq.f32 v17, v13;
	vm2 =	veq.f32 v18, v13  }
0x144: {  	v1 =	vsel vm12, v2, v1;
	v2 =	vnsel vm15, $0x40000000, v27;
	vm10 =	veq.f32 v14, v13;
	v14 =	vld [tilespmem:s19+$0x440]  }
0x145: {  	s20 =	sshll.u32 s30, $0x7;
	v33 =	vld [tilespmem:s19+$0x430];
	vm6 =	veq.f32 v28, v13;
	vm5 =	veq.f32 v15, v13;
	vm1 =	vlt.s32 v1, v2  }
0x146: {  	s31 =	sand.u32 $0x380, s20;
	v36 =	vld [tilespmem:s19+$0x450];
	v15 =	vnsel vm5, $0x40000000, v31;
	v1 =	vsel vm1, v1, v2;
	v2 =	vnsel vm2, $0x40000000, v29  }
0x147: {  	s18 =	sor.u32 s31, s18;
	vm9 =	veq.f32 v30, v13;
	vm0 =	vlt.s32 v0, v2;
	vm7 =	vlt.s32 v1, v15  }
0x148: {  	v37 =	vld [tilespmem:s18+$0x0];
	v0 =	vsel vm0, v0, v2;
	v2 =	vnsel vm6, $0x40000000, v32;
	v1 =	vsel vm7, v1, v15  }
0x149: {  	v15 =	vadd.s32 s29, v8;
	vm8 =	vlt.s32 v0, v2;
	vm14 =	veq.f32 v14, v13;
	v14 =	vld [tilespmem:s18+$0x10]  }
0x14a: {  	vm13 =	veq.f32 v33, v13;
	v0 =	vsel vm8, v0, v2;
	v2 =	vnsel vm9, $0x40000000, v15  }
0x14b: {  	v40 =	vld [tilespmem:s18+$0x20];
	vm4 =	veq.f32 v36, v13;
	vm11 =	vlt.s32 v1, v2;
	v15 =	vnsel vm10, $0x40000000, v35  }
0x14c: {  	v42 =	vld [tilespmem:s18+$0x30];
	v1 =	vsel vm11, v1, v2;
	v2 =	vadd.s32 s29, v7;
	vm12 =	vlt.s32 v0, v15  }
0x14d: {  	vm6 =	veq.f32 v37, v13;
	v2 =	vnsel vm13, $0x40000000, v2;
	v0 =	vsel vm12, v0, v15  }
0x14e: {  	v15 =	vor.u32 $0x4800, v62;
	vm15 =	vlt.s32 v1, v2;
	vm7 =	veq.f32 v14, v13;
	v14 =	vld [tilespmem:s18+$0x40]  }
0x14f: {  	v39 =	vadd.s32 s29, v15;
	v1 =	vsel vm15, v1, v2;
	v2 =	vnsel vm4, $0x40000000, v20  }
0x150: {  	vm9 =	veq.f32 v40, v13;
	vm5 =	vlt.s32 v1, v2;
	v18 =	vnsel vm14, $0x40000000, v39  }
0x151: {  	v46 =	vld [tilespmem:s18+$0x50];
	vm10 =	veq.f32 v42, v13;
	v1 =	vsel vm5, v1, v2;
	vm0 =	vlt.s32 v0, v18  }
0x152: {  	v48 =	vld [tilespmem:s18+$0x60];
	v0 =	vsel vm0, v0, v18;
	v18 =	vnsel vm6, $0x40000000, v41;
	v2 =	vnsel vm7, $0x40000000, v43  }
0x153: {  	vm8 =	vlt.s32 v0, v18;
	vm1 =	vlt.s32 v1, v2;
	vm11 =	veq.f32 v14, v13;
	v14 =	vld [tilespmem:s18+$0x70]  }
0x154: {  	v53 =	vld [tilespmem:s18+$0x400];
	v0 =	vsel vm8, v0, v18;
	v1 =	vsel vm1, v1, v2;
	v2 =	vnsel vm9, $0x40000000, v45  }
0x155: {  	v61 =	vadd.s32 s30, v8;
	v18 =	vnsel vm10, $0x40000000, v47;
	vm0 =	vlt.s32 v0, v2  }
0x156: {  	v55 =	vld [tilespmem:s18+$0x410];
	vm12 =	vlt.s32 v1, v18;
	v0 =	vsel vm0, v0, v2;
	v2 =	vnsel vm11, $0x40000000, v50  }
0x157: {  	vm13 =	veq.f32 v46, v13;
	v1 =	vsel vm12, v1, v18;
	vm1 =	vlt.s32 v0, v2  }
0x158: {  	v0 =	vsel vm1, v0, v2;
	v2 =	vnsel vm13, $0x40000000, v51;
	vm15 =	veq.f32 v14, v13;
	v14 =	vld [tilespmem:s18+$0x420]  }
0x159: {  	v59 =	vld [tilespmem:s18+$0x430];
	vm14 =	veq.f32 v48, v13;
	vm5 =	veq.f32 v53, v13;
	vm0 =	vlt.s32 v1, v2  }
0x15a: {  	v63 =	vld [tilespmem:s18+$0x450];
	v18 =	vnsel vm14, $0x40000000, v54;
	v1 =	vsel vm0, v1, v2;
	v2 =	vnsel vm15, $0x40000000, v57  }
0x15b: {  	vm6 =	veq.f32 v55, v13;
	vm4 =	vlt.s32 v0, v18;
	vm1 =	vlt.s32 v1, v2  }
0x15c: {  	v60 =	vld [tilespmem:s18+$0x440];
	v0 =	vsel vm4, v0, v18;
	v1 =	vsel vm1, v1, v2;
	v2 =	vnsel vm5, $0x40000000, v58  }
0x15d: {  	vm0 =	vlt.s32 v0, v2;
	vm7 =	veq.f32 v14, v13;
	v14 =	vadd.s32 s30, v44  }
0x15e: {  	v20 =	vnsel vm6, $0x40000000, v61;
	v0 =	vsel vm0, v0, v2;
	v2 =	vnsel vm7, $0x40000000, v14  }
0x15f: {  	vm10 =	veq.f32 v59, v13;
	vm12 =	veq.f32 v63, v13;
	vm9 =	vlt.s32 v0, v2  }
0x160: {  	vm8 =	vlt.s32 v1, v20;
	v0 =	vsel vm9, v0, v2;
	v2 =	vadd.s32 s30, v7  }
0x161: {  	vm11 =	veq.f32 v60, v13;
	v1 =	vsel vm8, v1, v20;
	v2 =	vnsel vm10, $0x40000000, v2  }
0x162: {  	v13 =	vadd.s32 s30, v15;
	v14 =	vadd.s32 s30, v19;
	vm13 =	vlt.s32 v1, v2  }
.Ltmp7:
0x163: {  	v1 =	vsel vm13, v1, v2;
	v2 =	vnsel vm11, $0x40000000, v13;
	v13 =	vnsel vm12, $0x40000000, v14;
	(pc) =	sbr.rel .LBB2_10-.Ltmp7, $4  }
0x164: {  	vm14 =	vlt.s32 v0, v2;
	vm15 =	vlt.s32 v1, v13  }
0x165: {  	v0 =	vsel vm14, v0, v2;
	v1 =	vsel vm15, v1, v13  }
0x166: {  	vm0 =	vlt.s32 v0, v1  }
0x167: {  	v0 =	vsel vm0, v0, v1  }
.LBB2_7:
0x168: {  	s16 =	simm.s32 $0x0  }
0x169: {  	s18 =	sand.u32 $0x7800, s16;
	s19 =	sand.u32 $0x300, s16  }
0x16a: {  	s19 =	sor.u32 s19, s18  }
0x16b: {  	v1 =	vld [tilespmem:s19+$0x440]  }
0x16c: {  	v2 =	vld [tilespmem:s19+$0x450]  }
0x16d: {  	v0 =	vld [tilespmem:s19+$0x420]  }
0x16e: {  	v55 =	vld [tilespmem:s19+$0x430]  }
0x16f: {  	v57 =	vld [tilespmem:s19+$0x400]  }
0x170: {  	v60 =	vld [tilespmem:s19+$0x410]  }
0x171: {  	v37 =	vld [tilespmem:s19+$0x60]  }
0x172: {  	v36 =	vld [tilespmem:s19+$0x70]  }
0x173: {  	v45 =	vld [tilespmem:s19+$0x40]  }
0x174: {  	v40 =	vld [tilespmem:s19+$0x50]  }
0x175: {  	v48 =	vld [tilespmem:s19+$0x20]  }
0x176: {  	s20 =	simm.s32 $0x80;
	v46 =	vld [tilespmem:s19+$0x30]  }
0x177: {  	v32 =	vimm.s32 $0x40000000;
	s17 =	simm.s32 $0x1;
	v24 =	vor.u32 $0x4800, v62;
	s20 =	sand.u32 $0x380, s20;
	v51 =	vld [tilespmem:s19+$0x0]  }
0x178: {  	v25 =	vadd.s32 $0x4E00, v62;
	v16 =	vadd.s32 s17, v10;
	v15 =	vadd.s32 s17, v44;
	v53 =	vld [tilespmem:s19+$0x10];
	s19 =	sor.u32 s20, s18  }
0x179: {  	v14 =	vadd.s32 s17, v7;
	v21 =	vadd.s32 s17, v11;
	v20 =	vadd.s32 s17, v12;
	v43 =	vld [tilespmem:s19+$0x440]  }
0x17a: {  	v17 =	vadd.s32 s17, v8;
	v26 =	vadd.s32 s17, v38;
	v23 =	vadd.s32 s17, v49;
	v30 =	vld [tilespmem:s19+$0x450]  }
0x17b: {  	s31 =	simm.s32 $0x0;
	v22 =	vadd.s32 s17, v56;
	v29 =	vadd.s32 s17, v62;
	v27 =	vadd.s32 s17, v52;
	v34 =	vld [tilespmem:s19+$0x420]  }
0x17c: {  	v28 =	vadd.s32 s17, v9;
	v18 =	vadd.s32 s17, v24;
	v33 =	vadd.s32 s31, v24;
	v35 =	vld [tilespmem:s19+$0x430]  }
0x17d: {  	v4 =	vmovc v44;
	v31 =	vadd.s32 s31, v25;
	v19 =	vadd.s32 s17, v25;
	v44 =	vadd.s32 s31, v10;
	v39 =	vld [tilespmem:s19+$0x400]  }
0x17e: {  	v3 =	vmovc v38;
	v42 =	vadd.s32 s31, v4;
	v38 =	vadd.s32 s31, v7;
	v54 =	vadd.s32 s31, v11;
	v41 =	vld [tilespmem:s19+$0x410]  }
0x17f: {  	v5 =	vmovc v52;
	v52 =	vadd.s32 s31, v12;
	v47 =	vadd.s32 s31, v8;
	v61 =	vadd.s32 s31, v3;
	v50 =	vld [tilespmem:s19+$0x60]  }
0x180: {  	v59 =	vadd.s32 s31, v49;
	v58 =	vadd.s32 s31, v56;
	v63 =	vadd.s32 s31, v62;
	v49 =	vld [tilespmem:s19+$0x70]  }
0x181: {  	v8 =	vmovc v62;
	v62 =	vadd.s32 s31, v5;
	v56 =	vld [tilespmem:s19+$0x40];
	vm3 =	veq.f32 v0, v13;
	v0 =	vadd.s32 s31, v9  }
0x182: {  	vm1 =	veq.f32 v1, v13;
	vm2 =	veq.f32 v2, v13;
	vm10 =	veq.f32 v57, v13;
	v57 =	vld [tilespmem:s19+$0x50]  }
0x183: {  	v10 =	vmovc v3;
	v7 =	vmovc v4;
	s17 =	simm.s32 $0x3;
	s18 =	simm.s32 $0x0;
	vm8 =	veq.f32 v60, v13;
	vm5 =	veq.f32 v55, v13;
	v60 =	vld [tilespmem:s19+$0x20];
	v55 =	vimm.s32 $0x40000000  }
.LBB2_8:
0x184: {  	v3 =	vimm.s32 $0x0;
	vm4 =	veq.f32 v43, v13  }
0x185: {  	v3 =	vsel vm4, $0xFFFFFFFF, v3  }
0x186: {  	vm4 =	veq.f32 v34, v13;
	[tilespmem:$0x1FF30] =	vst v3;
	v3 =	vimm.s32 $0x0  }
0x187: {  	v3 =	vsel vm4, $0xFFFFFFFF, v3  }
0x188: {  	vm4 =	veq.f32 v35, v13;
	[tilespmem:$0x1FF10] =	vst v3;
	v3 =	vimm.s32 $0x0  }
0x189: {  	v3 =	vsel vm4, $0xFFFFFFFF, v3  }
0x18a: {  	vm4 =	veq.f32 v30, v13;
	[tilespmem:$0x1FF20] =	vst v3;
	v3 =	vimm.s32 $0x0  }
0x18b: {  	v3 =	vsel vm4, $0xFFFFFFFF, v3  }
0x18c: {  	vm4 =	veq.f32 v50, v13;
	[tilespmem:$0x1FF40] =	vst v3;
	v3 =	vimm.s32 $0x0  }
0x18d: {  	v3 =	vsel vm4, $0xFFFFFFFF, v3  }
0x18e: {  	vm4 =	veq.f32 v39, v13;
	[tilespmem:$0x1FED0] =	vst v3;
	v3 =	vimm.s32 $0x0  }
0x18f: {  	v3 =	vsel vm4, $0xFFFFFFFF, v3  }
0x190: {  	vm4 =	veq.f32 v41, v13;
	[tilespmem:$0x1FEF0] =	vst v3;
	v3 =	vimm.s32 $0x0  }
0x191: {  	v2 =	vld [tilespmem:s19+$0x0];
	v3 =	vsel vm4, $0xFFFFFFFF, v3  }
0x192: {  	vm4 =	veq.f32 v56, v13;
	[tilespmem:$0x1FF00] =	vst v3;
	v3 =	vimm.s32 $0x0  }
0x193: {  	v1 =	vld [tilespmem:s19+$0x30];
	vm11 =	veq.f32 v45, v13;
	v3 =	vsel vm4, $0xFFFFFFFF, v3  }
0x194: {  	vm9 =	veq.f32 v37, v13;
	vm4 =	veq.f32 v57, v13;
	[tilespmem:$0x1FEB0] =	vst v3;
	v3 =	vimm.s32 $0x0  }
0x195: {  	vm7 =	veq.f32 v36, v13;
	vm14 =	veq.f32 v48, v13;
	v3 =	vsel vm4, $0xFFFFFFFF, v3  }
0x196: {  	vm6 =	veq.f32 v2, v13;
	vm4 =	veq.f32 v49, v13;
	[tilespmem:$0x1FEC0] =	vst v3;
	v3 =	vimm.s32 $0x0  }
0x197: {  	v2 =	vimm.s32 $0x0;
	v3 =	vsel vm4, $0xFFFFFFFF, v3;
	vm4 =	veq.f32 v60, v13  }
0x198: {  	v2 =	vsel vm4, $0xFFFFFFFF, v2;
	vm4 =	veq.f32 v1, v13;
	v1 =	vimm.s32 $0x0  }
0x199: {  	vm0 =	veq.f32 v51, v13;
	vm15 =	veq.f32 v53, v13;
	v1 =	vsel vm4, $0xFFFFFFFF, v1  }
0x19a: {  	vm13 =	veq.f32 v46, v13;
	v0 =	vnsel vm15, $0x40000000, v0;
	[tilespmem:$0x1FEA0] =	vst v1;
	v1 =	vnsel vm0, $0x40000000, v63  }
0x19b: {  	v30 =	vnsel vm13, $0x40000000, v62;
	vm4 =	vlt.s32 v55, v0;
	vm15 =	vlt.s32 v32, v1  }
0x19c: {  	[tilespmem:$0x1FE90] =	vst v2;
	v2 =	vnsel vm14, $0x40000000, v61;
	v0 =	vsel vm4, v55, v0;
	v1 =	vsel vm15, v32, v1  }
0x19d: {  	vm12 =	veq.f32 v40, v13;
	vm13 =	vlt.s32 v0, v30;
	vm4 =	vlt.s32 v1, v2  }
0x19e: {  	v0 =	vsel vm13, v0, v30;
	v1 =	vsel vm4, v1, v2;
	v2 =	vnsel vm12, $0x40000000, v58  }
0x19f: {  	v59 =	vnsel vm11, $0x40000000, v59;
	v60 =	vnsel vm10, $0x40000000, v44;
	vm11 =	vlt.s32 v0, v2  }
0x1a0: {  	vm4 =	vlt.s32 v1, v59;
	v0 =	vsel vm11, v0, v2;
	v2 =	vnsel vm7, $0x40000000, v52  }
0x1a1: {  	v30 =	vnsel vm9, $0x40000000, v54;
	v1 =	vsel vm4, v1, v59;
	vm7 =	vlt.s32 v0, v2  }
0x1a2: {  	v53 =	vld [tilespmem:s19+$0x10];
	vm4 =	vlt.s32 v1, v30;
	v0 =	vsel vm7, v0, v2;
	v2 =	vnsel vm8, $0x40000000, v47  }
0x1a3: {  	v61 =	vnsel vm1, $0x40000000, v33;
	v1 =	vsel vm4, v1, v30;
	vm7 =	vlt.s32 v0, v2  }
0x1a4: {  	vm4 =	vlt.s32 v1, v60;
	v0 =	vsel vm7, v0, v2;
	v2 =	vnsel vm5, $0x40000000, v38  }
0x1a5: {  	v30 =	vnsel vm3, $0x40000000, v42;
	v1 =	vsel vm4, v1, v60;
	vm4 =	vlt.s32 v0, v2  }
0x1a6: {  	vm3 =	vlt.s32 v1, v30;
	v0 =	vsel vm4, v0, v2;
	v2 =	vnsel vm2, $0x40000000, v31  }
0x1a7: {  	vm0 =	veq.f32 v53, v13;
	v1 =	vsel vm3, v1, v30;
	vm2 =	vlt.s32 v0, v2  }
0x1a8: {  	vm1 =	vlt.s32 v1, v61;
	v0 =	vsel vm2, v0, v2;
	v2 =	vnsel vm0, $0x40000000, v28  }
0x1a9: {  	v1 =	vsel vm1, v1, v61;
	vm1 =	vlt.s32 v0, v2  }
0x1aa: {  	v0 =	vsel vm1, v0, v2;
	v2 =	vld [tilespmem:$0x1FEA0];
	_ =	sdelay $0x2  }
0x1ab: {  	v29 =	vnsel vm6, $0x40000000, v29  }
0x1ac: {  	vm0 =	vlt.s32 v1, v29  }
0x1ad: {  	[tilespmem:$0x1FEE0] =	vst v3;
	v3 =	vld [tilespmem:$0x1FE90];
	v1 =	vsel vm0, v1, v29;
	vm0 =	vnez.u8 v2  }
0x1ae: {  	v2 =	vnsel vm0, $0x40000000, v27  }
0x1af: {  	vm1 =	vlt.s32 v0, v2  }
0x1b0: {  	v0 =	vsel vm1, v0, v2;
	v2 =	vld [tilespmem:$0x1FEC0];
	_ =	sdelay $0x1  }
0x1b1: {  	vm2 =	vnez.u8 v3  }
0x1b2: {  	v26 =	vnsel vm2, $0x40000000, v26  }
0x1b3: {  	vm0 =	vlt.s32 v1, v26  }
0x1b4: {  	v3 =	vld [tilespmem:$0x1FEB0];
	v1 =	vsel vm0, v1, v26;
	vm0 =	vnez.u8 v2  }
0x1b5: {  	v2 =	vnsel vm0, $0x40000000, v22  }
0x1b6: {  	s16 =	sadd.s32 $0x100, s16;
	s18 =	sadd.s32 $0x200, s18;
	vm1 =	vlt.s32 v0, v2  }
0x1b7: {  	s30 =	sand.u32 $0x7800, s18;
	s20 =	sand.u32 $0x300, s16;
	v0 =	vsel vm1, v0, v2;
	v2 =	vld [tilespmem:$0x1FEE0]  }
0x1b8: {  	s20 =	sor.u32 s20, s30  }
0x1b9: {  	v4 =	vld [tilespmem:s20+$0x430];
	vm2 =	vnez.u8 v3  }
0x1ba: {  	v6 =	vld [tilespmem:s20+$0x410];
	v23 =	vnsel vm2, $0x40000000, v23  }
0x1bb: {  	v37 =	vld [tilespmem:s20+$0x60];
	vm0 =	vlt.s32 v1, v23  }
0x1bc: {  	v5 =	vld [tilespmem:$0x1FED0];
	v1 =	vsel vm0, v1, v23;
	vm0 =	vnez.u8 v2  }
0x1bd: {  	v36 =	vld [tilespmem:s20+$0x70];
	v2 =	vnsel vm0, $0x40000000, v20  }
0x1be: {  	v45 =	vld [tilespmem:s20+$0x40];
	vm1 =	vlt.s32 v0, v2  }
0x1bf: {  	v0 =	vsel vm1, v0, v2;
	v2 =	vld [tilespmem:$0x1FF00]  }
0x1c0: {  	v40 =	vld [tilespmem:s20+$0x50]  }
0x1c1: {  	v48 =	vld [tilespmem:s20+$0x20];
	vm2 =	vnez.u8 v5  }
0x1c2: {  	s21 =	sadd.s32 $0x80, s16;
	v46 =	vld [tilespmem:s20+$0x30];
	v21 =	vnsel vm2, $0x40000000, v21  }
0x1c3: {  	s21 =	sand.u32 $0x380, s21;
	v51 =	vld [tilespmem:s20+$0x0];
	vm0 =	vlt.s32 v1, v21  }
0x1c4: {  	s19 =	sor.u32 s21, s30;
	v20 =	vld [tilespmem:$0x1FEF0];
	v1 =	vsel vm0, v1, v21;
	vm0 =	vnez.u8 v2  }
0x1c5: {  	v43 =	vld [tilespmem:s19+$0x440];
	v2 =	vnsel vm0, $0x40000000, v17  }
0x1c6: {  	v34 =	vld [tilespmem:s19+$0x420];
	vm1 =	vlt.s32 v0, v2  }
0x1c7: {  	v0 =	vsel vm1, v0, v2;
	v2 =	vld [tilespmem:$0x1FF20]  }
0x1c8: {  	v35 =	vld [tilespmem:s19+$0x430]  }
0x1c9: {  	v62 =	vld [tilespmem:$0x1FFD0];
	vm2 =	vnez.u8 v20  }
0x1ca: {  	v49 =	vld [tilespmem:$0x1FF90];
	v16 =	vnsel vm2, $0x40000000, v16  }
0x1cb: {  	v63 =	vld [tilespmem:$0x1FFC0];
	vm0 =	vlt.s32 v1, v16  }
0x1cc: {  	v17 =	vld [tilespmem:$0x1FF10];
	v1 =	vsel vm0, v1, v16;
	vm0 =	vnez.u8 v2  }
0x1cd: {  	v50 =	vld [tilespmem:s19+$0x60];
	v2 =	vnsel vm0, $0x40000000, v14  }
0x1ce: {  	s31 =	sadd.s32 $0xFFFFFFFF, s17;
	v14 =	vld [tilespmem:$0x1FF30];
	vm1 =	vlt.s32 v0, v2  }
0x1cf: {  	v33 =	vadd.s32 s31, v24;
	v0 =	vsel vm1, v0, v2;
	v2 =	vld [tilespmem:$0x1FF40]  }
0x1d0: {  	v39 =	vld [tilespmem:s19+$0x400];
	v54 =	vadd.s32 s31, v11;
	v58 =	vadd.s32 s31, v49;
	v52 =	vadd.s32 s31, v12  }
0x1d1: {  	v41 =	vld [tilespmem:s19+$0x410];
	v42 =	vadd.s32 s31, v7;
	v47 =	vadd.s32 s31, v63;
	vm2 =	vnez.u8 v17  }
0x1d2: {  	vm8 =	veq.f32 v6, v13;
	v38 =	vadd.s32 s31, v62;
	v3 =	vld [tilespmem:s20+$0x420];
	v15 =	vnsel vm2, $0x40000000, v15  }
0x1d3: {  	vm5 =	veq.f32 v4, v13;
	v5 =	vld [tilespmem:s20+$0x400];
	vm0 =	vlt.s32 v1, v15;
	vm2 =	vnez.u8 v14  }
0x1d4: {  	v57 =	vld [tilespmem:s20+$0x440];
	v1 =	vsel vm0, v1, v15;
	v14 =	vnsel vm2, $0x40000000, v18;
	vm0 =	vnez.u8 v2  }
0x1d5: {  	v60 =	vld [tilespmem:s20+$0x450];
	v31 =	vadd.s32 s31, v25;
	v2 =	vnsel vm0, $0x40000000, v19;
	vm0 =	vlt.s32 v1, v14  }
0x1d6: {  	v28 =	vadd.s32 s17, v9;
	vm1 =	vlt.s32 v0, v2;
	v32 =	vsel vm0, v1, v14;
	v1 =	vld [tilespmem:$0x1FF60]  }
0x1d7: {  	v61 =	vadd.s32 s31, v10;
	v29 =	vadd.s32 s17, v8;
	v55 =	vsel vm1, v0, v2;
	v0 =	vld [tilespmem:$0x1FF50]  }
0x1d8: {  	v26 =	vadd.s32 s17, v10;
	vm3 =	veq.f32 v3, v13;
	vm10 =	veq.f32 v5, v13;
	v2 =	vld [tilespmem:$0x1FF70]  }
0x1d9: {  	p0 =	sne.s32 s17, $0x5F;
	v56 =	vld [tilespmem:s19+$0x40];
	v22 =	vadd.s32 s17, v49;
	v21 =	vadd.s32 s17, v11;
	v20 =	vadd.s32 s17, v12  }
.Ltmp8:
0x1da: {  	v53 =	vld [tilespmem:s20+$0x10];
	v17 =	vadd.s32 s17, v63;
	v63 =	vadd.s32 s31, v8;
	v15 =	vadd.s32 s17, v7;
	(pc) =	sbr.rel @p0 .LBB2_8-.Ltmp8, $4  }
0x1db: {  	v30 =	vld [tilespmem:s19+$0x450];
	v18 =	vadd.s32 s17, v24;
	vm2 =	veq.f32 v60, v13;
	v19 =	vadd.s32 s17, v25  }
0x1dc: {  	v49 =	vld [tilespmem:s19+$0x70];
	v14 =	vadd.s32 s17, v62;
	vm1 =	veq.f32 v57, v13;
	v27 =	vadd.s32 s17, v1  }
0x1dd: {  	v60 =	vld [tilespmem:s19+$0x20];
	v62 =	vadd.s32 s31, v1;
	v16 =	vadd.s32 s17, v0;
	v23 =	vadd.s32 s17, v2  }
0x1de: {  	v57 =	vld [tilespmem:s19+$0x50];
	v44 =	vadd.s32 s31, v0;
	v59 =	vadd.s32 s31, v2;
	v0 =	vadd.s32 s31, v9;
	s17 =	sadd.s32 $0x2, s17  }
0x1df: {  	vm0 =	veq.f32 v51, v13;
	vm4 =	veq.f32 v45, v13;
	vm6 =	veq.f32 v53, v13  }
0x1e0: {  	vm12 =	veq.f32 v48, v13;
	vm15 =	veq.f32 v37, v13;
	vm7 =	veq.f32 v46, v13  }
0x1e1: {  	vm11 =	veq.f32 v40, v13;
	v5 =	vnsel vm3, $0x40000000, v42;
	v6 =	vnsel vm1, $0x40000000, v33  }
0x1e2: {  	v1 =	vnsel vm0, $0x40000000, v63;
	v0 =	vnsel vm6, $0x40000000, v0;
	v2 =	vnsel vm12, $0x40000000, v61  }
0x1e3: {  	v3 =	vnsel vm7, $0x40000000, v62;
	vm13 =	vlt.s32 v32, v1;
	vm14 =	vlt.s32 v55, v0  }
0x1e4: {  	v4 =	vnsel vm4, $0x40000000, v59;
	v1 =	vsel vm13, v32, v1;
	v0 =	vsel vm14, v55, v0  }
0x1e5: {  	vm13 =	veq.f32 v36, v13;
	vm9 =	vlt.s32 v1, v2;
	vm12 =	vlt.s32 v0, v3  }
0x1e6: {  	v1 =	vsel vm9, v1, v2;
	v0 =	vsel vm12, v0, v3;
	v2 =	vnsel vm11, $0x40000000, v58  }
0x1e7: {  	v3 =	vnsel vm15, $0x40000000, v54;
	vm14 =	vlt.s32 v1, v4;
	vm15 =	vlt.s32 v0, v2  }
0x1e8: {  	v1 =	vsel vm14, v1, v4;
	v0 =	vsel vm15, v0, v2;
	v2 =	vnsel vm13, $0x40000000, v52  }
0x1e9: {  	v4 =	vnsel vm10, $0x40000000, v44;
	vm9 =	vlt.s32 v1, v3;
	vm10 =	vlt.s32 v0, v2  }
0x1ea: {  	v1 =	vsel vm9, v1, v3;
	v3 =	vld [tilespmem:s19+$0x0];
	v0 =	vsel vm10, v0, v2;
	v2 =	vnsel vm8, $0x40000000, v47  }
0x1eb: {  	vm7 =	veq.f32 v56, v13;
	vm0 =	vlt.s32 v1, v4;
	vm4 =	vlt.s32 v0, v2  }
0x1ec: {  	vm10 =	veq.f32 v57, v13;
	v1 =	vsel vm0, v1, v4;
	v0 =	vsel vm4, v0, v2;
	v2 =	vld [tilespmem:s19+$0x10]  }
0x1ed: {  	v4 =	vnsel vm5, $0x40000000, v38;
	vm0 =	veq.f32 v43, v13;
	vm3 =	vlt.s32 v1, v5  }
0x1ee: {  	vm4 =	veq.f32 v60, v13;
	vm11 =	vlt.s32 v0, v4;
	v1 =	vsel vm3, v1, v5  }
0x1ef: {  	v0 =	vsel vm11, v0, v4;
	vm12 =	veq.f32 v3, v13;
	v3 =	vnsel vm2, $0x40000000, v31  }
0x1f0: {  	v5 =	vld [tilespmem:s19+$0x30];
	vm13 =	vlt.s32 v1, v6;
	v4 =	vnsel vm12, $0x40000000, v29;
	vm14 =	vlt.s32 v0, v3  }
0x1f1: {  	v1 =	vsel vm13, v1, v6;
	vm12 =	veq.f32 v50, v13;
	vm15 =	veq.f32 v2, v13  }
0x1f2: {  	v0 =	vsel vm14, v0, v3;
	vm5 =	vlt.s32 v1, v4;
	v3 =	vnsel vm4, $0x40000000, v26  }
0x1f3: {  	vm4 =	veq.f32 v39, v13;
	v2 =	vnsel vm15, $0x40000000, v28;
	v1 =	vsel vm5, v1, v4  }
0x1f4: {  	v4 =	vnsel vm7, $0x40000000, v23;
	vm15 =	veq.f32 v49, v13;
	vm7 =	veq.f32 v34, v13  }
0x1f5: {  	vm6 =	vlt.s32 v0, v2;
	vm8 =	veq.f32 v5, v13;
	vm9 =	vlt.s32 v1, v3  }
0x1f6: {  	v0 =	vsel vm6, v0, v2;
	v2 =	vnsel vm8, $0x40000000, v27;
	v1 =	vsel vm9, v1, v3  }
0x1f7: {  	v3 =	vnsel vm12, $0x40000000, v21;
	vm8 =	veq.f32 v41, v13;
	vm11 =	vlt.s32 v0, v2  }
0x1f8: {  	vm13 =	vlt.s32 v1, v4;
	v0 =	vsel vm11, v0, v2;
	v2 =	vnsel vm10, $0x40000000, v22  }
0x1f9: {  	vm12 =	veq.f32 v30, v13;
	v1 =	vsel vm13, v1, v4;
	vm14 =	vlt.s32 v0, v2  }
0x1fa: {  	v4 =	vnsel vm4, $0x40000000, v16;
	v0 =	vsel vm14, v0, v2;
	v2 =	vnsel vm15, $0x40000000, v20  }
0x1fb: {  	vm10 =	veq.f32 v35, v13;
	vm5 =	vlt.s32 v1, v3;
	vm6 =	vlt.s32 v0, v2  }
0x1fc: {  	v1 =	vsel vm5, v1, v3;
	v0 =	vsel vm6, v0, v2;
	v2 =	vnsel vm8, $0x40000000, v17  }
0x1fd: {  	v3 =	vnsel vm7, $0x40000000, v15;
	vm9 =	vlt.s32 v1, v4;
	vm11 =	vlt.s32 v0, v2  }
0x1fe: {  	v1 =	vsel vm9, v1, v4;
	v0 =	vsel vm11, v0, v2;
	v2 =	vnsel vm10, $0x40000000, v14  }
0x1ff: {  	v62 =	vmovc v8;
	v8 =	vld [tilespmem:$0x1FFC0];
	v4 =	vnsel vm0, $0x40000000, v18;
	vm13 =	vlt.s32 v1, v3;
	vm14 =	vlt.s32 v0, v2  }
0x200: {  	v56 =	vld [tilespmem:$0x1FF90];
	v1 =	vsel vm13, v1, v3;
	v0 =	vsel vm14, v0, v2;
	v2 =	vnsel vm12, $0x40000000, v19  }
0x201: {  	v52 =	vld [tilespmem:$0x1FF60];
	vm15 =	vlt.s32 v1, v4;
	vm1 =	vlt.s32 v0, v2  }
0x202: {  	v44 =	vmov v7;
	v7 =	vld [tilespmem:$0x1FFD0];
	v1 =	vsel vm15, v1, v4;
	v0 =	vsel vm1, v0, v2  }
0x203: {  	v38 =	vmov v10;
	v10 =	vld [tilespmem:$0x1FF50];
	vm0 =	vlt.s32 v1, v0  }
0x204: {  	v49 =	vld [tilespmem:$0x1FF70];
	v34 =	vlaneseq.u32;
	v0 =	vsel vm0, v1, v0  }
.LBB2_10:
0x205: {  	v0 =	vxor.u32 $0x80000000, v0  }
0x206: {  	(xrf0) =	vmin.scan.msk.u32 $0xffff, v0;
	_ =	sdelay $0x5  }
0x207: {  	v0, _, _ =	vpop (xrf0)  }
0x208: {  	(v2sf) =	vpush v0, $0xF;
	_ =	sdelay $0xe  }
0x209: {  	s17 =	spop (v2sf)  }
0x20a: {  	s18 =	sxor.u32 $0x80000000, s17  }
0x20b: {  	s16 =	smulhi.u32 $0x92492493, s18;
	s19 =	sshra.s32 s18, $0x1F  }
0x20c: {  	s19 =	smul.u32 $0x92492493, s19  }
0x20d: {  	s16 =	ssub.s32 s16, s18  }
0x20e: {  	s16 =	sadd.s32 s19, s16  }
0x20f: {  	p0 =	seq.s32 s15, $0x5;
	s16 =	sadd.s32 s18, s16  }
0x210: {  	s23 =	sshrl.u32 s16, $0x1F;
	s20 =	sshra.s32 s16, $0x7;
	s16 =	sshll.u32 s15, $0x1  }
0x211: {  	s21 =	sadd.s32 @!p0 s16, s6  }
0x212: {  	s19 =	sadd.s32 s23, s20;
	s22 =	smulhi.u32 @!p0 $0x2AAAAAAB, s21  }
0x213: {  	s20 =	smul.u32 $0xFFFFFF20, s19  }
0x214: {  	p2 =	sgt.s32 s17, $0xFFFFFFFF;
	s17 =	sshrl.u32 @!p0 s22, $0x4  }
0x215: {  	p1 =	slt.s32 s18, $0x1;
	s20 =	sadd.s32 s18, s20;
	s18 =	smul.u32 @!p0 $0x60, s17  }
0x216: {  	p1 =	por p2, p1;
	p6 =	sne.s32 s20, $0x0  }
0x217: {  	s17 =	smul.u32 @!p0 $0x540000, s17;
	p1 =	por !p1, !p6;
	s18 =	ssub.s32 @!p0 s21, s18  }
0x218: {  	p1 =	por !p1, !p1;
	s21 =	simm.s32 $0x1;
	s18 =	smul.u32 @!p0 $0x6000, s18  }
0x219: {  	s24 =	sshll.u32 s15, $0x2;
	s21 =	simm.s32 @!p1 $0x0;
	p1 =	slt.s32 s20, $0x0  }
0x21a: {  	v0 =	vadd.s32 s24, v34;
	s19 =	ssub.s32 s19, s21;
	s17 =	sadd.s32 @!p0 s18, s17;
	s18 =	sadd.s32 $0xE0, s20  }
0x21b: {  	s25 =	scvt.s32.f32 s19;
	s20 =	smov.u32 @p1 s18;
	s17 =	sadd.s32 @!p0 $0x1500000, s17  }
0x21c: {  	s26 =	scvt.s32.f32 s20;
	s17 =	sshrl.u32 @!p0 s17, $0x3  }
0x21d: {  	vm0 =	veq.s32 v34, $0x0;
	s20 =	simm.s32 @!p0 $0x0;
	v1 =	vmov s25;
	s17 =	sadd.s32 @!p0 s2, s17  }
0x21e: {  	[tilespmem:s20], [sflag:$0x1] =	stream.linear.gather @!p0 [hbm4b:s17+s20], $0x6000, $0x38;
	v1 =	vsel vm0, s26, v1;
	[tilespmem:$0xC380] =	vst v63  }
0x21f: {  	[tilespmem:v0+s11+$0x0] =	vst.idx.msk $0x3, v1  }
0x220: {  	s28 =	simm.s32 $0x0;
	_ =	swait.ge [sflag:s12], $0x6000  }
0x221: {  	s29 =	sand.u32 $0x7800, s28;
	s17 =	sand.u32 $0x300, s28;
	[sflag:s12] =	ssyncset.done $0x0  }
0x222: {  	s17 =	sor.u32 s17, s29;
	[sflag:s12] =	ssyncadd.s32 $0xFFFFA000  }
0x223: {  	v0 =	vld [tilespmem:s17+$0x64C0]  }
0x224: {  	v1 =	vld [tilespmem:s17+$0x64D0]  }
0x225: {  	v2 =	vld [tilespmem:s17+$0x64A0]  }
0x226: {  	v3 =	vld [tilespmem:s17+$0x6480]  }
0x227: {  	v4 =	vld [tilespmem:s17+$0x6490]  }
0x228: {  	v5 =	vld [tilespmem:s17+$0x60E0]  }
0x229: {  	v6 =	vld [tilespmem:s17+$0x60C0]  }
0x22a: {  	v13 =	vld [tilespmem:s17+$0x60D0]  }
0x22b: {  	v14 =	vld [tilespmem:s17+$0x60A0]  }
0x22c: {  	v15 =	vld [tilespmem:s17+$0x6080]  }
0x22d: {  	v16 =	vld [tilespmem:s17+$0x6090]  }
0x22e: {  	v17 =	vld [tilespmem:s17+$0x6420]  }
0x22f: {  	v18 =	vld [tilespmem:s17+$0x6440]  }
0x230: {  	v19 =	vld [tilespmem:s17+$0x6450]  }
0x231: {  	v20 =	vld [tilespmem:s17+$0x6020]  }
0x232: {  	v21 =	vld [tilespmem:s17+$0x6060]  }
0x233: {  	v22 =	vld [tilespmem:s17+$0x6030]  }
0x234: {  	v23 =	vld [tilespmem:s17+$0x6400]  }
0x235: {  	v24 =	vld [tilespmem:s17+$0x6040]  }
0x236: {  	v25 =	vld [tilespmem:s17+$0x6000]  }
0x237: {  	v26 =	vld [tilespmem:s17+$0x6010]  }
0x238: {  	v27 =	vld [tilespmem:s17+$0x6050]  }
0x239: {  	v28 =	vld [tilespmem:s17+$0x6410]  }
0x23a: {  	v20 =	vmax.f32 v20, v21;
	v21 =	vld [tilespmem:s17+$0x6070]  }
0x23b: {  	v17 =	vmax.f32 v20, v17;
	v20 =	vld [tilespmem:s17+$0x6430]  }
0x23c: {  	v14 =	vmax.f32 v17, v14;
	v17 =	vld [tilespmem:s17+$0x60B0]  }
0x23d: {  	v24 =	vmax.f32 v25, v24;
	v25 =	vmax.f32 v26, v27;
	v5 =	vmax.f32 v14, v5;
	v14 =	vld [tilespmem:s17+$0x60F0]  }
0x23e: {  	v23 =	vmax.f32 v24, v23;
	v24 =	vmax.f32 v25, v28;
	v2 =	vmax.f32 v5, v2;
	v5 =	vld [tilespmem:s17+$0x64B0]  }
0x23f: {  	v18 =	vmax.f32 v23, v18;
	v19 =	vmax.f32 v24, v19;
	v21 =	vmax.f32 v22, v21  }
0x240: {  	v15 =	vmax.f32 v18, v15;
	v16 =	vmax.f32 v19, v16;
	v20 =	vmax.f32 v21, v20  }
0x241: {  	v6 =	vmax.f32 v15, v6;
	v13 =	vmax.f32 v16, v13;
	v17 =	vmax.f32 v20, v17  }
0x242: {  	v3 =	vmax.f32 v6, v3;
	v4 =	vmax.f32 v13, v4;
	v14 =	vmax.f32 v17, v14  }
0x243: {  	v0 =	vmax.f32 v3, v0;
	v1 =	vmax.f32 v4, v1;
	v5 =	vmax.f32 v14, v5  }
0x244: {  	s30 =	simm.s32 $0x100;
	s18 =	simm.s32 $0x200;
	v0 =	vmax.f32 v0, v1;
	v1 =	vmax.f32 v2, v5  }
0x245: {  	s19 =	sand.u32 $0x300, s30;
	s31 =	sand.u32 $0x7800, s18;
	s17 =	simm.s32 $0xC000;
	v3 =	vmax.f32 v0, v1  }
0x246: {  	s19 =	sor.u32 s19, s31;
	[tilespmem:s17+$0x0] =	vst v3  }
0x247: {  	v14 =	vld [tilespmem:s19+$0x64C0]  }
0x248: {  	v15 =	vld [tilespmem:s19+$0x64D0]  }
0x249: {  	v20 =	vld [tilespmem:s19+$0x64A0]  }
0x24a: {  	v16 =	vld [tilespmem:s19+$0x6480]  }
0x24b: {  	v17 =	vld [tilespmem:s19+$0x6490]  }
0x24c: {  	v23 =	vld [tilespmem:s19+$0x60E0]  }
0x24d: {  	v18 =	vld [tilespmem:s19+$0x60C0]  }
0x24e: {  	v19 =	vld [tilespmem:s19+$0x60D0]  }
0x24f: {  	v0 =	vld [tilespmem:s19+$0x60A0]  }
0x250: {  	v21 =	vld [tilespmem:s19+$0x6080]  }
0x251: {  	v22 =	vld [tilespmem:s19+$0x6090]  }
0x252: {  	v26 =	vld [tilespmem:s19+$0x6420]  }
0x253: {  	v24 =	vld [tilespmem:s19+$0x6440]  }
0x254: {  	v25 =	vld [tilespmem:s19+$0x6450]  }
0x255: {  	v28 =	vld [tilespmem:s19+$0x6020]  }
0x256: {  	v30 =	vld [tilespmem:s19+$0x6060]  }
0x257: {  	v1 =	vld [tilespmem:s19+$0x6030]  }
0x258: {  	v2 =	vld [tilespmem:s19+$0x6400]  }
0x259: {  	v4 =	vimm.f32 $-Inf;
	v27 =	vld [tilespmem:s19+$0x6040]  }
0x25a: {  	s20 =	simm.s32 $0x200;
	v13 =	vmax.f32 v4, v3;
	v29 =	vld [tilespmem:s19+$0x6000]  }
.LBB2_11:
0x25b: {  	p1 =	sne.s32 s20, $0x2F00;
	v3 =	vld [tilespmem:s19+$0x6010]  }
0x25c: {  	v4 =	vld [tilespmem:s19+$0x6050]  }
0x25d: {  	v5 =	vld [tilespmem:s19+$0x6410]  }
0x25e: {  	v6 =	vmax.f32 v28, v30;
	v28 =	vld [tilespmem:s19+$0x6070]  }
0x25f: {  	v6 =	vmax.f32 v6, v26;
	v26 =	vld [tilespmem:s19+$0x6430]  }
0x260: {  	v0 =	vmax.f32 v6, v0;
	v6 =	vld [tilespmem:s19+$0x60B0]  }
0x261: {  	v0 =	vmax.f32 v0, v23;
	v27 =	vmax.f32 v29, v27;
	v3 =	vmax.f32 v3, v4;
	v4 =	vld [tilespmem:s19+$0x60F0]  }
0x262: {  	v0 =	vmax.f32 v0, v20;
	v2 =	vmax.f32 v27, v2;
	v3 =	vmax.f32 v3, v5;
	v5 =	vld [tilespmem:s19+$0x64B0]  }
0x263: {  	v2 =	vmax.f32 v2, v24;
	v1 =	vmax.f32 v1, v28;
	v3 =	vmax.f32 v3, v25  }
0x264: {  	v2 =	vmax.f32 v2, v21;
	v1 =	vmax.f32 v1, v26;
	v3 =	vmax.f32 v3, v22  }
0x265: {  	v2 =	vmax.f32 v2, v18;
	v1 =	vmax.f32 v1, v6;
	v3 =	vmax.f32 v3, v19  }
0x266: {  	v2 =	vmax.f32 v2, v16;
	v1 =	vmax.f32 v1, v4;
	v3 =	vmax.f32 v3, v17  }
0x267: {  	v2 =	vmax.f32 v2, v14;
	v1 =	vmax.f32 v1, v5;
	v3 =	vmax.f32 v3, v15  }
0x268: {  	s18 =	sadd.s32 $0x200, s18;
	v2 =	vmax.f32 v2, v3;
	v0 =	vmax.f32 v0, v1  }
0x269: {  	s21 =	sand.u32 $0x300, s20;
	s17 =	sadd.s32 $0x10, s17;
	s19 =	sand.u32 $0x7800, s18;
	v0 =	vmax.f32 v2, v0  }
0x26a: {  	s19 =	sor.u32 s21, s19;
	[tilespmem:s17+$0x0] =	vst v0;
	v13 =	vmax.f32 v13, v0  }
0x26b: {  	v14 =	vld [tilespmem:s19+$0x64C0]  }
0x26c: {  	v15 =	vld [tilespmem:s19+$0x64D0]  }
0x26d: {  	v20 =	vld [tilespmem:s19+$0x64A0]  }
0x26e: {  	v16 =	vld [tilespmem:s19+$0x6480]  }
0x26f: {  	v17 =	vld [tilespmem:s19+$0x6490]  }
0x270: {  	v23 =	vld [tilespmem:s19+$0x60E0]  }
0x271: {  	v18 =	vld [tilespmem:s19+$0x60C0]  }
0x272: {  	v19 =	vld [tilespmem:s19+$0x60D0]  }
0x273: {  	v0 =	vld [tilespmem:s19+$0x60A0]  }
0x274: {  	v21 =	vld [tilespmem:s19+$0x6080]  }
0x275: {  	v22 =	vld [tilespmem:s19+$0x6090]  }
0x276: {  	v26 =	vld [tilespmem:s19+$0x6420]  }
0x277: {  	v24 =	vld [tilespmem:s19+$0x6440]  }
0x278: {  	v25 =	vld [tilespmem:s19+$0x6450]  }
0x279: {  	v28 =	vld [tilespmem:s19+$0x6020]  }
.Ltmp9:
0x27a: {  	v30 =	vld [tilespmem:s19+$0x6060];
	(pc) =	sbr.rel @p1 .LBB2_11-.Ltmp9, $4  }
0x27b: {  	v1 =	vld [tilespmem:s19+$0x6030]  }
0x27c: {  	v2 =	vld [tilespmem:s19+$0x6400]  }
0x27d: {  	v27 =	vld [tilespmem:s19+$0x6040]  }
0x27e: {  	s20 =	sadd.s32 $0x100, s20;
	v29 =	vld [tilespmem:s19+$0x6000]  }
0x27f: {  	v3 =	vld [tilespmem:s19+$0x6010]  }
0x280: {  	v4 =	vld [tilespmem:s19+$0x6050]  }
0x281: {  	v5 =	vld [tilespmem:s19+$0x6410]  }
0x282: {  	v6 =	vmax.f32 v28, v30;
	v61 =	vld [tilespmem:s19+$0x6070]  }
0x283: {  	v63 =	vld [tilespmem:s19+$0x6430];
	v6 =	vmax.f32 v6, v26  }
0x284: {  	v0 =	vmax.f32 v6, v0;
	v6 =	vld [tilespmem:s19+$0x60B0]  }
0x285: {  	v0 =	vmax.f32 v0, v23;
	v27 =	vmax.f32 v29, v27;
	v3 =	vmax.f32 v3, v4;
	v4 =	vld [tilespmem:s19+$0x60F0]  }
0x286: {  	v0 =	vmax.f32 v0, v20;
	v2 =	vmax.f32 v27, v2;
	v3 =	vmax.f32 v3, v5;
	v5 =	vld [tilespmem:s19+$0x64B0]  }
0x287: {  	v1 =	vmax.f32 v1, v61;
	v2 =	vmax.f32 v2, v24;
	v3 =	vmax.f32 v3, v25  }
0x288: {  	v1 =	vmax.f32 v1, v63;
	v2 =	vmax.f32 v2, v21;
	v3 =	vmax.f32 v3, v22  }
0x289: {  	v1 =	vmax.f32 v1, v6;
	v2 =	vmax.f32 v2, v18;
	v3 =	vmax.f32 v3, v19  }
0x28a: {  	v2 =	vmax.f32 v2, v16;
	v1 =	vmax.f32 v1, v4;
	v3 =	vmax.f32 v3, v17  }
0x28b: {  	v2 =	vmax.f32 v2, v14;
	v1 =	vmax.f32 v1, v5;
	v3 =	vmax.f32 v3, v15  }
0x28c: {  	v2 =	vmax.f32 v2, v3;
	v0 =	vmax.f32 v0, v1  }
0x28d: {  	v0 =	vmax.f32 v2, v0  }
0x28e: {  	v1 =	vmax.f32 v13, v0  }
0x28f: {  	s17 =	sadd.s32 $0x10, s17;
	(xrf0) =	vmax.scan.msk.f32 $0xffff, v1  }
0x290: {  	[tilespmem:s17+$0x0] =	vst v0;
	s17 =	simm.s32 $0xC040  }
0x291: {  	v15 =	vld [tilespmem:s17+$0x30]  }
0x292: {  	v14 =	vld [tilespmem:s17+$0x20]  }
0x293: {  	v16 =	vld [tilespmem:s17+$0x10]  }
0x294: {  	v20 =	vld [tilespmem:s17+$0x0]  }
0x295: {  	v17 =	vld [tilespmem:s17+$0xFFFFFFF0];
	v1, _, _ =	vpop (xrf0)  }
0x296: {  	s18 =	simm.s32 $0x7;
	s21 =	simm.s32 $0x6;
	v0 =	vld [tilespmem:s17+$0xFFFFFFE0];
	v13 =	vbroadcast v1, $0xF  }
0x297: {  	s20 =	simm.s32 $0x4;
	s22 =	simm.s32 $0x5;
	s19 =	simm.s32 $0xF;
	v18 =	vimm.s32 $0x40000000;
	v19 =	vimm.s32 $0xFFFFFFFF;
	v1 =	vld [tilespmem:s17+$0xFFFFFFC0]  }
.LBB2_13:
0x298: {  	p1 =	sne.s32 s19, $0x2F;
	v2 =	vld [tilespmem:s17+$0xFFFFFFD0];
	s23 =	sadd.s32 $0xFFFFFFFB, s18;
	s24 =	sadd.s32 $0xFFFFFFFC, s18;
	v3 =	vmov s22;
	v4 =	vmov s21;
	v5 =	vmov s18  }
0x299: {  	s21 =	sadd.s32 $0xFFFFFFF9, s18;
	s22 =	sadd.s32 $0xFFFFFFFA, s18;
	v22 =	vmov s20;
	s18 =	smov.u32 s19;
	v6 =	vmov s23;
	v21 =	vmov s24  }
0x29a: {  	vm0 =	veq.f32 v15, v13;
	v23 =	vmov s21;
	v24 =	vmov s22  }
0x29b: {  	vm2 =	veq.f32 v16, v13;
	vm1 =	veq.f32 v14, v13;
	vm3 =	veq.f32 v20, v13  }
0x29c: {  	vm6 =	veq.f32 v17, v13;
	vm5 =	veq.f32 v0, v13;
	vm4 =	veq.f32 v1, v13  }
0x29d: {  	v0 =	vnsel vm4, $0x40000000, v23;
	v1 =	vnsel vm4, $0xFFFFFFFF, v23;
	vm4 =	veq.f32 v2, v13  }
0x29e: {  	vm7 =	vlt.s32 v18, v0;
	vm8 =	vgt.s32 v19, v1;
	v2 =	vnsel vm4, $0x40000000, v24  }
0x29f: {  	v14 =	vnsel vm4, $0xFFFFFFFF, v24;
	v0 =	vsel vm7, v18, v0;
	v1 =	vsel vm8, v19, v1  }
0x2a0: {  	v15 =	vnsel vm5, $0x40000000, v6;
	vm4 =	vlt.s32 v0, v2;
	vm7 =	vgt.s32 v1, v14  }
0x2a1: {  	v0 =	vsel vm4, v0, v2;
	v1 =	vsel vm7, v1, v14;
	v2 =	vnsel vm5, $0xFFFFFFFF, v6  }
0x2a2: {  	v6 =	vnsel vm6, $0x40000000, v21;
	vm4 =	vlt.s32 v0, v15;
	vm5 =	vgt.s32 v1, v2  }
0x2a3: {  	v0 =	vsel vm4, v0, v15;
	v1 =	vsel vm5, v1, v2;
	v2 =	vnsel vm6, $0xFFFFFFFF, v21  }
0x2a4: {  	v14 =	vnsel vm3, $0x40000000, v22;
	vm4 =	vlt.s32 v0, v6;
	vm5 =	vgt.s32 v1, v2  }
0x2a5: {  	v0 =	vsel vm4, v0, v6;
	v1 =	vsel vm5, v1, v2;
	v2 =	vnsel vm3, $0xFFFFFFFF, v22  }
0x2a6: {  	s17 =	sadd.s32 $0x80, s17;
	v6 =	vnsel vm2, $0x40000000, v3;
	vm3 =	vlt.s32 v0, v14;
	vm4 =	vgt.s32 v1, v2  }
0x2a7: {  	v15 =	vld [tilespmem:s17+$0x30];
	v0 =	vsel vm3, v0, v14;
	v1 =	vsel vm4, v1, v2;
	v2 =	vnsel vm2, $0xFFFFFFFF, v3  }
0x2a8: {  	v3 =	vnsel vm1, $0x40000000, v4;
	v14 =	vld [tilespmem:s17+$0x20];
	vm2 =	vlt.s32 v0, v6;
	vm3 =	vgt.s32 v1, v2  }
.Ltmp10:
0x2a9: {  	v16 =	vld [tilespmem:s17+$0x10];
	v0 =	vsel vm2, v0, v6;
	v1 =	vsel vm3, v1, v2;
	v2 =	vnsel vm1, $0xFFFFFFFF, v4;
	(pc) =	sbr.rel @p1 .LBB2_13-.Ltmp10, $4  }
0x2aa: {  	v4 =	vnsel vm0, $0x40000000, v5;
	v20 =	vld [tilespmem:s17+$0x0];
	vm1 =	vlt.s32 v0, v3;
	vm2 =	vgt.s32 v1, v2  }
0x2ab: {  	v5 =	vnsel vm0, $0xFFFFFFFF, v5;
	v17 =	vld [tilespmem:s17+$0xFFFFFFF0];
	v3 =	vsel vm1, v0, v3;
	v2 =	vsel vm2, v1, v2  }
0x2ac: {  	s21 =	sadd.s32 $0xFFFFFFFF, s19;
	v0 =	vld [tilespmem:s17+$0xFFFFFFE0];
	vm0 =	vlt.s32 v3, v4;
	vm1 =	vgt.s32 v2, v5  }
0x2ad: {  	s20 =	sadd.s32 $0xFFFFFFFD, s18;
	s22 =	sadd.s32 $0xFFFFFFFE, s18;
	s19 =	sadd.s32 $0x8, s19;
	v1 =	vld [tilespmem:s17+$0xFFFFFFC0];
	v18 =	vsel vm0, v3, v4;
	v19 =	vsel vm1, v2, v5  }
0x2ae: {  	v2 =	vmov s22  }
0x2af: {  	v3 =	vld [tilespmem:s17+$0xFFFFFFD0];
	v4 =	vmov s21;
	v5 =	vmov s18;
	v22 =	vmov s20  }
0x2b0: {  	s19 =	sadd.s32 $0xFFFFFFFB, s18;
	s28 =	sadd.s32 $0xFFFFFFFC, s18;
	s29 =	sadd.s32 $0xFFFFFFF9, s18;
	vm0 =	veq.f32 v15, v13;
	vm2 =	veq.f32 v16, v13;
	vm1 =	veq.f32 v14, v13  }
0x2b1: {  	s30 =	sadd.s32 $0xFFFFFFFA, s18;
	v6 =	vmov s19;
	v21 =	vmov s28;
	v23 =	vmov s29  }
0x2b2: {  	v24 =	vmov s30;
	vm3 =	veq.f32 v20, v13;
	vm4 =	veq.f32 v1, v13  }
0x2b3: {  	vm6 =	veq.f32 v17, v13;
	vm5 =	veq.f32 v0, v13;
	v51 =	vnsel vm4, $0x40000000, v23  }
0x2b4: {  	v1 =	vnsel vm4, $0xFFFFFFFF, v23;
	vm13 =	veq.f32 v3, v13;
	vm7 =	vlt.s32 v18, v51  }
0x2b5: {  	vm8 =	vgt.s32 v19, v1;
	v3 =	vnsel vm13, $0x40000000, v24;
	v0 =	vsel vm7, v18, v51  }
0x2b6: {  	v14 =	vnsel vm13, $0xFFFFFFFF, v24;
	v1 =	vsel vm8, v19, v1;
	vm14 =	vlt.s32 v0, v3  }
0x2b7: {  	v15 =	vnsel vm5, $0x40000000, v6;
	vm15 =	vgt.s32 v1, v14;
	v0 =	vsel vm14, v0, v3  }
0x2b8: {  	v53 =	vnsel vm5, $0xFFFFFFFF, v6;
	v1 =	vsel vm15, v1, v14;
	vm4 =	vlt.s32 v0, v15  }
0x2b9: {  	v6 =	vnsel vm6, $0x40000000, v21;
	vm5 =	vgt.s32 v1, v53;
	v0 =	vsel vm4, v0, v15  }
0x2ba: {  	v54 =	vnsel vm6, $0xFFFFFFFF, v21;
	v1 =	vsel vm5, v1, v53;
	vm4 =	vlt.s32 v0, v6  }
0x2bb: {  	v14 =	vnsel vm3, $0x40000000, v22;
	vm5 =	vgt.s32 v1, v54;
	v0 =	vsel vm4, v0, v6  }
0x2bc: {  	v55 =	vnsel vm3, $0xFFFFFFFF, v22;
	v1 =	vsel vm5, v1, v54;
	vm8 =	vlt.s32 v0, v14  }
0x2bd: {  	v6 =	vnsel vm2, $0x40000000, v2;
	vm9 =	vgt.s32 v1, v55;
	v0 =	vsel vm8, v0, v14  }
0x2be: {  	v2 =	vnsel vm2, $0xFFFFFFFF, v2;
	v1 =	vsel vm9, v1, v55;
	vm10 =	vlt.s32 v0, v6  }
0x2bf: {  	v57 =	vnsel vm1, $0x40000000, v4;
	vm11 =	vgt.s32 v1, v2;
	v0 =	vsel vm10, v0, v6  }
0x2c0: {  	v58 =	vnsel vm1, $0xFFFFFFFF, v4;
	v1 =	vsel vm11, v1, v2;
	vm12 =	vlt.s32 v0, v57  }
0x2c1: {  	v4 =	vnsel vm0, $0x40000000, v5;
	vm13 =	vgt.s32 v1, v58;
	v0 =	vsel vm12, v0, v57  }
0x2c2: {  	v59 =	vnsel vm0, $0xFFFFFFFF, v5;
	v1 =	vsel vm13, v1, v58;
	vm14 =	vlt.s32 v0, v4  }
0x2c3: {  	vm15 =	vgt.s32 v1, v59;
	v0 =	vsel vm14, v0, v4  }
0x2c4: {  	v1 =	vsel vm15, v1, v59;
	v0 =	vxor.u32 $0x80000000, v0  }
0x2c5: {  	v60 =	vxor.u32 $0x80000000, v1;
	(xrf0) =	vmin.scan.msk.u32 $0xffff, v0  }
0x2c6: {  	(xrf0) =	vmax.scan.msk.u32 $0xffff, v60;
	_ =	sdelay $0x4  }
0x2c7: {  	v61, _, _ =	vpop (xrf0)  }
0x2c8: {  	(v2sf) =	vpush v61, $0xF;
	v63, _, _ =	vpop (xrf0)  }
0x2c9: {  	(v2sf) =	vpush v63, $0xF;
	_ =	sdelay $0xd  }
0x2ca: {  	s17 =	spop (v2sf)  }
0x2cb: {  	s31 =	spop (v2sf)  }
0x2cc: {  	p1 =	sne.s32 s31, s17  }
.Ltmp11:
0x2cd: {  	_ = 	snop;
	(pc) =	sbr.rel @!p1 .LBB2_22-.Ltmp11, $1  }
0x2ce: {  	_ =	sdelay $0x3  }
0x2cf: {  	s17 =	simm.s32 $0x0  }
0x2d0: {  	s20 =	simm.s32 $0x80;
	s19 =	sand.u32 $0x7800, s17  }
0x2d1: {  	s20 =	sand.u32 $0x380, s20;
	s19 =	sadd.s32 $0x6000, s19  }
0x2d2: {  	s21 =	sor.u32 s20, s19  }
0x2d3: {  	v1 =	vld [tilespmem:s21+$0x440]  }
0x2d4: {  	v54 =	vld [tilespmem:s21+$0x450]  }
0x2d5: {  	v2 =	vld [tilespmem:s21+$0x420]  }
0x2d6: {  	v24 =	vld [tilespmem:s21+$0x430]  }
0x2d7: {  	v30 =	vld [tilespmem:s21+$0x400]  }
0x2d8: {  	v29 =	vld [tilespmem:s21+$0x410]  }
0x2d9: {  	v32 =	vld [tilespmem:s21+$0x60]  }
0x2da: {  	v31 =	vld [tilespmem:s21+$0x70]  }
0x2db: {  	v36 =	vld [tilespmem:s21+$0x40]  }
0x2dc: {  	v35 =	vld [tilespmem:s21+$0x50]  }
0x2dd: {  	v39 =	vld [tilespmem:s21+$0x20]  }
0x2de: {  	v37 =	vld [tilespmem:s21+$0x30]  }
0x2df: {  	v41 =	vimm.s32 $0x40000000;
	s18 =	simm.s32 $0x1;
	v25 =	vor.u32 $0x4800, v62;
	s30 =	sand.u32 $0x300, s17;
	v43 =	vld [tilespmem:s21+$0x0]  }
0x2e0: {  	v26 =	vadd.s32 $0x4E00, v62;
	v16 =	vadd.s32 s18, v10;
	v15 =	vadd.s32 s18, v44;
	s20 =	sor.u32 s30, s19;
	v42 =	vld [tilespmem:s21+$0x10]  }
0x2e1: {  	v14 =	vadd.s32 s18, v7;
	v21 =	vadd.s32 s18, v11;
	v20 =	vadd.s32 s18, v12;
	v47 =	vld [tilespmem:s20+$0x440]  }
0x2e2: {  	v17 =	vadd.s32 s18, v8;
	v27 =	vadd.s32 s18, v38;
	v23 =	vadd.s32 s18, v49;
	v46 =	vld [tilespmem:s20+$0x450]  }
0x2e3: {  	s31 =	simm.s32 $0x0;
	v22 =	vadd.s32 s18, v56;
	v34 =	vadd.s32 s18, v62;
	v28 =	vadd.s32 s18, v52;
	v50 =	vld [tilespmem:s20+$0x420]  }
0x2e4: {  	v3 =	vmovc v52;
	v33 =	vadd.s32 s18, v9;
	v18 =	vadd.s32 s18, v25;
	v40 =	vadd.s32 s31, v25;
	v52 =	vld [tilespmem:s20+$0x430]  }
0x2e5: {  	v0 =	vmovc v38;
	v5 =	vmovc v56;
	v38 =	vadd.s32 s31, v26;
	v19 =	vadd.s32 s18, v26;
	v48 =	vadd.s32 s31, v10;
	v55 =	vld [tilespmem:s20+$0x400]  }
0x2e6: {  	v6 =	vmovc v10;
	v45 =	vadd.s32 s31, v44;
	v10 =	vmovc v44;
	v44 =	vadd.s32 s31, v7;
	v53 =	vadd.s32 s31, v11;
	v56 =	vld [tilespmem:s20+$0x410]  }
0x2e7: {  	v4 =	vmovc v49;
	v51 =	vadd.s32 s31, v12;
	v49 =	vadd.s32 s31, v8;
	v61 =	vadd.s32 s31, v0;
	v59 =	vld [tilespmem:s20+$0x60]  }
0x2e8: {  	v58 =	vadd.s32 s31, v4;
	v57 =	vadd.s32 s31, v5;
	v63 =	vadd.s32 s31, v62;
	v60 =	vld [tilespmem:s20+$0x70]  }
0x2e9: {  	v0 =	vadd.s32 s31, v9;
	v62 =	vadd.s32 s31, v3;
	v11 =	vmovc v3;
	v9 =	vmovc v7;
	vm2 =	veq.f32 v2, v13;
	v2 =	vld [tilespmem:s20+$0x40]  }
0x2ea: {  	s18 =	simm.s32 $0x3;
	v12 =	vmovc v10;
	s19 =	simm.s32 $0x0;
	v10 =	vmovc v6;
	vm4 =	veq.f32 v1, v13;
	v1 =	vld [tilespmem:s20+$0x50];
	vm3 =	veq.f32 v54, v13;
	v54 =	vimm.s32 $0x40000000  }
.LBB2_16:
0x2eb: {  	v4 =	vimm.s32 $0x0;
	vm0 =	veq.f32 v30, v13  }
0x2ec: {  	v3 =	vimm.s32 $0x0;
	v5 =	vimm.s32 $0x0;
	v4 =	vsel vm0, $0xFFFFFFFF, v4  }
0x2ed: {  	v3 =	vsel vm2, $0xFFFFFFFF, v3;
	vm0 =	veq.f32 v29, v13;
	[tilespmem:$0x1FE30] =	vst v4;
	v4 =	vimm.s32 $0x0  }
0x2ee: {  	v6 =	vimm.s32 $0x0;
	[tilespmem:$0x1FE50] =	vst v3;
	v3 =	vimm.s32 $0x0;
	v4 =	vsel vm0, $0xFFFFFFFF, v4  }
0x2ef: {  	v3 =	vsel vm3, $0xFFFFFFFF, v3;
	vm0 =	veq.f32 v24, v13;
	[tilespmem:$0x1FE40] =	vst v4;
	v4 =	vimm.s32 $0x0  }
0x2f0: {  	[tilespmem:$0x1FE80] =	vst v3;
	v3 =	vimm.s32 $0x0;
	v4 =	vsel vm0, $0xFFFFFFFF, v4;
	vm0 =	veq.f32 v36, v13  }
0x2f1: {  	v36 =	vimm.s32 $0x0;
	v5 =	vsel vm0, $0xFFFFFFFF, v5;
	vm0 =	veq.f32 v32, v13  }
0x2f2: {  	v32 =	vimm.s32 $0x0;
	[tilespmem:$0x1FDF0] =	vst v5;
	v5 =	vsel vm0, $0xFFFFFFFF, v36;
	vm0 =	veq.f32 v31, v13  }
0x2f3: {  	v3 =	vsel vm4, $0xFFFFFFFF, v3;
	[tilespmem:$0x1FE10] =	vst v5;
	v5 =	vsel vm0, $0xFFFFFFFF, v32;
	vm0 =	veq.f32 v39, v13  }
0x2f4: {  	[tilespmem:$0x1FE70] =	vst v3;
	v6 =	vsel vm0, $0xFFFFFFFF, v6  }
0x2f5: {  	v3 =	vld [tilespmem:s20+$0x20];
	vm0 =	veq.f32 v37, v13;
	[tilespmem:$0x1FDD0] =	vst v6;
	v6 =	vimm.s32 $0x0  }
0x2f6: {  	[tilespmem:$0x1FE60] =	vst v4;
	v4 =	vld [tilespmem:s20+$0x0];
	v6 =	vsel vm0, $0xFFFFFFFF, v6  }
0x2f7: {  	v36 =	vld [tilespmem:s20+$0x10];
	vm0 =	veq.f32 v35, v13;
	[tilespmem:$0x1FDE0] =	vst v6;
	v6 =	vimm.s32 $0x0  }
0x2f8: {  	v6 =	vsel vm0, $0xFFFFFFFF, v6  }
0x2f9: {  	[tilespmem:$0x1FE00] =	vst v6;
	v6 =	vld [tilespmem:s20+$0x30];
	_ =	sdelay $0x1  }
0x2fa: {  	vm6 =	veq.f32 v1, v13;
	vm4 =	veq.f32 v2, v13  }
0x2fb: {  	vm2 =	veq.f32 v3, v13;
	vm1 =	veq.f32 v36, v13;
	vm0 =	veq.f32 v4, v13  }
0x2fc: {  	v2 =	vnsel vm2, $0x40000000, v61;
	v0 =	vnsel vm1, $0x40000000, v0;
	v1 =	vnsel vm0, $0x40000000, v63  }
0x2fd: {  	vm0 =	vlt.s32 v54, v0;
	vm1 =	vlt.s32 v41, v1;
	vm3 =	veq.f32 v6, v13  }
0x2fe: {  	v0 =	vsel vm0, v54, v0;
	v1 =	vsel vm1, v41, v1;
	v3 =	vnsel vm3, $0x40000000, v62  }
0x2ff: {  	vm12 =	veq.f32 v42, v13;
	vm0 =	vlt.s32 v1, v2;
	vm1 =	vlt.s32 v0, v3  }
0x300: {  	v1 =	vsel vm0, v1, v2;
	v2 =	vnsel vm6, $0x40000000, v57;
	v0 =	vsel vm1, v0, v3  }
0x301: {  	vm10 =	veq.f32 v50, v13;
	vm7 =	veq.f32 v60, v13;
	vm1 =	vlt.s32 v0, v2  }
0x302: {  	vm11 =	veq.f32 v52, v13;
	v0 =	vsel vm1, v0, v2;
	v2 =	vnsel vm7, $0x40000000, v51  }
0x303: {  	vm15 =	veq.f32 v46, v13;
	vm9 =	veq.f32 v56, v13;
	vm1 =	vlt.s32 v0, v2  }
0x304: {  	vm5 =	veq.f32 v59, v13;
	v0 =	vsel vm1, v0, v2;
	v2 =	vnsel vm9, $0x40000000, v49  }
0x305: {  	vm8 =	veq.f32 v55, v13;
	v56 =	vnsel vm4, $0x40000000, v58;
	vm1 =	vlt.s32 v0, v2  }
0x306: {  	vm0 =	vlt.s32 v1, v56;
	v0 =	vsel vm1, v0, v2;
	v2 =	vnsel vm11, $0x40000000, v44  }
0x307: {  	v1 =	vsel vm0, v1, v56;
	v3 =	vnsel vm5, $0x40000000, v53;
	vm1 =	vlt.s32 v0, v2  }
0x308: {  	vm0 =	vlt.s32 v1, v3;
	v0 =	vsel vm1, v0, v2;
	v2 =	vnsel vm15, $0x40000000, v38  }
0x309: {  	v58 =	vnsel vm8, $0x40000000, v48;
	v1 =	vsel vm0, v1, v3;
	vm1 =	vlt.s32 v0, v2  }
0x30a: {  	vm0 =	vlt.s32 v1, v58;
	v0 =	vsel vm1, v0, v2;
	v2 =	vnsel vm12, $0x40000000, v33  }
0x30b: {  	v3 =	vnsel vm10, $0x40000000, v45;
	v1 =	vsel vm0, v1, v58;
	vm1 =	vlt.s32 v0, v2  }
0x30c: {  	vm14 =	veq.f32 v47, v13;
	vm0 =	vlt.s32 v1, v3;
	v0 =	vsel vm1, v0, v2;
	v2 =	vld [tilespmem:$0x1FDE0]  }
0x30d: {  	v59 =	vnsel vm14, $0x40000000, v40;
	v1 =	vsel vm0, v1, v3  }
0x30e: {  	vm13 =	veq.f32 v43, v13;
	vm0 =	vlt.s32 v1, v59  }
0x30f: {  	v3 =	vnsel vm13, $0x40000000, v34;
	v1 =	vsel vm0, v1, v59  }
0x310: {  	vm0 =	vlt.s32 v1, v3  }
0x311: {  	v60 =	vld [tilespmem:$0x1FDD0];
	v1 =	vsel vm0, v1, v3;
	vm0 =	vnez.u8 v2  }
0x312: {  	v2 =	vnsel vm0, $0x40000000, v28  }
0x313: {  	vm1 =	vlt.s32 v0, v2  }
0x314: {  	v0 =	vsel vm1, v0, v2;
	v2 =	vld [tilespmem:$0x1FE00];
	_ =	sdelay $0x1  }
0x315: {  	vm2 =	vnez.u8 v60  }
0x316: {  	v4 =	vnsel vm2, $0x40000000, v27  }
0x317: {  	vm0 =	vlt.s32 v1, v4  }
0x318: {  	v6 =	vld [tilespmem:$0x1FDF0];
	v1 =	vsel vm0, v1, v4;
	vm0 =	vnez.u8 v2  }
0x319: {  	v2 =	vnsel vm0, $0x40000000, v22  }
0x31a: {  	[tilespmem:$0x1FE20] =	vst v5;
	vm1 =	vlt.s32 v0, v2  }
0x31b: {  	s17 =	sadd.s32 $0x100, s17;
	s19 =	sadd.s32 $0x200, s19;
	v0 =	vsel vm1, v0, v2;
	v2 =	vld [tilespmem:$0x1FE20]  }
0x31c: {  	s30 =	sand.u32 $0x7800, s19;
	s21 =	sadd.s32 $0x80, s17  }
0x31d: {  	s21 =	sand.u32 $0x380, s21;
	v61 =	vld [tilespmem:$0x1FE10];
	s20 =	sadd.s32 $0x6000, s30;
	vm2 =	vnez.u8 v6  }
0x31e: {  	v63 =	vld [tilespmem:$0x1FFE0];
	s21 =	sor.u32 s21, s20;
	v6 =	vnsel vm2, $0x40000000, v23  }
0x31f: {  	v5 =	vld [tilespmem:s21+$0x440];
	vm0 =	vlt.s32 v1, v6  }
0x320: {  	v7 =	vld [tilespmem:s21+$0x420];
	v1 =	vsel vm0, v1, v6;
	vm0 =	vnez.u8 v2  }
0x321: {  	v24 =	vld [tilespmem:s21+$0x430];
	v2 =	vnsel vm0, $0x40000000, v20  }
0x322: {  	v30 =	vld [tilespmem:s21+$0x400];
	vm1 =	vlt.s32 v0, v2  }
0x323: {  	v0 =	vsel vm1, v0, v2;
	v2 =	vld [tilespmem:$0x1FE40]  }
0x324: {  	v29 =	vld [tilespmem:s21+$0x410]  }
0x325: {  	v32 =	vld [tilespmem:s21+$0x60];
	vm2 =	vnez.u8 v61  }
0x326: {  	v31 =	vld [tilespmem:s21+$0x70];
	v4 =	vnsel vm2, $0x40000000, v21  }
0x327: {  	v36 =	vld [tilespmem:s21+$0x40];
	vm0 =	vlt.s32 v1, v4  }
0x328: {  	v6 =	vld [tilespmem:$0x1FE30];
	v1 =	vsel vm0, v1, v4;
	vm0 =	vnez.u8 v2  }
0x329: {  	v35 =	vld [tilespmem:s21+$0x50];
	v2 =	vnsel vm0, $0x40000000, v17  }
0x32a: {  	v39 =	vld [tilespmem:s21+$0x20];
	vm1 =	vlt.s32 v0, v2  }
0x32b: {  	v0 =	vsel vm1, v0, v2;
	v2 =	vld [tilespmem:$0x1FE60]  }
0x32c: {  	v37 =	vld [tilespmem:s21+$0x30]  }
0x32d: {  	s22 =	sand.u32 $0x300, s17;
	v43 =	vld [tilespmem:s21+$0x0];
	vm2 =	vnez.u8 v6  }
0x32e: {  	s20 =	sor.u32 s22, s20;
	v42 =	vld [tilespmem:s21+$0x10];
	v6 =	vnsel vm2, $0x40000000, v16  }
0x32f: {  	v47 =	vld [tilespmem:s20+$0x440];
	vm0 =	vlt.s32 v1, v6  }
0x330: {  	v62 =	vld [tilespmem:$0x1FE50];
	v1 =	vsel vm0, v1, v6;
	vm0 =	vnez.u8 v2  }
0x331: {  	v46 =	vld [tilespmem:s20+$0x450];
	v2 =	vnsel vm0, $0x40000000, v14  }
0x332: {  	v6 =	vld [tilespmem:$0x1FE70];
	vm1 =	vlt.s32 v0, v2  }
0x333: {  	s31 =	sadd.s32 $0xFFFFFFFF, s18;
	v0 =	vsel vm1, v0, v2;
	v2 =	vld [tilespmem:$0x1FE80]  }
0x334: {  	v40 =	vadd.s32 s31, v25;
	v50 =	vld [tilespmem:s20+$0x420]  }
0x335: {  	v48 =	vadd.s32 s31, v10;
	vm4 =	veq.f32 v5, v13;
	v58 =	vld [tilespmem:$0x1FF70];
	vm2 =	vnez.u8 v62  }
0x336: {  	v45 =	vadd.s32 s31, v12;
	v51 =	vadd.s32 s31, v63;
	v3 =	vld [tilespmem:s21+$0x450];
	v4 =	vnsel vm2, $0x40000000, v15  }
0x337: {  	v57 =	vld [tilespmem:$0x1FF90];
	v49 =	vadd.s32 s31, v8;
	vm2 =	vnez.u8 v6;
	vm0 =	vlt.s32 v1, v4  }
0x338: {  	v52 =	vld [tilespmem:s20+$0x430];
	v6 =	vnsel vm2, $0x40000000, v18;
	v1 =	vsel vm0, v1, v4;
	vm0 =	vnez.u8 v2  }
0x339: {  	v55 =	vld [tilespmem:s20+$0x400];
	v44 =	vadd.s32 s31, v9;
	v2 =	vnsel vm0, $0x40000000, v19;
	vm0 =	vlt.s32 v1, v6  }
0x33a: {  	v38 =	vadd.s32 s31, v26;
	v23 =	vadd.s32 s18, v58;
	v41 =	vsel vm0, v1, v6;
	v6 =	vld [tilespmem:$0x1FFF0]  }
0x33b: {  	v58 =	vadd.s32 s31, v58;
	vm3 =	veq.f32 v3, v13;
	vm1 =	vlt.s32 v0, v2;
	v1 =	vld [tilespmem:$0x1FFA0]  }
0x33c: {  	v28 =	vadd.s32 s18, v11;
	v22 =	vadd.s32 s18, v57;
	v54 =	vsel vm1, v0, v2;
	v2 =	vld [tilespmem:$0x1FFB0]  }
0x33d: {  	p1 =	sne.s32 s18, $0x5F;
	v57 =	vadd.s32 s31, v57;
	v16 =	vadd.s32 s18, v10;
	v62 =	vadd.s32 s31, v11;
	v0 =	vld [tilespmem:$0x1FF80]  }
.Ltmp12:
0x33e: {  	v60 =	vld [tilespmem:s20+$0x70];
	v20 =	vadd.s32 s18, v63;
	v15 =	vadd.s32 s18, v12;
	v17 =	vadd.s32 s18, v8;
	(pc) =	sbr.rel @p1 .LBB2_16-.Ltmp12, $4  }
0x33f: {  	v56 =	vld [tilespmem:s20+$0x410];
	v18 =	vadd.s32 s18, v25;
	vm2 =	veq.f32 v7, v13;
	v14 =	vadd.s32 s18, v9  }
0x340: {  	v59 =	vld [tilespmem:s20+$0x60];
	v19 =	vadd.s32 s18, v26;
	v21 =	vadd.s32 s18, v6;
	v33 =	vadd.s32 s18, v1  }
0x341: {  	v53 =	vadd.s32 s31, v6;
	v34 =	vadd.s32 s18, v2;
	v63 =	vadd.s32 s31, v2;
	v2 =	vld [tilespmem:s20+$0x40]  }
0x342: {  	v27 =	vadd.s32 s18, v0;
	v61 =	vadd.s32 s31, v0;
	v0 =	vadd.s32 s31, v1;
	v1 =	vld [tilespmem:s20+$0x50];
	s18 =	sadd.s32 $0x2, s18  }
0x343: {  	v3 =	vld [tilespmem:s20+$0x0]  }
0x344: {  	v4 =	vld [tilespmem:s20+$0x10]  }
0x345: {  	v5 =	vld [tilespmem:s20+$0x20]  }
0x346: {  	v6 =	vld [tilespmem:s20+$0x30];
	_ =	sdelay $0x2  }
0x347: {  	vm8 =	veq.f32 v59, v13;
	vm14 =	veq.f32 v2, v13;
	vm6 =	veq.f32 v1, v13  }
0x348: {  	vm0 =	veq.f32 v3, v13;
	vm1 =	veq.f32 v4, v13;
	vm11 =	veq.f32 v5, v13  }
0x349: {  	vm15 =	veq.f32 v6, v13;
	v5 =	vnsel vm14, $0x40000000, v58;
	v3 =	vnsel vm0, $0x40000000, v63  }
0x34a: {  	v0 =	vnsel vm1, $0x40000000, v0;
	v4 =	vnsel vm11, $0x40000000, v61;
	v2 =	vnsel vm15, $0x40000000, v62  }
0x34b: {  	vm11 =	veq.f32 v60, v13;
	vm12 =	vlt.s32 v41, v3;
	vm13 =	vlt.s32 v54, v0  }
0x34c: {  	vm15 =	veq.f32 v50, v13;
	v3 =	vsel vm12, v41, v3;
	v0 =	vsel vm13, v54, v0  }
0x34d: {  	vm12 =	veq.f32 v55, v13;
	vm5 =	vlt.s32 v3, v4;
	vm7 =	vlt.s32 v0, v2  }
0x34e: {  	v1 =	vsel vm5, v3, v4;
	v0 =	vsel vm7, v0, v2;
	v2 =	vnsel vm6, $0x40000000, v57  }
0x34f: {  	v3 =	vnsel vm8, $0x40000000, v53;
	v4 =	vnsel vm12, $0x40000000, v48;
	vm5 =	veq.f32 v56, v13  }
0x350: {  	vm7 =	veq.f32 v52, v13;
	vm9 =	vlt.s32 v1, v5;
	vm10 =	vlt.s32 v0, v2  }
0x351: {  	v1 =	vsel vm9, v1, v5;
	v0 =	vsel vm10, v0, v2;
	v2 =	vnsel vm11, $0x40000000, v51  }
0x352: {  	vm12 =	veq.f32 v46, v13;
	vm13 =	vlt.s32 v1, v3;
	vm14 =	vlt.s32 v0, v2  }
0x353: {  	vm9 =	veq.f32 v47, v13;
	v1 =	vsel vm13, v1, v3;
	v0 =	vsel vm14, v0, v2  }
0x354: {  	v2 =	vnsel vm5, $0x40000000, v49;
	v3 =	vnsel vm15, $0x40000000, v45;
	vm13 =	veq.f32 v43, v13  }
0x355: {  	vm5 =	veq.f32 v39, v13;
	vm6 =	vlt.s32 v1, v4;
	vm8 =	vlt.s32 v0, v2  }
0x356: {  	v1 =	vsel vm6, v1, v4;
	v0 =	vsel vm8, v0, v2;
	v2 =	vnsel vm7, $0x40000000, v44  }
0x357: {  	v4 =	vnsel vm9, $0x40000000, v40;
	vm6 =	veq.f32 v42, v13;
	vm10 =	vlt.s32 v1, v3  }
0x358: {  	vm8 =	veq.f32 v37, v13;
	vm11 =	vlt.s32 v0, v2;
	v1 =	vsel vm10, v1, v3  }
0x359: {  	v0 =	vsel vm11, v0, v2;
	v2 =	vnsel vm12, $0x40000000, v38;
	v3 =	vnsel vm13, $0x40000000, v34  }
0x35a: {  	vm10 =	veq.f32 v36, v13;
	vm14 =	vlt.s32 v1, v4;
	vm15 =	vlt.s32 v0, v2  }
0x35b: {  	vm13 =	veq.f32 v35, v13;
	v1 =	vsel vm14, v1, v4;
	v0 =	vsel vm15, v0, v2  }
0x35c: {  	v2 =	vnsel vm6, $0x40000000, v33;
	v4 =	vnsel vm5, $0x40000000, v27;
	vm14 =	veq.f32 v32, v13  }
0x35d: {  	vm6 =	veq.f32 v30, v13;
	vm7 =	vlt.s32 v1, v3;
	vm9 =	vlt.s32 v0, v2  }
0x35e: {  	v1 =	vsel vm7, v1, v3;
	v0 =	vsel vm9, v0, v2;
	v2 =	vnsel vm8, $0x40000000, v28  }
0x35f: {  	v3 =	vnsel vm10, $0x40000000, v23;
	vm7 =	veq.f32 v31, v13;
	vm11 =	vlt.s32 v1, v4  }
0x360: {  	vm9 =	veq.f32 v29, v13;
	vm12 =	vlt.s32 v0, v2;
	v1 =	vsel vm11, v1, v4  }
0x361: {  	v0 =	vsel vm12, v0, v2;
	v2 =	vnsel vm13, $0x40000000, v22;
	v4 =	vnsel vm14, $0x40000000, v21  }
0x362: {  	vm11 =	veq.f32 v24, v13;
	vm15 =	vlt.s32 v1, v3;
	vm5 =	vlt.s32 v0, v2  }
0x363: {  	v1 =	vsel vm15, v1, v3;
	v0 =	vsel vm5, v0, v2;
	v2 =	vnsel vm7, $0x40000000, v20  }
0x364: {  	v3 =	vnsel vm6, $0x40000000, v16;
	vm8 =	vlt.s32 v1, v4;
	vm10 =	vlt.s32 v0, v2  }
0x365: {  	v1 =	vsel vm8, v1, v4;
	v0 =	vsel vm10, v0, v2;
	v2 =	vnsel vm9, $0x40000000, v17  }
0x366: {  	v4 =	vnsel vm2, $0x40000000, v15;
	vm12 =	vlt.s32 v1, v3;
	vm13 =	vlt.s32 v0, v2  }
0x367: {  	v7 =	vmovc v9;
	v9 =	vld [tilespmem:$0x1FFA0];
	v1 =	vsel vm12, v1, v3;
	v0 =	vsel vm13, v0, v2;
	v2 =	vnsel vm11, $0x40000000, v14  }
0x368: {  	v62 =	vld [tilespmem:$0x1FFB0];
	v3 =	vnsel vm4, $0x40000000, v18;
	vm14 =	vlt.s32 v1, v4;
	vm15 =	vlt.s32 v0, v2  }
.Ltmp13:
0x369: {  	v56 =	vld [tilespmem:$0x1FF90];
	v1 =	vsel vm14, v1, v4;
	v0 =	vsel vm15, v0, v2;
	v2 =	vnsel vm3, $0x40000000, v19;
	(pc) =	sbr.rel .LBB2_18-.Ltmp13, $4  }
0x36a: {  	v52 =	vmov v11;
	v11 =	vld [tilespmem:$0x1FFF0];
	vm0 =	vlt.s32 v1, v3;
	vm1 =	vlt.s32 v0, v2  }
0x36b: {  	v49 =	vld [tilespmem:$0x1FF70];
	v1 =	vsel vm0, v1, v3;
	v0 =	vsel vm1, v0, v2  }
0x36c: {  	v44 =	vmov v12;
	v12 =	vld [tilespmem:$0x1FFE0];
	vm0 =	vlt.s32 v1, v0  }
0x36d: {  	v34 =	vlaneseq.u32;
	v38 =	vld [tilespmem:$0x1FF80];
	v0 =	vsel vm0, v1, v0  }
.LBB2_20:
0x36e: {  	_ =	sfence.sel $0x180000  }
0x36f: {  	[bflag:$0x0] =	sbarrier.arrive $0xFFFF  }
0x370: {  	p0 =	sne.s32 s0, $0x0;
	_ =	strace $0x90000047  }
0x371: {  	s0 =	sadd.s32 @!p0 $0x100000, s1;
	[bflag:$0x2] =	sbarrier.arrive $0xFFFF  }
0x372: {  	[sflag:s0] =	ssyncadd.tile.s32 @!p0 $0x1;
	_ =	shalt  }
.Lfunc_end2:
_tile_overlayer_lowered:
.L_overlay_start_2:
0x373: {  	(tag) =	ssettag $0x2  }
0x374: {  	s0 =	rddreg [dreg:$0x0];
	s2 =	stileid.u32  }
0x375: {  	s1 =	rddreg [dreg:$0x1];
	p0 =	sne.s32 s2, $0x0  }
0x376: {  	s3 =	rddreg [dreg:$0x2];
	[bflag:$0x3] =	sbarrier.arrive $0xFFFF;
	s2 =	simm.s32 @!p0 $0x1C03  }
0x377: {  	[timem:s3], [sflag:s2] =	dma.local @!p0 [hbm:s0], s1  }
0x378: {  	s0 =	simm.s32 @!p0 $0x3  }
0x379: {  	_ =	swait.ge @!p0 [sflag:s0], s1  }
0x37a: {  	s1 =	ssub.s32 @!p0 $0x0, s1;
	[sflag:s0] =	ssyncset.done @!p0 $0x0  }
0x37b: {  	[sflag:s0] =	ssyncadd.s32 @!p0 s1  }
0x37c: {  	[bflag:$0x3] =	sbarrier.arrive $0xFFFF  }
0x37d: {  	_ =	shalt  }

</sc_bundles>
